<compile_context>
chip_gen: v7x
topology: tpu7x:2x2x1
jax: 0.10.2.dev20260603
libtpu: 0.0.44.dev20260713+nightly
codegen_flags: <defaults>
</compile_context>

<pallas_src>
import functools

import jax
import jax.numpy as jnp
from jax import lax
from jax.experimental import pallas as pl
from jax.experimental.pallas import tpu as pltpu
from jax.experimental.pallas import tpu_sc as plsc

_NC = 2
_NS = 16
_NW = _NC * _NS
_GCHUNK = 8
_SCHUNK = 32
_RING = 96
_INFLIGHT = 8
_GPS = _SCHUNK // _GCHUNK
_GSLOTS = _RING // _GCHUNK
_SSLOTS = _RING // _SCHUNK


@functools.cache
def _make_gather(B, D):
    b_per_w = B // _NW
    n_g = b_per_w // _GCHUNK
    n_s = b_per_w // _SCHUNK
    mesh = plsc.VectorSubcoreMesh(core_axis_name="c", subcore_axis_name="s")

    @functools.partial(
        pl.kernel,
        mesh=mesh,
        out_type=jax.ShapeDtypeStruct((B, D), jnp.float32),
        scratch_types=(
            [pltpu.VMEM((n_g, _GCHUNK), jnp.int32),
             pltpu.VMEM((_RING, D), jnp.float32)]
            + [pltpu.SemaphoreType.DMA for _ in range(_GSLOTS + _SSLOTS)]
        ),
    )
    def gather_kernel(idx_hbm, table_hbm, out_hbm, idx_v, ring, *sems):
        gsems = sems[:_GSLOTS]
        ssems = sems[_GSLOTS:]
        wid = lax.axis_index("s") * _NC + lax.axis_index("c")
        base = wid * b_per_w
        pltpu.sync_copy(idx_hbm.at[wid], idx_v)

        def gather(j):
            slot = j % _GSLOTS
            return pltpu.async_copy(
                table_hbm.at[idx_v.at[j]],
                ring.at[pl.ds(slot * _GCHUNK, _GCHUNK)],
                gsems[slot],
            )

        def scatter(g):
            slot = g % _SSLOTS
            return pltpu.async_copy(
                ring.at[pl.ds(slot * _SCHUNK, _SCHUNK)],
                out_hbm.at[pl.ds(base + g * _SCHUNK, _SCHUNK)],
                ssems[slot],
            )

        gathers = [None] * n_g
        scatters = [None] * n_s
        s_waited = [False] * n_s
        prime = min(_INFLIGHT, n_g)
        for j in range(prime):
            gathers[j] = gather(j)
        for j in range(n_g):
            gathers[j].wait()
            if j % _GPS == _GPS - 1:
                scatters[j // _GPS] = scatter(j // _GPS)
            nx = j + prime
            if nx < n_g:
                pg = (nx - _GSLOTS) // _GPS
                if nx >= _GSLOTS and not s_waited[pg]:
                    scatters[pg].wait()
                    s_waited[pg] = True
                gathers[nx] = gather(nx)
        for g in range(n_s):
            if not s_waited[g]:
                scatters[g].wait()

    return gather_kernel


def kernel(x, W):
    Bx, S = x.shape
    D = W.shape[1]
    idx = x.reshape(-1).astype(jnp.int32)
    B = idx.size
    idx3 = idx.reshape(_NW, B // _NW // _GCHUNK, _GCHUNK)
    out = _make_gather(B, D)(idx3, W)
    return out.reshape(Bx, S, D)

# --- scband reference (transcript-rebuilt; emitter-appended) ---
"""Pipeline reference for scband-dist-embed-49177375539885 (READ-ONLY COPY).

The authoritative reference and input builder live on the scoring server;
editing this copy changes nothing except your own understanding.
"""

import jax, jax.numpy as jnp
import numpy as np

VOCAB = 100000
HIDDEN = 1024
PAD_ID = 0
TP_SIZE = 1  # single-chip simulation: all_gather over tp_size=1 group is identity


def setup_inputs(seed: int = 0) -> dict:
    key = jax.random.key(seed)
    k_idx, k_w = jax.random.split(key)
    x = jax.random.randint(k_idx, (4, 4096), 0, VOCAB, dtype=jnp.int64)
    W = jax.random.normal(k_w, (VOCAB, HIDDEN), dtype=jnp.float32) * 0.02
    # torch.nn.Embedding zeroes the padding_idx row at init
    W = W.at[PAD_ID].set(0.0)
    return {"x": x, "W": W}


def reference(x, W):
    # local embedding lookup (tp_size=1 -> local shard is the full hidden dim)
    local_o = jnp.take(W, x, axis=0)  # [B, S, H]
    # all_gather over a tp_size=1 group followed by cat is the identity
    o_list = [local_o]
    return jnp.concatenate(o_list, axis=1)

if __name__ == "__main__":
    import jax
    _d = setup_inputs()
    print(jax.jit(kernel)(*tuple(_d.values())))

</pallas_src>

<mosaic_0001>
#map = affine_map<(d0, d1) -> (0, 0, 0)>
#map1 = affine_map<(d0, d1) -> (0, 0)>
module attributes {stable_mosaic.version = 14 : i64} {
  func.func @gather_kernel(%arg0: i32, %arg1: i32, %arg2: memref<32x64x8xi32, #tpu.memory_space<hbm>>, %arg3: memref<100000x1024xf32, #tpu.memory_space<hbm>>, %arg4: memref<16384x1024xf32, #tpu.memory_space<hbm>>, %arg5: memref<64x8xi32, #tpu.memory_space<vmem>>, %arg6: memref<96x1024xf32, #tpu.memory_space<vmem>>, %arg7: memref<!tpu.dma_semaphore, #tpu.memory_space<semaphore_mem>>, %arg8: memref<!tpu.dma_semaphore, #tpu.memory_space<semaphore_mem>>, %arg9: memref<!tpu.dma_semaphore, #tpu.memory_space<semaphore_mem>>, %arg10: memref<!tpu.dma_semaphore, #tpu.memory_space<semaphore_mem>>, %arg11: memref<!tpu.dma_semaphore, #tpu.memory_space<semaphore_mem>>, %arg12: memref<!tpu.dma_semaphore, #tpu.memory_space<semaphore_mem>>, %arg13: memref<!tpu.dma_semaphore, #tpu.memory_space<semaphore_mem>>, %arg14: memref<!tpu.dma_semaphore, #tpu.memory_space<semaphore_mem>>, %arg15: memref<!tpu.dma_semaphore, #tpu.memory_space<semaphore_mem>>, %arg16: memref<!tpu.dma_semaphore, #tpu.memory_space<semaphore_mem>>, %arg17: memref<!tpu.dma_semaphore, #tpu.memory_space<semaphore_mem>>, %arg18: memref<!tpu.dma_semaphore, #tpu.memory_space<semaphore_mem>>, %arg19: memref<!tpu.dma_semaphore, #tpu.memory_space<semaphore_mem>>, %arg20: memref<!tpu.dma_semaphore, #tpu.memory_space<semaphore_mem>>, %arg21: memref<!tpu.dma_semaphore, #tpu.memory_space<semaphore_mem>>) attributes {dimension_semantics = [#tpu.dimension_semantics<core_parallel>, #tpu.dimension_semantics<subcore_parallel>], iteration_bounds = array<i64: 2, 16>, scalar_prefetch = 0 : i64, scratch_operands = 17 : i64, tpu.core_type = #tpu.core_type<sc_vector_subcore>, window_params = [{transform_indices = #map}, {transform_indices = #map1}, {transform_indices = #map1}]} {
    %mul3A = arith.constant 2 : i32
    %mul3A_0 = arith.muli %arg1, %mul3A : i32
    %add3A = arith.addi %mul3A_0, %arg0 : i32
    %mul3A_1 = arith.constant 512 : i32
    %mul3A_2 = arith.muli %add3A, %mul3A_1 : i32
    "tpu.region"() ({
      %run_scoped3A = tpu.sem_alloc : memref<!tpu.dma_semaphore, #tpu.memory_space<semaphore_mem>>
      %dma_start3A_1633 = arith.constant 0 : i32
      %dma_start3A_1634 = arith.constant 0 : i32
      %dma_start3A_1635 = tpu.memref_slice %arg2[%add3A, %dma_start3A_1633, %dma_start3A_1634] : memref<32x64x8xi32, #tpu.memory_space<hbm>> -> memref<1x64x8xi32, #tpu.memory_space<hbm>>
      %dma_start3A_1636 = tpu.memref_squeeze %dma_start3A_1635 : memref<1x64x8xi32, #tpu.memory_space<hbm>> -> memref<64x8xi32, #tpu.memory_space<hbm>>
      %dma_start3A_1637 = arith.constant 0 : i32
      %dma_start3A_1638 = arith.constant 0 : i32
      %dma_start3A_1639 = tpu.memref_slice %arg2[%add3A, %dma_start3A_1637, %dma_start3A_1638] : memref<32x64x8xi32, #tpu.memory_space<hbm>> -> memref<1x64x8xi32, #tpu.memory_space<hbm>>
      %dma_start3A_1640 = tpu.memref_squeeze %dma_start3A_1639 : memref<1x64x8xi32, #tpu.memory_space<hbm>> -> memref<64x8xi32, #tpu.memory_space<hbm>>
      tpu.enqueue_dma source(%dma_start3A_1640 : memref<64x8xi32, #tpu.memory_space<hbm>>) target(%arg5 : memref<64x8xi32, #tpu.memory_space<vmem>>) target_semaphore(%run_scoped3A : memref<!tpu.dma_semaphore, #tpu.memory_space<semaphore_mem>>)
      %dma_wait3A_1641 = arith.constant 0 : i32
      %dma_wait3A_1642 = arith.constant 0 : i32
      %dma_wait3A_1643 = tpu.memref_slice %arg2[%add3A, %dma_wait3A_1641, %dma_wait3A_1642] : memref<32x64x8xi32, #tpu.memory_space<hbm>> -> memref<1x64x8xi32, #tpu.memory_space<hbm>>
      %dma_wait3A_1644 = tpu.memref_squeeze %dma_wait3A_1643 : memref<1x64x8xi32, #tpu.memory_space<hbm>> -> memref<64x8xi32, #tpu.memory_space<hbm>>
      %dma_wait3A_1645 = arith.constant 0 : i32
      %dma_wait3A_1646 = arith.constant 0 : i32
      %dma_wait3A_1647 = tpu.memref_slice %arg2[%add3A, %dma_wait3A_1645, %dma_wait3A_1646] : memref<32x64x8xi32, #tpu.memory_space<hbm>> -> memref<1x64x8xi32, #tpu.memory_space<hbm>>
      %dma_wait3A_1648 = tpu.memref_squeeze %dma_wait3A_1647 : memref<1x64x8xi32, #tpu.memory_space<hbm>> -> memref<64x8xi32, #tpu.memory_space<hbm>>
      tpu.wait_dma2 semaphore(%run_scoped3A : memref<!tpu.dma_semaphore, #tpu.memory_space<semaphore_mem>>) src(%dma_wait3A_1648 : memref<64x8xi32, #tpu.memory_space<hbm>>) dst(%arg5 : memref<64x8xi32, #tpu.memory_space<vmem>>)
      tpu.yield
    }) : () -> ()
    %dma_start3A = arith.constant 0 : i32
    %dma_start3A_3 = arith.constant 0 : i32
    %dma_start3A_4 = arith.constant 0 : i32
    %dma_start3A_5 = tpu.memref_slice %arg6[%dma_start3A_3, %dma_start3A_4] : memref<96x1024xf32, #tpu.memory_space<vmem>> -> memref<8x1024xf32, #tpu.memory_space<vmem>>
    %dma_start3A_6 = arith.constant 0 : i32
    %dma_start3A_7 = tpu.memref_slice %arg5[%dma_start3A, %dma_start3A_6] : memref<64x8xi32, #tpu.memory_space<vmem>> -> memref<1x8xi32, #tpu.memory_space<vmem>>
    %dma_start3A_8 = tpu.memref_squeeze %dma_start3A_7 : memref<1x8xi32, #tpu.memory_space<vmem>> -> memref<8xi32, #tpu.memory_space<vmem>>
    %dma_start3A_9 = arith.constant 0 : i32
    %dma_start3A_10 = arith.constant 0 : i32
    %dma_start3A_11 = tpu.memref_slice %arg3[%dma_start3A_9, %dma_start3A_10] : memref<100000x1024xf32, #tpu.memory_space<hbm>> -> memref<100000x1024xf32, #tpu.memory_space<hbm>>
    tpu.enqueue_indirect_dma source(%dma_start3A_11 : memref<100000x1024xf32, #tpu.memory_space<hbm>>) target(%dma_start3A_5 : memref<8x1024xf32, #tpu.memory_space<vmem>>) offsets(%dma_start3A_8 : memref<8xi32, #tpu.memory_space<vmem>>) semaphore(%arg7 : memref<!tpu.dma_semaphore, #tpu.memory_space<semaphore_mem>>)
    %dma_start3A_12 = arith.constant 1 : i32
    %dma_start3A_13 = arith.constant 8 : i32
    %dma_start3A_14 = arith.constant 0 : i32
    %dma_start3A_15 = tpu.memref_slice %arg6[%dma_start3A_13, %dma_start3A_14] : memref<96x1024xf32, #tpu.memory_space<vmem>> -> memref<8x1024xf32, #tpu.memory_space<vmem>>
    %dma_start3A_16 = arith.constant 0 : i32
    %dma_start3A_17 = tpu.memref_slice %arg5[%dma_start3A_12, %dma_start3A_16] : memref<64x8xi32, #tpu.memory_space<vmem>> -> memref<1x8xi32, #tpu.memory_space<vmem>>
    %dma_start3A_18 = tpu.memref_squeeze %dma_start3A_17 : memref<1x8xi32, #tpu.memory_space<vmem>> -> memref<8xi32, #tpu.memory_space<vmem>>
    %dma_start3A_19 = arith.constant 0 : i32
    %dma_start3A_20 = arith.constant 0 : i32
    %dma_start3A_21 = tpu.memref_slice %arg3[%dma_start3A_19, %dma_start3A_20] : memref<100000x1024xf32, #tpu.memory_space<hbm>> -> memref<100000x1024xf32, #tpu.memory_space<hbm>>
    tpu.enqueue_indirect_dma source(%dma_start3A_21 : memref<100000x1024xf32, #tpu.memory_space<hbm>>) target(%dma_start3A_15 : memref<8x1024xf32, #tpu.memory_space<vmem>>) offsets(%dma_start3A_18 : memref<8xi32, #tpu.memory_space<vmem>>) semaphore(%arg8 : memref<!tpu.dma_semaphore, #tpu.memory_space<semaphore_mem>>)
    %dma_start3A_22 = arith.constant 2 : i32
    %dma_start3A_23 = arith.constant 16 : i32
    %dma_start3A_24 = arith.constant 0 : i32
    %dma_start3A_25 = tpu.memref_slice %arg6[%dma_start3A_23, %dma_start3A_24] : memref<96x1024xf32, #tpu.memory_space<vmem>> -> memref<8x1024xf32, #tpu.memory_space<vmem>>
    %dma_start3A_26 = arith.constant 0 : i32
    %dma_start3A_27 = tpu.memref_slice %arg5[%dma_start3A_22, %dma_start3A_26] : memref<64x8xi32, #tpu.memory_space<vmem>> -> memref<1x8xi32, #tpu.memory_space<vmem>>
    %dma_start3A_28 = tpu.memref_squeeze %dma_start3A_27 : memref<1x8xi32, #tpu.memory_space<vmem>> -> memref<8xi32, #tpu.memory_space<vmem>>
    %dma_start3A_29 = arith.constant 0 : i32
    %dma_start3A_30 = arith.constant 0 : i32
    %dma_start3A_31 = tpu.memref_slice %arg3[%dma_start3A_29, %dma_start3A_30] : memref<100000x1024xf32, #tpu.memory_space<hbm>> -> memref<100000x1024xf32, #tpu.memory_space<hbm>>
    tpu.enqueue_indirect_dma source(%dma_start3A_31 : memref<100000x1024xf32, #tpu.memory_space<hbm>>) target(%dma_start3A_25 : memref<8x1024xf32, #tpu.memory_space<vmem>>) offsets(%dma_start3A_28 : memref<8xi32, #tpu.memory_space<vmem>>) semaphore(%arg9 : memref<!tpu.dma_semaphore, #tpu.memory_space<semaphore_mem>>)
    %dma_start3A_32 = arith.constant 3 : i32
    %dma_start3A_33 = arith.constant 24 : i32
    %dma_start3A_34 = arith.constant 0 : i32
    %dma_start3A_35 = tpu.memref_slice %arg6[%dma_start3A_33, %dma_start3A_34] : memref<96x1024xf32, #tpu.memory_space<vmem>> -> memref<8x1024xf32, #tpu.memory_space<vmem>>
    %dma_start3A_36 = arith.constant 0 : i32
    %dma_start3A_37 = tpu.memref_slice %arg5[%dma_start3A_32, %dma_start3A_36] : memref<64x8xi32, #tpu.memory_space<vmem>> -> memref<1x8xi32, #tpu.memory_space<vmem>>
    %dma_start3A_38 = tpu.memref_squeeze %dma_start3A_37 : memref<1x8xi32, #tpu.memory_space<vmem>> -> memref<8xi32, #tpu.memory_space<vmem>>
    %dma_start3A_39 = arith.constant 0 : i32
    %dma_start3A_40 = arith.constant 0 : i32
    %dma_start3A_41 = tpu.memref_slice %arg3[%dma_start3A_39, %dma_start3A_40] : memref<100000x1024xf32, #tpu.memory_space<hbm>> -> memref<100000x1024xf32, #tpu.memory_space<hbm>>
    tpu.enqueue_indirect_dma source(%dma_start3A_41 : memref<100000x1024xf32, #tpu.memory_space<hbm>>) target(%dma_start3A_35 : memref<8x1024xf32, #tpu.memory_space<vmem>>) offsets(%dma_start3A_38 : memref<8xi32, #tpu.memory_space<vmem>>) semaphore(%arg10 : memref<!tpu.dma_semaphore, #tpu.memory_space<semaphore_mem>>)
    %dma_start3A_42 = arith.constant 4 : i32
    %dma_start3A_43 = arith.constant 32 : i32
    %dma_start3A_44 = arith.constant 0 : i32
    %dma_start3A_45 = tpu.memref_slice %arg6[%dma_start3A_43, %dma_start3A_44] : memref<96x1024xf32, #tpu.memory_space<vmem>> -> memref<8x1024xf32, #tpu.memory_space<vmem>>
    %dma_start3A_46 = arith.constant 0 : i32
    %dma_start3A_47 = tpu.memref_slice %arg5[%dma_start3A_42, %dma_start3A_46] : memref<64x8xi32, #tpu.memory_space<vmem>> -> memref<1x8xi32, #tpu.memory_space<vmem>>
    %dma_start3A_48 = tpu.memref_squeeze %dma_start3A_47 : memref<1x8xi32, #tpu.memory_space<vmem>> -> memref<8xi32, #tpu.memory_space<vmem>>
    %dma_start3A_49 = arith.constant 0 : i32
    %dma_start3A_50 = arith.constant 0 : i32
    %dma_start3A_51 = tpu.memref_slice %arg3[%dma_start3A_49, %dma_start3A_50] : memref<100000x1024xf32, #tpu.memory_space<hbm>> -> memref<100000x1024xf32, #tpu.memory_space<hbm>>
    tpu.enqueue_indirect_dma source(%dma_start3A_51 : memref<100000x1024xf32, #tpu.memory_space<hbm>>) target(%dma_start3A_45 : memref<8x1024xf32, #tpu.memory_space<vmem>>) offsets(%dma_start3A_48 : memref<8xi32, #tpu.memory_space<vmem>>) semaphore(%arg11 : memref<!tpu.dma_semaphore, #tpu.memory_space<semaphore_mem>>)
    %dma_start3A_52 = arith.constant 5 : i32
    %dma_start3A_53 = arith.constant 40 : i32
    %dma_start3A_54 = arith.constant 0 : i32
    %dma_start3A_55 = tpu.memref_slice %arg6[%dma_start3A_53, %dma_start3A_54] : memref<96x1024xf32, #tpu.memory_space<vmem>> -> memref<8x1024xf32, #tpu.memory_space<vmem>>
    %dma_start3A_56 = arith.constant 0 : i32
    %dma_start3A_57 = tpu.memref_slice %arg5[%dma_start3A_52, %dma_start3A_56] : memref<64x8xi32, #tpu.memory_space<vmem>> -> memref<1x8xi32, #tpu.memory_space<vmem>>
    %dma_start3A_58 = tpu.memref_squeeze %dma_start3A_57 : memref<1x8xi32, #tpu.memory_space<vmem>> -> memref<8xi32, #tpu.memory_space<vmem>>
    %dma_start3A_59 = arith.constant 0 : i32
    %dma_start3A_60 = arith.constant 0 : i32
    %dma_start3A_61 = tpu.memref_slice %arg3[%dma_start3A_59, %dma_start3A_60] : memref<100000x1024xf32, #tpu.memory_space<hbm>> -> memref<100000x1024xf32, #tpu.memory_space<hbm>>
    tpu.enqueue_indirect_dma source(%dma_start3A_61 : memref<100000x1024xf32, #tpu.memory_space<hbm>>) target(%dma_start3A_55 : memref<8x1024xf32, #tpu.memory_space<vmem>>) offsets(%dma_start3A_58 : memref<8xi32, #tpu.memory_space<vmem>>) semaphore(%arg12 : memref<!tpu.dma_semaphore, #tpu.memory_space<semaphore_mem>>)
    %dma_start3A_62 = arith.constant 6 : i32
    %dma_start3A_63 = arith.constant 48 : i32
    %dma_start3A_64 = arith.constant 0 : i32
    %dma_start3A_65 = tpu.memref_slice %arg6[%dma_start3A_63, %dma_start3A_64] : memref<96x1024xf32, #tpu.memory_space<vmem>> -> memref<8x1024xf32, #tpu.memory_space<vmem>>
    %dma_start3A_66 = arith.constant 0 : i32
    %dma_start3A_67 = tpu.memref_slice %arg5[%dma_start3A_62, %dma_start3A_66] : memref<64x8xi32, #tpu.memory_space<vmem>> -> memref<1x8xi32, #tpu.memory_space<vmem>>
    %dma_start3A_68 = tpu.memref_squeeze %dma_start3A_67 : memref<1x8xi32, #tpu.memory_space<vmem>> -> memref<8xi32, #tpu.memory_space<vmem>>
    %dma_start3A_69 = arith.constant 0 : i32
    %dma_start3A_70 = arith.constant 0 : i32
    %dma_start3A_71 = tpu.memref_slice %arg3[%dma_start3A_69, %dma_start3A_70] : memref<100000x1024xf32, #tpu.memory_space<hbm>> -> memref<100000x1024xf32, #tpu.memory_space<hbm>>
    tpu.enqueue_indirect_dma source(%dma_start3A_71 : memref<100000x1024xf32, #tpu.memory_space<hbm>>) target(%dma_start3A_65 : memref<8x1024xf32, #tpu.memory_space<vmem>>) offsets(%dma_start3A_68 : memref<8xi32, #tpu.memory_space<vmem>>) semaphore(%arg13 : memref<!tpu.dma_semaphore, #tpu.memory_space<semaphore_mem>>)
    %dma_start3A_72 = arith.constant 7 : i32
    %dma_start3A_73 = arith.constant 56 : i32
    %dma_start3A_74 = arith.constant 0 : i32
    %dma_start3A_75 = tpu.memref_slice %arg6[%dma_start3A_73, %dma_start3A_74] : memref<96x1024xf32, #tpu.memory_space<vmem>> -> memref<8x1024xf32, #tpu.memory_space<vmem>>
    %dma_start3A_76 = arith.constant 0 : i32
    %dma_start3A_77 = tpu.memref_slice %arg5[%dma_start3A_72, %dma_start3A_76] : memref<64x8xi32, #tpu.memory_space<vmem>> -> memref<1x8xi32, #tpu.memory_space<vmem>>
    %dma_start3A_78 = tpu.memref_squeeze %dma_start3A_77 : memref<1x8xi32, #tpu.memory_space<vmem>> -> memref<8xi32, #tpu.memory_space<vmem>>
    %dma_start3A_79 = arith.constant 0 : i32
    %dma_start3A_80 = arith.constant 0 : i32
    %dma_start3A_81 = tpu.memref_slice %arg3[%dma_start3A_79, %dma_start3A_80] : memref<100000x1024xf32, #tpu.memory_space<hbm>> -> memref<100000x1024xf32, #tpu.memory_space<hbm>>
    tpu.enqueue_indirect_dma source(%dma_start3A_81 : memref<100000x1024xf32, #tpu.memory_space<hbm>>) target(%dma_start3A_75 : memref<8x1024xf32, #tpu.memory_space<vmem>>) offsets(%dma_start3A_78 : memref<8xi32, #tpu.memory_space<vmem>>) semaphore(%arg14 : memref<!tpu.dma_semaphore, #tpu.memory_space<semaphore_mem>>)
    %dma_wait3A = arith.constant 0 : i32
    %dma_wait3A_82 = arith.constant 0 : i32
    %dma_wait3A_83 = arith.constant 0 : i32
    %dma_wait3A_84 = tpu.memref_slice %arg6[%dma_wait3A_82, %dma_wait3A_83] : memref<96x1024xf32, #tpu.memory_space<vmem>> -> memref<8x1024xf32, #tpu.memory_space<vmem>>
    %dma_wait3A_85 = arith.constant 0 : i32
    %dma_wait3A_86 = tpu.memref_slice %arg5[%dma_wait3A, %dma_wait3A_85] : memref<64x8xi32, #tpu.memory_space<vmem>> -> memref<1x8xi32, #tpu.memory_space<vmem>>
    %dma_wait3A_87 = tpu.memref_squeeze %dma_wait3A_86 : memref<1x8xi32, #tpu.memory_space<vmem>> -> memref<8xi32, #tpu.memory_space<vmem>>
    %dma_wait3A_88 = arith.constant 0 : i32
    %dma_wait3A_89 = arith.constant 0 : i32
    %dma_wait3A_90 = tpu.memref_slice %arg3[%dma_wait3A_88, %dma_wait3A_89] : memref<100000x1024xf32, #tpu.memory_space<hbm>> -> memref<100000x1024xf32, #tpu.memory_space<hbm>>
    tpu.wait_indirect_dma semaphore(%arg7 : memref<!tpu.dma_semaphore, #tpu.memory_space<semaphore_mem>>) src(%dma_wait3A_90 : memref<100000x1024xf32, #tpu.memory_space<hbm>>) dst(%dma_wait3A_84 : memref<8x1024xf32, #tpu.memory_space<vmem>>)
    %dma_start3A_91 = arith.constant 8 : i32
    %dma_start3A_92 = arith.constant 64 : i32
    %dma_start3A_93 = arith.constant 0 : i32
    %dma_start3A_94 = tpu.memref_slice %arg6[%dma_start3A_92, %dma_start3A_93] : memref<96x1024xf32, #tpu.memory_space<vmem>> -> memref<8x1024xf32, #tpu.memory_space<vmem>>
    %dma_start3A_95 = arith.constant 0 : i32
    %dma_start3A_96 = tpu.memref_slice %arg5[%dma_start3A_91, %dma_start3A_95] : memref<64x8xi32, #tpu.memory_space<vmem>> -> memref<1x8xi32, #tpu.memory_space<vmem>>
    %dma_start3A_97 = tpu.memref_squeeze %dma_start3A_96 : memref<1x8xi32, #tpu.memory_space<vmem>> -> memref<8xi32, #tpu.memory_space<vmem>>
    %dma_start3A_98 = arith.constant 0 : i32
    %dma_start3A_99 = arith.constant 0 : i32
    %dma_start3A_100 = tpu.memref_slice %arg3[%dma_start3A_98, %dma_start3A_99] : memref<100000x1024xf32, #tpu.memory_space<hbm>> -> memref<100000x1024xf32, #tpu.memory_space<hbm>>
    tpu.enqueue_indirect_dma source(%dma_start3A_100 : memref<100000x1024xf32, #tpu.memory_space<hbm>>) target(%dma_start3A_94 : memref<8x1024xf32, #tpu.memory_space<vmem>>) offsets(%dma_start3A_97 : memref<8xi32, #tpu.memory_space<vmem>>) semaphore(%arg15 : memref<!tpu.dma_semaphore, #tpu.memory_space<semaphore_mem>>)
    %dma_wait3A_101 = arith.constant 1 : i32
    %dma_wait3A_102 = arith.constant 8 : i32
    %dma_wait3A_103 = arith.constant 0 : i32
    %dma_wait3A_104 = tpu.memref_slice %arg6[%dma_wait3A_102, %dma_wait3A_103] : memref<96x1024xf32, #tpu.memory_space<vmem>> -> memref<8x1024xf32, #tpu.memory_space<vmem>>
    %dma_wait3A_105 = arith.constant 0 : i32
    %dma_wait3A_106 = tpu.memref_slice %arg5[%dma_wait3A_101, %dma_wait3A_105] : memref<64x8xi32, #tpu.memory_space<vmem>> -> memref<1x8xi32, #tpu.memory_space<vmem>>
    %dma_wait3A_107 = tpu.memref_squeeze %dma_wait3A_106 : memref<1x8xi32, #tpu.memory_space<vmem>> -> memref<8xi32, #tpu.memory_space<vmem>>
    %dma_wait3A_108 = arith.constant 0 : i32
    %dma_wait3A_109 = arith.constant 0 : i32
    %dma_wait3A_110 = tpu.memref_slice %arg3[%dma_wait3A_108, %dma_wait3A_109] : memref<100000x1024xf32, #tpu.memory_space<hbm>> -> memref<100000x1024xf32, #tpu.memory_space<hbm>>
    tpu.wait_indirect_dma semaphore(%arg8 : memref<!tpu.dma_semaphore, #tpu.memory_space<semaphore_mem>>) src(%dma_wait3A_110 : memref<100000x1024xf32, #tpu.memory_space<hbm>>) dst(%dma_wait3A_104 : memref<8x1024xf32, #tpu.memory_space<vmem>>)
    %dma_start3A_111 = arith.constant 9 : i32
    %dma_start3A_112 = arith.constant 72 : i32
    %dma_start3A_113 = arith.constant 0 : i32
    %dma_start3A_114 = tpu.memref_slice %arg6[%dma_start3A_112, %dma_start3A_113] : memref<96x1024xf32, #tpu.memory_space<vmem>> -> memref<8x1024xf32, #tpu.memory_space<vmem>>
    %dma_start3A_115 = arith.constant 0 : i32
    %dma_start3A_116 = tpu.memref_slice %arg5[%dma_start3A_111, %dma_start3A_115] : memref<64x8xi32, #tpu.memory_space<vmem>> -> memref<1x8xi32, #tpu.memory_space<vmem>>
    %dma_start3A_117 = tpu.memref_squeeze %dma_start3A_116 : memref<1x8xi32, #tpu.memory_space<vmem>> -> memref<8xi32, #tpu.memory_space<vmem>>
    %dma_start3A_118 = arith.constant 0 : i32
    %dma_start3A_119 = arith.constant 0 : i32
    %dma_start3A_120 = tpu.memref_slice %arg3[%dma_start3A_118, %dma_start3A_119] : memref<100000x1024xf32, #tpu.memory_space<hbm>> -> memref<100000x1024xf32, #tpu.memory_space<hbm>>
    tpu.enqueue_indirect_dma source(%dma_start3A_120 : memref<100000x1024xf32, #tpu.memory_space<hbm>>) target(%dma_start3A_114 : memref<8x1024xf32, #tpu.memory_space<vmem>>) offsets(%dma_start3A_117 : memref<8xi32, #tpu.memory_space<vmem>>) semaphore(%arg16 : memref<!tpu.dma_semaphore, #tpu.memory_space<semaphore_mem>>)
    %dma_wait3A_121 = arith.constant 2 : i32
    %dma_wait3A_122 = arith.constant 16 : i32
    %dma_wait3A_123 = arith.constant 0 : i32
    %dma_wait3A_124 = tpu.memref_slice %arg6[%dma_wait3A_122, %dma_wait3A_123] : memref<96x1024xf32, #tpu.memory_space<vmem>> -> memref<8x1024xf32, #tpu.memory_space<vmem>>
    %dma_wait3A_125 = arith.constant 0 : i32
    %dma_wait3A_126 = tpu.memref_slice %arg5[%dma_wait3A_121, %dma_wait3A_125] : memref<64x8xi32, #tpu.memory_space<vmem>> -> memref<1x8xi32, #tpu.memory_space<vmem>>
    %dma_wait3A_127 = tpu.memref_squeeze %dma_wait3A_126 : memref<1x8xi32, #tpu.memory_space<vmem>> -> memref<8xi32, #tpu.memory_space<vmem>>
    %dma_wait3A_128 = arith.constant 0 : i32
    %dma_wait3A_129 = arith.constant 0 : i32
    %dma_wait3A_130 = tpu.memref_slice %arg3[%dma_wait3A_128, %dma_wait3A_129] : memref<100000x1024xf32, #tpu.memory_space<hbm>> -> memref<100000x1024xf32, #tpu.memory_space<hbm>>
    tpu.wait_indirect_dma semaphore(%arg9 : memref<!tpu.dma_semaphore, #tpu.memory_space<semaphore_mem>>) src(%dma_wait3A_130 : memref<100000x1024xf32, #tpu.memory_space<hbm>>) dst(%dma_wait3A_124 : memref<8x1024xf32, #tpu.memory_space<vmem>>)
    %dma_start3A_131 = arith.constant 10 : i32
    %dma_start3A_132 = arith.constant 80 : i32
    %dma_start3A_133 = arith.constant 0 : i32
    %dma_start3A_134 = tpu.memref_slice %arg6[%dma_start3A_132, %dma_start3A_133] : memref<96x1024xf32, #tpu.memory_space<vmem>> -> memref<8x1024xf32, #tpu.memory_space<vmem>>
    %dma_start3A_135 = arith.constant 0 : i32
    %dma_start3A_136 = tpu.memref_slice %arg5[%dma_start3A_131, %dma_start3A_135] : memref<64x8xi32, #tpu.memory_space<vmem>> -> memref<1x8xi32, #tpu.memory_space<vmem>>
    %dma_start3A_137 = tpu.memref_squeeze %dma_start3A_136 : memref<1x8xi32, #tpu.memory_space<vmem>> -> memref<8xi32, #tpu.memory_space<vmem>>
    %dma_start3A_138 = arith.constant 0 : i32
    %dma_start3A_139 = arith.constant 0 : i32
    %dma_start3A_140 = tpu.memref_slice %arg3[%dma_start3A_138, %dma_start3A_139] : memref<100000x1024xf32, #tpu.memory_space<hbm>> -> memref<100000x1024xf32, #tpu.memory_space<hbm>>
    tpu.enqueue_indirect_dma source(%dma_start3A_140 : memref<100000x1024xf32, #tpu.memory_space<hbm>>) target(%dma_start3A_134 : memref<8x1024xf32, #tpu.memory_space<vmem>>) offsets(%dma_start3A_137 : memref<8xi32, #tpu.memory_space<vmem>>) semaphore(%arg17 : memref<!tpu.dma_semaphore, #tpu.memory_space<semaphore_mem>>)
    %dma_wait3A_141 = arith.constant 3 : i32
    %dma_wait3A_142 = arith.constant 24 : i32
    %dma_wait3A_143 = arith.constant 0 : i32
    %dma_wait3A_144 = tpu.memref_slice %arg6[%dma_wait3A_142, %dma_wait3A_143] : memref<96x1024xf32, #tpu.memory_space<vmem>> -> memref<8x1024xf32, #tpu.memory_space<vmem>>
    %dma_wait3A_145 = arith.constant 0 : i32
    %dma_wait3A_146 = tpu.memref_slice %arg5[%dma_wait3A_141, %dma_wait3A_145] : memref<64x8xi32, #tpu.memory_space<vmem>> -> memref<1x8xi32, #tpu.memory_space<vmem>>
    %dma_wait3A_147 = tpu.memref_squeeze %dma_wait3A_146 : memref<1x8xi32, #tpu.memory_space<vmem>> -> memref<8xi32, #tpu.memory_space<vmem>>
    %dma_wait3A_148 = arith.constant 0 : i32
    %dma_wait3A_149 = arith.constant 0 : i32
    %dma_wait3A_150 = tpu.memref_slice %arg3[%dma_wait3A_148, %dma_wait3A_149] : memref<100000x1024xf32, #tpu.memory_space<hbm>> -> memref<100000x1024xf32, #tpu.memory_space<hbm>>
    tpu.wait_indirect_dma semaphore(%arg10 : memref<!tpu.dma_semaphore, #tpu.memory_space<semaphore_mem>>) src(%dma_wait3A_150 : memref<100000x1024xf32, #tpu.memory_space<hbm>>) dst(%dma_wait3A_144 : memref<8x1024xf32, #tpu.memory_space<vmem>>)
    %add3A_151 = arith.constant 0 : i32
    %add3A_152 = arith.addi %mul3A_2, %add3A_151 : i32
    %dma_start3A_153 = arith.constant 0 : i32
    %dma_start3A_154 = arith.constant 0 : i32
    %dma_start3A_155 = tpu.memref_slice %arg6[%dma_start3A_153, %dma_start3A_154] : memref<96x1024xf32, #tpu.memory_space<vmem>> -> memref<32x1024xf32, #tpu.memory_space<vmem>>
    %dma_start3A_156 = arith.constant 0 : i32
    %dma_start3A_157 = tpu.memref_slice %arg4[%add3A_152, %dma_start3A_156] : memref<16384x1024xf32, #tpu.memory_space<hbm>> -> memref<32x1024xf32, #tpu.memory_space<hbm>>
    %dma_start3A_158 = arith.constant 0 : i32
    %dma_start3A_159 = tpu.memref_slice %arg4[%add3A_152, %dma_start3A_158] : memref<16384x1024xf32, #tpu.memory_space<hbm>> -> memref<32x1024xf32, #tpu.memory_space<hbm>>
    %dma_start3A_160 = arith.constant 0 : i32
    %dma_start3A_161 = arith.constant 0 : i32
    %dma_start3A_162 = tpu.memref_slice %arg6[%dma_start3A_160, %dma_start3A_161] : memref<96x1024xf32, #tpu.memory_space<vmem>> -> memref<32x1024xf32, #tpu.memory_space<vmem>>
    tpu.enqueue_dma source(%dma_start3A_162 : memref<32x1024xf32, #tpu.memory_space<vmem>>) target(%dma_start3A_159 : memref<32x1024xf32, #tpu.memory_space<hbm>>) target_semaphore(%arg19 : memref<!tpu.dma_semaphore, #tpu.memory_space<semaphore_mem>>)
    %dma_start3A_163 = arith.constant 11 : i32
    %dma_start3A_164 = arith.constant 88 : i32
    %dma_start3A_165 = arith.constant 0 : i32
    %dma_start3A_166 = tpu.memref_slice %arg6[%dma_start3A_164, %dma_start3A_165] : memref<96x1024xf32, #tpu.memory_space<vmem>> -> memref<8x1024xf32, #tpu.memory_space<vmem>>
    %dma_start3A_167 = arith.constant 0 : i32
    %dma_start3A_168 = tpu.memref_slice %arg5[%dma_start3A_163, %dma_start3A_167] : memref<64x8xi32, #tpu.memory_space<vmem>> -> memref<1x8xi32, #tpu.memory_space<vmem>>
    %dma_start3A_169 = tpu.memref_squeeze %dma_start3A_168 : memref<1x8xi32, #tpu.memory_space<vmem>> -> memref<8xi32, #tpu.memory_space<vmem>>
    %dma_start3A_170 = arith.constant 0 : i32
    %dma_start3A_171 = arith.constant 0 : i32
    %dma_start3A_172 = tpu.memref_slice %arg3[%dma_start3A_170, %dma_start3A_171] : memref<100000x1024xf32, #tpu.memory_space<hbm>> -> memref<100000x1024xf32, #tpu.memory_space<hbm>>
    tpu.enqueue_indirect_dma source(%dma_start3A_172 : memref<100000x1024xf32, #tpu.memory_space<hbm>>) target(%dma_start3A_166 : memref<8x1024xf32, #tpu.memory_space<vmem>>) offsets(%dma_start3A_169 : memref<8xi32, #tpu.memory_space<vmem>>) semaphore(%arg18 : memref<!tpu.dma_semaphore, #tpu.memory_space<semaphore_mem>>)
    %dma_wait3A_173 = arith.constant 4 : i32
    %dma_wait3A_174 = arith.constant 32 : i32
    %dma_wait3A_175 = arith.constant 0 : i32
    %dma_wait3A_176 = tpu.memref_slice %arg6[%dma_wait3A_174, %dma_wait3A_175] : memref<96x1024xf32, #tpu.memory_space<vmem>> -> memref<8x1024xf32, #tpu.memory_space<vmem>>
    %dma_wait3A_177 = arith.constant 0 : i32
    %dma_wait3A_178 = tpu.memref_slice %arg5[%dma_wait3A_173, %dma_wait3A_177] : memref<64x8xi32, #tpu.memory_space<vmem>> -> memref<1x8xi32, #tpu.memory_space<vmem>>
    %dma_wait3A_179 = tpu.memref_squeeze %dma_wait3A_178 : memref<1x8xi32, #tpu.memory_space<vmem>> -> memref<8xi32, #tpu.memory_space<vmem>>
    %dma_wait3A_180 = arith.constant 0 : i32
    %dma_wait3A_181 = arith.constant 0 : i32
    %dma_wait3A_182 = tpu.memref_slice %arg3[%dma_wait3A_180, %dma_wait3A_181] : memref<100000x1024xf32, #tpu.memory_space<hbm>> -> memref<100000x1024xf32, #tpu.memory_space<hbm>>
    tpu.wait_indirect_dma semaphore(%arg11 : memref<!tpu.dma_semaphore, #tpu.memory_space<semaphore_mem>>) src(%dma_wait3A_182 : memref<100000x1024xf32, #tpu.memory_space<hbm>>) dst(%dma_wait3A_176 : memref<8x1024xf32, #tpu.memory_space<vmem>>)
    %dma_wait3A_183 = arith.constant 0 : i32
    %dma_wait3A_184 = arith.constant 0 : i32
    %dma_wait3A_185 = tpu.memref_slice %arg6[%dma_wait3A_183, %dma_wait3A_184] : memref<96x1024xf32, #tpu.memory_space<vmem>> -> memref<32x1024xf32, #tpu.memory_space<vmem>>
    %dma_wait3A_186 = arith.constant 0 : i32
    %dma_wait3A_187 = tpu.memref_slice %arg4[%add3A_152, %dma_wait3A_186] : memref<16384x1024xf32, #tpu.memory_space<hbm>> -> memref<32x1024xf32, #tpu.memory_space<hbm>>
    %dma_wait3A_188 = arith.constant 0 : i32
    %dma_wait3A_189 = tpu.memref_slice %arg4[%add3A_152, %dma_wait3A_188] : memref<16384x1024xf32, #tpu.memory_space<hbm>> -> memref<32x1024xf32, #tpu.memory_space<hbm>>
    %dma_wait3A_190 = arith.constant 0 : i32
    %dma_wait3A_191 = arith.constant 0 : i32
    %dma_wait3A_192 = tpu.memref_slice %arg6[%dma_wait3A_190, %dma_wait3A_191] : memref<96x1024xf32, #tpu.memory_space<vmem>> -> memref<32x1024xf32, #tpu.memory_space<vmem>>
    tpu.wait_dma2 semaphore(%arg19 : memref<!tpu.dma_semaphore, #tpu.memory_space<semaphore_mem>>) src(%dma_wait3A_192 : memref<32x1024xf32, #tpu.memory_space<vmem>>) dst(%dma_wait3A_189 : memref<32x1024xf32, #tpu.memory_space<hbm>>)
    %dma_start3A_193 = arith.constant 12 : i32
    %dma_start3A_194 = arith.constant 0 : i32
    %dma_start3A_195 = arith.constant 0 : i32
    %dma_start3A_196 = tpu.memref_slice %arg6[%dma_start3A_194, %dma_start3A_195] : memref<96x1024xf32, #tpu.memory_space<vmem>> -> memref<8x1024xf32, #tpu.memory_space<vmem>>
    %dma_start3A_197 = arith.constant 0 : i32
    %dma_start3A_198 = tpu.memref_slice %arg5[%dma_start3A_193, %dma_start3A_197] : memref<64x8xi32, #tpu.memory_space<vmem>> -> memref<1x8xi32, #tpu.memory_space<vmem>>
    %dma_start3A_199 = tpu.memref_squeeze %dma_start3A_198 : memref<1x8xi32, #tpu.memory_space<vmem>> -> memref<8xi32, #tpu.memory_space<vmem>>
    %dma_start3A_200 = arith.constant 0 : i32
    %dma_start3A_201 = arith.constant 0 : i32
    %dma_start3A_202 = tpu.memref_slice %arg3[%dma_start3A_200, %dma_start3A_201] : memref<100000x1024xf32, #tpu.memory_space<hbm>> -> memref<100000x1024xf32, #tpu.memory_space<hbm>>
    tpu.enqueue_indirect_dma source(%dma_start3A_202 : memref<100000x1024xf32, #tpu.memory_space<hbm>>) target(%dma_start3A_196 : memref<8x1024xf32, #tpu.memory_space<vmem>>) offsets(%dma_start3A_199 : memref<8xi32, #tpu.memory_space<vmem>>) semaphore(%arg7 : memref<!tpu.dma_semaphore, #tpu.memory_space<semaphore_mem>>)
    %dma_wait3A_203 = arith.constant 5 : i32
    %dma_wait3A_204 = arith.constant 40 : i32
    %dma_wait3A_205 = arith.constant 0 : i32
    %dma_wait3A_206 = tpu.memref_slice %arg6[%dma_wait3A_204, %dma_wait3A_205] : memref<96x1024xf32, #tpu.memory_space<vmem>> -> memref<8x1024xf32, #tpu.memory_space<vmem>>
    %dma_wait3A_207 = arith.constant 0 : i32
    %dma_wait3A_208 = tpu.memref_slice %arg5[%dma_wait3A_203, %dma_wait3A_207] : memref<64x8xi32, #tpu.memory_space<vmem>> -> memref<1x8xi32, #tpu.memory_space<vmem>>
    %dma_wait3A_209 = tpu.memref_squeeze %dma_wait3A_208 : memref<1x8xi32, #tpu.memory_space<vmem>> -> memref<8xi32, #tpu.memory_space<vmem>>
    %dma_wait3A_210 = arith.constant 0 : i32
    %dma_wait3A_211 = arith.constant 0 : i32
    %dma_wait3A_212 = tpu.memref_slice %arg3[%dma_wait3A_210, %dma_wait3A_211] : memref<100000x1024xf32, #tpu.memory_space<hbm>> -> memref<100000x1024xf32, #tpu.memory_space<hbm>>
    tpu.wait_indirect_dma semaphore(%arg12 : memref<!tpu.dma_semaphore, #tpu.memory_space<semaphore_mem>>) src(%dma_wait3A_212 : memref<100000x1024xf32, #tpu.memory_space<hbm>>) dst(%dma_wait3A_206 : memref<8x1024xf32, #tpu.memory_space<vmem>>)
    %dma_start3A_213 = arith.constant 13 : i32
    %dma_start3A_214 = arith.constant 8 : i32
    %dma_start3A_215 = arith.constant 0 : i32
    %dma_start3A_216 = tpu.memref_slice %arg6[%dma_start3A_214, %dma_start3A_215] : memref<96x1024xf32, #tpu.memory_space<vmem>> -> memref<8x1024xf32, #tpu.memory_space<vmem>>
    %dma_start3A_217 = arith.constant 0 : i32
    %dma_start3A_218 = tpu.memref_slice %arg5[%dma_start3A_213, %dma_start3A_217] : memref<64x8xi32, #tpu.memory_space<vmem>> -> memref<1x8xi32, #tpu.memory_space<vmem>>
    %dma_start3A_219 = tpu.memref_squeeze %dma_start3A_218 : memref<1x8xi32, #tpu.memory_space<vmem>> -> memref<8xi32, #tpu.memory_space<vmem>>
    %dma_start3A_220 = arith.constant 0 : i32
    %dma_start3A_221 = arith.constant 0 : i32
    %dma_start3A_222 = tpu.memref_slice %arg3[%dma_start3A_220, %dma_start3A_221] : memref<100000x1024xf32, #tpu.memory_space<hbm>> -> memref<100000x1024xf32, #tpu.memory_space<hbm>>
    tpu.enqueue_indirect_dma source(%dma_start3A_222 : memref<100000x1024xf32, #tpu.memory_space<hbm>>) target(%dma_start3A_216 : memref<8x1024xf32, #tpu.memory_space<vmem>>) offsets(%dma_start3A_219 : memref<8xi32, #tpu.memory_space<vmem>>) semaphore(%arg8 : memref<!tpu.dma_semaphore, #tpu.memory_space<semaphore_mem>>)
    %dma_wait3A_223 = arith.constant 6 : i32
    %dma_wait3A_224 = arith.constant 48 : i32
    %dma_wait3A_225 = arith.constant 0 : i32
    %dma_wait3A_226 = tpu.memref_slice %arg6[%dma_wait3A_224, %dma_wait3A_225] : memref<96x1024xf32, #tpu.memory_space<vmem>> -> memref<8x1024xf32, #tpu.memory_space<vmem>>
    %dma_wait3A_227 = arith.constant 0 : i32
    %dma_wait3A_228 = tpu.memref_slice %arg5[%dma_wait3A_223, %dma_wait3A_227] : memref<64x8xi32, #tpu.memory_space<vmem>> -> memref<1x8xi32, #tpu.memory_space<vmem>>
    %dma_wait3A_229 = tpu.memref_squeeze %dma_wait3A_228 : memref<1x8xi32, #tpu.memory_space<vmem>> -> memref<8xi32, #tpu.memory_space<vmem>>
    %dma_wait3A_230 = arith.constant 0 : i32
    %dma_wait3A_231 = arith.constant 0 : i32
    %dma_wait3A_232 = tpu.memref_slice %arg3[%dma_wait3A_230, %dma_wait3A_231] : memref<100000x1024xf32, #tpu.memory_space<hbm>> -> memref<100000x1024xf32, #tpu.memory_space<hbm>>
    tpu.wait_indirect_dma semaphore(%arg13 : memref<!tpu.dma_semaphore, #tpu.memory_space<semaphore_mem>>) src(%dma_wait3A_232 : memref<100000x1024xf32, #tpu.memory_space<hbm>>) dst(%dma_wait3A_226 : memref<8x1024xf32, #tpu.memory_space<vmem>>)
    %dma_start3A_233 = arith.constant 14 : i32
    %dma_start3A_234 = arith.constant 16 : i32
    %dma_start3A_235 = arith.constant 0 : i32
    %dma_start3A_236 = tpu.memref_slice %arg6[%dma_start3A_234, %dma_start3A_235] : memref<96x1024xf32, #tpu.memory_space<vmem>> -> memref<8x1024xf32, #tpu.memory_space<vmem>>
    %dma_start3A_237 = arith.constant 0 : i32
    %dma_start3A_238 = tpu.memref_slice %arg5[%dma_start3A_233, %dma_start3A_237] : memref<64x8xi32, #tpu.memory_space<vmem>> -> memref<1x8xi32, #tpu.memory_space<vmem>>
    %dma_start3A_239 = tpu.memref_squeeze %dma_start3A_238 : memref<1x8xi32, #tpu.memory_space<vmem>> -> memref<8xi32, #tpu.memory_space<vmem>>
    %dma_start3A_240 = arith.constant 0 : i32
    %dma_start3A_241 = arith.constant 0 : i32
    %dma_start3A_242 = tpu.memref_slice %arg3[%dma_start3A_240, %dma_start3A_241] : memref<100000x1024xf32, #tpu.memory_space<hbm>> -> memref<100000x1024xf32, #tpu.memory_space<hbm>>
    tpu.enqueue_indirect_dma source(%dma_start3A_242 : memref<100000x1024xf32, #tpu.memory_space<hbm>>) target(%dma_start3A_236 : memref<8x1024xf32, #tpu.memory_space<vmem>>) offsets(%dma_start3A_239 : memref<8xi32, #tpu.memory_space<vmem>>) semaphore(%arg9 : memref<!tpu.dma_semaphore, #tpu.memory_space<semaphore_mem>>)
    %dma_wait3A_243 = arith.constant 7 : i32
    %dma_wait3A_244 = arith.constant 56 : i32
    %dma_wait3A_245 = arith.constant 0 : i32
    %dma_wait3A_246 = tpu.memref_slice %arg6[%dma_wait3A_244, %dma_wait3A_245] : memref<96x1024xf32, #tpu.memory_space<vmem>> -> memref<8x1024xf32, #tpu.memory_space<vmem>>
    %dma_wait3A_247 = arith.constant 0 : i32
    %dma_wait3A_248 = tpu.memref_slice %arg5[%dma_wait3A_243, %dma_wait3A_247] : memref<64x8xi32, #tpu.memory_space<vmem>> -> memref<1x8xi32, #tpu.memory_space<vmem>>
    %dma_wait3A_249 = tpu.memref_squeeze %dma_wait3A_248 : memref<1x8xi32, #tpu.memory_space<vmem>> -> memref<8xi32, #tpu.memory_space<vmem>>
    %dma_wait3A_250 = arith.constant 0 : i32
    %dma_wait3A_251 = arith.constant 0 : i32
    %dma_wait3A_252 = tpu.memref_slice %arg3[%dma_wait3A_250, %dma_wait3A_251] : memref<100000x1024xf32, #tpu.memory_space<hbm>> -> memref<100000x1024xf32, #tpu.memory_space<hbm>>
    tpu.wait_indirect_dma semaphore(%arg14 : memref<!tpu.dma_semaphore, #tpu.memory_space<semaphore_mem>>) src(%dma_wait3A_252 : memref<100000x1024xf32, #tpu.memory_space<hbm>>) dst(%dma_wait3A_246 : memref<8x1024xf32, #tpu.memory_space<vmem>>)
    %add3A_253 = arith.constant 32 : i32
    %add3A_254 = arith.addi %mul3A_2, %add3A_253 : i32
    %dma_start3A_255 = arith.constant 32 : i32
    %dma_start3A_256 = arith.constant 0 : i32
    %dma_start3A_257 = tpu.memref_slice %arg6[%dma_start3A_255, %dma_start3A_256] : memref<96x1024xf32, #tpu.memory_space<vmem>> -> memref<32x1024xf32, #tpu.memory_space<vmem>>
    %dma_start3A_258 = arith.constant 0 : i32
    %dma_start3A_259 = tpu.memref_slice %arg4[%add3A_254, %dma_start3A_258] : memref<16384x1024xf32, #tpu.memory_space<hbm>> -> memref<32x1024xf32, #tpu.memory_space<hbm>>
    %dma_start3A_260 = arith.constant 0 : i32
    %dma_start3A_261 = tpu.memref_slice %arg4[%add3A_254, %dma_start3A_260] : memref<16384x1024xf32, #tpu.memory_space<hbm>> -> memref<32x1024xf32, #tpu.memory_space<hbm>>
    %dma_start3A_262 = arith.constant 32 : i32
    %dma_start3A_263 = arith.constant 0 : i32
    %dma_start3A_264 = tpu.memref_slice %arg6[%dma_start3A_262, %dma_start3A_263] : memref<96x1024xf32, #tpu.memory_space<vmem>> -> memref<32x1024xf32, #tpu.memory_space<vmem>>
    tpu.enqueue_dma source(%dma_start3A_264 : memref<32x1024xf32, #tpu.memory_space<vmem>>) target(%dma_start3A_261 : memref<32x1024xf32, #tpu.memory_space<hbm>>) target_semaphore(%arg20 : memref<!tpu.dma_semaphore, #tpu.memory_space<semaphore_mem>>)
    %dma_start3A_265 = arith.constant 15 : i32
    %dma_start3A_266 = arith.constant 24 : i32
    %dma_start3A_267 = arith.constant 0 : i32
    %dma_start3A_268 = tpu.memref_slice %arg6[%dma_start3A_266, %dma_start3A_267] : memref<96x1024xf32, #tpu.memory_space<vmem>> -> memref<8x1024xf32, #tpu.memory_space<vmem>>
    %dma_start3A_269 = arith.constant 0 : i32
    %dma_start3A_270 = tpu.memref_slice %arg5[%dma_start3A_265, %dma_start3A_269] : memref<64x8xi32, #tpu.memory_space<vmem>> -> memref<1x8xi32, #tpu.memory_space<vmem>>
    %dma_start3A_271 = tpu.memref_squeeze %dma_start3A_270 : memref<1x8xi32, #tpu.memory_space<vmem>> -> memref<8xi32, #tpu.memory_space<vmem>>
    %dma_start3A_272 = arith.constant 0 : i32
    %dma_start3A_273 = arith.constant 0 : i32
    %dma_start3A_274 = tpu.memref_slice %arg3[%dma_start3A_272, %dma_start3A_273] : memref<100000x1024xf32, #tpu.memory_space<hbm>> -> memref<100000x1024xf32, #tpu.memory_space<hbm>>
    tpu.enqueue_indirect_dma source(%dma_start3A_274 : memref<100000x1024xf32, #tpu.memory_space<hbm>>) target(%dma_start3A_268 : memref<8x1024xf32, #tpu.memory_space<vmem>>) offsets(%dma_start3A_271 : memref<8xi32, #tpu.memory_space<vmem>>) semaphore(%arg10 : memref<!tpu.dma_semaphore, #tpu.memory_space<semaphore_mem>>)
    %dma_wait3A_275 = arith.constant 8 : i32
    %dma_wait3A_276 = arith.constant 64 : i32
    %dma_wait3A_277 = arith.constant 0 : i32
    %dma_wait3A_278 = tpu.memref_slice %arg6[%dma_wait3A_276, %dma_wait3A_277] : memref<96x1024xf32, #tpu.memory_space<vmem>> -> memref<8x1024xf32, #tpu.memory_space<vmem>>
    %dma_wait3A_279 = arith.constant 0 : i32
    %dma_wait3A_280 = tpu.memref_slice %arg5[%dma_wait3A_275, %dma_wait3A_279] : memref<64x8xi32, #tpu.memory_space<vmem>> -> memref<1x8xi32, #tpu.memory_space<vmem>>
    %dma_wait3A_281 = tpu.memref_squeeze %dma_wait3A_280 : memref<1x8xi32, #tpu.memory_space<vmem>> -> memref<8xi32, #tpu.memory_space<vmem>>
    %dma_wait3A_282 = arith.constant 0 : i32
    %dma_wait3A_283 = arith.constant 0 : i32
    %dma_wait3A_284 = tpu.memref_slice %arg3[%dma_wait3A_282, %dma_wait3A_283] : memref<100000x1024xf32, #tpu.memory_space<hbm>> -> memref<100000x1024xf32, #tpu.memory_space<hbm>>
    tpu.wait_indirect_dma semaphore(%arg15 : memref<!tpu.dma_semaphore, #tpu.memory_space<semaphore_mem>>) src(%dma_wait3A_284 : memref<100000x1024xf32, #tpu.memory_space<hbm>>) dst(%dma_wait3A_278 : memref<8x1024xf32, #tpu.memory_space<vmem>>)
    %dma_wait3A_285 = arith.constant 32 : i32
    %dma_wait3A_286 = arith.constant 0 : i32
    %dma_wait3A_287 = tpu.memref_slice %arg6[%dma_wait3A_285, %dma_wait3A_286] : memref<96x1024xf32, #tpu.memory_space<vmem>> -> memref<32x1024xf32, #tpu.memory_space<vmem>>
    %dma_wait3A_288 = arith.constant 0 : i32
    %dma_wait3A_289 = tpu.memref_slice %arg4[%add3A_254, %dma_wait3A_288] : memref<16384x1024xf32, #tpu.memory_space<hbm>> -> memref<32x1024xf32, #tpu.memory_space<hbm>>
    %dma_wait3A_290 = arith.constant 0 : i32
    %dma_wait3A_291 = tpu.memref_slice %arg4[%add3A_254, %dma_wait3A_290] : memref<16384x1024xf32, #tpu.memory_space<hbm>> -> memref<32x1024xf32, #tpu.memory_space<hbm>>
    %dma_wait3A_292 = arith.constant 32 : i32
    %dma_wait3A_293 = arith.constant 0 : i32
    %dma_wait3A_294 = tpu.memref_slice %arg6[%dma_wait3A_292, %dma_wait3A_293] : memref<96x1024xf32, #tpu.memory_space<vmem>> -> memref<32x1024xf32, #tpu.memory_space<vmem>>
    tpu.wait_dma2 semaphore(%arg20 : memref<!tpu.dma_semaphore, #tpu.memory_space<semaphore_mem>>) src(%dma_wait3A_294 : memref<32x1024xf32, #tpu.memory_space<vmem>>) dst(%dma_wait3A_291 : memref<32x1024xf32, #tpu.memory_space<hbm>>)
    %dma_start3A_295 = arith.constant 16 : i32
    %dma_start3A_296 = arith.constant 32 : i32
    %dma_start3A_297 = arith.constant 0 : i32
    %dma_start3A_298 = tpu.memref_slice %arg6[%dma_start3A_296, %dma_start3A_297] : memref<96x1024xf32, #tpu.memory_space<vmem>> -> memref<8x1024xf32, #tpu.memory_space<vmem>>
    %dma_start3A_299 = arith.constant 0 : i32
    %dma_start3A_300 = tpu.memref_slice %arg5[%dma_start3A_295, %dma_start3A_299] : memref<64x8xi32, #tpu.memory_space<vmem>> -> memref<1x8xi32, #tpu.memory_space<vmem>>
    %dma_start3A_301 = tpu.memref_squeeze %dma_start3A_300 : memref<1x8xi32, #tpu.memory_space<vmem>> -> memref<8xi32, #tpu.memory_space<vmem>>
    %dma_start3A_302 = arith.constant 0 : i32
    %dma_start3A_303 = arith.constant 0 : i32
    %dma_start3A_304 = tpu.memref_slice %arg3[%dma_start3A_302, %dma_start3A_303] : memref<100000x1024xf32, #tpu.memory_space<hbm>> -> memref<100000x1024xf32, #tpu.memory_space<hbm>>
    tpu.enqueue_indirect_dma source(%dma_start3A_304 : memref<100000x1024xf32, #tpu.memory_space<hbm>>) target(%dma_start3A_298 : memref<8x1024xf32, #tpu.memory_space<vmem>>) offsets(%dma_start3A_301 : memref<8xi32, #tpu.memory_space<vmem>>) semaphore(%arg11 : memref<!tpu.dma_semaphore, #tpu.memory_space<semaphore_mem>>)
    %dma_wait3A_305 = arith.constant 9 : i32
    %dma_wait3A_306 = arith.constant 72 : i32
    %dma_wait3A_307 = arith.constant 0 : i32
    %dma_wait3A_308 = tpu.memref_slice %arg6[%dma_wait3A_306, %dma_wait3A_307] : memref<96x1024xf32, #tpu.memory_space<vmem>> -> memref<8x1024xf32, #tpu.memory_space<vmem>>
    %dma_wait3A_309 = arith.constant 0 : i32
    %dma_wait3A_310 = tpu.memref_slice %arg5[%dma_wait3A_305, %dma_wait3A_309] : memref<64x8xi32, #tpu.memory_space<vmem>> -> memref<1x8xi32, #tpu.memory_space<vmem>>
    %dma_wait3A_311 = tpu.memref_squeeze %dma_wait3A_310 : memref<1x8xi32, #tpu.memory_space<vmem>> -> memref<8xi32, #tpu.memory_space<vmem>>
    %dma_wait3A_312 = arith.constant 0 : i32
    %dma_wait3A_313 = arith.constant 0 : i32
    %dma_wait3A_314 = tpu.memref_slice %arg3[%dma_wait3A_312, %dma_wait3A_313] : memref<100000x1024xf32, #tpu.memory_space<hbm>> -> memref<100000x1024xf32, #tpu.memory_space<hbm>>
    tpu.wait_indirect_dma semaphore(%arg16 : memref<!tpu.dma_semaphore, #tpu.memory_space<semaphore_mem>>) src(%dma_wait3A_314 : memref<100000x1024xf32, #tpu.memory_space<hbm>>) dst(%dma_wait3A_308 : memref<8x1024xf32, #tpu.memory_space<vmem>>)
    %dma_start3A_315 = arith.constant 17 : i32
    %dma_start3A_316 = arith.constant 40 : i32
    %dma_start3A_317 = arith.constant 0 : i32
    %dma_start3A_318 = tpu.memref_slice %arg6[%dma_start3A_316, %dma_start3A_317] : memref<96x1024xf32, #tpu.memory_space<vmem>> -> memref<8x1024xf32, #tpu.memory_space<vmem>>
    %dma_start3A_319 = arith.constant 0 : i32
    %dma_start3A_320 = tpu.memref_slice %arg5[%dma_start3A_315, %dma_start3A_319] : memref<64x8xi32, #tpu.memory_space<vmem>> -> memref<1x8xi32, #tpu.memory_space<vmem>>
    %dma_start3A_321 = tpu.memref_squeeze %dma_start3A_320 : memref<1x8xi32, #tpu.memory_space<vmem>> -> memref<8xi32, #tpu.memory_space<vmem>>
    %dma_start3A_322 = arith.constant 0 : i32
    %dma_start3A_323 = arith.constant 0 : i32
    %dma_start3A_324 = tpu.memref_slice %arg3[%dma_start3A_322, %dma_start3A_323] : memref<100000x1024xf32, #tpu.memory_space<hbm>> -> memref<100000x1024xf32, #tpu.memory_space<hbm>>
    tpu.enqueue_indirect_dma source(%dma_start3A_324 : memref<100000x1024xf32, #tpu.memory_space<hbm>>) target(%dma_start3A_318 : memref<8x1024xf32, #tpu.memory_space<vmem>>) offsets(%dma_start3A_321 : memref<8xi32, #tpu.memory_space<vmem>>) semaphore(%arg12 : memref<!tpu.dma_semaphore, #tpu.memory_space<semaphore_mem>>)
    %dma_wait3A_325 = arith.constant 10 : i32
    %dma_wait3A_326 = arith.constant 80 : i32
    %dma_wait3A_327 = arith.constant 0 : i32
    %dma_wait3A_328 = tpu.memref_slice %arg6[%dma_wait3A_326, %dma_wait3A_327] : memref<96x1024xf32, #tpu.memory_space<vmem>> -> memref<8x1024xf32, #tpu.memory_space<vmem>>
    %dma_wait3A_329 = arith.constant 0 : i32
    %dma_wait3A_330 = tpu.memref_slice %arg5[%dma_wait3A_325, %dma_wait3A_329] : memref<64x8xi32, #tpu.memory_space<vmem>> -> memref<1x8xi32, #tpu.memory_space<vmem>>
    %dma_wait3A_331 = tpu.memref_squeeze %dma_wait3A_330 : memref<1x8xi32, #tpu.memory_space<vmem>> -> memref<8xi32, #tpu.memory_space<vmem>>
    %dma_wait3A_332 = arith.constant 0 : i32
    %dma_wait3A_333 = arith.constant 0 : i32
    %dma_wait3A_334 = tpu.memref_slice %arg3[%dma_wait3A_332, %dma_wait3A_333] : memref<100000x1024xf32, #tpu.memory_space<hbm>> -> memref<100000x1024xf32, #tpu.memory_space<hbm>>
    tpu.wait_indirect_dma semaphore(%arg17 : memref<!tpu.dma_semaphore, #tpu.memory_space<semaphore_mem>>) src(%dma_wait3A_334 : memref<100000x1024xf32, #tpu.memory_space<hbm>>) dst(%dma_wait3A_328 : memref<8x1024xf32, #tpu.memory_space<vmem>>)
    %dma_start3A_335 = arith.constant 18 : i32
    %dma_start3A_336 = arith.constant 48 : i32
    %dma_start3A_337 = arith.constant 0 : i32
    %dma_start3A_338 = tpu.memref_slice %arg6[%dma_start3A_336, %dma_start3A_337] : memref<96x1024xf32, #tpu.memory_space<vmem>> -> memref<8x1024xf32, #tpu.memory_space<vmem>>
    %dma_start3A_339 = arith.constant 0 : i32
    %dma_start3A_340 = tpu.memref_slice %arg5[%dma_start3A_335, %dma_start3A_339] : memref<64x8xi32, #tpu.memory_space<vmem>> -> memref<1x8xi32, #tpu.memory_space<vmem>>
    %dma_start3A_341 = tpu.memref_squeeze %dma_start3A_340 : memref<1x8xi32, #tpu.memory_space<vmem>> -> memref<8xi32, #tpu.memory_space<vmem>>
    %dma_start3A_342 = arith.constant 0 : i32
    %dma_start3A_343 = arith.constant 0 : i32
    %dma_start3A_344 = tpu.memref_slice %arg3[%dma_start3A_342, %dma_start3A_343] : memref<100000x1024xf32, #tpu.memory_space<hbm>> -> memref<100000x1024xf32, #tpu.memory_space<hbm>>
    tpu.enqueue_indirect_dma source(%dma_start3A_344 : memref<100000x1024xf32, #tpu.memory_space<hbm>>) target(%dma_start3A_338 : memref<8x1024xf32, #tpu.memory_space<vmem>>) offsets(%dma_start3A_341 : memref<8xi32, #tpu.memory_space<vmem>>) semaphore(%arg13 : memref<!tpu.dma_semaphore, #tpu.memory_space<semaphore_mem>>)
    %dma_wait3A_345 = arith.constant 11 : i32
    %dma_wait3A_346 = arith.constant 88 : i32
    %dma_wait3A_347 = arith.constant 0 : i32
    %dma_wait3A_348 = tpu.memref_slice %arg6[%dma_wait3A_346, %dma_wait3A_347] : memref<96x1024xf32, #tpu.memory_space<vmem>> -> memref<8x1024xf32, #tpu.memory_space<vmem>>
    %dma_wait3A_349 = arith.constant 0 : i32
    %dma_wait3A_350 = tpu.memref_slice %arg5[%dma_wait3A_345, %dma_wait3A_349] : memref<64x8xi32, #tpu.memory_space<vmem>> -> memref<1x8xi32, #tpu.memory_space<vmem>>
    %dma_wait3A_351 = tpu.memref_squeeze %dma_wait3A_350 : memref<1x8xi32, #tpu.memory_space<vmem>> -> memref<8xi32, #tpu.memory_space<vmem>>
    %dma_wait3A_352 = arith.constant 0 : i32
    %dma_wait3A_353 = arith.constant 0 : i32
    %dma_wait3A_354 = tpu.memref_slice %arg3[%dma_wait3A_352, %dma_wait3A_353] : memref<100000x1024xf32, #tpu.memory_space<hbm>> -> memref<100000x1024xf32, #tpu.memory_space<hbm>>
    tpu.wait_indirect_dma semaphore(%arg18 : memref<!tpu.dma_semaphore, #tpu.memory_space<semaphore_mem>>) src(%dma_wait3A_354 : memref<100000x1024xf32, #tpu.memory_space<hbm>>) dst(%dma_wait3A_348 : memref<8x1024xf32, #tpu.memory_space<vmem>>)
    %add3A_355 = arith.constant 64 : i32
    %add3A_356 = arith.addi %mul3A_2, %add3A_355 : i32
    %dma_start3A_357 = arith.constant 64 : i32
    %dma_start3A_358 = arith.constant 0 : i32
    %dma_start3A_359 = tpu.memref_slice %arg6[%dma_start3A_357, %dma_start3A_358] : memref<96x1024xf32, #tpu.memory_space<vmem>> -> memref<32x1024xf32, #tpu.memory_space<vmem>>
    %dma_start3A_360 = arith.constant 0 : i32
    %dma_start3A_361 = tpu.memref_slice %arg4[%add3A_356, %dma_start3A_360] : memref<16384x1024xf32, #tpu.memory_space<hbm>> -> memref<32x1024xf32, #tpu.memory_space<hbm>>
    %dma_start3A_362 = arith.constant 0 : i32
    %dma_start3A_363 = tpu.memref_slice %arg4[%add3A_356, %dma_start3A_362] : memref<16384x1024xf32, #tpu.memory_space<hbm>> -> memref<32x1024xf32, #tpu.memory_space<hbm>>
    %dma_start3A_364 = arith.constant 64 : i32
    %dma_start3A_365 = arith.constant 0 : i32
    %dma_start3A_366 = tpu.memref_slice %arg6[%dma_start3A_364, %dma_start3A_365] : memref<96x1024xf32, #tpu.memory_space<vmem>> -> memref<32x1024xf32, #tpu.memory_space<vmem>>
    tpu.enqueue_dma source(%dma_start3A_366 : memref<32x1024xf32, #tpu.memory_space<vmem>>) target(%dma_start3A_363 : memref<32x1024xf32, #tpu.memory_space<hbm>>) target_semaphore(%arg21 : memref<!tpu.dma_semaphore, #tpu.memory_space<semaphore_mem>>)
    %dma_start3A_367 = arith.constant 19 : i32
    %dma_start3A_368 = arith.constant 56 : i32
    %dma_start3A_369 = arith.constant 0 : i32
    %dma_start3A_370 = tpu.memref_slice %arg6[%dma_start3A_368, %dma_start3A_369] : memref<96x1024xf32, #tpu.memory_space<vmem>> -> memref<8x1024xf32, #tpu.memory_space<vmem>>
    %dma_start3A_371 = arith.constant 0 : i32
    %dma_start3A_372 = tpu.memref_slice %arg5[%dma_start3A_367, %dma_start3A_371] : memref<64x8xi32, #tpu.memory_space<vmem>> -> memref<1x8xi32, #tpu.memory_space<vmem>>
    %dma_start3A_373 = tpu.memref_squeeze %dma_start3A_372 : memref<1x8xi32, #tpu.memory_space<vmem>> -> memref<8xi32, #tpu.memory_space<vmem>>
    %dma_start3A_374 = arith.constant 0 : i32
    %dma_start3A_375 = arith.constant 0 : i32
    %dma_start3A_376 = tpu.memref_slice %arg3[%dma_start3A_374, %dma_start3A_375] : memref<100000x1024xf32, #tpu.memory_space<hbm>> -> memref<100000x1024xf32, #tpu.memory_space<hbm>>
    tpu.enqueue_indirect_dma source(%dma_start3A_376 : memref<100000x1024xf32, #tpu.memory_space<hbm>>) target(%dma_start3A_370 : memref<8x1024xf32, #tpu.memory_space<vmem>>) offsets(%dma_start3A_373 : memref<8xi32, #tpu.memory_space<vmem>>) semaphore(%arg14 : memref<!tpu.dma_semaphore, #tpu.memory_space<semaphore_mem>>)
    %dma_wait3A_377 = arith.constant 12 : i32
    %dma_wait3A_378 = arith.constant 0 : i32
    %dma_wait3A_379 = arith.constant 0 : i32
    %dma_wait3A_380 = tpu.memref_slice %arg6[%dma_wait3A_378, %dma_wait3A_379] : memref<96x1024xf32, #tpu.memory_space<vmem>> -> memref<8x1024xf32, #tpu.memory_space<vmem>>
    %dma_wait3A_381 = arith.constant 0 : i32
    %dma_wait3A_382 = tpu.memref_slice %arg5[%dma_wait3A_377, %dma_wait3A_381] : memref<64x8xi32, #tpu.memory_space<vmem>> -> memref<1x8xi32, #tpu.memory_space<vmem>>
    %dma_wait3A_383 = tpu.memref_squeeze %dma_wait3A_382 : memref<1x8xi32, #tpu.memory_space<vmem>> -> memref<8xi32, #tpu.memory_space<vmem>>
    %dma_wait3A_384 = arith.constant 0 : i32
    %dma_wait3A_385 = arith.constant 0 : i32
    %dma_wait3A_386 = tpu.memref_slice %arg3[%dma_wait3A_384, %dma_wait3A_385] : memref<100000x1024xf32, #tpu.memory_space<hbm>> -> memref<100000x1024xf32, #tpu.memory_space<hbm>>
    tpu.wait_indirect_dma semaphore(%arg7 : memref<!tpu.dma_semaphore, #tpu.memory_space<semaphore_mem>>) src(%dma_wait3A_386 : memref<100000x1024xf32, #tpu.memory_space<hbm>>) dst(%dma_wait3A_380 : memref<8x1024xf32, #tpu.memory_space<vmem>>)
    %dma_wait3A_387 = arith.constant 64 : i32
    %dma_wait3A_388 = arith.constant 0 : i32
    %dma_wait3A_389 = tpu.memref_slice %arg6[%dma_wait3A_387, %dma_wait3A_388] : memref<96x1024xf32, #tpu.memory_space<vmem>> -> memref<32x1024xf32, #tpu.memory_space<vmem>>
    %dma_wait3A_390 = arith.constant 0 : i32
    %dma_wait3A_391 = tpu.memref_slice %arg4[%add3A_356, %dma_wait3A_390] : memref<16384x1024xf32, #tpu.memory_space<hbm>> -> memref<32x1024xf32, #tpu.memory_space<hbm>>
    %dma_wait3A_392 = arith.constant 0 : i32
    %dma_wait3A_393 = tpu.memref_slice %arg4[%add3A_356, %dma_wait3A_392] : memref<16384x1024xf32, #tpu.memory_space<hbm>> -> memref<32x1024xf32, #tpu.memory_space<hbm>>
    %dma_wait3A_394 = arith.constant 64 : i32
    %dma_wait3A_395 = arith.constant 0 : i32
    %dma_wait3A_396 = tpu.memref_slice %arg6[%dma_wait3A_394, %dma_wait3A_395] : memref<96x1024xf32, #tpu.memory_space<vmem>> -> memref<32x1024xf32, #tpu.memory_space<vmem>>
    tpu.wait_dma2 semaphore(%arg21 : memref<!tpu.dma_semaphore, #tpu.memory_space<semaphore_mem>>) src(%dma_wait3A_396 : memref<32x1024xf32, #tpu.memory_space<vmem>>) dst(%dma_wait3A_393 : memref<32x1024xf32, #tpu.memory_space<hbm>>)
    %dma_start3A_397 = arith.constant 20 : i32
    %dma_start3A_398 = arith.constant 64 : i32
    %dma_start3A_399 = arith.constant 0 : i32
    %dma_start3A_400 = tpu.memref_slice %arg6[%dma_start3A_398, %dma_start3A_399] : memref<96x1024xf32, #tpu.memory_space<vmem>> -> memref<8x1024xf32, #tpu.memory_space<vmem>>
    %dma_start3A_401 = arith.constant 0 : i32
    %dma_start3A_402 = tpu.memref_slice %arg5[%dma_start3A_397, %dma_start3A_401] : memref<64x8xi32, #tpu.memory_space<vmem>> -> memref<1x8xi32, #tpu.memory_space<vmem>>
    %dma_start3A_403 = tpu.memref_squeeze %dma_start3A_402 : memref<1x8xi32, #tpu.memory_space<vmem>> -> memref<8xi32, #tpu.memory_space<vmem>>
    %dma_start3A_404 = arith.constant 0 : i32
    %dma_start3A_405 = arith.constant 0 : i32
    %dma_start3A_406 = tpu.memref_slice %arg3[%dma_start3A_404, %dma_start3A_405] : memref<100000x1024xf32, #tpu.memory_space<hbm>> -> memref<100000x1024xf32, #tpu.memory_space<hbm>>
    tpu.enqueue_indirect_dma source(%dma_start3A_406 : memref<100000x1024xf32, #tpu.memory_space<hbm>>) target(%dma_start3A_400 : memref<8x1024xf32, #tpu.memory_space<vmem>>) offsets(%dma_start3A_403 : memref<8xi32, #tpu.memory_space<vmem>>) semaphore(%arg15 : memref<!tpu.dma_semaphore, #tpu.memory_space<semaphore_mem>>)
    %dma_wait3A_407 = arith.constant 13 : i32
    %dma_wait3A_408 = arith.constant 8 : i32
    %dma_wait3A_409 = arith.constant 0 : i32
    %dma_wait3A_410 = tpu.memref_slice %arg6[%dma_wait3A_408, %dma_wait3A_409] : memref<96x1024xf32, #tpu.memory_space<vmem>> -> memref<8x1024xf32, #tpu.memory_space<vmem>>
    %dma_wait3A_411 = arith.constant 0 : i32
    %dma_wait3A_412 = tpu.memref_slice %arg5[%dma_wait3A_407, %dma_wait3A_411] : memref<64x8xi32, #tpu.memory_space<vmem>> -> memref<1x8xi32, #tpu.memory_space<vmem>>
    %dma_wait3A_413 = tpu.memref_squeeze %dma_wait3A_412 : memref<1x8xi32, #tpu.memory_space<vmem>> -> memref<8xi32, #tpu.memory_space<vmem>>
    %dma_wait3A_414 = arith.constant 0 : i32
    %dma_wait3A_415 = arith.constant 0 : i32
    %dma_wait3A_416 = tpu.memref_slice %arg3[%dma_wait3A_414, %dma_wait3A_415] : memref<100000x1024xf32, #tpu.memory_space<hbm>> -> memref<100000x1024xf32, #tpu.memory_space<hbm>>
    tpu.wait_indirect_dma semaphore(%arg8 : memref<!tpu.dma_semaphore, #tpu.memory_space<semaphore_mem>>) src(%dma_wait3A_416 : memref<100000x1024xf32, #tpu.memory_space<hbm>>) dst(%dma_wait3A_410 : memref<8x1024xf32, #tpu.memory_space<vmem>>)
    %dma_start3A_417 = arith.constant 21 : i32
    %dma_start3A_418 = arith.constant 72 : i32
    %dma_start3A_419 = arith.constant 0 : i32
    %dma_start3A_420 = tpu.memref_slice %arg6[%dma_start3A_418, %dma_start3A_419] : memref<96x1024xf32, #tpu.memory_space<vmem>> -> memref<8x1024xf32, #tpu.memory_space<vmem>>
    %dma_start3A_421 = arith.constant 0 : i32
    %dma_start3A_422 = tpu.memref_slice %arg5[%dma_start3A_417, %dma_start3A_421] : memref<64x8xi32, #tpu.memory_space<vmem>> -> memref<1x8xi32, #tpu.memory_space<vmem>>
    %dma_start3A_423 = tpu.memref_squeeze %dma_start3A_422 : memref<1x8xi32, #tpu.memory_space<vmem>> -> memref<8xi32, #tpu.memory_space<vmem>>
    %dma_start3A_424 = arith.constant 0 : i32
    %dma_start3A_425 = arith.constant 0 : i32
    %dma_start3A_426 = tpu.memref_slice %arg3[%dma_start3A_424, %dma_start3A_425] : memref<100000x1024xf32, #tpu.memory_space<hbm>> -> memref<100000x1024xf32, #tpu.memory_space<hbm>>
    tpu.enqueue_indirect_dma source(%dma_start3A_426 : memref<100000x1024xf32, #tpu.memory_space<hbm>>) target(%dma_start3A_420 : memref<8x1024xf32, #tpu.memory_space<vmem>>) offsets(%dma_start3A_423 : memref<8xi32, #tpu.memory_space<vmem>>) semaphore(%arg16 : memref<!tpu.dma_semaphore, #tpu.memory_space<semaphore_mem>>)
    %dma_wait3A_427 = arith.constant 14 : i32
    %dma_wait3A_428 = arith.constant 16 : i32
    %dma_wait3A_429 = arith.constant 0 : i32
    %dma_wait3A_430 = tpu.memref_slice %arg6[%dma_wait3A_428, %dma_wait3A_429] : memref<96x1024xf32, #tpu.memory_space<vmem>> -> memref<8x1024xf32, #tpu.memory_space<vmem>>
    %dma_wait3A_431 = arith.constant 0 : i32
    %dma_wait3A_432 = tpu.memref_slice %arg5[%dma_wait3A_427, %dma_wait3A_431] : memref<64x8xi32, #tpu.memory_space<vmem>> -> memref<1x8xi32, #tpu.memory_space<vmem>>
    %dma_wait3A_433 = tpu.memref_squeeze %dma_wait3A_432 : memref<1x8xi32, #tpu.memory_space<vmem>> -> memref<8xi32, #tpu.memory_space<vmem>>
    %dma_wait3A_434 = arith.constant 0 : i32
    %dma_wait3A_435 = arith.constant 0 : i32
    %dma_wait3A_436 = tpu.memref_slice %arg3[%dma_wait3A_434, %dma_wait3A_435] : memref<100000x1024xf32, #tpu.memory_space<hbm>> -> memref<100000x1024xf32, #tpu.memory_space<hbm>>
    tpu.wait_indirect_dma semaphore(%arg9 : memref<!tpu.dma_semaphore, #tpu.memory_space<semaphore_mem>>) src(%dma_wait3A_436 : memref<100000x1024xf32, #tpu.memory_space<hbm>>) dst(%dma_wait3A_430 : memref<8x1024xf32, #tpu.memory_space<vmem>>)
    %dma_start3A_437 = arith.constant 22 : i32
    %dma_start3A_438 = arith.constant 80 : i32
    %dma_start3A_439 = arith.constant 0 : i32
    %dma_start3A_440 = tpu.memref_slice %arg6[%dma_start3A_438, %dma_start3A_439] : memref<96x1024xf32, #tpu.memory_space<vmem>> -> memref<8x1024xf32, #tpu.memory_space<vmem>>
    %dma_start3A_441 = arith.constant 0 : i32
    %dma_start3A_442 = tpu.memref_slice %arg5[%dma_start3A_437, %dma_start3A_441] : memref<64x8xi32, #tpu.memory_space<vmem>> -> memref<1x8xi32, #tpu.memory_space<vmem>>
    %dma_start3A_443 = tpu.memref_squeeze %dma_start3A_442 : memref<1x8xi32, #tpu.memory_space<vmem>> -> memref<8xi32, #tpu.memory_space<vmem>>
    %dma_start3A_444 = arith.constant 0 : i32
    %dma_start3A_445 = arith.constant 0 : i32
    %dma_start3A_446 = tpu.memref_slice %arg3[%dma_start3A_444, %dma_start3A_445] : memref<100000x1024xf32, #tpu.memory_space<hbm>> -> memref<100000x1024xf32, #tpu.memory_space<hbm>>
    tpu.enqueue_indirect_dma source(%dma_start3A_446 : memref<100000x1024xf32, #tpu.memory_space<hbm>>) target(%dma_start3A_440 : memref<8x1024xf32, #tpu.memory_space<vmem>>) offsets(%dma_start3A_443 : memref<8xi32, #tpu.memory_space<vmem>>) semaphore(%arg17 : memref<!tpu.dma_semaphore, #tpu.memory_space<semaphore_mem>>)
    %dma_wait3A_447 = arith.constant 15 : i32
    %dma_wait3A_448 = arith.constant 24 : i32
    %dma_wait3A_449 = arith.constant 0 : i32
    %dma_wait3A_450 = tpu.memref_slice %arg6[%dma_wait3A_448, %dma_wait3A_449] : memref<96x1024xf32, #tpu.memory_space<vmem>> -> memref<8x1024xf32, #tpu.memory_space<vmem>>
    %dma_wait3A_451 = arith.constant 0 : i32
    %dma_wait3A_452 = tpu.memref_slice %arg5[%dma_wait3A_447, %dma_wait3A_451] : memref<64x8xi32, #tpu.memory_space<vmem>> -> memref<1x8xi32, #tpu.memory_space<vmem>>
    %dma_wait3A_453 = tpu.memref_squeeze %dma_wait3A_452 : memref<1x8xi32, #tpu.memory_space<vmem>> -> memref<8xi32, #tpu.memory_space<vmem>>
    %dma_wait3A_454 = arith.constant 0 : i32
    %dma_wait3A_455 = arith.constant 0 : i32
    %dma_wait3A_456 = tpu.memref_slice %arg3[%dma_wait3A_454, %dma_wait3A_455] : memref<100000x1024xf32, #tpu.memory_space<hbm>> -> memref<100000x1024xf32, #tpu.memory_space<hbm>>
    tpu.wait_indirect_dma semaphore(%arg10 : memref<!tpu.dma_semaphore, #tpu.memory_space<semaphore_mem>>) src(%dma_wait3A_456 : memref<100000x1024xf32, #tpu.memory_space<hbm>>) dst(%dma_wait3A_450 : memref<8x1024xf32, #tpu.memory_space<vmem>>)
    %add3A_457 = arith.constant 96 : i32
    %add3A_458 = arith.addi %mul3A_2, %add3A_457 : i32
    %dma_start3A_459 = arith.constant 0 : i32
    %dma_start3A_460 = arith.constant 0 : i32
    %dma_start3A_461 = tpu.memref_slice %arg6[%dma_start3A_459, %dma_start3A_460] : memref<96x1024xf32, #tpu.memory_space<vmem>> -> memref<32x1024xf32, #tpu.memory_space<vmem>>
    %dma_start3A_462 = arith.constant 0 : i32
    %dma_start3A_463 = tpu.memref_slice %arg4[%add3A_458, %dma_start3A_462] : memref<16384x1024xf32, #tpu.memory_space<hbm>> -> memref<32x1024xf32, #tpu.memory_space<hbm>>
    %dma_start3A_464 = arith.constant 0 : i32
    %dma_start3A_465 = tpu.memref_slice %arg4[%add3A_458, %dma_start3A_464] : memref<16384x1024xf32, #tpu.memory_space<hbm>> -> memref<32x1024xf32, #tpu.memory_space<hbm>>
    %dma_start3A_466 = arith.constant 0 : i32
    %dma_start3A_467 = arith.constant 0 : i32
    %dma_start3A_468 = tpu.memref_slice %arg6[%dma_start3A_466, %dma_start3A_467] : memref<96x1024xf32, #tpu.memory_space<vmem>> -> memref<32x1024xf32, #tpu.memory_space<vmem>>
    tpu.enqueue_dma source(%dma_start3A_468 : memref<32x1024xf32, #tpu.memory_space<vmem>>) target(%dma_start3A_465 : memref<32x1024xf32, #tpu.memory_space<hbm>>) target_semaphore(%arg19 : memref<!tpu.dma_semaphore, #tpu.memory_space<semaphore_mem>>)
    %dma_start3A_469 = arith.constant 23 : i32
    %dma_start3A_470 = arith.constant 88 : i32
    %dma_start3A_471 = arith.constant 0 : i32
    %dma_start3A_472 = tpu.memref_slice %arg6[%dma_start3A_470, %dma_start3A_471] : memref<96x1024xf32, #tpu.memory_space<vmem>> -> memref<8x1024xf32, #tpu.memory_space<vmem>>
    %dma_start3A_473 = arith.constant 0 : i32
    %dma_start3A_474 = tpu.memref_slice %arg5[%dma_start3A_469, %dma_start3A_473] : memref<64x8xi32, #tpu.memory_space<vmem>> -> memref<1x8xi32, #tpu.memory_space<vmem>>
    %dma_start3A_475 = tpu.memref_squeeze %dma_start3A_474 : memref<1x8xi32, #tpu.memory_space<vmem>> -> memref<8xi32, #tpu.memory_space<vmem>>
    %dma_start3A_476 = arith.constant 0 : i32
    %dma_start3A_477 = arith.constant 0 : i32
    %dma_start3A_478 = tpu.memref_slice %arg3[%dma_start3A_476, %dma_start3A_477] : memref<100000x1024xf32, #tpu.memory_space<hbm>> -> memref<100000x1024xf32, #tpu.memory_space<hbm>>
    tpu.enqueue_indirect_dma source(%dma_start3A_478 : memref<100000x1024xf32, #tpu.memory_space<hbm>>) target(%dma_start3A_472 : memref<8x1024xf32, #tpu.memory_space<vmem>>) offsets(%dma_start3A_475 : memref<8xi32, #tpu.memory_space<vmem>>) semaphore(%arg18 : memref<!tpu.dma_semaphore, #tpu.memory_space<semaphore_mem>>)
    %dma_wait3A_479 = arith.constant 16 : i32
    %dma_wait3A_480 = arith.constant 32 : i32
    %dma_wait3A_481 = arith.constant 0 : i32
    %dma_wait3A_482 = tpu.memref_slice %arg6[%dma_wait3A_480, %dma_wait3A_481] : memref<96x1024xf32, #tpu.memory_space<vmem>> -> memref<8x1024xf32, #tpu.memory_space<vmem>>
    %dma_wait3A_483 = arith.constant 0 : i32
    %dma_wait3A_484 = tpu.memref_slice %arg5[%dma_wait3A_479, %dma_wait3A_483] : memref<64x8xi32, #tpu.memory_space<vmem>> -> memref<1x8xi32, #tpu.memory_space<vmem>>
    %dma_wait3A_485 = tpu.memref_squeeze %dma_wait3A_484 : memref<1x8xi32, #tpu.memory_space<vmem>> -> memref<8xi32, #tpu.memory_space<vmem>>
    %dma_wait3A_486 = arith.constant 0 : i32
    %dma_wait3A_487 = arith.constant 0 : i32
    %dma_wait3A_488 = tpu.memref_slice %arg3[%dma_wait3A_486, %dma_wait3A_487] : memref<100000x1024xf32, #tpu.memory_space<hbm>> -> memref<100000x1024xf32, #tpu.memory_space<hbm>>
    tpu.wait_indirect_dma semaphore(%arg11 : memref<!tpu.dma_semaphore, #tpu.memory_space<semaphore_mem>>) src(%dma_wait3A_488 : memref<100000x1024xf32, #tpu.memory_space<hbm>>) dst(%dma_wait3A_482 : memref<8x1024xf32, #tpu.memory_space<vmem>>)
    %dma_wait3A_489 = arith.constant 0 : i32
    %dma_wait3A_490 = arith.constant 0 : i32
    %dma_wait3A_491 = tpu.memref_slice %arg6[%dma_wait3A_489, %dma_wait3A_490] : memref<96x1024xf32, #tpu.memory_space<vmem>> -> memref<32x1024xf32, #tpu.memory_space<vmem>>
    %dma_wait3A_492 = arith.constant 0 : i32
    %dma_wait3A_493 = tpu.memref_slice %arg4[%add3A_458, %dma_wait3A_492] : memref<16384x1024xf32, #tpu.memory_space<hbm>> -> memref<32x1024xf32, #tpu.memory_space<hbm>>
    %dma_wait3A_494 = arith.constant 0 : i32
    %dma_wait3A_495 = tpu.memref_slice %arg4[%add3A_458, %dma_wait3A_494] : memref<16384x1024xf32, #tpu.memory_space<hbm>> -> memref<32x1024xf32, #tpu.memory_space<hbm>>
    %dma_wait3A_496 = arith.constant 0 : i32
    %dma_wait3A_497 = arith.constant 0 : i32
    %dma_wait3A_498 = tpu.memref_slice %arg6[%dma_wait3A_496, %dma_wait3A_497] : memref<96x1024xf32, #tpu.memory_space<vmem>> -> memref<32x1024xf32, #tpu.memory_space<vmem>>
    tpu.wait_dma2 semaphore(%arg19 : memref<!tpu.dma_semaphore, #tpu.memory_space<semaphore_mem>>) src(%dma_wait3A_498 : memref<32x1024xf32, #tpu.memory_space<vmem>>) dst(%dma_wait3A_495 : memref<32x1024xf32, #tpu.memory_space<hbm>>)
    %dma_start3A_499 = arith.constant 24 : i32
    %dma_start3A_500 = arith.constant 0 : i32
    %dma_start3A_501 = arith.constant 0 : i32
    %dma_start3A_502 = tpu.memref_slice %arg6[%dma_start3A_500, %dma_start3A_501] : memref<96x1024xf32, #tpu.memory_space<vmem>> -> memref<8x1024xf32, #tpu.memory_space<vmem>>
    %dma_start3A_503 = arith.constant 0 : i32
    %dma_start3A_504 = tpu.memref_slice %arg5[%dma_start3A_499, %dma_start3A_503] : memref<64x8xi32, #tpu.memory_space<vmem>> -> memref<1x8xi32, #tpu.memory_space<vmem>>
    %dma_start3A_505 = tpu.memref_squeeze %dma_start3A_504 : memref<1x8xi32, #tpu.memory_space<vmem>> -> memref<8xi32, #tpu.memory_space<vmem>>
    %dma_start3A_506 = arith.constant 0 : i32
    %dma_start3A_507 = arith.constant 0 : i32
    %dma_start3A_508 = tpu.memref_slice %arg3[%dma_start3A_506, %dma_start3A_507] : memref<100000x1024xf32, #tpu.memory_space<hbm>> -> memref<100000x1024xf32, #tpu.memory_space<hbm>>
    tpu.enqueue_indirect_dma source(%dma_start3A_508 : memref<100000x1024xf32, #tpu.memory_space<hbm>>) target(%dma_start3A_502 : memref<8x1024xf32, #tpu.memory_space<vmem>>) offsets(%dma_start3A_505 : memref<8xi32, #tpu.memory_space<vmem>>) semaphore(%arg7 : memref<!tpu.dma_semaphore, #tpu.memory_space<semaphore_mem>>)
    %dma_wait3A_509 = arith.constant 17 : i32
    %dma_wait3A_510 = arith.constant 40 : i32
    %dma_wait3A_511 = arith.constant 0 : i32
    %dma_wait3A_512 = tpu.memref_slice %arg6[%dma_wait3A_510, %dma_wait3A_511] : memref<96x1024xf32, #tpu.memory_space<vmem>> -> memref<8x1024xf32, #tpu.memory_space<vmem>>
    %dma_wait3A_513 = arith.constant 0 : i32
    %dma_wait3A_514 = tpu.memref_slice %arg5[%dma_wait3A_509, %dma_wait3A_513] : memref<64x8xi32, #tpu.memory_space<vmem>> -> memref<1x8xi32, #tpu.memory_space<vmem>>
    %dma_wait3A_515 = tpu.memref_squeeze %dma_wait3A_514 : memref<1x8xi32, #tpu.memory_space<vmem>> -> memref<8xi32, #tpu.memory_space<vmem>>
    %dma_wait3A_516 = arith.constant 0 : i32
    %dma_wait3A_517 = arith.constant 0 : i32
    %dma_wait3A_518 = tpu.memref_slice %arg3[%dma_wait3A_516, %dma_wait3A_517] : memref<100000x1024xf32, #tpu.memory_space<hbm>> -> memref<100000x1024xf32, #tpu.memory_space<hbm>>
    tpu.wait_indirect_dma semaphore(%arg12 : memref<!tpu.dma_semaphore, #tpu.memory_space<semaphore_mem>>) src(%dma_wait3A_518 : memref<100000x1024xf32, #tpu.memory_space<hbm>>) dst(%dma_wait3A_512 : memref<8x1024xf32, #tpu.memory_space<vmem>>)
    %dma_start3A_519 = arith.constant 25 : i32
    %dma_start3A_520 = arith.constant 8 : i32
    %dma_start3A_521 = arith.constant 0 : i32
    %dma_start3A_522 = tpu.memref_slice %arg6[%dma_start3A_520, %dma_start3A_521] : memref<96x1024xf32, #tpu.memory_space<vmem>> -> memref<8x1024xf32, #tpu.memory_space<vmem>>
    %dma_start3A_523 = arith.constant 0 : i32
    %dma_start3A_524 = tpu.memref_slice %arg5[%dma_start3A_519, %dma_start3A_523] : memref<64x8xi32, #tpu.memory_space<vmem>> -> memref<1x8xi32, #tpu.memory_space<vmem>>
    %dma_start3A_525 = tpu.memref_squeeze %dma_start3A_524 : memref<1x8xi32, #tpu.memory_space<vmem>> -> memref<8xi32, #tpu.memory_space<vmem>>
    %dma_start3A_526 = arith.constant 0 : i32
    %dma_start3A_527 = arith.constant 0 : i32
    %dma_start3A_528 = tpu.memref_slice %arg3[%dma_start3A_526, %dma_start3A_527] : memref<100000x1024xf32, #tpu.memory_space<hbm>> -> memref<100000x1024xf32, #tpu.memory_space<hbm>>
    tpu.enqueue_indirect_dma source(%dma_start3A_528 : memref<100000x1024xf32, #tpu.memory_space<hbm>>) target(%dma_start3A_522 : memref<8x1024xf32, #tpu.memory_space<vmem>>) offsets(%dma_start3A_525 : memref<8xi32, #tpu.memory_space<vmem>>) semaphore(%arg8 : memref<!tpu.dma_semaphore, #tpu.memory_space<semaphore_mem>>)
    %dma_wait3A_529 = arith.constant 18 : i32
    %dma_wait3A_530 = arith.constant 48 : i32
    %dma_wait3A_531 = arith.constant 0 : i32
    %dma_wait3A_532 = tpu.memref_slice %arg6[%dma_wait3A_530, %dma_wait3A_531] : memref<96x1024xf32, #tpu.memory_space<vmem>> -> memref<8x1024xf32, #tpu.memory_space<vmem>>
    %dma_wait3A_533 = arith.constant 0 : i32
    %dma_wait3A_534 = tpu.memref_slice %arg5[%dma_wait3A_529, %dma_wait3A_533] : memref<64x8xi32, #tpu.memory_space<vmem>> -> memref<1x8xi32, #tpu.memory_space<vmem>>
    %dma_wait3A_535 = tpu.memref_squeeze %dma_wait3A_534 : memref<1x8xi32, #tpu.memory_space<vmem>> -> memref<8xi32, #tpu.memory_space<vmem>>
    %dma_wait3A_536 = arith.constant 0 : i32
    %dma_wait3A_537 = arith.constant 0 : i32
    %dma_wait3A_538 = tpu.memref_slice %arg3[%dma_wait3A_536, %dma_wait3A_537] : memref<100000x1024xf32, #tpu.memory_space<hbm>> -> memref<100000x1024xf32, #tpu.memory_space<hbm>>
    tpu.wait_indirect_dma semaphore(%arg13 : memref<!tpu.dma_semaphore, #tpu.memory_space<semaphore_mem>>) src(%dma_wait3A_538 : memref<100000x1024xf32, #tpu.memory_space<hbm>>) dst(%dma_wait3A_532 : memref<8x1024xf32, #tpu.memory_space<vmem>>)
    %dma_start3A_539 = arith.constant 26 : i32
    %dma_start3A_540 = arith.constant 16 : i32
    %dma_start3A_541 = arith.constant 0 : i32
    %dma_start3A_542 = tpu.memref_slice %arg6[%dma_start3A_540, %dma_start3A_541] : memref<96x1024xf32, #tpu.memory_space<vmem>> -> memref<8x1024xf32, #tpu.memory_space<vmem>>
    %dma_start3A_543 = arith.constant 0 : i32
    %dma_start3A_544 = tpu.memref_slice %arg5[%dma_start3A_539, %dma_start3A_543] : memref<64x8xi32, #tpu.memory_space<vmem>> -> memref<1x8xi32, #tpu.memory_space<vmem>>
    %dma_start3A_545 = tpu.memref_squeeze %dma_start3A_544 : memref<1x8xi32, #tpu.memory_space<vmem>> -> memref<8xi32, #tpu.memory_space<vmem>>
    %dma_start3A_546 = arith.constant 0 : i32
    %dma_start3A_547 = arith.constant 0 : i32
    %dma_start3A_548 = tpu.memref_slice %arg3[%dma_start3A_546, %dma_start3A_547] : memref<100000x1024xf32, #tpu.memory_space<hbm>> -> memref<100000x1024xf32, #tpu.memory_space<hbm>>
    tpu.enqueue_indirect_dma source(%dma_start3A_548 : memref<100000x1024xf32, #tpu.memory_space<hbm>>) target(%dma_start3A_542 : memref<8x1024xf32, #tpu.memory_space<vmem>>) offsets(%dma_start3A_545 : memref<8xi32, #tpu.memory_space<vmem>>) semaphore(%arg9 : memref<!tpu.dma_semaphore, #tpu.memory_space<semaphore_mem>>)
    %dma_wait3A_549 = arith.constant 19 : i32
    %dma_wait3A_550 = arith.constant 56 : i32
    %dma_wait3A_551 = arith.constant 0 : i32
    %dma_wait3A_552 = tpu.memref_slice %arg6[%dma_wait3A_550, %dma_wait3A_551] : memref<96x1024xf32, #tpu.memory_space<vmem>> -> memref<8x1024xf32, #tpu.memory_space<vmem>>
    %dma_wait3A_553 = arith.constant 0 : i32
    %dma_wait3A_554 = tpu.memref_slice %arg5[%dma_wait3A_549, %dma_wait3A_553] : memref<64x8xi32, #tpu.memory_space<vmem>> -> memref<1x8xi32, #tpu.memory_space<vmem>>
    %dma_wait3A_555 = tpu.memref_squeeze %dma_wait3A_554 : memref<1x8xi32, #tpu.memory_space<vmem>> -> memref<8xi32, #tpu.memory_space<vmem>>
    %dma_wait3A_556 = arith.constant 0 : i32
    %dma_wait3A_557 = arith.constant 0 : i32
    %dma_wait3A_558 = tpu.memref_slice %arg3[%dma_wait3A_556, %dma_wait3A_557] : memref<100000x1024xf32, #tpu.memory_space<hbm>> -> memref<100000x1024xf32, #tpu.memory_space<hbm>>
    tpu.wait_indirect_dma semaphore(%arg14 : memref<!tpu.dma_semaphore, #tpu.memory_space<semaphore_mem>>) src(%dma_wait3A_558 : memref<100000x1024xf32, #tpu.memory_space<hbm>>) dst(%dma_wait3A_552 : memref<8x1024xf32, #tpu.memory_space<vmem>>)
    %add3A_559 = arith.constant 128 : i32
    %add3A_560 = arith.addi %mul3A_2, %add3A_559 : i32
    %dma_start3A_561 = arith.constant 32 : i32
    %dma_start3A_562 = arith.constant 0 : i32
    %dma_start3A_563 = tpu.memref_slice %arg6[%dma_start3A_561, %dma_start3A_562] : memref<96x1024xf32, #tpu.memory_space<vmem>> -> memref<32x1024xf32, #tpu.memory_space<vmem>>
    %dma_start3A_564 = arith.constant 0 : i32
    %dma_start3A_565 = tpu.memref_slice %arg4[%add3A_560, %dma_start3A_564] : memref<16384x1024xf32, #tpu.memory_space<hbm>> -> memref<32x1024xf32, #tpu.memory_space<hbm>>
    %dma_start3A_566 = arith.constant 0 : i32
    %dma_start3A_567 = tpu.memref_slice %arg4[%add3A_560, %dma_start3A_566] : memref<16384x1024xf32, #tpu.memory_space<hbm>> -> memref<32x1024xf32, #tpu.memory_space<hbm>>
    %dma_start3A_568 = arith.constant 32 : i32
    %dma_start3A_569 = arith.constant 0 : i32
    %dma_start3A_570 = tpu.memref_slice %arg6[%dma_start3A_568, %dma_start3A_569] : memref<96x1024xf32, #tpu.memory_space<vmem>> -> memref<32x1024xf32, #tpu.memory_space<vmem>>
    tpu.enqueue_dma source(%dma_start3A_570 : memref<32x1024xf32, #tpu.memory_space<vmem>>) target(%dma_start3A_567 : memref<32x1024xf32, #tpu.memory_space<hbm>>) target_semaphore(%arg20 : memref<!tpu.dma_semaphore, #tpu.memory_space<semaphore_mem>>)
    %dma_start3A_571 = arith.constant 27 : i32
    %dma_start3A_572 = arith.constant 24 : i32
    %dma_start3A_573 = arith.constant 0 : i32
    %dma_start3A_574 = tpu.memref_slice %arg6[%dma_start3A_572, %dma_start3A_573] : memref<96x1024xf32, #tpu.memory_space<vmem>> -> memref<8x1024xf32, #tpu.memory_space<vmem>>
    %dma_start3A_575 = arith.constant 0 : i32
    %dma_start3A_576 = tpu.memref_slice %arg5[%dma_start3A_571, %dma_start3A_575] : memref<64x8xi32, #tpu.memory_space<vmem>> -> memref<1x8xi32, #tpu.memory_space<vmem>>
    %dma_start3A_577 = tpu.memref_squeeze %dma_start3A_576 : memref<1x8xi32, #tpu.memory_space<vmem>> -> memref<8xi32, #tpu.memory_space<vmem>>
    %dma_start3A_578 = arith.constant 0 : i32
    %dma_start3A_579 = arith.constant 0 : i32
    %dma_start3A_580 = tpu.memref_slice %arg3[%dma_start3A_578, %dma_start3A_579] : memref<100000x1024xf32, #tpu.memory_space<hbm>> -> memref<100000x1024xf32, #tpu.memory_space<hbm>>
    tpu.enqueue_indirect_dma source(%dma_start3A_580 : memref<100000x1024xf32, #tpu.memory_space<hbm>>) target(%dma_start3A_574 : memref<8x1024xf32, #tpu.memory_space<vmem>>) offsets(%dma_start3A_577 : memref<8xi32, #tpu.memory_space<vmem>>) semaphore(%arg10 : memref<!tpu.dma_semaphore, #tpu.memory_space<semaphore_mem>>)
    %dma_wait3A_581 = arith.constant 20 : i32
    %dma_wait3A_582 = arith.constant 64 : i32
    %dma_wait3A_583 = arith.constant 0 : i32
    %dma_wait3A_584 = tpu.memref_slice %arg6[%dma_wait3A_582, %dma_wait3A_583] : memref<96x1024xf32, #tpu.memory_space<vmem>> -> memref<8x1024xf32, #tpu.memory_space<vmem>>
    %dma_wait3A_585 = arith.constant 0 : i32
    %dma_wait3A_586 = tpu.memref_slice %arg5[%dma_wait3A_581, %dma_wait3A_585] : memref<64x8xi32, #tpu.memory_space<vmem>> -> memref<1x8xi32, #tpu.memory_space<vmem>>
    %dma_wait3A_587 = tpu.memref_squeeze %dma_wait3A_586 : memref<1x8xi32, #tpu.memory_space<vmem>> -> memref<8xi32, #tpu.memory_space<vmem>>
    %dma_wait3A_588 = arith.constant 0 : i32
    %dma_wait3A_589 = arith.constant 0 : i32
    %dma_wait3A_590 = tpu.memref_slice %arg3[%dma_wait3A_588, %dma_wait3A_589] : memref<100000x1024xf32, #tpu.memory_space<hbm>> -> memref<100000x1024xf32, #tpu.memory_space<hbm>>
    tpu.wait_indirect_dma semaphore(%arg15 : memref<!tpu.dma_semaphore, #tpu.memory_space<semaphore_mem>>) src(%dma_wait3A_590 : memref<100000x1024xf32, #tpu.memory_space<hbm>>) dst(%dma_wait3A_584 : memref<8x1024xf32, #tpu.memory_space<vmem>>)
    %dma_wait3A_591 = arith.constant 32 : i32
    %dma_wait3A_592 = arith.constant 0 : i32
    %dma_wait3A_593 = tpu.memref_slice %arg6[%dma_wait3A_591, %dma_wait3A_592] : memref<96x1024xf32, #tpu.memory_space<vmem>> -> memref<32x1024xf32, #tpu.memory_space<vmem>>
    %dma_wait3A_594 = arith.constant 0 : i32
    %dma_wait3A_595 = tpu.memref_slice %arg4[%add3A_560, %dma_wait3A_594] : memref<16384x1024xf32, #tpu.memory_space<hbm>> -> memref<32x1024xf32, #tpu.memory_space<hbm>>
    %dma_wait3A_596 = arith.constant 0 : i32
    %dma_wait3A_597 = tpu.memref_slice %arg4[%add3A_560, %dma_wait3A_596] : memref<16384x1024xf32, #tpu.memory_space<hbm>> -> memref<32x1024xf32, #tpu.memory_space<hbm>>
    %dma_wait3A_598 = arith.constant 32 : i32
    %dma_wait3A_599 = arith.constant 0 : i32
    %dma_wait3A_600 = tpu.memref_slice %arg6[%dma_wait3A_598, %dma_wait3A_599] : memref<96x1024xf32, #tpu.memory_space<vmem>> -> memref<32x1024xf32, #tpu.memory_space<vmem>>
    tpu.wait_dma2 semaphore(%arg20 : memref<!tpu.dma_semaphore, #tpu.memory_space<semaphore_mem>>) src(%dma_wait3A_600 : memref<32x1024xf32, #tpu.memory_space<vmem>>) dst(%dma_wait3A_597 : memref<32x1024xf32, #tpu.memory_space<hbm>>)
    %dma_start3A_601 = arith.constant 28 : i32
    %dma_start3A_602 = arith.constant 32 : i32
    %dma_start3A_603 = arith.constant 0 : i32
    %dma_start3A_604 = tpu.memref_slice %arg6[%dma_start3A_602, %dma_start3A_603] : memref<96x1024xf32, #tpu.memory_space<vmem>> -> memref<8x1024xf32, #tpu.memory_space<vmem>>
    %dma_start3A_605 = arith.constant 0 : i32
    %dma_start3A_606 = tpu.memref_slice %arg5[%dma_start3A_601, %dma_start3A_605] : memref<64x8xi32, #tpu.memory_space<vmem>> -> memref<1x8xi32, #tpu.memory_space<vmem>>
    %dma_start3A_607 = tpu.memref_squeeze %dma_start3A_606 : memref<1x8xi32, #tpu.memory_space<vmem>> -> memref<8xi32, #tpu.memory_space<vmem>>
    %dma_start3A_608 = arith.constant 0 : i32
    %dma_start3A_609 = arith.constant 0 : i32
    %dma_start3A_610 = tpu.memref_slice %arg3[%dma_start3A_608, %dma_start3A_609] : memref<100000x1024xf32, #tpu.memory_space<hbm>> -> memref<100000x1024xf32, #tpu.memory_space<hbm>>
    tpu.enqueue_indirect_dma source(%dma_start3A_610 : memref<100000x1024xf32, #tpu.memory_space<hbm>>) target(%dma_start3A_604 : memref<8x1024xf32, #tpu.memory_space<vmem>>) offsets(%dma_start3A_607 : memref<8xi32, #tpu.memory_space<vmem>>) semaphore(%arg11 : memref<!tpu.dma_semaphore, #tpu.memory_space<semaphore_mem>>)
    %dma_wait3A_611 = arith.constant 21 : i32
    %dma_wait3A_612 = arith.constant 72 : i32
    %dma_wait3A_613 = arith.constant 0 : i32
    %dma_wait3A_614 = tpu.memref_slice %arg6[%dma_wait3A_612, %dma_wait3A_613] : memref<96x1024xf32, #tpu.memory_space<vmem>> -> memref<8x1024xf32, #tpu.memory_space<vmem>>
    %dma_wait3A_615 = arith.constant 0 : i32
    %dma_wait3A_616 = tpu.memref_slice %arg5[%dma_wait3A_611, %dma_wait3A_615] : memref<64x8xi32, #tpu.memory_space<vmem>> -> memref<1x8xi32, #tpu.memory_space<vmem>>
    %dma_wait3A_617 = tpu.memref_squeeze %dma_wait3A_616 : memref<1x8xi32, #tpu.memory_space<vmem>> -> memref<8xi32, #tpu.memory_space<vmem>>
    %dma_wait3A_618 = arith.constant 0 : i32
    %dma_wait3A_619 = arith.constant 0 : i32
    %dma_wait3A_620 = tpu.memref_slice %arg3[%dma_wait3A_618, %dma_wait3A_619] : memref<100000x1024xf32, #tpu.memory_space<hbm>> -> memref<100000x1024xf32, #tpu.memory_space<hbm>>
    tpu.wait_indirect_dma semaphore(%arg16 : memref<!tpu.dma_semaphore, #tpu.memory_space<semaphore_mem>>) src(%dma_wait3A_620 : memref<100000x1024xf32, #tpu.memory_space<hbm>>) dst(%dma_wait3A_614 : memref<8x1024xf32, #tpu.memory_space<vmem>>)
    %dma_start3A_621 = arith.constant 29 : i32
    %dma_start3A_622 = arith.constant 40 : i32
    %dma_start3A_623 = arith.constant 0 : i32
    %dma_start3A_624 = tpu.memref_slice %arg6[%dma_start3A_622, %dma_start3A_623] : memref<96x1024xf32, #tpu.memory_space<vmem>> -> memref<8x1024xf32, #tpu.memory_space<vmem>>
    %dma_start3A_625 = arith.constant 0 : i32
    %dma_start3A_626 = tpu.memref_slice %arg5[%dma_start3A_621, %dma_start3A_625] : memref<64x8xi32, #tpu.memory_space<vmem>> -> memref<1x8xi32, #tpu.memory_space<vmem>>
    %dma_start3A_627 = tpu.memref_squeeze %dma_start3A_626 : memref<1x8xi32, #tpu.memory_space<vmem>> -> memref<8xi32, #tpu.memory_space<vmem>>
    %dma_start3A_628 = arith.constant 0 : i32
    %dma_start3A_629 = arith.constant 0 : i32
    %dma_start3A_630 = tpu.memref_slice %arg3[%dma_start3A_628, %dma_start3A_629] : memref<100000x1024xf32, #tpu.memory_space<hbm>> -> memref<100000x1024xf32, #tpu.memory_space<hbm>>
    tpu.enqueue_indirect_dma source(%dma_start3A_630 : memref<100000x1024xf32, #tpu.memory_space<hbm>>) target(%dma_start3A_624 : memref<8x1024xf32, #tpu.memory_space<vmem>>) offsets(%dma_start3A_627 : memref<8xi32, #tpu.memory_space<vmem>>) semaphore(%arg12 : memref<!tpu.dma_semaphore, #tpu.memory_space<semaphore_mem>>)
    %dma_wait3A_631 = arith.constant 22 : i32
    %dma_wait3A_632 = arith.constant 80 : i32
    %dma_wait3A_633 = arith.constant 0 : i32
    %dma_wait3A_634 = tpu.memref_slice %arg6[%dma_wait3A_632, %dma_wait3A_633] : memref<96x1024xf32, #tpu.memory_space<vmem>> -> memref<8x1024xf32, #tpu.memory_space<vmem>>
    %dma_wait3A_635 = arith.constant 0 : i32
    %dma_wait3A_636 = tpu.memref_slice %arg5[%dma_wait3A_631, %dma_wait3A_635] : memref<64x8xi32, #tpu.memory_space<vmem>> -> memref<1x8xi32, #tpu.memory_space<vmem>>
    %dma_wait3A_637 = tpu.memref_squeeze %dma_wait3A_636 : memref<1x8xi32, #tpu.memory_space<vmem>> -> memref<8xi32, #tpu.memory_space<vmem>>
    %dma_wait3A_638 = arith.constant 0 : i32
    %dma_wait3A_639 = arith.constant 0 : i32
    %dma_wait3A_640 = tpu.memref_slice %arg3[%dma_wait3A_638, %dma_wait3A_639] : memref<100000x1024xf32, #tpu.memory_space<hbm>> -> memref<100000x1024xf32, #tpu.memory_space<hbm>>
    tpu.wait_indirect_dma semaphore(%arg17 : memref<!tpu.dma_semaphore, #tpu.memory_space<semaphore_mem>>) src(%dma_wait3A_640 : memref<100000x1024xf32, #tpu.memory_space<hbm>>) dst(%dma_wait3A_634 : memref<8x1024xf32, #tpu.memory_space<vmem>>)
    %dma_start3A_641 = arith.constant 30 : i32
    %dma_start3A_642 = arith.constant 48 : i32
    %dma_start3A_643 = arith.constant 0 : i32
    %dma_start3A_644 = tpu.memref_slice %arg6[%dma_start3A_642, %dma_start3A_643] : memref<96x1024xf32, #tpu.memory_space<vmem>> -> memref<8x1024xf32, #tpu.memory_space<vmem>>
    %dma_start3A_645 = arith.constant 0 : i32
    %dma_start3A_646 = tpu.memref_slice %arg5[%dma_start3A_641, %dma_start3A_645] : memref<64x8xi32, #tpu.memory_space<vmem>> -> memref<1x8xi32, #tpu.memory_space<vmem>>
    %dma_start3A_647 = tpu.memref_squeeze %dma_start3A_646 : memref<1x8xi32, #tpu.memory_space<vmem>> -> memref<8xi32, #tpu.memory_space<vmem>>
    %dma_start3A_648 = arith.constant 0 : i32
    %dma_start3A_649 = arith.constant 0 : i32
    %dma_start3A_650 = tpu.memref_slice %arg3[%dma_start3A_648, %dma_start3A_649] : memref<100000x1024xf32, #tpu.memory_space<hbm>> -> memref<100000x1024xf32, #tpu.memory_space<hbm>>
    tpu.enqueue_indirect_dma source(%dma_start3A_650 : memref<100000x1024xf32, #tpu.memory_space<hbm>>) target(%dma_start3A_644 : memref<8x1024xf32, #tpu.memory_space<vmem>>) offsets(%dma_start3A_647 : memref<8xi32, #tpu.memory_space<vmem>>) semaphore(%arg13 : memref<!tpu.dma_semaphore, #tpu.memory_space<semaphore_mem>>)
    %dma_wait3A_651 = arith.constant 23 : i32
    %dma_wait3A_652 = arith.constant 88 : i32
    %dma_wait3A_653 = arith.constant 0 : i32
    %dma_wait3A_654 = tpu.memref_slice %arg6[%dma_wait3A_652, %dma_wait3A_653] : memref<96x1024xf32, #tpu.memory_space<vmem>> -> memref<8x1024xf32, #tpu.memory_space<vmem>>
    %dma_wait3A_655 = arith.constant 0 : i32
    %dma_wait3A_656 = tpu.memref_slice %arg5[%dma_wait3A_651, %dma_wait3A_655] : memref<64x8xi32, #tpu.memory_space<vmem>> -> memref<1x8xi32, #tpu.memory_space<vmem>>
    %dma_wait3A_657 = tpu.memref_squeeze %dma_wait3A_656 : memref<1x8xi32, #tpu.memory_space<vmem>> -> memref<8xi32, #tpu.memory_space<vmem>>
    %dma_wait3A_658 = arith.constant 0 : i32
    %dma_wait3A_659 = arith.constant 0 : i32
    %dma_wait3A_660 = tpu.memref_slice %arg3[%dma_wait3A_658, %dma_wait3A_659] : memref<100000x1024xf32, #tpu.memory_space<hbm>> -> memref<100000x1024xf32, #tpu.memory_space<hbm>>
    tpu.wait_indirect_dma semaphore(%arg18 : memref<!tpu.dma_semaphore, #tpu.memory_space<semaphore_mem>>) src(%dma_wait3A_660 : memref<100000x1024xf32, #tpu.memory_space<hbm>>) dst(%dma_wait3A_654 : memref<8x1024xf32, #tpu.memory_space<vmem>>)
    %add3A_661 = arith.constant 160 : i32
    %add3A_662 = arith.addi %mul3A_2, %add3A_661 : i32
    %dma_start3A_663 = arith.constant 64 : i32
    %dma_start3A_664 = arith.constant 0 : i32
    %dma_start3A_665 = tpu.memref_slice %arg6[%dma_start3A_663, %dma_start3A_664] : memref<96x1024xf32, #tpu.memory_space<vmem>> -> memref<32x1024xf32, #tpu.memory_space<vmem>>
    %dma_start3A_666 = arith.constant 0 : i32
    %dma_start3A_667 = tpu.memref_slice %arg4[%add3A_662, %dma_start3A_666] : memref<16384x1024xf32, #tpu.memory_space<hbm>> -> memref<32x1024xf32, #tpu.memory_space<hbm>>
    %dma_start3A_668 = arith.constant 0 : i32
    %dma_start3A_669 = tpu.memref_slice %arg4[%add3A_662, %dma_start3A_668] : memref<16384x1024xf32, #tpu.memory_space<hbm>> -> memref<32x1024xf32, #tpu.memory_space<hbm>>
    %dma_start3A_670 = arith.constant 64 : i32
    %dma_start3A_671 = arith.constant 0 : i32
    %dma_start3A_672 = tpu.memref_slice %arg6[%dma_start3A_670, %dma_start3A_671] : memref<96x1024xf32, #tpu.memory_space<vmem>> -> memref<32x1024xf32, #tpu.memory_space<vmem>>
    tpu.enqueue_dma source(%dma_start3A_672 : memref<32x1024xf32, #tpu.memory_space<vmem>>) target(%dma_start3A_669 : memref<32x1024xf32, #tpu.memory_space<hbm>>) target_semaphore(%arg21 : memref<!tpu.dma_semaphore, #tpu.memory_space<semaphore_mem>>)
    %dma_start3A_673 = arith.constant 31 : i32
    %dma_start3A_674 = arith.constant 56 : i32
    %dma_start3A_675 = arith.constant 0 : i32
    %dma_start3A_676 = tpu.memref_slice %arg6[%dma_start3A_674, %dma_start3A_675] : memref<96x1024xf32, #tpu.memory_space<vmem>> -> memref<8x1024xf32, #tpu.memory_space<vmem>>
    %dma_start3A_677 = arith.constant 0 : i32
    %dma_start3A_678 = tpu.memref_slice %arg5[%dma_start3A_673, %dma_start3A_677] : memref<64x8xi32, #tpu.memory_space<vmem>> -> memref<1x8xi32, #tpu.memory_space<vmem>>
    %dma_start3A_679 = tpu.memref_squeeze %dma_start3A_678 : memref<1x8xi32, #tpu.memory_space<vmem>> -> memref<8xi32, #tpu.memory_space<vmem>>
    %dma_start3A_680 = arith.constant 0 : i32
    %dma_start3A_681 = arith.constant 0 : i32
    %dma_start3A_682 = tpu.memref_slice %arg3[%dma_start3A_680, %dma_start3A_681] : memref<100000x1024xf32, #tpu.memory_space<hbm>> -> memref<100000x1024xf32, #tpu.memory_space<hbm>>
    tpu.enqueue_indirect_dma source(%dma_start3A_682 : memref<100000x1024xf32, #tpu.memory_space<hbm>>) target(%dma_start3A_676 : memref<8x1024xf32, #tpu.memory_space<vmem>>) offsets(%dma_start3A_679 : memref<8xi32, #tpu.memory_space<vmem>>) semaphore(%arg14 : memref<!tpu.dma_semaphore, #tpu.memory_space<semaphore_mem>>)
    %dma_wait3A_683 = arith.constant 24 : i32
    %dma_wait3A_684 = arith.constant 0 : i32
    %dma_wait3A_685 = arith.constant 0 : i32
    %dma_wait3A_686 = tpu.memref_slice %arg6[%dma_wait3A_684, %dma_wait3A_685] : memref<96x1024xf32, #tpu.memory_space<vmem>> -> memref<8x1024xf32, #tpu.memory_space<vmem>>
    %dma_wait3A_687 = arith.constant 0 : i32
    %dma_wait3A_688 = tpu.memref_slice %arg5[%dma_wait3A_683, %dma_wait3A_687] : memref<64x8xi32, #tpu.memory_space<vmem>> -> memref<1x8xi32, #tpu.memory_space<vmem>>
    %dma_wait3A_689 = tpu.memref_squeeze %dma_wait3A_688 : memref<1x8xi32, #tpu.memory_space<vmem>> -> memref<8xi32, #tpu.memory_space<vmem>>
    %dma_wait3A_690 = arith.constant 0 : i32
    %dma_wait3A_691 = arith.constant 0 : i32
    %dma_wait3A_692 = tpu.memref_slice %arg3[%dma_wait3A_690, %dma_wait3A_691] : memref<100000x1024xf32, #tpu.memory_space<hbm>> -> memref<100000x1024xf32, #tpu.memory_space<hbm>>
    tpu.wait_indirect_dma semaphore(%arg7 : memref<!tpu.dma_semaphore, #tpu.memory_space<semaphore_mem>>) src(%dma_wait3A_692 : memref<100000x1024xf32, #tpu.memory_space<hbm>>) dst(%dma_wait3A_686 : memref<8x1024xf32, #tpu.memory_space<vmem>>)
    %dma_wait3A_693 = arith.constant 64 : i32
    %dma_wait3A_694 = arith.constant 0 : i32
    %dma_wait3A_695 = tpu.memref_slice %arg6[%dma_wait3A_693, %dma_wait3A_694] : memref<96x1024xf32, #tpu.memory_space<vmem>> -> memref<32x1024xf32, #tpu.memory_space<vmem>>
    %dma_wait3A_696 = arith.constant 0 : i32
    %dma_wait3A_697 = tpu.memref_slice %arg4[%add3A_662, %dma_wait3A_696] : memref<16384x1024xf32, #tpu.memory_space<hbm>> -> memref<32x1024xf32, #tpu.memory_space<hbm>>
    %dma_wait3A_698 = arith.constant 0 : i32
    %dma_wait3A_699 = tpu.memref_slice %arg4[%add3A_662, %dma_wait3A_698] : memref<16384x1024xf32, #tpu.memory_space<hbm>> -> memref<32x1024xf32, #tpu.memory_space<hbm>>
    %dma_wait3A_700 = arith.constant 64 : i32
    %dma_wait3A_701 = arith.constant 0 : i32
    %dma_wait3A_702 = tpu.memref_slice %arg6[%dma_wait3A_700, %dma_wait3A_701] : memref<96x1024xf32, #tpu.memory_space<vmem>> -> memref<32x1024xf32, #tpu.memory_space<vmem>>
    tpu.wait_dma2 semaphore(%arg21 : memref<!tpu.dma_semaphore, #tpu.memory_space<semaphore_mem>>) src(%dma_wait3A_702 : memref<32x1024xf32, #tpu.memory_space<vmem>>) dst(%dma_wait3A_699 : memref<32x1024xf32, #tpu.memory_space<hbm>>)
    %dma_start3A_703 = arith.constant 32 : i32
    %dma_start3A_704 = arith.constant 64 : i32
    %dma_start3A_705 = arith.constant 0 : i32
    %dma_start3A_706 = tpu.memref_slice %arg6[%dma_start3A_704, %dma_start3A_705] : memref<96x1024xf32, #tpu.memory_space<vmem>> -> memref<8x1024xf32, #tpu.memory_space<vmem>>
    %dma_start3A_707 = arith.constant 0 : i32
    %dma_start3A_708 = tpu.memref_slice %arg5[%dma_start3A_703, %dma_start3A_707] : memref<64x8xi32, #tpu.memory_space<vmem>> -> memref<1x8xi32, #tpu.memory_space<vmem>>
    %dma_start3A_709 = tpu.memref_squeeze %dma_start3A_708 : memref<1x8xi32, #tpu.memory_space<vmem>> -> memref<8xi32, #tpu.memory_space<vmem>>
    %dma_start3A_710 = arith.constant 0 : i32
    %dma_start3A_711 = arith.constant 0 : i32
    %dma_start3A_712 = tpu.memref_slice %arg3[%dma_start3A_710, %dma_start3A_711] : memref<100000x1024xf32, #tpu.memory_space<hbm>> -> memref<100000x1024xf32, #tpu.memory_space<hbm>>
    tpu.enqueue_indirect_dma source(%dma_start3A_712 : memref<100000x1024xf32, #tpu.memory_space<hbm>>) target(%dma_start3A_706 : memref<8x1024xf32, #tpu.memory_space<vmem>>) offsets(%dma_start3A_709 : memref<8xi32, #tpu.memory_space<vmem>>) semaphore(%arg15 : memref<!tpu.dma_semaphore, #tpu.memory_space<semaphore_mem>>)
    %dma_wait3A_713 = arith.constant 25 : i32
    %dma_wait3A_714 = arith.constant 8 : i32
    %dma_wait3A_715 = arith.constant 0 : i32
    %dma_wait3A_716 = tpu.memref_slice %arg6[%dma_wait3A_714, %dma_wait3A_715] : memref<96x1024xf32, #tpu.memory_space<vmem>> -> memref<8x1024xf32, #tpu.memory_space<vmem>>
    %dma_wait3A_717 = arith.constant 0 : i32
    %dma_wait3A_718 = tpu.memref_slice %arg5[%dma_wait3A_713, %dma_wait3A_717] : memref<64x8xi32, #tpu.memory_space<vmem>> -> memref<1x8xi32, #tpu.memory_space<vmem>>
    %dma_wait3A_719 = tpu.memref_squeeze %dma_wait3A_718 : memref<1x8xi32, #tpu.memory_space<vmem>> -> memref<8xi32, #tpu.memory_space<vmem>>
    %dma_wait3A_720 = arith.constant 0 : i32
    %dma_wait3A_721 = arith.constant 0 : i32
    %dma_wait3A_722 = tpu.memref_slice %arg3[%dma_wait3A_720, %dma_wait3A_721] : memref<100000x1024xf32, #tpu.memory_space<hbm>> -> memref<100000x1024xf32, #tpu.memory_space<hbm>>
    tpu.wait_indirect_dma semaphore(%arg8 : memref<!tpu.dma_semaphore, #tpu.memory_space<semaphore_mem>>) src(%dma_wait3A_722 : memref<100000x1024xf32, #tpu.memory_space<hbm>>) dst(%dma_wait3A_716 : memref<8x1024xf32, #tpu.memory_space<vmem>>)
    %dma_start3A_723 = arith.constant 33 : i32
    %dma_start3A_724 = arith.constant 72 : i32
    %dma_start3A_725 = arith.constant 0 : i32
    %dma_start3A_726 = tpu.memref_slice %arg6[%dma_start3A_724, %dma_start3A_725] : memref<96x1024xf32, #tpu.memory_space<vmem>> -> memref<8x1024xf32, #tpu.memory_space<vmem>>
    %dma_start3A_727 = arith.constant 0 : i32
    %dma_start3A_728 = tpu.memref_slice %arg5[%dma_start3A_723, %dma_start3A_727] : memref<64x8xi32, #tpu.memory_space<vmem>> -> memref<1x8xi32, #tpu.memory_space<vmem>>
    %dma_start3A_729 = tpu.memref_squeeze %dma_start3A_728 : memref<1x8xi32, #tpu.memory_space<vmem>> -> memref<8xi32, #tpu.memory_space<vmem>>
    %dma_start3A_730 = arith.constant 0 : i32
    %dma_start3A_731 = arith.constant 0 : i32
    %dma_start3A_732 = tpu.memref_slice %arg3[%dma_start3A_730, %dma_start3A_731] : memref<100000x1024xf32, #tpu.memory_space<hbm>> -> memref<100000x1024xf32, #tpu.memory_space<hbm>>
    tpu.enqueue_indirect_dma source(%dma_start3A_732 : memref<100000x1024xf32, #tpu.memory_space<hbm>>) target(%dma_start3A_726 : memref<8x1024xf32, #tpu.memory_space<vmem>>) offsets(%dma_start3A_729 : memref<8xi32, #tpu.memory_space<vmem>>) semaphore(%arg16 : memref<!tpu.dma_semaphore, #tpu.memory_space<semaphore_mem>>)
    %dma_wait3A_733 = arith.constant 26 : i32
    %dma_wait3A_734 = arith.constant 16 : i32
    %dma_wait3A_735 = arith.constant 0 : i32
    %dma_wait3A_736 = tpu.memref_slice %arg6[%dma_wait3A_734, %dma_wait3A_735] : memref<96x1024xf32, #tpu.memory_space<vmem>> -> memref<8x1024xf32, #tpu.memory_space<vmem>>
    %dma_wait3A_737 = arith.constant 0 : i32
    %dma_wait3A_738 = tpu.memref_slice %arg5[%dma_wait3A_733, %dma_wait3A_737] : memref<64x8xi32, #tpu.memory_space<vmem>> -> memref<1x8xi32, #tpu.memory_space<vmem>>
    %dma_wait3A_739 = tpu.memref_squeeze %dma_wait3A_738 : memref<1x8xi32, #tpu.memory_space<vmem>> -> memref<8xi32, #tpu.memory_space<vmem>>
    %dma_wait3A_740 = arith.constant 0 : i32
    %dma_wait3A_741 = arith.constant 0 : i32
    %dma_wait3A_742 = tpu.memref_slice %arg3[%dma_wait3A_740, %dma_wait3A_741] : memref<100000x1024xf32, #tpu.memory_space<hbm>> -> memref<100000x1024xf32, #tpu.memory_space<hbm>>
    tpu.wait_indirect_dma semaphore(%arg9 : memref<!tpu.dma_semaphore, #tpu.memory_space<semaphore_mem>>) src(%dma_wait3A_742 : memref<100000x1024xf32, #tpu.memory_space<hbm>>) dst(%dma_wait3A_736 : memref<8x1024xf32, #tpu.memory_space<vmem>>)
    %dma_start3A_743 = arith.constant 34 : i32
    %dma_start3A_744 = arith.constant 80 : i32
    %dma_start3A_745 = arith.constant 0 : i32
    %dma_start3A_746 = tpu.memref_slice %arg6[%dma_start3A_744, %dma_start3A_745] : memref<96x1024xf32, #tpu.memory_space<vmem>> -> memref<8x1024xf32, #tpu.memory_space<vmem>>
    %dma_start3A_747 = arith.constant 0 : i32
    %dma_start3A_748 = tpu.memref_slice %arg5[%dma_start3A_743, %dma_start3A_747] : memref<64x8xi32, #tpu.memory_space<vmem>> -> memref<1x8xi32, #tpu.memory_space<vmem>>
    %dma_start3A_749 = tpu.memref_squeeze %dma_start3A_748 : memref<1x8xi32, #tpu.memory_space<vmem>> -> memref<8xi32, #tpu.memory_space<vmem>>
    %dma_start3A_750 = arith.constant 0 : i32
    %dma_start3A_751 = arith.constant 0 : i32
    %dma_start3A_752 = tpu.memref_slice %arg3[%dma_start3A_750, %dma_start3A_751] : memref<100000x1024xf32, #tpu.memory_space<hbm>> -> memref<100000x1024xf32, #tpu.memory_space<hbm>>
    tpu.enqueue_indirect_dma source(%dma_start3A_752 : memref<100000x1024xf32, #tpu.memory_space<hbm>>) target(%dma_start3A_746 : memref<8x1024xf32, #tpu.memory_space<vmem>>) offsets(%dma_start3A_749 : memref<8xi32, #tpu.memory_space<vmem>>) semaphore(%arg17 : memref<!tpu.dma_semaphore, #tpu.memory_space<semaphore_mem>>)
    %dma_wait3A_753 = arith.constant 27 : i32
    %dma_wait3A_754 = arith.constant 24 : i32
    %dma_wait3A_755 = arith.constant 0 : i32
    %dma_wait3A_756 = tpu.memref_slice %arg6[%dma_wait3A_754, %dma_wait3A_755] : memref<96x1024xf32, #tpu.memory_space<vmem>> -> memref<8x1024xf32, #tpu.memory_space<vmem>>
    %dma_wait3A_757 = arith.constant 0 : i32
    %dma_wait3A_758 = tpu.memref_slice %arg5[%dma_wait3A_753, %dma_wait3A_757] : memref<64x8xi32, #tpu.memory_space<vmem>> -> memref<1x8xi32, #tpu.memory_space<vmem>>
    %dma_wait3A_759 = tpu.memref_squeeze %dma_wait3A_758 : memref<1x8xi32, #tpu.memory_space<vmem>> -> memref<8xi32, #tpu.memory_space<vmem>>
    %dma_wait3A_760 = arith.constant 0 : i32
    %dma_wait3A_761 = arith.constant 0 : i32
    %dma_wait3A_762 = tpu.memref_slice %arg3[%dma_wait3A_760, %dma_wait3A_761] : memref<100000x1024xf32, #tpu.memory_space<hbm>> -> memref<100000x1024xf32, #tpu.memory_space<hbm>>
    tpu.wait_indirect_dma semaphore(%arg10 : memref<!tpu.dma_semaphore, #tpu.memory_space<semaphore_mem>>) src(%dma_wait3A_762 : memref<100000x1024xf32, #tpu.memory_space<hbm>>) dst(%dma_wait3A_756 : memref<8x1024xf32, #tpu.memory_space<vmem>>)
    %add3A_763 = arith.constant 192 : i32
    %add3A_764 = arith.addi %mul3A_2, %add3A_763 : i32
    %dma_start3A_765 = arith.constant 0 : i32
    %dma_start3A_766 = arith.constant 0 : i32
    %dma_start3A_767 = tpu.memref_slice %arg6[%dma_start3A_765, %dma_start3A_766] : memref<96x1024xf32, #tpu.memory_space<vmem>> -> memref<32x1024xf32, #tpu.memory_space<vmem>>
    %dma_start3A_768 = arith.constant 0 : i32
    %dma_start3A_769 = tpu.memref_slice %arg4[%add3A_764, %dma_start3A_768] : memref<16384x1024xf32, #tpu.memory_space<hbm>> -> memref<32x1024xf32, #tpu.memory_space<hbm>>
    %dma_start3A_770 = arith.constant 0 : i32
    %dma_start3A_771 = tpu.memref_slice %arg4[%add3A_764, %dma_start3A_770] : memref<16384x1024xf32, #tpu.memory_space<hbm>> -> memref<32x1024xf32, #tpu.memory_space<hbm>>
    %dma_start3A_772 = arith.constant 0 : i32
    %dma_start3A_773 = arith.constant 0 : i32
    %dma_start3A_774 = tpu.memref_slice %arg6[%dma_start3A_772, %dma_start3A_773] : memref<96x1024xf32, #tpu.memory_space<vmem>> -> memref<32x1024xf32, #tpu.memory_space<vmem>>
    tpu.enqueue_dma source(%dma_start3A_774 : memref<32x1024xf32, #tpu.memory_space<vmem>>) target(%dma_start3A_771 : memref<32x1024xf32, #tpu.memory_space<hbm>>) target_semaphore(%arg19 : memref<!tpu.dma_semaphore, #tpu.memory_space<semaphore_mem>>)
    %dma_start3A_775 = arith.constant 35 : i32
    %dma_start3A_776 = arith.constant 88 : i32
    %dma_start3A_777 = arith.constant 0 : i32
    %dma_start3A_778 = tpu.memref_slice %arg6[%dma_start3A_776, %dma_start3A_777] : memref<96x1024xf32, #tpu.memory_space<vmem>> -> memref<8x1024xf32, #tpu.memory_space<vmem>>
    %dma_start3A_779 = arith.constant 0 : i32
    %dma_start3A_780 = tpu.memref_slice %arg5[%dma_start3A_775, %dma_start3A_779] : memref<64x8xi32, #tpu.memory_space<vmem>> -> memref<1x8xi32, #tpu.memory_space<vmem>>
    %dma_start3A_781 = tpu.memref_squeeze %dma_start3A_780 : memref<1x8xi32, #tpu.memory_space<vmem>> -> memref<8xi32, #tpu.memory_space<vmem>>
    %dma_start3A_782 = arith.constant 0 : i32
    %dma_start3A_783 = arith.constant 0 : i32
    %dma_start3A_784 = tpu.memref_slice %arg3[%dma_start3A_782, %dma_start3A_783] : memref<100000x1024xf32, #tpu.memory_space<hbm>> -> memref<100000x1024xf32, #tpu.memory_space<hbm>>
    tpu.enqueue_indirect_dma source(%dma_start3A_784 : memref<100000x1024xf32, #tpu.memory_space<hbm>>) target(%dma_start3A_778 : memref<8x1024xf32, #tpu.memory_space<vmem>>) offsets(%dma_start3A_781 : memref<8xi32, #tpu.memory_space<vmem>>) semaphore(%arg18 : memref<!tpu.dma_semaphore, #tpu.memory_space<semaphore_mem>>)
    %dma_wait3A_785 = arith.constant 28 : i32
    %dma_wait3A_786 = arith.constant 32 : i32
    %dma_wait3A_787 = arith.constant 0 : i32
    %dma_wait3A_788 = tpu.memref_slice %arg6[%dma_wait3A_786, %dma_wait3A_787] : memref<96x1024xf32, #tpu.memory_space<vmem>> -> memref<8x1024xf32, #tpu.memory_space<vmem>>
    %dma_wait3A_789 = arith.constant 0 : i32
    %dma_wait3A_790 = tpu.memref_slice %arg5[%dma_wait3A_785, %dma_wait3A_789] : memref<64x8xi32, #tpu.memory_space<vmem>> -> memref<1x8xi32, #tpu.memory_space<vmem>>
    %dma_wait3A_791 = tpu.memref_squeeze %dma_wait3A_790 : memref<1x8xi32, #tpu.memory_space<vmem>> -> memref<8xi32, #tpu.memory_space<vmem>>
    %dma_wait3A_792 = arith.constant 0 : i32
    %dma_wait3A_793 = arith.constant 0 : i32
    %dma_wait3A_794 = tpu.memref_slice %arg3[%dma_wait3A_792, %dma_wait3A_793] : memref<100000x1024xf32, #tpu.memory_space<hbm>> -> memref<100000x1024xf32, #tpu.memory_space<hbm>>
    tpu.wait_indirect_dma semaphore(%arg11 : memref<!tpu.dma_semaphore, #tpu.memory_space<semaphore_mem>>) src(%dma_wait3A_794 : memref<100000x1024xf32, #tpu.memory_space<hbm>>) dst(%dma_wait3A_788 : memref<8x1024xf32, #tpu.memory_space<vmem>>)
    %dma_wait3A_795 = arith.constant 0 : i32
    %dma_wait3A_796 = arith.constant 0 : i32
    %dma_wait3A_797 = tpu.memref_slice %arg6[%dma_wait3A_795, %dma_wait3A_796] : memref<96x1024xf32, #tpu.memory_space<vmem>> -> memref<32x1024xf32, #tpu.memory_space<vmem>>
    %dma_wait3A_798 = arith.constant 0 : i32
    %dma_wait3A_799 = tpu.memref_slice %arg4[%add3A_764, %dma_wait3A_798] : memref<16384x1024xf32, #tpu.memory_space<hbm>> -> memref<32x1024xf32, #tpu.memory_space<hbm>>
    %dma_wait3A_800 = arith.constant 0 : i32
    %dma_wait3A_801 = tpu.memref_slice %arg4[%add3A_764, %dma_wait3A_800] : memref<16384x1024xf32, #tpu.memory_space<hbm>> -> memref<32x1024xf32, #tpu.memory_space<hbm>>
    %dma_wait3A_802 = arith.constant 0 : i32
    %dma_wait3A_803 = arith.constant 0 : i32
    %dma_wait3A_804 = tpu.memref_slice %arg6[%dma_wait3A_802, %dma_wait3A_803] : memref<96x1024xf32, #tpu.memory_space<vmem>> -> memref<32x1024xf32, #tpu.memory_space<vmem>>
    tpu.wait_dma2 semaphore(%arg19 : memref<!tpu.dma_semaphore, #tpu.memory_space<semaphore_mem>>) src(%dma_wait3A_804 : memref<32x1024xf32, #tpu.memory_space<vmem>>) dst(%dma_wait3A_801 : memref<32x1024xf32, #tpu.memory_space<hbm>>)
    %dma_start3A_805 = arith.constant 36 : i32
    %dma_start3A_806 = arith.constant 0 : i32
    %dma_start3A_807 = arith.constant 0 : i32
    %dma_start3A_808 = tpu.memref_slice %arg6[%dma_start3A_806, %dma_start3A_807] : memref<96x1024xf32, #tpu.memory_space<vmem>> -> memref<8x1024xf32, #tpu.memory_space<vmem>>
    %dma_start3A_809 = arith.constant 0 : i32
    %dma_start3A_810 = tpu.memref_slice %arg5[%dma_start3A_805, %dma_start3A_809] : memref<64x8xi32, #tpu.memory_space<vmem>> -> memref<1x8xi32, #tpu.memory_space<vmem>>
    %dma_start3A_811 = tpu.memref_squeeze %dma_start3A_810 : memref<1x8xi32, #tpu.memory_space<vmem>> -> memref<8xi32, #tpu.memory_space<vmem>>
    %dma_start3A_812 = arith.constant 0 : i32
    %dma_start3A_813 = arith.constant 0 : i32
    %dma_start3A_814 = tpu.memref_slice %arg3[%dma_start3A_812, %dma_start3A_813] : memref<100000x1024xf32, #tpu.memory_space<hbm>> -> memref<100000x1024xf32, #tpu.memory_space<hbm>>
    tpu.enqueue_indirect_dma source(%dma_start3A_814 : memref<100000x1024xf32, #tpu.memory_space<hbm>>) target(%dma_start3A_808 : memref<8x1024xf32, #tpu.memory_space<vmem>>) offsets(%dma_start3A_811 : memref<8xi32, #tpu.memory_space<vmem>>) semaphore(%arg7 : memref<!tpu.dma_semaphore, #tpu.memory_space<semaphore_mem>>)
    %dma_wait3A_815 = arith.constant 29 : i32
    %dma_wait3A_816 = arith.constant 40 : i32
    %dma_wait3A_817 = arith.constant 0 : i32
    %dma_wait3A_818 = tpu.memref_slice %arg6[%dma_wait3A_816, %dma_wait3A_817] : memref<96x1024xf32, #tpu.memory_space<vmem>> -> memref<8x1024xf32, #tpu.memory_space<vmem>>
    %dma_wait3A_819 = arith.constant 0 : i32
    %dma_wait3A_820 = tpu.memref_slice %arg5[%dma_wait3A_815, %dma_wait3A_819] : memref<64x8xi32, #tpu.memory_space<vmem>> -> memref<1x8xi32, #tpu.memory_space<vmem>>
    %dma_wait3A_821 = tpu.memref_squeeze %dma_wait3A_820 : memref<1x8xi32, #tpu.memory_space<vmem>> -> memref<8xi32, #tpu.memory_space<vmem>>
    %dma_wait3A_822 = arith.constant 0 : i32
    %dma_wait3A_823 = arith.constant 0 : i32
    %dma_wait3A_824 = tpu.memref_slice %arg3[%dma_wait3A_822, %dma_wait3A_823] : memref<100000x1024xf32, #tpu.memory_space<hbm>> -> memref<100000x1024xf32, #tpu.memory_space<hbm>>
    tpu.wait_indirect_dma semaphore(%arg12 : memref<!tpu.dma_semaphore, #tpu.memory_space<semaphore_mem>>) src(%dma_wait3A_824 : memref<100000x1024xf32, #tpu.memory_space<hbm>>) dst(%dma_wait3A_818 : memref<8x1024xf32, #tpu.memory_space<vmem>>)
    %dma_start3A_825 = arith.constant 37 : i32
    %dma_start3A_826 = arith.constant 8 : i32
    %dma_start3A_827 = arith.constant 0 : i32
    %dma_start3A_828 = tpu.memref_slice %arg6[%dma_start3A_826, %dma_start3A_827] : memref<96x1024xf32, #tpu.memory_space<vmem>> -> memref<8x1024xf32, #tpu.memory_space<vmem>>
    %dma_start3A_829 = arith.constant 0 : i32
    %dma_start3A_830 = tpu.memref_slice %arg5[%dma_start3A_825, %dma_start3A_829] : memref<64x8xi32, #tpu.memory_space<vmem>> -> memref<1x8xi32, #tpu.memory_space<vmem>>
    %dma_start3A_831 = tpu.memref_squeeze %dma_start3A_830 : memref<1x8xi32, #tpu.memory_space<vmem>> -> memref<8xi32, #tpu.memory_space<vmem>>
    %dma_start3A_832 = arith.constant 0 : i32
    %dma_start3A_833 = arith.constant 0 : i32
    %dma_start3A_834 = tpu.memref_slice %arg3[%dma_start3A_832, %dma_start3A_833] : memref<100000x1024xf32, #tpu.memory_space<hbm>> -> memref<100000x1024xf32, #tpu.memory_space<hbm>>
    tpu.enqueue_indirect_dma source(%dma_start3A_834 : memref<100000x1024xf32, #tpu.memory_space<hbm>>) target(%dma_start3A_828 : memref<8x1024xf32, #tpu.memory_space<vmem>>) offsets(%dma_start3A_831 : memref<8xi32, #tpu.memory_space<vmem>>) semaphore(%arg8 : memref<!tpu.dma_semaphore, #tpu.memory_space<semaphore_mem>>)
    %dma_wait3A_835 = arith.constant 30 : i32
    %dma_wait3A_836 = arith.constant 48 : i32
    %dma_wait3A_837 = arith.constant 0 : i32
    %dma_wait3A_838 = tpu.memref_slice %arg6[%dma_wait3A_836, %dma_wait3A_837] : memref<96x1024xf32, #tpu.memory_space<vmem>> -> memref<8x1024xf32, #tpu.memory_space<vmem>>
    %dma_wait3A_839 = arith.constant 0 : i32
    %dma_wait3A_840 = tpu.memref_slice %arg5[%dma_wait3A_835, %dma_wait3A_839] : memref<64x8xi32, #tpu.memory_space<vmem>> -> memref<1x8xi32, #tpu.memory_space<vmem>>
    %dma_wait3A_841 = tpu.memref_squeeze %dma_wait3A_840 : memref<1x8xi32, #tpu.memory_space<vmem>> -> memref<8xi32, #tpu.memory_space<vmem>>
    %dma_wait3A_842 = arith.constant 0 : i32
    %dma_wait3A_843 = arith.constant 0 : i32
    %dma_wait3A_844 = tpu.memref_slice %arg3[%dma_wait3A_842, %dma_wait3A_843] : memref<100000x1024xf32, #tpu.memory_space<hbm>> -> memref<100000x1024xf32, #tpu.memory_space<hbm>>
    tpu.wait_indirect_dma semaphore(%arg13 : memref<!tpu.dma_semaphore, #tpu.memory_space<semaphore_mem>>) src(%dma_wait3A_844 : memref<100000x1024xf32, #tpu.memory_space<hbm>>) dst(%dma_wait3A_838 : memref<8x1024xf32, #tpu.memory_space<vmem>>)
    %dma_start3A_845 = arith.constant 38 : i32
    %dma_start3A_846 = arith.constant 16 : i32
    %dma_start3A_847 = arith.constant 0 : i32
    %dma_start3A_848 = tpu.memref_slice %arg6[%dma_start3A_846, %dma_start3A_847] : memref<96x1024xf32, #tpu.memory_space<vmem>> -> memref<8x1024xf32, #tpu.memory_space<vmem>>
    %dma_start3A_849 = arith.constant 0 : i32
    %dma_start3A_850 = tpu.memref_slice %arg5[%dma_start3A_845, %dma_start3A_849] : memref<64x8xi32, #tpu.memory_space<vmem>> -> memref<1x8xi32, #tpu.memory_space<vmem>>
    %dma_start3A_851 = tpu.memref_squeeze %dma_start3A_850 : memref<1x8xi32, #tpu.memory_space<vmem>> -> memref<8xi32, #tpu.memory_space<vmem>>
    %dma_start3A_852 = arith.constant 0 : i32
    %dma_start3A_853 = arith.constant 0 : i32
    %dma_start3A_854 = tpu.memref_slice %arg3[%dma_start3A_852, %dma_start3A_853] : memref<100000x1024xf32, #tpu.memory_space<hbm>> -> memref<100000x1024xf32, #tpu.memory_space<hbm>>
    tpu.enqueue_indirect_dma source(%dma_start3A_854 : memref<100000x1024xf32, #tpu.memory_space<hbm>>) target(%dma_start3A_848 : memref<8x1024xf32, #tpu.memory_space<vmem>>) offsets(%dma_start3A_851 : memref<8xi32, #tpu.memory_space<vmem>>) semaphore(%arg9 : memref<!tpu.dma_semaphore, #tpu.memory_space<semaphore_mem>>)
    %dma_wait3A_855 = arith.constant 31 : i32
    %dma_wait3A_856 = arith.constant 56 : i32
    %dma_wait3A_857 = arith.constant 0 : i32
    %dma_wait3A_858 = tpu.memref_slice %arg6[%dma_wait3A_856, %dma_wait3A_857] : memref<96x1024xf32, #tpu.memory_space<vmem>> -> memref<8x1024xf32, #tpu.memory_space<vmem>>
    %dma_wait3A_859 = arith.constant 0 : i32
    %dma_wait3A_860 = tpu.memref_slice %arg5[%dma_wait3A_855, %dma_wait3A_859] : memref<64x8xi32, #tpu.memory_space<vmem>> -> memref<1x8xi32, #tpu.memory_space<vmem>>
    %dma_wait3A_861 = tpu.memref_squeeze %dma_wait3A_860 : memref<1x8xi32, #tpu.memory_space<vmem>> -> memref<8xi32, #tpu.memory_space<vmem>>
    %dma_wait3A_862 = arith.constant 0 : i32
    %dma_wait3A_863 = arith.constant 0 : i32
    %dma_wait3A_864 = tpu.memref_slice %arg3[%dma_wait3A_862, %dma_wait3A_863] : memref<100000x1024xf32, #tpu.memory_space<hbm>> -> memref<100000x1024xf32, #tpu.memory_space<hbm>>
    tpu.wait_indirect_dma semaphore(%arg14 : memref<!tpu.dma_semaphore, #tpu.memory_space<semaphore_mem>>) src(%dma_wait3A_864 : memref<100000x1024xf32, #tpu.memory_space<hbm>>) dst(%dma_wait3A_858 : memref<8x1024xf32, #tpu.memory_space<vmem>>)
    %add3A_865 = arith.constant 224 : i32
    %add3A_866 = arith.addi %mul3A_2, %add3A_865 : i32
    %dma_start3A_867 = arith.constant 32 : i32
    %dma_start3A_868 = arith.constant 0 : i32
    %dma_start3A_869 = tpu.memref_slice %arg6[%dma_start3A_867, %dma_start3A_868] : memref<96x1024xf32, #tpu.memory_space<vmem>> -> memref<32x1024xf32, #tpu.memory_space<vmem>>
    %dma_start3A_870 = arith.constant 0 : i32
    %dma_start3A_871 = tpu.memref_slice %arg4[%add3A_866, %dma_start3A_870] : memref<16384x1024xf32, #tpu.memory_space<hbm>> -> memref<32x1024xf32, #tpu.memory_space<hbm>>
    %dma_start3A_872 = arith.constant 0 : i32
    %dma_start3A_873 = tpu.memref_slice %arg4[%add3A_866, %dma_start3A_872] : memref<16384x1024xf32, #tpu.memory_space<hbm>> -> memref<32x1024xf32, #tpu.memory_space<hbm>>
    %dma_start3A_874 = arith.constant 32 : i32
    %dma_start3A_875 = arith.constant 0 : i32
    %dma_start3A_876 = tpu.memref_slice %arg6[%dma_start3A_874, %dma_start3A_875] : memref<96x1024xf32, #tpu.memory_space<vmem>> -> memref<32x1024xf32, #tpu.memory_space<vmem>>
    tpu.enqueue_dma source(%dma_start3A_876 : memref<32x1024xf32, #tpu.memory_space<vmem>>) target(%dma_start3A_873 : memref<32x1024xf32, #tpu.memory_space<hbm>>) target_semaphore(%arg20 : memref<!tpu.dma_semaphore, #tpu.memory_space<semaphore_mem>>)
    %dma_start3A_877 = arith.constant 39 : i32
    %dma_start3A_878 = arith.constant 24 : i32
    %dma_start3A_879 = arith.constant 0 : i32
    %dma_start3A_880 = tpu.memref_slice %arg6[%dma_start3A_878, %dma_start3A_879] : memref<96x1024xf32, #tpu.memory_space<vmem>> -> memref<8x1024xf32, #tpu.memory_space<vmem>>
    %dma_start3A_881 = arith.constant 0 : i32
    %dma_start3A_882 = tpu.memref_slice %arg5[%dma_start3A_877, %dma_start3A_881] : memref<64x8xi32, #tpu.memory_space<vmem>> -> memref<1x8xi32, #tpu.memory_space<vmem>>
    %dma_start3A_883 = tpu.memref_squeeze %dma_start3A_882 : memref<1x8xi32, #tpu.memory_space<vmem>> -> memref<8xi32, #tpu.memory_space<vmem>>
    %dma_start3A_884 = arith.constant 0 : i32
    %dma_start3A_885 = arith.constant 0 : i32
    %dma_start3A_886 = tpu.memref_slice %arg3[%dma_start3A_884, %dma_start3A_885] : memref<100000x1024xf32, #tpu.memory_space<hbm>> -> memref<100000x1024xf32, #tpu.memory_space<hbm>>
    tpu.enqueue_indirect_dma source(%dma_start3A_886 : memref<100000x1024xf32, #tpu.memory_space<hbm>>) target(%dma_start3A_880 : memref<8x1024xf32, #tpu.memory_space<vmem>>) offsets(%dma_start3A_883 : memref<8xi32, #tpu.memory_space<vmem>>) semaphore(%arg10 : memref<!tpu.dma_semaphore, #tpu.memory_space<semaphore_mem>>)
    %dma_wait3A_887 = arith.constant 32 : i32
    %dma_wait3A_888 = arith.constant 64 : i32
    %dma_wait3A_889 = arith.constant 0 : i32
    %dma_wait3A_890 = tpu.memref_slice %arg6[%dma_wait3A_888, %dma_wait3A_889] : memref<96x1024xf32, #tpu.memory_space<vmem>> -> memref<8x1024xf32, #tpu.memory_space<vmem>>
    %dma_wait3A_891 = arith.constant 0 : i32
    %dma_wait3A_892 = tpu.memref_slice %arg5[%dma_wait3A_887, %dma_wait3A_891] : memref<64x8xi32, #tpu.memory_space<vmem>> -> memref<1x8xi32, #tpu.memory_space<vmem>>
    %dma_wait3A_893 = tpu.memref_squeeze %dma_wait3A_892 : memref<1x8xi32, #tpu.memory_space<vmem>> -> memref<8xi32, #tpu.memory_space<vmem>>
    %dma_wait3A_894 = arith.constant 0 : i32
    %dma_wait3A_895 = arith.constant 0 : i32
    %dma_wait3A_896 = tpu.memref_slice %arg3[%dma_wait3A_894, %dma_wait3A_895] : memref<100000x1024xf32, #tpu.memory_space<hbm>> -> memref<100000x1024xf32, #tpu.memory_space<hbm>>
    tpu.wait_indirect_dma semaphore(%arg15 : memref<!tpu.dma_semaphore, #tpu.memory_space<semaphore_mem>>) src(%dma_wait3A_896 : memref<100000x1024xf32, #tpu.memory_space<hbm>>) dst(%dma_wait3A_890 : memref<8x1024xf32, #tpu.memory_space<vmem>>)
    %dma_wait3A_897 = arith.constant 32 : i32
    %dma_wait3A_898 = arith.constant 0 : i32
    %dma_wait3A_899 = tpu.memref_slice %arg6[%dma_wait3A_897, %dma_wait3A_898] : memref<96x1024xf32, #tpu.memory_space<vmem>> -> memref<32x1024xf32, #tpu.memory_space<vmem>>
    %dma_wait3A_900 = arith.constant 0 : i32
    %dma_wait3A_901 = tpu.memref_slice %arg4[%add3A_866, %dma_wait3A_900] : memref<16384x1024xf32, #tpu.memory_space<hbm>> -> memref<32x1024xf32, #tpu.memory_space<hbm>>
    %dma_wait3A_902 = arith.constant 0 : i32
    %dma_wait3A_903 = tpu.memref_slice %arg4[%add3A_866, %dma_wait3A_902] : memref<16384x1024xf32, #tpu.memory_space<hbm>> -> memref<32x1024xf32, #tpu.memory_space<hbm>>
    %dma_wait3A_904 = arith.constant 32 : i32
    %dma_wait3A_905 = arith.constant 0 : i32
    %dma_wait3A_906 = tpu.memref_slice %arg6[%dma_wait3A_904, %dma_wait3A_905] : memref<96x1024xf32, #tpu.memory_space<vmem>> -> memref<32x1024xf32, #tpu.memory_space<vmem>>
    tpu.wait_dma2 semaphore(%arg20 : memref<!tpu.dma_semaphore, #tpu.memory_space<semaphore_mem>>) src(%dma_wait3A_906 : memref<32x1024xf32, #tpu.memory_space<vmem>>) dst(%dma_wait3A_903 : memref<32x1024xf32, #tpu.memory_space<hbm>>)
    %dma_start3A_907 = arith.constant 40 : i32
    %dma_start3A_908 = arith.constant 32 : i32
    %dma_start3A_909 = arith.constant 0 : i32
    %dma_start3A_910 = tpu.memref_slice %arg6[%dma_start3A_908, %dma_start3A_909] : memref<96x1024xf32, #tpu.memory_space<vmem>> -> memref<8x1024xf32, #tpu.memory_space<vmem>>
    %dma_start3A_911 = arith.constant 0 : i32
    %dma_start3A_912 = tpu.memref_slice %arg5[%dma_start3A_907, %dma_start3A_911] : memref<64x8xi32, #tpu.memory_space<vmem>> -> memref<1x8xi32, #tpu.memory_space<vmem>>
    %dma_start3A_913 = tpu.memref_squeeze %dma_start3A_912 : memref<1x8xi32, #tpu.memory_space<vmem>> -> memref<8xi32, #tpu.memory_space<vmem>>
    %dma_start3A_914 = arith.constant 0 : i32
    %dma_start3A_915 = arith.constant 0 : i32
    %dma_start3A_916 = tpu.memref_slice %arg3[%dma_start3A_914, %dma_start3A_915] : memref<100000x1024xf32, #tpu.memory_space<hbm>> -> memref<100000x1024xf32, #tpu.memory_space<hbm>>
    tpu.enqueue_indirect_dma source(%dma_start3A_916 : memref<100000x1024xf32, #tpu.memory_space<hbm>>) target(%dma_start3A_910 : memref<8x1024xf32, #tpu.memory_space<vmem>>) offsets(%dma_start3A_913 : memref<8xi32, #tpu.memory_space<vmem>>) semaphore(%arg11 : memref<!tpu.dma_semaphore, #tpu.memory_space<semaphore_mem>>)
    %dma_wait3A_917 = arith.constant 33 : i32
    %dma_wait3A_918 = arith.constant 72 : i32
    %dma_wait3A_919 = arith.constant 0 : i32
    %dma_wait3A_920 = tpu.memref_slice %arg6[%dma_wait3A_918, %dma_wait3A_919] : memref<96x1024xf32, #tpu.memory_space<vmem>> -> memref<8x1024xf32, #tpu.memory_space<vmem>>
    %dma_wait3A_921 = arith.constant 0 : i32
    %dma_wait3A_922 = tpu.memref_slice %arg5[%dma_wait3A_917, %dma_wait3A_921] : memref<64x8xi32, #tpu.memory_space<vmem>> -> memref<1x8xi32, #tpu.memory_space<vmem>>
    %dma_wait3A_923 = tpu.memref_squeeze %dma_wait3A_922 : memref<1x8xi32, #tpu.memory_space<vmem>> -> memref<8xi32, #tpu.memory_space<vmem>>
    %dma_wait3A_924 = arith.constant 0 : i32
    %dma_wait3A_925 = arith.constant 0 : i32
    %dma_wait3A_926 = tpu.memref_slice %arg3[%dma_wait3A_924, %dma_wait3A_925] : memref<100000x1024xf32, #tpu.memory_space<hbm>> -> memref<100000x1024xf32, #tpu.memory_space<hbm>>
    tpu.wait_indirect_dma semaphore(%arg16 : memref<!tpu.dma_semaphore, #tpu.memory_space<semaphore_mem>>) src(%dma_wait3A_926 : memref<100000x1024xf32, #tpu.memory_space<hbm>>) dst(%dma_wait3A_920 : memref<8x1024xf32, #tpu.memory_space<vmem>>)
    %dma_start3A_927 = arith.constant 41 : i32
    %dma_start3A_928 = arith.constant 40 : i32
    %dma_start3A_929 = arith.constant 0 : i32
    %dma_start3A_930 = tpu.memref_slice %arg6[%dma_start3A_928, %dma_start3A_929] : memref<96x1024xf32, #tpu.memory_space<vmem>> -> memref<8x1024xf32, #tpu.memory_space<vmem>>
    %dma_start3A_931 = arith.constant 0 : i32
    %dma_start3A_932 = tpu.memref_slice %arg5[%dma_start3A_927, %dma_start3A_931] : memref<64x8xi32, #tpu.memory_space<vmem>> -> memref<1x8xi32, #tpu.memory_space<vmem>>
    %dma_start3A_933 = tpu.memref_squeeze %dma_start3A_932 : memref<1x8xi32, #tpu.memory_space<vmem>> -> memref<8xi32, #tpu.memory_space<vmem>>
    %dma_start3A_934 = arith.constant 0 : i32
    %dma_start3A_935 = arith.constant 0 : i32
    %dma_start3A_936 = tpu.memref_slice %arg3[%dma_start3A_934, %dma_start3A_935] : memref<100000x1024xf32, #tpu.memory_space<hbm>> -> memref<100000x1024xf32, #tpu.memory_space<hbm>>
    tpu.enqueue_indirect_dma source(%dma_start3A_936 : memref<100000x1024xf32, #tpu.memory_space<hbm>>) target(%dma_start3A_930 : memref<8x1024xf32, #tpu.memory_space<vmem>>) offsets(%dma_start3A_933 : memref<8xi32, #tpu.memory_space<vmem>>) semaphore(%arg12 : memref<!tpu.dma_semaphore, #tpu.memory_space<semaphore_mem>>)
    %dma_wait3A_937 = arith.constant 34 : i32
    %dma_wait3A_938 = arith.constant 80 : i32
    %dma_wait3A_939 = arith.constant 0 : i32
    %dma_wait3A_940 = tpu.memref_slice %arg6[%dma_wait3A_938, %dma_wait3A_939] : memref<96x1024xf32, #tpu.memory_space<vmem>> -> memref<8x1024xf32, #tpu.memory_space<vmem>>
    %dma_wait3A_941 = arith.constant 0 : i32
    %dma_wait3A_942 = tpu.memref_slice %arg5[%dma_wait3A_937, %dma_wait3A_941] : memref<64x8xi32, #tpu.memory_space<vmem>> -> memref<1x8xi32, #tpu.memory_space<vmem>>
    %dma_wait3A_943 = tpu.memref_squeeze %dma_wait3A_942 : memref<1x8xi32, #tpu.memory_space<vmem>> -> memref<8xi32, #tpu.memory_space<vmem>>
    %dma_wait3A_944 = arith.constant 0 : i32
    %dma_wait3A_945 = arith.constant 0 : i32
    %dma_wait3A_946 = tpu.memref_slice %arg3[%dma_wait3A_944, %dma_wait3A_945] : memref<100000x1024xf32, #tpu.memory_space<hbm>> -> memref<100000x1024xf32, #tpu.memory_space<hbm>>
    tpu.wait_indirect_dma semaphore(%arg17 : memref<!tpu.dma_semaphore, #tpu.memory_space<semaphore_mem>>) src(%dma_wait3A_946 : memref<100000x1024xf32, #tpu.memory_space<hbm>>) dst(%dma_wait3A_940 : memref<8x1024xf32, #tpu.memory_space<vmem>>)
    %dma_start3A_947 = arith.constant 42 : i32
    %dma_start3A_948 = arith.constant 48 : i32
    %dma_start3A_949 = arith.constant 0 : i32
    %dma_start3A_950 = tpu.memref_slice %arg6[%dma_start3A_948, %dma_start3A_949] : memref<96x1024xf32, #tpu.memory_space<vmem>> -> memref<8x1024xf32, #tpu.memory_space<vmem>>
    %dma_start3A_951 = arith.constant 0 : i32
    %dma_start3A_952 = tpu.memref_slice %arg5[%dma_start3A_947, %dma_start3A_951] : memref<64x8xi32, #tpu.memory_space<vmem>> -> memref<1x8xi32, #tpu.memory_space<vmem>>
    %dma_start3A_953 = tpu.memref_squeeze %dma_start3A_952 : memref<1x8xi32, #tpu.memory_space<vmem>> -> memref<8xi32, #tpu.memory_space<vmem>>
    %dma_start3A_954 = arith.constant 0 : i32
    %dma_start3A_955 = arith.constant 0 : i32
    %dma_start3A_956 = tpu.memref_slice %arg3[%dma_start3A_954, %dma_start3A_955] : memref<100000x1024xf32, #tpu.memory_space<hbm>> -> memref<100000x1024xf32, #tpu.memory_space<hbm>>
    tpu.enqueue_indirect_dma source(%dma_start3A_956 : memref<100000x1024xf32, #tpu.memory_space<hbm>>) target(%dma_start3A_950 : memref<8x1024xf32, #tpu.memory_space<vmem>>) offsets(%dma_start3A_953 : memref<8xi32, #tpu.memory_space<vmem>>) semaphore(%arg13 : memref<!tpu.dma_semaphore, #tpu.memory_space<semaphore_mem>>)
    %dma_wait3A_957 = arith.constant 35 : i32
    %dma_wait3A_958 = arith.constant 88 : i32
    %dma_wait3A_959 = arith.constant 0 : i32
    %dma_wait3A_960 = tpu.memref_slice %arg6[%dma_wait3A_958, %dma_wait3A_959] : memref<96x1024xf32, #tpu.memory_space<vmem>> -> memref<8x1024xf32, #tpu.memory_space<vmem>>
    %dma_wait3A_961 = arith.constant 0 : i32
    %dma_wait3A_962 = tpu.memref_slice %arg5[%dma_wait3A_957, %dma_wait3A_961] : memref<64x8xi32, #tpu.memory_space<vmem>> -> memref<1x8xi32, #tpu.memory_space<vmem>>
    %dma_wait3A_963 = tpu.memref_squeeze %dma_wait3A_962 : memref<1x8xi32, #tpu.memory_space<vmem>> -> memref<8xi32, #tpu.memory_space<vmem>>
    %dma_wait3A_964 = arith.constant 0 : i32
    %dma_wait3A_965 = arith.constant 0 : i32
    %dma_wait3A_966 = tpu.memref_slice %arg3[%dma_wait3A_964, %dma_wait3A_965] : memref<100000x1024xf32, #tpu.memory_space<hbm>> -> memref<100000x1024xf32, #tpu.memory_space<hbm>>
    tpu.wait_indirect_dma semaphore(%arg18 : memref<!tpu.dma_semaphore, #tpu.memory_space<semaphore_mem>>) src(%dma_wait3A_966 : memref<100000x1024xf32, #tpu.memory_space<hbm>>) dst(%dma_wait3A_960 : memref<8x1024xf32, #tpu.memory_space<vmem>>)
    %add3A_967 = arith.constant 256 : i32
    %add3A_968 = arith.addi %mul3A_2, %add3A_967 : i32
    %dma_start3A_969 = arith.constant 64 : i32
    %dma_start3A_970 = arith.constant 0 : i32
    %dma_start3A_971 = tpu.memref_slice %arg6[%dma_start3A_969, %dma_start3A_970] : memref<96x1024xf32, #tpu.memory_space<vmem>> -> memref<32x1024xf32, #tpu.memory_space<vmem>>
    %dma_start3A_972 = arith.constant 0 : i32
    %dma_start3A_973 = tpu.memref_slice %arg4[%add3A_968, %dma_start3A_972] : memref<16384x1024xf32, #tpu.memory_space<hbm>> -> memref<32x1024xf32, #tpu.memory_space<hbm>>
    %dma_start3A_974 = arith.constant 0 : i32
    %dma_start3A_975 = tpu.memref_slice %arg4[%add3A_968, %dma_start3A_974] : memref<16384x1024xf32, #tpu.memory_space<hbm>> -> memref<32x1024xf32, #tpu.memory_space<hbm>>
    %dma_start3A_976 = arith.constant 64 : i32
    %dma_start3A_977 = arith.constant 0 : i32
    %dma_start3A_978 = tpu.memref_slice %arg6[%dma_start3A_976, %dma_start3A_977] : memref<96x1024xf32, #tpu.memory_space<vmem>> -> memref<32x1024xf32, #tpu.memory_space<vmem>>
    tpu.enqueue_dma source(%dma_start3A_978 : memref<32x1024xf32, #tpu.memory_space<vmem>>) target(%dma_start3A_975 : memref<32x1024xf32, #tpu.memory_space<hbm>>) target_semaphore(%arg21 : memref<!tpu.dma_semaphore, #tpu.memory_space<semaphore_mem>>)
    %dma_start3A_979 = arith.constant 43 : i32
    %dma_start3A_980 = arith.constant 56 : i32
    %dma_start3A_981 = arith.constant 0 : i32
    %dma_start3A_982 = tpu.memref_slice %arg6[%dma_start3A_980, %dma_start3A_981] : memref<96x1024xf32, #tpu.memory_space<vmem>> -> memref<8x1024xf32, #tpu.memory_space<vmem>>
    %dma_start3A_983 = arith.constant 0 : i32
    %dma_start3A_984 = tpu.memref_slice %arg5[%dma_start3A_979, %dma_start3A_983] : memref<64x8xi32, #tpu.memory_space<vmem>> -> memref<1x8xi32, #tpu.memory_space<vmem>>
    %dma_start3A_985 = tpu.memref_squeeze %dma_start3A_984 : memref<1x8xi32, #tpu.memory_space<vmem>> -> memref<8xi32, #tpu.memory_space<vmem>>
    %dma_start3A_986 = arith.constant 0 : i32
    %dma_start3A_987 = arith.constant 0 : i32
    %dma_start3A_988 = tpu.memref_slice %arg3[%dma_start3A_986, %dma_start3A_987] : memref<100000x1024xf32, #tpu.memory_space<hbm>> -> memref<100000x1024xf32, #tpu.memory_space<hbm>>
    tpu.enqueue_indirect_dma source(%dma_start3A_988 : memref<100000x1024xf32, #tpu.memory_space<hbm>>) target(%dma_start3A_982 : memref<8x1024xf32, #tpu.memory_space<vmem>>) offsets(%dma_start3A_985 : memref<8xi32, #tpu.memory_space<vmem>>) semaphore(%arg14 : memref<!tpu.dma_semaphore, #tpu.memory_space<semaphore_mem>>)
    %dma_wait3A_989 = arith.constant 36 : i32
    %dma_wait3A_990 = arith.constant 0 : i32
    %dma_wait3A_991 = arith.constant 0 : i32
    %dma_wait3A_992 = tpu.memref_slice %arg6[%dma_wait3A_990, %dma_wait3A_991] : memref<96x1024xf32, #tpu.memory_space<vmem>> -> memref<8x1024xf32, #tpu.memory_space<vmem>>
    %dma_wait3A_993 = arith.constant 0 : i32
    %dma_wait3A_994 = tpu.memref_slice %arg5[%dma_wait3A_989, %dma_wait3A_993] : memref<64x8xi32, #tpu.memory_space<vmem>> -> memref<1x8xi32, #tpu.memory_space<vmem>>
    %dma_wait3A_995 = tpu.memref_squeeze %dma_wait3A_994 : memref<1x8xi32, #tpu.memory_space<vmem>> -> memref<8xi32, #tpu.memory_space<vmem>>
    %dma_wait3A_996 = arith.constant 0 : i32
    %dma_wait3A_997 = arith.constant 0 : i32
    %dma_wait3A_998 = tpu.memref_slice %arg3[%dma_wait3A_996, %dma_wait3A_997] : memref<100000x1024xf32, #tpu.memory_space<hbm>> -> memref<100000x1024xf32, #tpu.memory_space<hbm>>
    tpu.wait_indirect_dma semaphore(%arg7 : memref<!tpu.dma_semaphore, #tpu.memory_space<semaphore_mem>>) src(%dma_wait3A_998 : memref<100000x1024xf32, #tpu.memory_space<hbm>>) dst(%dma_wait3A_992 : memref<8x1024xf32, #tpu.memory_space<vmem>>)
    %dma_wait3A_999 = arith.constant 64 : i32
    %dma_wait3A_1000 = arith.constant 0 : i32
    %dma_wait3A_1001 = tpu.memref_slice %arg6[%dma_wait3A_999, %dma_wait3A_1000] : memref<96x1024xf32, #tpu.memory_space<vmem>> -> memref<32x1024xf32, #tpu.memory_space<vmem>>
    %dma_wait3A_1002 = arith.constant 0 : i32
    %dma_wait3A_1003 = tpu.memref_slice %arg4[%add3A_968, %dma_wait3A_1002] : memref<16384x1024xf32, #tpu.memory_space<hbm>> -> memref<32x1024xf32, #tpu.memory_space<hbm>>
    %dma_wait3A_1004 = arith.constant 0 : i32
    %dma_wait3A_1005 = tpu.memref_slice %arg4[%add3A_968, %dma_wait3A_1004] : memref<16384x1024xf32, #tpu.memory_space<hbm>> -> memref<32x1024xf32, #tpu.memory_space<hbm>>
    %dma_wait3A_1006 = arith.constant 64 : i32
    %dma_wait3A_1007 = arith.constant 0 : i32
    %dma_wait3A_1008 = tpu.memref_slice %arg6[%dma_wait3A_1006, %dma_wait3A_1007] : memref<96x1024xf32, #tpu.memory_space<vmem>> -> memref<32x1024xf32, #tpu.memory_space<vmem>>
    tpu.wait_dma2 semaphore(%arg21 : memref<!tpu.dma_semaphore, #tpu.memory_space<semaphore_mem>>) src(%dma_wait3A_1008 : memref<32x1024xf32, #tpu.memory_space<vmem>>) dst(%dma_wait3A_1005 : memref<32x1024xf32, #tpu.memory_space<hbm>>)
    %dma_start3A_1009 = arith.constant 44 : i32
    %dma_start3A_1010 = arith.constant 64 : i32
    %dma_start3A_1011 = arith.constant 0 : i32
    %dma_start3A_1012 = tpu.memref_slice %arg6[%dma_start3A_1010, %dma_start3A_1011] : memref<96x1024xf32, #tpu.memory_space<vmem>> -> memref<8x1024xf32, #tpu.memory_space<vmem>>
    %dma_start3A_1013 = arith.constant 0 : i32
    %dma_start3A_1014 = tpu.memref_slice %arg5[%dma_start3A_1009, %dma_start3A_1013] : memref<64x8xi32, #tpu.memory_space<vmem>> -> memref<1x8xi32, #tpu.memory_space<vmem>>
    %dma_start3A_1015 = tpu.memref_squeeze %dma_start3A_1014 : memref<1x8xi32, #tpu.memory_space<vmem>> -> memref<8xi32, #tpu.memory_space<vmem>>
    %dma_start3A_1016 = arith.constant 0 : i32
    %dma_start3A_1017 = arith.constant 0 : i32
    %dma_start3A_1018 = tpu.memref_slice %arg3[%dma_start3A_1016, %dma_start3A_1017] : memref<100000x1024xf32, #tpu.memory_space<hbm>> -> memref<100000x1024xf32, #tpu.memory_space<hbm>>
    tpu.enqueue_indirect_dma source(%dma_start3A_1018 : memref<100000x1024xf32, #tpu.memory_space<hbm>>) target(%dma_start3A_1012 : memref<8x1024xf32, #tpu.memory_space<vmem>>) offsets(%dma_start3A_1015 : memref<8xi32, #tpu.memory_space<vmem>>) semaphore(%arg15 : memref<!tpu.dma_semaphore, #tpu.memory_space<semaphore_mem>>)
    %dma_wait3A_1019 = arith.constant 37 : i32
    %dma_wait3A_1020 = arith.constant 8 : i32
    %dma_wait3A_1021 = arith.constant 0 : i32
    %dma_wait3A_1022 = tpu.memref_slice %arg6[%dma_wait3A_1020, %dma_wait3A_1021] : memref<96x1024xf32, #tpu.memory_space<vmem>> -> memref<8x1024xf32, #tpu.memory_space<vmem>>
    %dma_wait3A_1023 = arith.constant 0 : i32
    %dma_wait3A_1024 = tpu.memref_slice %arg5[%dma_wait3A_1019, %dma_wait3A_1023] : memref<64x8xi32, #tpu.memory_space<vmem>> -> memref<1x8xi32, #tpu.memory_space<vmem>>
    %dma_wait3A_1025 = tpu.memref_squeeze %dma_wait3A_1024 : memref<1x8xi32, #tpu.memory_space<vmem>> -> memref<8xi32, #tpu.memory_space<vmem>>
    %dma_wait3A_1026 = arith.constant 0 : i32
    %dma_wait3A_1027 = arith.constant 0 : i32
    %dma_wait3A_1028 = tpu.memref_slice %arg3[%dma_wait3A_1026, %dma_wait3A_1027] : memref<100000x1024xf32, #tpu.memory_space<hbm>> -> memref<100000x1024xf32, #tpu.memory_space<hbm>>
    tpu.wait_indirect_dma semaphore(%arg8 : memref<!tpu.dma_semaphore, #tpu.memory_space<semaphore_mem>>) src(%dma_wait3A_1028 : memref<100000x1024xf32, #tpu.memory_space<hbm>>) dst(%dma_wait3A_1022 : memref<8x1024xf32, #tpu.memory_space<vmem>>)
    %dma_start3A_1029 = arith.constant 45 : i32
    %dma_start3A_1030 = arith.constant 72 : i32
    %dma_start3A_1031 = arith.constant 0 : i32
    %dma_start3A_1032 = tpu.memref_slice %arg6[%dma_start3A_1030, %dma_start3A_1031] : memref<96x1024xf32, #tpu.memory_space<vmem>> -> memref<8x1024xf32, #tpu.memory_space<vmem>>
    %dma_start3A_1033 = arith.constant 0 : i32
    %dma_start3A_1034 = tpu.memref_slice %arg5[%dma_start3A_1029, %dma_start3A_1033] : memref<64x8xi32, #tpu.memory_space<vmem>> -> memref<1x8xi32, #tpu.memory_space<vmem>>
    %dma_start3A_1035 = tpu.memref_squeeze %dma_start3A_1034 : memref<1x8xi32, #tpu.memory_space<vmem>> -> memref<8xi32, #tpu.memory_space<vmem>>
    %dma_start3A_1036 = arith.constant 0 : i32
    %dma_start3A_1037 = arith.constant 0 : i32
    %dma_start3A_1038 = tpu.memref_slice %arg3[%dma_start3A_1036, %dma_start3A_1037] : memref<100000x1024xf32, #tpu.memory_space<hbm>> -> memref<100000x1024xf32, #tpu.memory_space<hbm>>
    tpu.enqueue_indirect_dma source(%dma_start3A_1038 : memref<100000x1024xf32, #tpu.memory_space<hbm>>) target(%dma_start3A_1032 : memref<8x1024xf32, #tpu.memory_space<vmem>>) offsets(%dma_start3A_1035 : memref<8xi32, #tpu.memory_space<vmem>>) semaphore(%arg16 : memref<!tpu.dma_semaphore, #tpu.memory_space<semaphore_mem>>)
    %dma_wait3A_1039 = arith.constant 38 : i32
    %dma_wait3A_1040 = arith.constant 16 : i32
    %dma_wait3A_1041 = arith.constant 0 : i32
    %dma_wait3A_1042 = tpu.memref_slice %arg6[%dma_wait3A_1040, %dma_wait3A_1041] : memref<96x1024xf32, #tpu.memory_space<vmem>> -> memref<8x1024xf32, #tpu.memory_space<vmem>>
    %dma_wait3A_1043 = arith.constant 0 : i32
    %dma_wait3A_1044 = tpu.memref_slice %arg5[%dma_wait3A_1039, %dma_wait3A_1043] : memref<64x8xi32, #tpu.memory_space<vmem>> -> memref<1x8xi32, #tpu.memory_space<vmem>>
    %dma_wait3A_1045 = tpu.memref_squeeze %dma_wait3A_1044 : memref<1x8xi32, #tpu.memory_space<vmem>> -> memref<8xi32, #tpu.memory_space<vmem>>
    %dma_wait3A_1046 = arith.constant 0 : i32
    %dma_wait3A_1047 = arith.constant 0 : i32
    %dma_wait3A_1048 = tpu.memref_slice %arg3[%dma_wait3A_1046, %dma_wait3A_1047] : memref<100000x1024xf32, #tpu.memory_space<hbm>> -> memref<100000x1024xf32, #tpu.memory_space<hbm>>
    tpu.wait_indirect_dma semaphore(%arg9 : memref<!tpu.dma_semaphore, #tpu.memory_space<semaphore_mem>>) src(%dma_wait3A_1048 : memref<100000x1024xf32, #tpu.memory_space<hbm>>) dst(%dma_wait3A_1042 : memref<8x1024xf32, #tpu.memory_space<vmem>>)
    %dma_start3A_1049 = arith.constant 46 : i32
    %dma_start3A_1050 = arith.constant 80 : i32
    %dma_start3A_1051 = arith.constant 0 : i32
    %dma_start3A_1052 = tpu.memref_slice %arg6[%dma_start3A_1050, %dma_start3A_1051] : memref<96x1024xf32, #tpu.memory_space<vmem>> -> memref<8x1024xf32, #tpu.memory_space<vmem>>
    %dma_start3A_1053 = arith.constant 0 : i32
    %dma_start3A_1054 = tpu.memref_slice %arg5[%dma_start3A_1049, %dma_start3A_1053] : memref<64x8xi32, #tpu.memory_space<vmem>> -> memref<1x8xi32, #tpu.memory_space<vmem>>
    %dma_start3A_1055 = tpu.memref_squeeze %dma_start3A_1054 : memref<1x8xi32, #tpu.memory_space<vmem>> -> memref<8xi32, #tpu.memory_space<vmem>>
    %dma_start3A_1056 = arith.constant 0 : i32
    %dma_start3A_1057 = arith.constant 0 : i32
    %dma_start3A_1058 = tpu.memref_slice %arg3[%dma_start3A_1056, %dma_start3A_1057] : memref<100000x1024xf32, #tpu.memory_space<hbm>> -> memref<100000x1024xf32, #tpu.memory_space<hbm>>
    tpu.enqueue_indirect_dma source(%dma_start3A_1058 : memref<100000x1024xf32, #tpu.memory_space<hbm>>) target(%dma_start3A_1052 : memref<8x1024xf32, #tpu.memory_space<vmem>>) offsets(%dma_start3A_1055 : memref<8xi32, #tpu.memory_space<vmem>>) semaphore(%arg17 : memref<!tpu.dma_semaphore, #tpu.memory_space<semaphore_mem>>)
    %dma_wait3A_1059 = arith.constant 39 : i32
    %dma_wait3A_1060 = arith.constant 24 : i32
    %dma_wait3A_1061 = arith.constant 0 : i32
    %dma_wait3A_1062 = tpu.memref_slice %arg6[%dma_wait3A_1060, %dma_wait3A_1061] : memref<96x1024xf32, #tpu.memory_space<vmem>> -> memref<8x1024xf32, #tpu.memory_space<vmem>>
    %dma_wait3A_1063 = arith.constant 0 : i32
    %dma_wait3A_1064 = tpu.memref_slice %arg5[%dma_wait3A_1059, %dma_wait3A_1063] : memref<64x8xi32, #tpu.memory_space<vmem>> -> memref<1x8xi32, #tpu.memory_space<vmem>>
    %dma_wait3A_1065 = tpu.memref_squeeze %dma_wait3A_1064 : memref<1x8xi32, #tpu.memory_space<vmem>> -> memref<8xi32, #tpu.memory_space<vmem>>
    %dma_wait3A_1066 = arith.constant 0 : i32
    %dma_wait3A_1067 = arith.constant 0 : i32
    %dma_wait3A_1068 = tpu.memref_slice %arg3[%dma_wait3A_1066, %dma_wait3A_1067] : memref<100000x1024xf32, #tpu.memory_space<hbm>> -> memref<100000x1024xf32, #tpu.memory_space<hbm>>
    tpu.wait_indirect_dma semaphore(%arg10 : memref<!tpu.dma_semaphore, #tpu.memory_space<semaphore_mem>>) src(%dma_wait3A_1068 : memref<100000x1024xf32, #tpu.memory_space<hbm>>) dst(%dma_wait3A_1062 : memref<8x1024xf32, #tpu.memory_space<vmem>>)
    %add3A_1069 = arith.constant 288 : i32
    %add3A_1070 = arith.addi %mul3A_2, %add3A_1069 : i32
    %dma_start3A_1071 = arith.constant 0 : i32
    %dma_start3A_1072 = arith.constant 0 : i32
    %dma_start3A_1073 = tpu.memref_slice %arg6[%dma_start3A_1071, %dma_start3A_1072] : memref<96x1024xf32, #tpu.memory_space<vmem>> -> memref<32x1024xf32, #tpu.memory_space<vmem>>
    %dma_start3A_1074 = arith.constant 0 : i32
    %dma_start3A_1075 = tpu.memref_slice %arg4[%add3A_1070, %dma_start3A_1074] : memref<16384x1024xf32, #tpu.memory_space<hbm>> -> memref<32x1024xf32, #tpu.memory_space<hbm>>
    %dma_start3A_1076 = arith.constant 0 : i32
    %dma_start3A_1077 = tpu.memref_slice %arg4[%add3A_1070, %dma_start3A_1076] : memref<16384x1024xf32, #tpu.memory_space<hbm>> -> memref<32x1024xf32, #tpu.memory_space<hbm>>
    %dma_start3A_1078 = arith.constant 0 : i32
    %dma_start3A_1079 = arith.constant 0 : i32
    %dma_start3A_1080 = tpu.memref_slice %arg6[%dma_start3A_1078, %dma_start3A_1079] : memref<96x1024xf32, #tpu.memory_space<vmem>> -> memref<32x1024xf32, #tpu.memory_space<vmem>>
    tpu.enqueue_dma source(%dma_start3A_1080 : memref<32x1024xf32, #tpu.memory_space<vmem>>) target(%dma_start3A_1077 : memref<32x1024xf32, #tpu.memory_space<hbm>>) target_semaphore(%arg19 : memref<!tpu.dma_semaphore, #tpu.memory_space<semaphore_mem>>)
    %dma_start3A_1081 = arith.constant 47 : i32
    %dma_start3A_1082 = arith.constant 88 : i32
    %dma_start3A_1083 = arith.constant 0 : i32
    %dma_start3A_1084 = tpu.memref_slice %arg6[%dma_start3A_1082, %dma_start3A_1083] : memref<96x1024xf32, #tpu.memory_space<vmem>> -> memref<8x1024xf32, #tpu.memory_space<vmem>>
    %dma_start3A_1085 = arith.constant 0 : i32
    %dma_start3A_1086 = tpu.memref_slice %arg5[%dma_start3A_1081, %dma_start3A_1085] : memref<64x8xi32, #tpu.memory_space<vmem>> -> memref<1x8xi32, #tpu.memory_space<vmem>>
    %dma_start3A_1087 = tpu.memref_squeeze %dma_start3A_1086 : memref<1x8xi32, #tpu.memory_space<vmem>> -> memref<8xi32, #tpu.memory_space<vmem>>
    %dma_start3A_1088 = arith.constant 0 : i32
    %dma_start3A_1089 = arith.constant 0 : i32
    %dma_start3A_1090 = tpu.memref_slice %arg3[%dma_start3A_1088, %dma_start3A_1089] : memref<100000x1024xf32, #tpu.memory_space<hbm>> -> memref<100000x1024xf32, #tpu.memory_space<hbm>>
    tpu.enqueue_indirect_dma source(%dma_start3A_1090 : memref<100000x1024xf32, #tpu.memory_space<hbm>>) target(%dma_start3A_1084 : memref<8x1024xf32, #tpu.memory_space<vmem>>) offsets(%dma_start3A_1087 : memref<8xi32, #tpu.memory_space<vmem>>) semaphore(%arg18 : memref<!tpu.dma_semaphore, #tpu.memory_space<semaphore_mem>>)
    %dma_wait3A_1091 = arith.constant 40 : i32
    %dma_wait3A_1092 = arith.constant 32 : i32
    %dma_wait3A_1093 = arith.constant 0 : i32
    %dma_wait3A_1094 = tpu.memref_slice %arg6[%dma_wait3A_1092, %dma_wait3A_1093] : memref<96x1024xf32, #tpu.memory_space<vmem>> -> memref<8x1024xf32, #tpu.memory_space<vmem>>
    %dma_wait3A_1095 = arith.constant 0 : i32
    %dma_wait3A_1096 = tpu.memref_slice %arg5[%dma_wait3A_1091, %dma_wait3A_1095] : memref<64x8xi32, #tpu.memory_space<vmem>> -> memref<1x8xi32, #tpu.memory_space<vmem>>
    %dma_wait3A_1097 = tpu.memref_squeeze %dma_wait3A_1096 : memref<1x8xi32, #tpu.memory_space<vmem>> -> memref<8xi32, #tpu.memory_space<vmem>>
    %dma_wait3A_1098 = arith.constant 0 : i32
    %dma_wait3A_1099 = arith.constant 0 : i32
    %dma_wait3A_1100 = tpu.memref_slice %arg3[%dma_wait3A_1098, %dma_wait3A_1099] : memref<100000x1024xf32, #tpu.memory_space<hbm>> -> memref<100000x1024xf32, #tpu.memory_space<hbm>>
    tpu.wait_indirect_dma semaphore(%arg11 : memref<!tpu.dma_semaphore, #tpu.memory_space<semaphore_mem>>) src(%dma_wait3A_1100 : memref<100000x1024xf32, #tpu.memory_space<hbm>>) dst(%dma_wait3A_1094 : memref<8x1024xf32, #tpu.memory_space<vmem>>)
    %dma_wait3A_1101 = arith.constant 0 : i32
    %dma_wait3A_1102 = arith.constant 0 : i32
    %dma_wait3A_1103 = tpu.memref_slice %arg6[%dma_wait3A_1101, %dma_wait3A_1102] : memref<96x1024xf32, #tpu.memory_space<vmem>> -> memref<32x1024xf32, #tpu.memory_space<vmem>>
    %dma_wait3A_1104 = arith.constant 0 : i32
    %dma_wait3A_1105 = tpu.memref_slice %arg4[%add3A_1070, %dma_wait3A_1104] : memref<16384x1024xf32, #tpu.memory_space<hbm>> -> memref<32x1024xf32, #tpu.memory_space<hbm>>
    %dma_wait3A_1106 = arith.constant 0 : i32
    %dma_wait3A_1107 = tpu.memref_slice %arg4[%add3A_1070, %dma_wait3A_1106] : memref<16384x1024xf32, #tpu.memory_space<hbm>> -> memref<32x1024xf32, #tpu.memory_space<hbm>>
    %dma_wait3A_1108 = arith.constant 0 : i32
    %dma_wait3A_1109 = arith.constant 0 : i32
    %dma_wait3A_1110 = tpu.memref_slice %arg6[%dma_wait3A_1108, %dma_wait3A_1109] : memref<96x1024xf32, #tpu.memory_space<vmem>> -> memref<32x1024xf32, #tpu.memory_space<vmem>>
    tpu.wait_dma2 semaphore(%arg19 : memref<!tpu.dma_semaphore, #tpu.memory_space<semaphore_mem>>) src(%dma_wait3A_1110 : memref<32x1024xf32, #tpu.memory_space<vmem>>) dst(%dma_wait3A_1107 : memref<32x1024xf32, #tpu.memory_space<hbm>>)
    %dma_start3A_1111 = arith.constant 48 : i32
    %dma_start3A_1112 = arith.constant 0 : i32
    %dma_start3A_1113 = arith.constant 0 : i32
    %dma_start3A_1114 = tpu.memref_slice %arg6[%dma_start3A_1112, %dma_start3A_1113] : memref<96x1024xf32, #tpu.memory_space<vmem>> -> memref<8x1024xf32, #tpu.memory_space<vmem>>
    %dma_start3A_1115 = arith.constant 0 : i32
    %dma_start3A_1116 = tpu.memref_slice %arg5[%dma_start3A_1111, %dma_start3A_1115] : memref<64x8xi32, #tpu.memory_space<vmem>> -> memref<1x8xi32, #tpu.memory_space<vmem>>
    %dma_start3A_1117 = tpu.memref_squeeze %dma_start3A_1116 : memref<1x8xi32, #tpu.memory_space<vmem>> -> memref<8xi32, #tpu.memory_space<vmem>>
    %dma_start3A_1118 = arith.constant 0 : i32
    %dma_start3A_1119 = arith.constant 0 : i32
    %dma_start3A_1120 = tpu.memref_slice %arg3[%dma_start3A_1118, %dma_start3A_1119] : memref<100000x1024xf32, #tpu.memory_space<hbm>> -> memref<100000x1024xf32, #tpu.memory_space<hbm>>
    tpu.enqueue_indirect_dma source(%dma_start3A_1120 : memref<100000x1024xf32, #tpu.memory_space<hbm>>) target(%dma_start3A_1114 : memref<8x1024xf32, #tpu.memory_space<vmem>>) offsets(%dma_start3A_1117 : memref<8xi32, #tpu.memory_space<vmem>>) semaphore(%arg7 : memref<!tpu.dma_semaphore, #tpu.memory_space<semaphore_mem>>)
    %dma_wait3A_1121 = arith.constant 41 : i32
    %dma_wait3A_1122 = arith.constant 40 : i32
    %dma_wait3A_1123 = arith.constant 0 : i32
    %dma_wait3A_1124 = tpu.memref_slice %arg6[%dma_wait3A_1122, %dma_wait3A_1123] : memref<96x1024xf32, #tpu.memory_space<vmem>> -> memref<8x1024xf32, #tpu.memory_space<vmem>>
    %dma_wait3A_1125 = arith.constant 0 : i32
    %dma_wait3A_1126 = tpu.memref_slice %arg5[%dma_wait3A_1121, %dma_wait3A_1125] : memref<64x8xi32, #tpu.memory_space<vmem>> -> memref<1x8xi32, #tpu.memory_space<vmem>>
    %dma_wait3A_1127 = tpu.memref_squeeze %dma_wait3A_1126 : memref<1x8xi32, #tpu.memory_space<vmem>> -> memref<8xi32, #tpu.memory_space<vmem>>
    %dma_wait3A_1128 = arith.constant 0 : i32
    %dma_wait3A_1129 = arith.constant 0 : i32
    %dma_wait3A_1130 = tpu.memref_slice %arg3[%dma_wait3A_1128, %dma_wait3A_1129] : memref<100000x1024xf32, #tpu.memory_space<hbm>> -> memref<100000x1024xf32, #tpu.memory_space<hbm>>
    tpu.wait_indirect_dma semaphore(%arg12 : memref<!tpu.dma_semaphore, #tpu.memory_space<semaphore_mem>>) src(%dma_wait3A_1130 : memref<100000x1024xf32, #tpu.memory_space<hbm>>) dst(%dma_wait3A_1124 : memref<8x1024xf32, #tpu.memory_space<vmem>>)
    %dma_start3A_1131 = arith.constant 49 : i32
    %dma_start3A_1132 = arith.constant 8 : i32
    %dma_start3A_1133 = arith.constant 0 : i32
    %dma_start3A_1134 = tpu.memref_slice %arg6[%dma_start3A_1132, %dma_start3A_1133] : memref<96x1024xf32, #tpu.memory_space<vmem>> -> memref<8x1024xf32, #tpu.memory_space<vmem>>
    %dma_start3A_1135 = arith.constant 0 : i32
    %dma_start3A_1136 = tpu.memref_slice %arg5[%dma_start3A_1131, %dma_start3A_1135] : memref<64x8xi32, #tpu.memory_space<vmem>> -> memref<1x8xi32, #tpu.memory_space<vmem>>
    %dma_start3A_1137 = tpu.memref_squeeze %dma_start3A_1136 : memref<1x8xi32, #tpu.memory_space<vmem>> -> memref<8xi32, #tpu.memory_space<vmem>>
    %dma_start3A_1138 = arith.constant 0 : i32
    %dma_start3A_1139 = arith.constant 0 : i32
    %dma_start3A_1140 = tpu.memref_slice %arg3[%dma_start3A_1138, %dma_start3A_1139] : memref<100000x1024xf32, #tpu.memory_space<hbm>> -> memref<100000x1024xf32, #tpu.memory_space<hbm>>
    tpu.enqueue_indirect_dma source(%dma_start3A_1140 : memref<100000x1024xf32, #tpu.memory_space<hbm>>) target(%dma_start3A_1134 : memref<8x1024xf32, #tpu.memory_space<vmem>>) offsets(%dma_start3A_1137 : memref<8xi32, #tpu.memory_space<vmem>>) semaphore(%arg8 : memref<!tpu.dma_semaphore, #tpu.memory_space<semaphore_mem>>)
    %dma_wait3A_1141 = arith.constant 42 : i32
    %dma_wait3A_1142 = arith.constant 48 : i32
    %dma_wait3A_1143 = arith.constant 0 : i32
    %dma_wait3A_1144 = tpu.memref_slice %arg6[%dma_wait3A_1142, %dma_wait3A_1143] : memref<96x1024xf32, #tpu.memory_space<vmem>> -> memref<8x1024xf32, #tpu.memory_space<vmem>>
    %dma_wait3A_1145 = arith.constant 0 : i32
    %dma_wait3A_1146 = tpu.memref_slice %arg5[%dma_wait3A_1141, %dma_wait3A_1145] : memref<64x8xi32, #tpu.memory_space<vmem>> -> memref<1x8xi32, #tpu.memory_space<vmem>>
    %dma_wait3A_1147 = tpu.memref_squeeze %dma_wait3A_1146 : memref<1x8xi32, #tpu.memory_space<vmem>> -> memref<8xi32, #tpu.memory_space<vmem>>
    %dma_wait3A_1148 = arith.constant 0 : i32
    %dma_wait3A_1149 = arith.constant 0 : i32
    %dma_wait3A_1150 = tpu.memref_slice %arg3[%dma_wait3A_1148, %dma_wait3A_1149] : memref<100000x1024xf32, #tpu.memory_space<hbm>> -> memref<100000x1024xf32, #tpu.memory_space<hbm>>
    tpu.wait_indirect_dma semaphore(%arg13 : memref<!tpu.dma_semaphore, #tpu.memory_space<semaphore_mem>>) src(%dma_wait3A_1150 : memref<100000x1024xf32, #tpu.memory_space<hbm>>) dst(%dma_wait3A_1144 : memref<8x1024xf32, #tpu.memory_space<vmem>>)
    %dma_start3A_1151 = arith.constant 50 : i32
    %dma_start3A_1152 = arith.constant 16 : i32
    %dma_start3A_1153 = arith.constant 0 : i32
    %dma_start3A_1154 = tpu.memref_slice %arg6[%dma_start3A_1152, %dma_start3A_1153] : memref<96x1024xf32, #tpu.memory_space<vmem>> -> memref<8x1024xf32, #tpu.memory_space<vmem>>
    %dma_start3A_1155 = arith.constant 0 : i32
    %dma_start3A_1156 = tpu.memref_slice %arg5[%dma_start3A_1151, %dma_start3A_1155] : memref<64x8xi32, #tpu.memory_space<vmem>> -> memref<1x8xi32, #tpu.memory_space<vmem>>
    %dma_start3A_1157 = tpu.memref_squeeze %dma_start3A_1156 : memref<1x8xi32, #tpu.memory_space<vmem>> -> memref<8xi32, #tpu.memory_space<vmem>>
    %dma_start3A_1158 = arith.constant 0 : i32
    %dma_start3A_1159 = arith.constant 0 : i32
    %dma_start3A_1160 = tpu.memref_slice %arg3[%dma_start3A_1158, %dma_start3A_1159] : memref<100000x1024xf32, #tpu.memory_space<hbm>> -> memref<100000x1024xf32, #tpu.memory_space<hbm>>
    tpu.enqueue_indirect_dma source(%dma_start3A_1160 : memref<100000x1024xf32, #tpu.memory_space<hbm>>) target(%dma_start3A_1154 : memref<8x1024xf32, #tpu.memory_space<vmem>>) offsets(%dma_start3A_1157 : memref<8xi32, #tpu.memory_space<vmem>>) semaphore(%arg9 : memref<!tpu.dma_semaphore, #tpu.memory_space<semaphore_mem>>)
    %dma_wait3A_1161 = arith.constant 43 : i32
    %dma_wait3A_1162 = arith.constant 56 : i32
    %dma_wait3A_1163 = arith.constant 0 : i32
    %dma_wait3A_1164 = tpu.memref_slice %arg6[%dma_wait3A_1162, %dma_wait3A_1163] : memref<96x1024xf32, #tpu.memory_space<vmem>> -> memref<8x1024xf32, #tpu.memory_space<vmem>>
    %dma_wait3A_1165 = arith.constant 0 : i32
    %dma_wait3A_1166 = tpu.memref_slice %arg5[%dma_wait3A_1161, %dma_wait3A_1165] : memref<64x8xi32, #tpu.memory_space<vmem>> -> memref<1x8xi32, #tpu.memory_space<vmem>>
    %dma_wait3A_1167 = tpu.memref_squeeze %dma_wait3A_1166 : memref<1x8xi32, #tpu.memory_space<vmem>> -> memref<8xi32, #tpu.memory_space<vmem>>
    %dma_wait3A_1168 = arith.constant 0 : i32
    %dma_wait3A_1169 = arith.constant 0 : i32
    %dma_wait3A_1170 = tpu.memref_slice %arg3[%dma_wait3A_1168, %dma_wait3A_1169] : memref<100000x1024xf32, #tpu.memory_space<hbm>> -> memref<100000x1024xf32, #tpu.memory_space<hbm>>
    tpu.wait_indirect_dma semaphore(%arg14 : memref<!tpu.dma_semaphore, #tpu.memory_space<semaphore_mem>>) src(%dma_wait3A_1170 : memref<100000x1024xf32, #tpu.memory_space<hbm>>) dst(%dma_wait3A_1164 : memref<8x1024xf32, #tpu.memory_space<vmem>>)
    %add3A_1171 = arith.constant 320 : i32
    %add3A_1172 = arith.addi %mul3A_2, %add3A_1171 : i32
    %dma_start3A_1173 = arith.constant 32 : i32
    %dma_start3A_1174 = arith.constant 0 : i32
    %dma_start3A_1175 = tpu.memref_slice %arg6[%dma_start3A_1173, %dma_start3A_1174] : memref<96x1024xf32, #tpu.memory_space<vmem>> -> memref<32x1024xf32, #tpu.memory_space<vmem>>
    %dma_start3A_1176 = arith.constant 0 : i32
    %dma_start3A_1177 = tpu.memref_slice %arg4[%add3A_1172, %dma_start3A_1176] : memref<16384x1024xf32, #tpu.memory_space<hbm>> -> memref<32x1024xf32, #tpu.memory_space<hbm>>
    %dma_start3A_1178 = arith.constant 0 : i32
    %dma_start3A_1179 = tpu.memref_slice %arg4[%add3A_1172, %dma_start3A_1178] : memref<16384x1024xf32, #tpu.memory_space<hbm>> -> memref<32x1024xf32, #tpu.memory_space<hbm>>
    %dma_start3A_1180 = arith.constant 32 : i32
    %dma_start3A_1181 = arith.constant 0 : i32
    %dma_start3A_1182 = tpu.memref_slice %arg6[%dma_start3A_1180, %dma_start3A_1181] : memref<96x1024xf32, #tpu.memory_space<vmem>> -> memref<32x1024xf32, #tpu.memory_space<vmem>>
    tpu.enqueue_dma source(%dma_start3A_1182 : memref<32x1024xf32, #tpu.memory_space<vmem>>) target(%dma_start3A_1179 : memref<32x1024xf32, #tpu.memory_space<hbm>>) target_semaphore(%arg20 : memref<!tpu.dma_semaphore, #tpu.memory_space<semaphore_mem>>)
    %dma_start3A_1183 = arith.constant 51 : i32
    %dma_start3A_1184 = arith.constant 24 : i32
    %dma_start3A_1185 = arith.constant 0 : i32
    %dma_start3A_1186 = tpu.memref_slice %arg6[%dma_start3A_1184, %dma_start3A_1185] : memref<96x1024xf32, #tpu.memory_space<vmem>> -> memref<8x1024xf32, #tpu.memory_space<vmem>>
    %dma_start3A_1187 = arith.constant 0 : i32
    %dma_start3A_1188 = tpu.memref_slice %arg5[%dma_start3A_1183, %dma_start3A_1187] : memref<64x8xi32, #tpu.memory_space<vmem>> -> memref<1x8xi32, #tpu.memory_space<vmem>>
    %dma_start3A_1189 = tpu.memref_squeeze %dma_start3A_1188 : memref<1x8xi32, #tpu.memory_space<vmem>> -> memref<8xi32, #tpu.memory_space<vmem>>
    %dma_start3A_1190 = arith.constant 0 : i32
    %dma_start3A_1191 = arith.constant 0 : i32
    %dma_start3A_1192 = tpu.memref_slice %arg3[%dma_start3A_1190, %dma_start3A_1191] : memref<100000x1024xf32, #tpu.memory_space<hbm>> -> memref<100000x1024xf32, #tpu.memory_space<hbm>>
    tpu.enqueue_indirect_dma source(%dma_start3A_1192 : memref<100000x1024xf32, #tpu.memory_space<hbm>>) target(%dma_start3A_1186 : memref<8x1024xf32, #tpu.memory_space<vmem>>) offsets(%dma_start3A_1189 : memref<8xi32, #tpu.memory_space<vmem>>) semaphore(%arg10 : memref<!tpu.dma_semaphore, #tpu.memory_space<semaphore_mem>>)
    %dma_wait3A_1193 = arith.constant 44 : i32
    %dma_wait3A_1194 = arith.constant 64 : i32
    %dma_wait3A_1195 = arith.constant 0 : i32
    %dma_wait3A_1196 = tpu.memref_slice %arg6[%dma_wait3A_1194, %dma_wait3A_1195] : memref<96x1024xf32, #tpu.memory_space<vmem>> -> memref<8x1024xf32, #tpu.memory_space<vmem>>
    %dma_wait3A_1197 = arith.constant 0 : i32
    %dma_wait3A_1198 = tpu.memref_slice %arg5[%dma_wait3A_1193, %dma_wait3A_1197] : memref<64x8xi32, #tpu.memory_space<vmem>> -> memref<1x8xi32, #tpu.memory_space<vmem>>
    %dma_wait3A_1199 = tpu.memref_squeeze %dma_wait3A_1198 : memref<1x8xi32, #tpu.memory_space<vmem>> -> memref<8xi32, #tpu.memory_space<vmem>>
    %dma_wait3A_1200 = arith.constant 0 : i32
    %dma_wait3A_1201 = arith.constant 0 : i32
    %dma_wait3A_1202 = tpu.memref_slice %arg3[%dma_wait3A_1200, %dma_wait3A_1201] : memref<100000x1024xf32, #tpu.memory_space<hbm>> -> memref<100000x1024xf32, #tpu.memory_space<hbm>>
    tpu.wait_indirect_dma semaphore(%arg15 : memref<!tpu.dma_semaphore, #tpu.memory_space<semaphore_mem>>) src(%dma_wait3A_1202 : memref<100000x1024xf32, #tpu.memory_space<hbm>>) dst(%dma_wait3A_1196 : memref<8x1024xf32, #tpu.memory_space<vmem>>)
    %dma_wait3A_1203 = arith.constant 32 : i32
    %dma_wait3A_1204 = arith.constant 0 : i32
    %dma_wait3A_1205 = tpu.memref_slice %arg6[%dma_wait3A_1203, %dma_wait3A_1204] : memref<96x1024xf32, #tpu.memory_space<vmem>> -> memref<32x1024xf32, #tpu.memory_space<vmem>>
    %dma_wait3A_1206 = arith.constant 0 : i32
    %dma_wait3A_1207 = tpu.memref_slice %arg4[%add3A_1172, %dma_wait3A_1206] : memref<16384x1024xf32, #tpu.memory_space<hbm>> -> memref<32x1024xf32, #tpu.memory_space<hbm>>
    %dma_wait3A_1208 = arith.constant 0 : i32
    %dma_wait3A_1209 = tpu.memref_slice %arg4[%add3A_1172, %dma_wait3A_1208] : memref<16384x1024xf32, #tpu.memory_space<hbm>> -> memref<32x1024xf32, #tpu.memory_space<hbm>>
    %dma_wait3A_1210 = arith.constant 32 : i32
    %dma_wait3A_1211 = arith.constant 0 : i32
    %dma_wait3A_1212 = tpu.memref_slice %arg6[%dma_wait3A_1210, %dma_wait3A_1211] : memref<96x1024xf32, #tpu.memory_space<vmem>> -> memref<32x1024xf32, #tpu.memory_space<vmem>>
    tpu.wait_dma2 semaphore(%arg20 : memref<!tpu.dma_semaphore, #tpu.memory_space<semaphore_mem>>) src(%dma_wait3A_1212 : memref<32x1024xf32, #tpu.memory_space<vmem>>) dst(%dma_wait3A_1209 : memref<32x1024xf32, #tpu.memory_space<hbm>>)
    %dma_start3A_1213 = arith.constant 52 : i32
    %dma_start3A_1214 = arith.constant 32 : i32
    %dma_start3A_1215 = arith.constant 0 : i32
    %dma_start3A_1216 = tpu.memref_slice %arg6[%dma_start3A_1214, %dma_start3A_1215] : memref<96x1024xf32, #tpu.memory_space<vmem>> -> memref<8x1024xf32, #tpu.memory_space<vmem>>
    %dma_start3A_1217 = arith.constant 0 : i32
    %dma_start3A_1218 = tpu.memref_slice %arg5[%dma_start3A_1213, %dma_start3A_1217] : memref<64x8xi32, #tpu.memory_space<vmem>> -> memref<1x8xi32, #tpu.memory_space<vmem>>
    %dma_start3A_1219 = tpu.memref_squeeze %dma_start3A_1218 : memref<1x8xi32, #tpu.memory_space<vmem>> -> memref<8xi32, #tpu.memory_space<vmem>>
    %dma_start3A_1220 = arith.constant 0 : i32
    %dma_start3A_1221 = arith.constant 0 : i32
    %dma_start3A_1222 = tpu.memref_slice %arg3[%dma_start3A_1220, %dma_start3A_1221] : memref<100000x1024xf32, #tpu.memory_space<hbm>> -> memref<100000x1024xf32, #tpu.memory_space<hbm>>
    tpu.enqueue_indirect_dma source(%dma_start3A_1222 : memref<100000x1024xf32, #tpu.memory_space<hbm>>) target(%dma_start3A_1216 : memref<8x1024xf32, #tpu.memory_space<vmem>>) offsets(%dma_start3A_1219 : memref<8xi32, #tpu.memory_space<vmem>>) semaphore(%arg11 : memref<!tpu.dma_semaphore, #tpu.memory_space<semaphore_mem>>)
    %dma_wait3A_1223 = arith.constant 45 : i32
    %dma_wait3A_1224 = arith.constant 72 : i32
    %dma_wait3A_1225 = arith.constant 0 : i32
    %dma_wait3A_1226 = tpu.memref_slice %arg6[%dma_wait3A_1224, %dma_wait3A_1225] : memref<96x1024xf32, #tpu.memory_space<vmem>> -> memref<8x1024xf32, #tpu.memory_space<vmem>>
    %dma_wait3A_1227 = arith.constant 0 : i32
    %dma_wait3A_1228 = tpu.memref_slice %arg5[%dma_wait3A_1223, %dma_wait3A_1227] : memref<64x8xi32, #tpu.memory_space<vmem>> -> memref<1x8xi32, #tpu.memory_space<vmem>>
    %dma_wait3A_1229 = tpu.memref_squeeze %dma_wait3A_1228 : memref<1x8xi32, #tpu.memory_space<vmem>> -> memref<8xi32, #tpu.memory_space<vmem>>
    %dma_wait3A_1230 = arith.constant 0 : i32
    %dma_wait3A_1231 = arith.constant 0 : i32
    %dma_wait3A_1232 = tpu.memref_slice %arg3[%dma_wait3A_1230, %dma_wait3A_1231] : memref<100000x1024xf32, #tpu.memory_space<hbm>> -> memref<100000x1024xf32, #tpu.memory_space<hbm>>
    tpu.wait_indirect_dma semaphore(%arg16 : memref<!tpu.dma_semaphore, #tpu.memory_space<semaphore_mem>>) src(%dma_wait3A_1232 : memref<100000x1024xf32, #tpu.memory_space<hbm>>) dst(%dma_wait3A_1226 : memref<8x1024xf32, #tpu.memory_space<vmem>>)
    %dma_start3A_1233 = arith.constant 53 : i32
    %dma_start3A_1234 = arith.constant 40 : i32
    %dma_start3A_1235 = arith.constant 0 : i32
    %dma_start3A_1236 = tpu.memref_slice %arg6[%dma_start3A_1234, %dma_start3A_1235] : memref<96x1024xf32, #tpu.memory_space<vmem>> -> memref<8x1024xf32, #tpu.memory_space<vmem>>
    %dma_start3A_1237 = arith.constant 0 : i32
    %dma_start3A_1238 = tpu.memref_slice %arg5[%dma_start3A_1233, %dma_start3A_1237] : memref<64x8xi32, #tpu.memory_space<vmem>> -> memref<1x8xi32, #tpu.memory_space<vmem>>
    %dma_start3A_1239 = tpu.memref_squeeze %dma_start3A_1238 : memref<1x8xi32, #tpu.memory_space<vmem>> -> memref<8xi32, #tpu.memory_space<vmem>>
    %dma_start3A_1240 = arith.constant 0 : i32
    %dma_start3A_1241 = arith.constant 0 : i32
    %dma_start3A_1242 = tpu.memref_slice %arg3[%dma_start3A_1240, %dma_start3A_1241] : memref<100000x1024xf32, #tpu.memory_space<hbm>> -> memref<100000x1024xf32, #tpu.memory_space<hbm>>
    tpu.enqueue_indirect_dma source(%dma_start3A_1242 : memref<100000x1024xf32, #tpu.memory_space<hbm>>) target(%dma_start3A_1236 : memref<8x1024xf32, #tpu.memory_space<vmem>>) offsets(%dma_start3A_1239 : memref<8xi32, #tpu.memory_space<vmem>>) semaphore(%arg12 : memref<!tpu.dma_semaphore, #tpu.memory_space<semaphore_mem>>)
    %dma_wait3A_1243 = arith.constant 46 : i32
    %dma_wait3A_1244 = arith.constant 80 : i32
    %dma_wait3A_1245 = arith.constant 0 : i32
    %dma_wait3A_1246 = tpu.memref_slice %arg6[%dma_wait3A_1244, %dma_wait3A_1245] : memref<96x1024xf32, #tpu.memory_space<vmem>> -> memref<8x1024xf32, #tpu.memory_space<vmem>>
    %dma_wait3A_1247 = arith.constant 0 : i32
    %dma_wait3A_1248 = tpu.memref_slice %arg5[%dma_wait3A_1243, %dma_wait3A_1247] : memref<64x8xi32, #tpu.memory_space<vmem>> -> memref<1x8xi32, #tpu.memory_space<vmem>>
    %dma_wait3A_1249 = tpu.memref_squeeze %dma_wait3A_1248 : memref<1x8xi32, #tpu.memory_space<vmem>> -> memref<8xi32, #tpu.memory_space<vmem>>
    %dma_wait3A_1250 = arith.constant 0 : i32
    %dma_wait3A_1251 = arith.constant 0 : i32
    %dma_wait3A_1252 = tpu.memref_slice %arg3[%dma_wait3A_1250, %dma_wait3A_1251] : memref<100000x1024xf32, #tpu.memory_space<hbm>> -> memref<100000x1024xf32, #tpu.memory_space<hbm>>
    tpu.wait_indirect_dma semaphore(%arg17 : memref<!tpu.dma_semaphore, #tpu.memory_space<semaphore_mem>>) src(%dma_wait3A_1252 : memref<100000x1024xf32, #tpu.memory_space<hbm>>) dst(%dma_wait3A_1246 : memref<8x1024xf32, #tpu.memory_space<vmem>>)
    %dma_start3A_1253 = arith.constant 54 : i32
    %dma_start3A_1254 = arith.constant 48 : i32
    %dma_start3A_1255 = arith.constant 0 : i32
    %dma_start3A_1256 = tpu.memref_slice %arg6[%dma_start3A_1254, %dma_start3A_1255] : memref<96x1024xf32, #tpu.memory_space<vmem>> -> memref<8x1024xf32, #tpu.memory_space<vmem>>
    %dma_start3A_1257 = arith.constant 0 : i32
    %dma_start3A_1258 = tpu.memref_slice %arg5[%dma_start3A_1253, %dma_start3A_1257] : memref<64x8xi32, #tpu.memory_space<vmem>> -> memref<1x8xi32, #tpu.memory_space<vmem>>
    %dma_start3A_1259 = tpu.memref_squeeze %dma_start3A_1258 : memref<1x8xi32, #tpu.memory_space<vmem>> -> memref<8xi32, #tpu.memory_space<vmem>>
    %dma_start3A_1260 = arith.constant 0 : i32
    %dma_start3A_1261 = arith.constant 0 : i32
    %dma_start3A_1262 = tpu.memref_slice %arg3[%dma_start3A_1260, %dma_start3A_1261] : memref<100000x1024xf32, #tpu.memory_space<hbm>> -> memref<100000x1024xf32, #tpu.memory_space<hbm>>
    tpu.enqueue_indirect_dma source(%dma_start3A_1262 : memref<100000x1024xf32, #tpu.memory_space<hbm>>) target(%dma_start3A_1256 : memref<8x1024xf32, #tpu.memory_space<vmem>>) offsets(%dma_start3A_1259 : memref<8xi32, #tpu.memory_space<vmem>>) semaphore(%arg13 : memref<!tpu.dma_semaphore, #tpu.memory_space<semaphore_mem>>)
    %dma_wait3A_1263 = arith.constant 47 : i32
    %dma_wait3A_1264 = arith.constant 88 : i32
    %dma_wait3A_1265 = arith.constant 0 : i32
    %dma_wait3A_1266 = tpu.memref_slice %arg6[%dma_wait3A_1264, %dma_wait3A_1265] : memref<96x1024xf32, #tpu.memory_space<vmem>> -> memref<8x1024xf32, #tpu.memory_space<vmem>>
    %dma_wait3A_1267 = arith.constant 0 : i32
    %dma_wait3A_1268 = tpu.memref_slice %arg5[%dma_wait3A_1263, %dma_wait3A_1267] : memref<64x8xi32, #tpu.memory_space<vmem>> -> memref<1x8xi32, #tpu.memory_space<vmem>>
    %dma_wait3A_1269 = tpu.memref_squeeze %dma_wait3A_1268 : memref<1x8xi32, #tpu.memory_space<vmem>> -> memref<8xi32, #tpu.memory_space<vmem>>
    %dma_wait3A_1270 = arith.constant 0 : i32
    %dma_wait3A_1271 = arith.constant 0 : i32
    %dma_wait3A_1272 = tpu.memref_slice %arg3[%dma_wait3A_1270, %dma_wait3A_1271] : memref<100000x1024xf32, #tpu.memory_space<hbm>> -> memref<100000x1024xf32, #tpu.memory_space<hbm>>
    tpu.wait_indirect_dma semaphore(%arg18 : memref<!tpu.dma_semaphore, #tpu.memory_space<semaphore_mem>>) src(%dma_wait3A_1272 : memref<100000x1024xf32, #tpu.memory_space<hbm>>) dst(%dma_wait3A_1266 : memref<8x1024xf32, #tpu.memory_space<vmem>>)
    %add3A_1273 = arith.constant 352 : i32
    %add3A_1274 = arith.addi %mul3A_2, %add3A_1273 : i32
    %dma_start3A_1275 = arith.constant 64 : i32
    %dma_start3A_1276 = arith.constant 0 : i32
    %dma_start3A_1277 = tpu.memref_slice %arg6[%dma_start3A_1275, %dma_start3A_1276] : memref<96x1024xf32, #tpu.memory_space<vmem>> -> memref<32x1024xf32, #tpu.memory_space<vmem>>
    %dma_start3A_1278 = arith.constant 0 : i32
    %dma_start3A_1279 = tpu.memref_slice %arg4[%add3A_1274, %dma_start3A_1278] : memref<16384x1024xf32, #tpu.memory_space<hbm>> -> memref<32x1024xf32, #tpu.memory_space<hbm>>
    %dma_start3A_1280 = arith.constant 0 : i32
    %dma_start3A_1281 = tpu.memref_slice %arg4[%add3A_1274, %dma_start3A_1280] : memref<16384x1024xf32, #tpu.memory_space<hbm>> -> memref<32x1024xf32, #tpu.memory_space<hbm>>
    %dma_start3A_1282 = arith.constant 64 : i32
    %dma_start3A_1283 = arith.constant 0 : i32
    %dma_start3A_1284 = tpu.memref_slice %arg6[%dma_start3A_1282, %dma_start3A_1283] : memref<96x1024xf32, #tpu.memory_space<vmem>> -> memref<32x1024xf32, #tpu.memory_space<vmem>>
    tpu.enqueue_dma source(%dma_start3A_1284 : memref<32x1024xf32, #tpu.memory_space<vmem>>) target(%dma_start3A_1281 : memref<32x1024xf32, #tpu.memory_space<hbm>>) target_semaphore(%arg21 : memref<!tpu.dma_semaphore, #tpu.memory_space<semaphore_mem>>)
    %dma_start3A_1285 = arith.constant 55 : i32
    %dma_start3A_1286 = arith.constant 56 : i32
    %dma_start3A_1287 = arith.constant 0 : i32
    %dma_start3A_1288 = tpu.memref_slice %arg6[%dma_start3A_1286, %dma_start3A_1287] : memref<96x1024xf32, #tpu.memory_space<vmem>> -> memref<8x1024xf32, #tpu.memory_space<vmem>>
    %dma_start3A_1289 = arith.constant 0 : i32
    %dma_start3A_1290 = tpu.memref_slice %arg5[%dma_start3A_1285, %dma_start3A_1289] : memref<64x8xi32, #tpu.memory_space<vmem>> -> memref<1x8xi32, #tpu.memory_space<vmem>>
    %dma_start3A_1291 = tpu.memref_squeeze %dma_start3A_1290 : memref<1x8xi32, #tpu.memory_space<vmem>> -> memref<8xi32, #tpu.memory_space<vmem>>
    %dma_start3A_1292 = arith.constant 0 : i32
    %dma_start3A_1293 = arith.constant 0 : i32
    %dma_start3A_1294 = tpu.memref_slice %arg3[%dma_start3A_1292, %dma_start3A_1293] : memref<100000x1024xf32, #tpu.memory_space<hbm>> -> memref<100000x1024xf32, #tpu.memory_space<hbm>>
    tpu.enqueue_indirect_dma source(%dma_start3A_1294 : memref<100000x1024xf32, #tpu.memory_space<hbm>>) target(%dma_start3A_1288 : memref<8x1024xf32, #tpu.memory_space<vmem>>) offsets(%dma_start3A_1291 : memref<8xi32, #tpu.memory_space<vmem>>) semaphore(%arg14 : memref<!tpu.dma_semaphore, #tpu.memory_space<semaphore_mem>>)
    %dma_wait3A_1295 = arith.constant 48 : i32
    %dma_wait3A_1296 = arith.constant 0 : i32
    %dma_wait3A_1297 = arith.constant 0 : i32
    %dma_wait3A_1298 = tpu.memref_slice %arg6[%dma_wait3A_1296, %dma_wait3A_1297] : memref<96x1024xf32, #tpu.memory_space<vmem>> -> memref<8x1024xf32, #tpu.memory_space<vmem>>
    %dma_wait3A_1299 = arith.constant 0 : i32
    %dma_wait3A_1300 = tpu.memref_slice %arg5[%dma_wait3A_1295, %dma_wait3A_1299] : memref<64x8xi32, #tpu.memory_space<vmem>> -> memref<1x8xi32, #tpu.memory_space<vmem>>
    %dma_wait3A_1301 = tpu.memref_squeeze %dma_wait3A_1300 : memref<1x8xi32, #tpu.memory_space<vmem>> -> memref<8xi32, #tpu.memory_space<vmem>>
    %dma_wait3A_1302 = arith.constant 0 : i32
    %dma_wait3A_1303 = arith.constant 0 : i32
    %dma_wait3A_1304 = tpu.memref_slice %arg3[%dma_wait3A_1302, %dma_wait3A_1303] : memref<100000x1024xf32, #tpu.memory_space<hbm>> -> memref<100000x1024xf32, #tpu.memory_space<hbm>>
    tpu.wait_indirect_dma semaphore(%arg7 : memref<!tpu.dma_semaphore, #tpu.memory_space<semaphore_mem>>) src(%dma_wait3A_1304 : memref<100000x1024xf32, #tpu.memory_space<hbm>>) dst(%dma_wait3A_1298 : memref<8x1024xf32, #tpu.memory_space<vmem>>)
    %dma_wait3A_1305 = arith.constant 64 : i32
    %dma_wait3A_1306 = arith.constant 0 : i32
    %dma_wait3A_1307 = tpu.memref_slice %arg6[%dma_wait3A_1305, %dma_wait3A_1306] : memref<96x1024xf32, #tpu.memory_space<vmem>> -> memref<32x1024xf32, #tpu.memory_space<vmem>>
    %dma_wait3A_1308 = arith.constant 0 : i32
    %dma_wait3A_1309 = tpu.memref_slice %arg4[%add3A_1274, %dma_wait3A_1308] : memref<16384x1024xf32, #tpu.memory_space<hbm>> -> memref<32x1024xf32, #tpu.memory_space<hbm>>
    %dma_wait3A_1310 = arith.constant 0 : i32
    %dma_wait3A_1311 = tpu.memref_slice %arg4[%add3A_1274, %dma_wait3A_1310] : memref<16384x1024xf32, #tpu.memory_space<hbm>> -> memref<32x1024xf32, #tpu.memory_space<hbm>>
    %dma_wait3A_1312 = arith.constant 64 : i32
    %dma_wait3A_1313 = arith.constant 0 : i32
    %dma_wait3A_1314 = tpu.memref_slice %arg6[%dma_wait3A_1312, %dma_wait3A_1313] : memref<96x1024xf32, #tpu.memory_space<vmem>> -> memref<32x1024xf32, #tpu.memory_space<vmem>>
    tpu.wait_dma2 semaphore(%arg21 : memref<!tpu.dma_semaphore, #tpu.memory_space<semaphore_mem>>) src(%dma_wait3A_1314 : memref<32x1024xf32, #tpu.memory_space<vmem>>) dst(%dma_wait3A_1311 : memref<32x1024xf32, #tpu.memory_space<hbm>>)
    %dma_start3A_1315 = arith.constant 56 : i32
    %dma_start3A_1316 = arith.constant 64 : i32
    %dma_start3A_1317 = arith.constant 0 : i32
    %dma_start3A_1318 = tpu.memref_slice %arg6[%dma_start3A_1316, %dma_start3A_1317] : memref<96x1024xf32, #tpu.memory_space<vmem>> -> memref<8x1024xf32, #tpu.memory_space<vmem>>
    %dma_start3A_1319 = arith.constant 0 : i32
    %dma_start3A_1320 = tpu.memref_slice %arg5[%dma_start3A_1315, %dma_start3A_1319] : memref<64x8xi32, #tpu.memory_space<vmem>> -> memref<1x8xi32, #tpu.memory_space<vmem>>
    %dma_start3A_1321 = tpu.memref_squeeze %dma_start3A_1320 : memref<1x8xi32, #tpu.memory_space<vmem>> -> memref<8xi32, #tpu.memory_space<vmem>>
    %dma_start3A_1322 = arith.constant 0 : i32
    %dma_start3A_1323 = arith.constant 0 : i32
    %dma_start3A_1324 = tpu.memref_slice %arg3[%dma_start3A_1322, %dma_start3A_1323] : memref<100000x1024xf32, #tpu.memory_space<hbm>> -> memref<100000x1024xf32, #tpu.memory_space<hbm>>
    tpu.enqueue_indirect_dma source(%dma_start3A_1324 : memref<100000x1024xf32, #tpu.memory_space<hbm>>) target(%dma_start3A_1318 : memref<8x1024xf32, #tpu.memory_space<vmem>>) offsets(%dma_start3A_1321 : memref<8xi32, #tpu.memory_space<vmem>>) semaphore(%arg15 : memref<!tpu.dma_semaphore, #tpu.memory_space<semaphore_mem>>)
    %dma_wait3A_1325 = arith.constant 49 : i32
    %dma_wait3A_1326 = arith.constant 8 : i32
    %dma_wait3A_1327 = arith.constant 0 : i32
    %dma_wait3A_1328 = tpu.memref_slice %arg6[%dma_wait3A_1326, %dma_wait3A_1327] : memref<96x1024xf32, #tpu.memory_space<vmem>> -> memref<8x1024xf32, #tpu.memory_space<vmem>>
    %dma_wait3A_1329 = arith.constant 0 : i32
    %dma_wait3A_1330 = tpu.memref_slice %arg5[%dma_wait3A_1325, %dma_wait3A_1329] : memref<64x8xi32, #tpu.memory_space<vmem>> -> memref<1x8xi32, #tpu.memory_space<vmem>>
    %dma_wait3A_1331 = tpu.memref_squeeze %dma_wait3A_1330 : memref<1x8xi32, #tpu.memory_space<vmem>> -> memref<8xi32, #tpu.memory_space<vmem>>
    %dma_wait3A_1332 = arith.constant 0 : i32
    %dma_wait3A_1333 = arith.constant 0 : i32
    %dma_wait3A_1334 = tpu.memref_slice %arg3[%dma_wait3A_1332, %dma_wait3A_1333] : memref<100000x1024xf32, #tpu.memory_space<hbm>> -> memref<100000x1024xf32, #tpu.memory_space<hbm>>
    tpu.wait_indirect_dma semaphore(%arg8 : memref<!tpu.dma_semaphore, #tpu.memory_space<semaphore_mem>>) src(%dma_wait3A_1334 : memref<100000x1024xf32, #tpu.memory_space<hbm>>) dst(%dma_wait3A_1328 : memref<8x1024xf32, #tpu.memory_space<vmem>>)
    %dma_start3A_1335 = arith.constant 57 : i32
    %dma_start3A_1336 = arith.constant 72 : i32
    %dma_start3A_1337 = arith.constant 0 : i32
    %dma_start3A_1338 = tpu.memref_slice %arg6[%dma_start3A_1336, %dma_start3A_1337] : memref<96x1024xf32, #tpu.memory_space<vmem>> -> memref<8x1024xf32, #tpu.memory_space<vmem>>
    %dma_start3A_1339 = arith.constant 0 : i32
    %dma_start3A_1340 = tpu.memref_slice %arg5[%dma_start3A_1335, %dma_start3A_1339] : memref<64x8xi32, #tpu.memory_space<vmem>> -> memref<1x8xi32, #tpu.memory_space<vmem>>
    %dma_start3A_1341 = tpu.memref_squeeze %dma_start3A_1340 : memref<1x8xi32, #tpu.memory_space<vmem>> -> memref<8xi32, #tpu.memory_space<vmem>>
    %dma_start3A_1342 = arith.constant 0 : i32
    %dma_start3A_1343 = arith.constant 0 : i32
    %dma_start3A_1344 = tpu.memref_slice %arg3[%dma_start3A_1342, %dma_start3A_1343] : memref<100000x1024xf32, #tpu.memory_space<hbm>> -> memref<100000x1024xf32, #tpu.memory_space<hbm>>
    tpu.enqueue_indirect_dma source(%dma_start3A_1344 : memref<100000x1024xf32, #tpu.memory_space<hbm>>) target(%dma_start3A_1338 : memref<8x1024xf32, #tpu.memory_space<vmem>>) offsets(%dma_start3A_1341 : memref<8xi32, #tpu.memory_space<vmem>>) semaphore(%arg16 : memref<!tpu.dma_semaphore, #tpu.memory_space<semaphore_mem>>)
    %dma_wait3A_1345 = arith.constant 50 : i32
    %dma_wait3A_1346 = arith.constant 16 : i32
    %dma_wait3A_1347 = arith.constant 0 : i32
    %dma_wait3A_1348 = tpu.memref_slice %arg6[%dma_wait3A_1346, %dma_wait3A_1347] : memref<96x1024xf32, #tpu.memory_space<vmem>> -> memref<8x1024xf32, #tpu.memory_space<vmem>>
    %dma_wait3A_1349 = arith.constant 0 : i32
    %dma_wait3A_1350 = tpu.memref_slice %arg5[%dma_wait3A_1345, %dma_wait3A_1349] : memref<64x8xi32, #tpu.memory_space<vmem>> -> memref<1x8xi32, #tpu.memory_space<vmem>>
    %dma_wait3A_1351 = tpu.memref_squeeze %dma_wait3A_1350 : memref<1x8xi32, #tpu.memory_space<vmem>> -> memref<8xi32, #tpu.memory_space<vmem>>
    %dma_wait3A_1352 = arith.constant 0 : i32
    %dma_wait3A_1353 = arith.constant 0 : i32
    %dma_wait3A_1354 = tpu.memref_slice %arg3[%dma_wait3A_1352, %dma_wait3A_1353] : memref<100000x1024xf32, #tpu.memory_space<hbm>> -> memref<100000x1024xf32, #tpu.memory_space<hbm>>
    tpu.wait_indirect_dma semaphore(%arg9 : memref<!tpu.dma_semaphore, #tpu.memory_space<semaphore_mem>>) src(%dma_wait3A_1354 : memref<100000x1024xf32, #tpu.memory_space<hbm>>) dst(%dma_wait3A_1348 : memref<8x1024xf32, #tpu.memory_space<vmem>>)
    %dma_start3A_1355 = arith.constant 58 : i32
    %dma_start3A_1356 = arith.constant 80 : i32
    %dma_start3A_1357 = arith.constant 0 : i32
    %dma_start3A_1358 = tpu.memref_slice %arg6[%dma_start3A_1356, %dma_start3A_1357] : memref<96x1024xf32, #tpu.memory_space<vmem>> -> memref<8x1024xf32, #tpu.memory_space<vmem>>
    %dma_start3A_1359 = arith.constant 0 : i32
    %dma_start3A_1360 = tpu.memref_slice %arg5[%dma_start3A_1355, %dma_start3A_1359] : memref<64x8xi32, #tpu.memory_space<vmem>> -> memref<1x8xi32, #tpu.memory_space<vmem>>
    %dma_start3A_1361 = tpu.memref_squeeze %dma_start3A_1360 : memref<1x8xi32, #tpu.memory_space<vmem>> -> memref<8xi32, #tpu.memory_space<vmem>>
    %dma_start3A_1362 = arith.constant 0 : i32
    %dma_start3A_1363 = arith.constant 0 : i32
    %dma_start3A_1364 = tpu.memref_slice %arg3[%dma_start3A_1362, %dma_start3A_1363] : memref<100000x1024xf32, #tpu.memory_space<hbm>> -> memref<100000x1024xf32, #tpu.memory_space<hbm>>
    tpu.enqueue_indirect_dma source(%dma_start3A_1364 : memref<100000x1024xf32, #tpu.memory_space<hbm>>) target(%dma_start3A_1358 : memref<8x1024xf32, #tpu.memory_space<vmem>>) offsets(%dma_start3A_1361 : memref<8xi32, #tpu.memory_space<vmem>>) semaphore(%arg17 : memref<!tpu.dma_semaphore, #tpu.memory_space<semaphore_mem>>)
    %dma_wait3A_1365 = arith.constant 51 : i32
    %dma_wait3A_1366 = arith.constant 24 : i32
    %dma_wait3A_1367 = arith.constant 0 : i32
    %dma_wait3A_1368 = tpu.memref_slice %arg6[%dma_wait3A_1366, %dma_wait3A_1367] : memref<96x1024xf32, #tpu.memory_space<vmem>> -> memref<8x1024xf32, #tpu.memory_space<vmem>>
    %dma_wait3A_1369 = arith.constant 0 : i32
    %dma_wait3A_1370 = tpu.memref_slice %arg5[%dma_wait3A_1365, %dma_wait3A_1369] : memref<64x8xi32, #tpu.memory_space<vmem>> -> memref<1x8xi32, #tpu.memory_space<vmem>>
    %dma_wait3A_1371 = tpu.memref_squeeze %dma_wait3A_1370 : memref<1x8xi32, #tpu.memory_space<vmem>> -> memref<8xi32, #tpu.memory_space<vmem>>
    %dma_wait3A_1372 = arith.constant 0 : i32
    %dma_wait3A_1373 = arith.constant 0 : i32
    %dma_wait3A_1374 = tpu.memref_slice %arg3[%dma_wait3A_1372, %dma_wait3A_1373] : memref<100000x1024xf32, #tpu.memory_space<hbm>> -> memref<100000x1024xf32, #tpu.memory_space<hbm>>
    tpu.wait_indirect_dma semaphore(%arg10 : memref<!tpu.dma_semaphore, #tpu.memory_space<semaphore_mem>>) src(%dma_wait3A_1374 : memref<100000x1024xf32, #tpu.memory_space<hbm>>) dst(%dma_wait3A_1368 : memref<8x1024xf32, #tpu.memory_space<vmem>>)
    %add3A_1375 = arith.constant 384 : i32
    %add3A_1376 = arith.addi %mul3A_2, %add3A_1375 : i32
    %dma_start3A_1377 = arith.constant 0 : i32
    %dma_start3A_1378 = arith.constant 0 : i32
    %dma_start3A_1379 = tpu.memref_slice %arg6[%dma_start3A_1377, %dma_start3A_1378] : memref<96x1024xf32, #tpu.memory_space<vmem>> -> memref<32x1024xf32, #tpu.memory_space<vmem>>
    %dma_start3A_1380 = arith.constant 0 : i32
    %dma_start3A_1381 = tpu.memref_slice %arg4[%add3A_1376, %dma_start3A_1380] : memref<16384x1024xf32, #tpu.memory_space<hbm>> -> memref<32x1024xf32, #tpu.memory_space<hbm>>
    %dma_start3A_1382 = arith.constant 0 : i32
    %dma_start3A_1383 = tpu.memref_slice %arg4[%add3A_1376, %dma_start3A_1382] : memref<16384x1024xf32, #tpu.memory_space<hbm>> -> memref<32x1024xf32, #tpu.memory_space<hbm>>
    %dma_start3A_1384 = arith.constant 0 : i32
    %dma_start3A_1385 = arith.constant 0 : i32
    %dma_start3A_1386 = tpu.memref_slice %arg6[%dma_start3A_1384, %dma_start3A_1385] : memref<96x1024xf32, #tpu.memory_space<vmem>> -> memref<32x1024xf32, #tpu.memory_space<vmem>>
    tpu.enqueue_dma source(%dma_start3A_1386 : memref<32x1024xf32, #tpu.memory_space<vmem>>) target(%dma_start3A_1383 : memref<32x1024xf32, #tpu.memory_space<hbm>>) target_semaphore(%arg19 : memref<!tpu.dma_semaphore, #tpu.memory_space<semaphore_mem>>)
    %dma_start3A_1387 = arith.constant 59 : i32
    %dma_start3A_1388 = arith.constant 88 : i32
    %dma_start3A_1389 = arith.constant 0 : i32
    %dma_start3A_1390 = tpu.memref_slice %arg6[%dma_start3A_1388, %dma_start3A_1389] : memref<96x1024xf32, #tpu.memory_space<vmem>> -> memref<8x1024xf32, #tpu.memory_space<vmem>>
    %dma_start3A_1391 = arith.constant 0 : i32
    %dma_start3A_1392 = tpu.memref_slice %arg5[%dma_start3A_1387, %dma_start3A_1391] : memref<64x8xi32, #tpu.memory_space<vmem>> -> memref<1x8xi32, #tpu.memory_space<vmem>>
    %dma_start3A_1393 = tpu.memref_squeeze %dma_start3A_1392 : memref<1x8xi32, #tpu.memory_space<vmem>> -> memref<8xi32, #tpu.memory_space<vmem>>
    %dma_start3A_1394 = arith.constant 0 : i32
    %dma_start3A_1395 = arith.constant 0 : i32
    %dma_start3A_1396 = tpu.memref_slice %arg3[%dma_start3A_1394, %dma_start3A_1395] : memref<100000x1024xf32, #tpu.memory_space<hbm>> -> memref<100000x1024xf32, #tpu.memory_space<hbm>>
    tpu.enqueue_indirect_dma source(%dma_start3A_1396 : memref<100000x1024xf32, #tpu.memory_space<hbm>>) target(%dma_start3A_1390 : memref<8x1024xf32, #tpu.memory_space<vmem>>) offsets(%dma_start3A_1393 : memref<8xi32, #tpu.memory_space<vmem>>) semaphore(%arg18 : memref<!tpu.dma_semaphore, #tpu.memory_space<semaphore_mem>>)
    %dma_wait3A_1397 = arith.constant 52 : i32
    %dma_wait3A_1398 = arith.constant 32 : i32
    %dma_wait3A_1399 = arith.constant 0 : i32
    %dma_wait3A_1400 = tpu.memref_slice %arg6[%dma_wait3A_1398, %dma_wait3A_1399] : memref<96x1024xf32, #tpu.memory_space<vmem>> -> memref<8x1024xf32, #tpu.memory_space<vmem>>
    %dma_wait3A_1401 = arith.constant 0 : i32
    %dma_wait3A_1402 = tpu.memref_slice %arg5[%dma_wait3A_1397, %dma_wait3A_1401] : memref<64x8xi32, #tpu.memory_space<vmem>> -> memref<1x8xi32, #tpu.memory_space<vmem>>
    %dma_wait3A_1403 = tpu.memref_squeeze %dma_wait3A_1402 : memref<1x8xi32, #tpu.memory_space<vmem>> -> memref<8xi32, #tpu.memory_space<vmem>>
    %dma_wait3A_1404 = arith.constant 0 : i32
    %dma_wait3A_1405 = arith.constant 0 : i32
    %dma_wait3A_1406 = tpu.memref_slice %arg3[%dma_wait3A_1404, %dma_wait3A_1405] : memref<100000x1024xf32, #tpu.memory_space<hbm>> -> memref<100000x1024xf32, #tpu.memory_space<hbm>>
    tpu.wait_indirect_dma semaphore(%arg11 : memref<!tpu.dma_semaphore, #tpu.memory_space<semaphore_mem>>) src(%dma_wait3A_1406 : memref<100000x1024xf32, #tpu.memory_space<hbm>>) dst(%dma_wait3A_1400 : memref<8x1024xf32, #tpu.memory_space<vmem>>)
    %dma_wait3A_1407 = arith.constant 0 : i32
    %dma_wait3A_1408 = arith.constant 0 : i32
    %dma_wait3A_1409 = tpu.memref_slice %arg6[%dma_wait3A_1407, %dma_wait3A_1408] : memref<96x1024xf32, #tpu.memory_space<vmem>> -> memref<32x1024xf32, #tpu.memory_space<vmem>>
    %dma_wait3A_1410 = arith.constant 0 : i32
    %dma_wait3A_1411 = tpu.memref_slice %arg4[%add3A_1376, %dma_wait3A_1410] : memref<16384x1024xf32, #tpu.memory_space<hbm>> -> memref<32x1024xf32, #tpu.memory_space<hbm>>
    %dma_wait3A_1412 = arith.constant 0 : i32
    %dma_wait3A_1413 = tpu.memref_slice %arg4[%add3A_1376, %dma_wait3A_1412] : memref<16384x1024xf32, #tpu.memory_space<hbm>> -> memref<32x1024xf32, #tpu.memory_space<hbm>>
    %dma_wait3A_1414 = arith.constant 0 : i32
    %dma_wait3A_1415 = arith.constant 0 : i32
    %dma_wait3A_1416 = tpu.memref_slice %arg6[%dma_wait3A_1414, %dma_wait3A_1415] : memref<96x1024xf32, #tpu.memory_space<vmem>> -> memref<32x1024xf32, #tpu.memory_space<vmem>>
    tpu.wait_dma2 semaphore(%arg19 : memref<!tpu.dma_semaphore, #tpu.memory_space<semaphore_mem>>) src(%dma_wait3A_1416 : memref<32x1024xf32, #tpu.memory_space<vmem>>) dst(%dma_wait3A_1413 : memref<32x1024xf32, #tpu.memory_space<hbm>>)
    %dma_start3A_1417 = arith.constant 60 : i32
    %dma_start3A_1418 = arith.constant 0 : i32
    %dma_start3A_1419 = arith.constant 0 : i32
    %dma_start3A_1420 = tpu.memref_slice %arg6[%dma_start3A_1418, %dma_start3A_1419] : memref<96x1024xf32, #tpu.memory_space<vmem>> -> memref<8x1024xf32, #tpu.memory_space<vmem>>
    %dma_start3A_1421 = arith.constant 0 : i32
    %dma_start3A_1422 = tpu.memref_slice %arg5[%dma_start3A_1417, %dma_start3A_1421] : memref<64x8xi32, #tpu.memory_space<vmem>> -> memref<1x8xi32, #tpu.memory_space<vmem>>
    %dma_start3A_1423 = tpu.memref_squeeze %dma_start3A_1422 : memref<1x8xi32, #tpu.memory_space<vmem>> -> memref<8xi32, #tpu.memory_space<vmem>>
    %dma_start3A_1424 = arith.constant 0 : i32
    %dma_start3A_1425 = arith.constant 0 : i32
    %dma_start3A_1426 = tpu.memref_slice %arg3[%dma_start3A_1424, %dma_start3A_1425] : memref<100000x1024xf32, #tpu.memory_space<hbm>> -> memref<100000x1024xf32, #tpu.memory_space<hbm>>
    tpu.enqueue_indirect_dma source(%dma_start3A_1426 : memref<100000x1024xf32, #tpu.memory_space<hbm>>) target(%dma_start3A_1420 : memref<8x1024xf32, #tpu.memory_space<vmem>>) offsets(%dma_start3A_1423 : memref<8xi32, #tpu.memory_space<vmem>>) semaphore(%arg7 : memref<!tpu.dma_semaphore, #tpu.memory_space<semaphore_mem>>)
    %dma_wait3A_1427 = arith.constant 53 : i32
    %dma_wait3A_1428 = arith.constant 40 : i32
    %dma_wait3A_1429 = arith.constant 0 : i32
    %dma_wait3A_1430 = tpu.memref_slice %arg6[%dma_wait3A_1428, %dma_wait3A_1429] : memref<96x1024xf32, #tpu.memory_space<vmem>> -> memref<8x1024xf32, #tpu.memory_space<vmem>>
    %dma_wait3A_1431 = arith.constant 0 : i32
    %dma_wait3A_1432 = tpu.memref_slice %arg5[%dma_wait3A_1427, %dma_wait3A_1431] : memref<64x8xi32, #tpu.memory_space<vmem>> -> memref<1x8xi32, #tpu.memory_space<vmem>>
    %dma_wait3A_1433 = tpu.memref_squeeze %dma_wait3A_1432 : memref<1x8xi32, #tpu.memory_space<vmem>> -> memref<8xi32, #tpu.memory_space<vmem>>
    %dma_wait3A_1434 = arith.constant 0 : i32
    %dma_wait3A_1435 = arith.constant 0 : i32
    %dma_wait3A_1436 = tpu.memref_slice %arg3[%dma_wait3A_1434, %dma_wait3A_1435] : memref<100000x1024xf32, #tpu.memory_space<hbm>> -> memref<100000x1024xf32, #tpu.memory_space<hbm>>
    tpu.wait_indirect_dma semaphore(%arg12 : memref<!tpu.dma_semaphore, #tpu.memory_space<semaphore_mem>>) src(%dma_wait3A_1436 : memref<100000x1024xf32, #tpu.memory_space<hbm>>) dst(%dma_wait3A_1430 : memref<8x1024xf32, #tpu.memory_space<vmem>>)
    %dma_start3A_1437 = arith.constant 61 : i32
    %dma_start3A_1438 = arith.constant 8 : i32
    %dma_start3A_1439 = arith.constant 0 : i32
    %dma_start3A_1440 = tpu.memref_slice %arg6[%dma_start3A_1438, %dma_start3A_1439] : memref<96x1024xf32, #tpu.memory_space<vmem>> -> memref<8x1024xf32, #tpu.memory_space<vmem>>
    %dma_start3A_1441 = arith.constant 0 : i32
    %dma_start3A_1442 = tpu.memref_slice %arg5[%dma_start3A_1437, %dma_start3A_1441] : memref<64x8xi32, #tpu.memory_space<vmem>> -> memref<1x8xi32, #tpu.memory_space<vmem>>
    %dma_start3A_1443 = tpu.memref_squeeze %dma_start3A_1442 : memref<1x8xi32, #tpu.memory_space<vmem>> -> memref<8xi32, #tpu.memory_space<vmem>>
    %dma_start3A_1444 = arith.constant 0 : i32
    %dma_start3A_1445 = arith.constant 0 : i32
    %dma_start3A_1446 = tpu.memref_slice %arg3[%dma_start3A_1444, %dma_start3A_1445] : memref<100000x1024xf32, #tpu.memory_space<hbm>> -> memref<100000x1024xf32, #tpu.memory_space<hbm>>
    tpu.enqueue_indirect_dma source(%dma_start3A_1446 : memref<100000x1024xf32, #tpu.memory_space<hbm>>) target(%dma_start3A_1440 : memref<8x1024xf32, #tpu.memory_space<vmem>>) offsets(%dma_start3A_1443 : memref<8xi32, #tpu.memory_space<vmem>>) semaphore(%arg8 : memref<!tpu.dma_semaphore, #tpu.memory_space<semaphore_mem>>)
    %dma_wait3A_1447 = arith.constant 54 : i32
    %dma_wait3A_1448 = arith.constant 48 : i32
    %dma_wait3A_1449 = arith.constant 0 : i32
    %dma_wait3A_1450 = tpu.memref_slice %arg6[%dma_wait3A_1448, %dma_wait3A_1449] : memref<96x1024xf32, #tpu.memory_space<vmem>> -> memref<8x1024xf32, #tpu.memory_space<vmem>>
    %dma_wait3A_1451 = arith.constant 0 : i32
    %dma_wait3A_1452 = tpu.memref_slice %arg5[%dma_wait3A_1447, %dma_wait3A_1451] : memref<64x8xi32, #tpu.memory_space<vmem>> -> memref<1x8xi32, #tpu.memory_space<vmem>>
    %dma_wait3A_1453 = tpu.memref_squeeze %dma_wait3A_1452 : memref<1x8xi32, #tpu.memory_space<vmem>> -> memref<8xi32, #tpu.memory_space<vmem>>
    %dma_wait3A_1454 = arith.constant 0 : i32
    %dma_wait3A_1455 = arith.constant 0 : i32
    %dma_wait3A_1456 = tpu.memref_slice %arg3[%dma_wait3A_1454, %dma_wait3A_1455] : memref<100000x1024xf32, #tpu.memory_space<hbm>> -> memref<100000x1024xf32, #tpu.memory_space<hbm>>
    tpu.wait_indirect_dma semaphore(%arg13 : memref<!tpu.dma_semaphore, #tpu.memory_space<semaphore_mem>>) src(%dma_wait3A_1456 : memref<100000x1024xf32, #tpu.memory_space<hbm>>) dst(%dma_wait3A_1450 : memref<8x1024xf32, #tpu.memory_space<vmem>>)
    %dma_start3A_1457 = arith.constant 62 : i32
    %dma_start3A_1458 = arith.constant 16 : i32
    %dma_start3A_1459 = arith.constant 0 : i32
    %dma_start3A_1460 = tpu.memref_slice %arg6[%dma_start3A_1458, %dma_start3A_1459] : memref<96x1024xf32, #tpu.memory_space<vmem>> -> memref<8x1024xf32, #tpu.memory_space<vmem>>
    %dma_start3A_1461 = arith.constant 0 : i32
    %dma_start3A_1462 = tpu.memref_slice %arg5[%dma_start3A_1457, %dma_start3A_1461] : memref<64x8xi32, #tpu.memory_space<vmem>> -> memref<1x8xi32, #tpu.memory_space<vmem>>
    %dma_start3A_1463 = tpu.memref_squeeze %dma_start3A_1462 : memref<1x8xi32, #tpu.memory_space<vmem>> -> memref<8xi32, #tpu.memory_space<vmem>>
    %dma_start3A_1464 = arith.constant 0 : i32
    %dma_start3A_1465 = arith.constant 0 : i32
    %dma_start3A_1466 = tpu.memref_slice %arg3[%dma_start3A_1464, %dma_start3A_1465] : memref<100000x1024xf32, #tpu.memory_space<hbm>> -> memref<100000x1024xf32, #tpu.memory_space<hbm>>
    tpu.enqueue_indirect_dma source(%dma_start3A_1466 : memref<100000x1024xf32, #tpu.memory_space<hbm>>) target(%dma_start3A_1460 : memref<8x1024xf32, #tpu.memory_space<vmem>>) offsets(%dma_start3A_1463 : memref<8xi32, #tpu.memory_space<vmem>>) semaphore(%arg9 : memref<!tpu.dma_semaphore, #tpu.memory_space<semaphore_mem>>)
    %dma_wait3A_1467 = arith.constant 55 : i32
    %dma_wait3A_1468 = arith.constant 56 : i32
    %dma_wait3A_1469 = arith.constant 0 : i32
    %dma_wait3A_1470 = tpu.memref_slice %arg6[%dma_wait3A_1468, %dma_wait3A_1469] : memref<96x1024xf32, #tpu.memory_space<vmem>> -> memref<8x1024xf32, #tpu.memory_space<vmem>>
    %dma_wait3A_1471 = arith.constant 0 : i32
    %dma_wait3A_1472 = tpu.memref_slice %arg5[%dma_wait3A_1467, %dma_wait3A_1471] : memref<64x8xi32, #tpu.memory_space<vmem>> -> memref<1x8xi32, #tpu.memory_space<vmem>>
    %dma_wait3A_1473 = tpu.memref_squeeze %dma_wait3A_1472 : memref<1x8xi32, #tpu.memory_space<vmem>> -> memref<8xi32, #tpu.memory_space<vmem>>
    %dma_wait3A_1474 = arith.constant 0 : i32
    %dma_wait3A_1475 = arith.constant 0 : i32
    %dma_wait3A_1476 = tpu.memref_slice %arg3[%dma_wait3A_1474, %dma_wait3A_1475] : memref<100000x1024xf32, #tpu.memory_space<hbm>> -> memref<100000x1024xf32, #tpu.memory_space<hbm>>
    tpu.wait_indirect_dma semaphore(%arg14 : memref<!tpu.dma_semaphore, #tpu.memory_space<semaphore_mem>>) src(%dma_wait3A_1476 : memref<100000x1024xf32, #tpu.memory_space<hbm>>) dst(%dma_wait3A_1470 : memref<8x1024xf32, #tpu.memory_space<vmem>>)
    %add3A_1477 = arith.constant 416 : i32
    %add3A_1478 = arith.addi %mul3A_2, %add3A_1477 : i32
    %dma_start3A_1479 = arith.constant 32 : i32
    %dma_start3A_1480 = arith.constant 0 : i32
    %dma_start3A_1481 = tpu.memref_slice %arg6[%dma_start3A_1479, %dma_start3A_1480] : memref<96x1024xf32, #tpu.memory_space<vmem>> -> memref<32x1024xf32, #tpu.memory_space<vmem>>
    %dma_start3A_1482 = arith.constant 0 : i32
    %dma_start3A_1483 = tpu.memref_slice %arg4[%add3A_1478, %dma_start3A_1482] : memref<16384x1024xf32, #tpu.memory_space<hbm>> -> memref<32x1024xf32, #tpu.memory_space<hbm>>
    %dma_start3A_1484 = arith.constant 0 : i32
    %dma_start3A_1485 = tpu.memref_slice %arg4[%add3A_1478, %dma_start3A_1484] : memref<16384x1024xf32, #tpu.memory_space<hbm>> -> memref<32x1024xf32, #tpu.memory_space<hbm>>
    %dma_start3A_1486 = arith.constant 32 : i32
    %dma_start3A_1487 = arith.constant 0 : i32
    %dma_start3A_1488 = tpu.memref_slice %arg6[%dma_start3A_1486, %dma_start3A_1487] : memref<96x1024xf32, #tpu.memory_space<vmem>> -> memref<32x1024xf32, #tpu.memory_space<vmem>>
    tpu.enqueue_dma source(%dma_start3A_1488 : memref<32x1024xf32, #tpu.memory_space<vmem>>) target(%dma_start3A_1485 : memref<32x1024xf32, #tpu.memory_space<hbm>>) target_semaphore(%arg20 : memref<!tpu.dma_semaphore, #tpu.memory_space<semaphore_mem>>)
    %dma_start3A_1489 = arith.constant 63 : i32
    %dma_start3A_1490 = arith.constant 24 : i32
    %dma_start3A_1491 = arith.constant 0 : i32
    %dma_start3A_1492 = tpu.memref_slice %arg6[%dma_start3A_1490, %dma_start3A_1491] : memref<96x1024xf32, #tpu.memory_space<vmem>> -> memref<8x1024xf32, #tpu.memory_space<vmem>>
    %dma_start3A_1493 = arith.constant 0 : i32
    %dma_start3A_1494 = tpu.memref_slice %arg5[%dma_start3A_1489, %dma_start3A_1493] : memref<64x8xi32, #tpu.memory_space<vmem>> -> memref<1x8xi32, #tpu.memory_space<vmem>>
    %dma_start3A_1495 = tpu.memref_squeeze %dma_start3A_1494 : memref<1x8xi32, #tpu.memory_space<vmem>> -> memref<8xi32, #tpu.memory_space<vmem>>
    %dma_start3A_1496 = arith.constant 0 : i32
    %dma_start3A_1497 = arith.constant 0 : i32
    %dma_start3A_1498 = tpu.memref_slice %arg3[%dma_start3A_1496, %dma_start3A_1497] : memref<100000x1024xf32, #tpu.memory_space<hbm>> -> memref<100000x1024xf32, #tpu.memory_space<hbm>>
    tpu.enqueue_indirect_dma source(%dma_start3A_1498 : memref<100000x1024xf32, #tpu.memory_space<hbm>>) target(%dma_start3A_1492 : memref<8x1024xf32, #tpu.memory_space<vmem>>) offsets(%dma_start3A_1495 : memref<8xi32, #tpu.memory_space<vmem>>) semaphore(%arg10 : memref<!tpu.dma_semaphore, #tpu.memory_space<semaphore_mem>>)
    %dma_wait3A_1499 = arith.constant 56 : i32
    %dma_wait3A_1500 = arith.constant 64 : i32
    %dma_wait3A_1501 = arith.constant 0 : i32
    %dma_wait3A_1502 = tpu.memref_slice %arg6[%dma_wait3A_1500, %dma_wait3A_1501] : memref<96x1024xf32, #tpu.memory_space<vmem>> -> memref<8x1024xf32, #tpu.memory_space<vmem>>
    %dma_wait3A_1503 = arith.constant 0 : i32
    %dma_wait3A_1504 = tpu.memref_slice %arg5[%dma_wait3A_1499, %dma_wait3A_1503] : memref<64x8xi32, #tpu.memory_space<vmem>> -> memref<1x8xi32, #tpu.memory_space<vmem>>
    %dma_wait3A_1505 = tpu.memref_squeeze %dma_wait3A_1504 : memref<1x8xi32, #tpu.memory_space<vmem>> -> memref<8xi32, #tpu.memory_space<vmem>>
    %dma_wait3A_1506 = arith.constant 0 : i32
    %dma_wait3A_1507 = arith.constant 0 : i32
    %dma_wait3A_1508 = tpu.memref_slice %arg3[%dma_wait3A_1506, %dma_wait3A_1507] : memref<100000x1024xf32, #tpu.memory_space<hbm>> -> memref<100000x1024xf32, #tpu.memory_space<hbm>>
    tpu.wait_indirect_dma semaphore(%arg15 : memref<!tpu.dma_semaphore, #tpu.memory_space<semaphore_mem>>) src(%dma_wait3A_1508 : memref<100000x1024xf32, #tpu.memory_space<hbm>>) dst(%dma_wait3A_1502 : memref<8x1024xf32, #tpu.memory_space<vmem>>)
    %dma_wait3A_1509 = arith.constant 57 : i32
    %dma_wait3A_1510 = arith.constant 72 : i32
    %dma_wait3A_1511 = arith.constant 0 : i32
    %dma_wait3A_1512 = tpu.memref_slice %arg6[%dma_wait3A_1510, %dma_wait3A_1511] : memref<96x1024xf32, #tpu.memory_space<vmem>> -> memref<8x1024xf32, #tpu.memory_space<vmem>>
    %dma_wait3A_1513 = arith.constant 0 : i32
    %dma_wait3A_1514 = tpu.memref_slice %arg5[%dma_wait3A_1509, %dma_wait3A_1513] : memref<64x8xi32, #tpu.memory_space<vmem>> -> memref<1x8xi32, #tpu.memory_space<vmem>>
    %dma_wait3A_1515 = tpu.memref_squeeze %dma_wait3A_1514 : memref<1x8xi32, #tpu.memory_space<vmem>> -> memref<8xi32, #tpu.memory_space<vmem>>
    %dma_wait3A_1516 = arith.constant 0 : i32
    %dma_wait3A_1517 = arith.constant 0 : i32
    %dma_wait3A_1518 = tpu.memref_slice %arg3[%dma_wait3A_1516, %dma_wait3A_1517] : memref<100000x1024xf32, #tpu.memory_space<hbm>> -> memref<100000x1024xf32, #tpu.memory_space<hbm>>
    tpu.wait_indirect_dma semaphore(%arg16 : memref<!tpu.dma_semaphore, #tpu.memory_space<semaphore_mem>>) src(%dma_wait3A_1518 : memref<100000x1024xf32, #tpu.memory_space<hbm>>) dst(%dma_wait3A_1512 : memref<8x1024xf32, #tpu.memory_space<vmem>>)
    %dma_wait3A_1519 = arith.constant 58 : i32
    %dma_wait3A_1520 = arith.constant 80 : i32
    %dma_wait3A_1521 = arith.constant 0 : i32
    %dma_wait3A_1522 = tpu.memref_slice %arg6[%dma_wait3A_1520, %dma_wait3A_1521] : memref<96x1024xf32, #tpu.memory_space<vmem>> -> memref<8x1024xf32, #tpu.memory_space<vmem>>
    %dma_wait3A_1523 = arith.constant 0 : i32
    %dma_wait3A_1524 = tpu.memref_slice %arg5[%dma_wait3A_1519, %dma_wait3A_1523] : memref<64x8xi32, #tpu.memory_space<vmem>> -> memref<1x8xi32, #tpu.memory_space<vmem>>
    %dma_wait3A_1525 = tpu.memref_squeeze %dma_wait3A_1524 : memref<1x8xi32, #tpu.memory_space<vmem>> -> memref<8xi32, #tpu.memory_space<vmem>>
    %dma_wait3A_1526 = arith.constant 0 : i32
    %dma_wait3A_1527 = arith.constant 0 : i32
    %dma_wait3A_1528 = tpu.memref_slice %arg3[%dma_wait3A_1526, %dma_wait3A_1527] : memref<100000x1024xf32, #tpu.memory_space<hbm>> -> memref<100000x1024xf32, #tpu.memory_space<hbm>>
    tpu.wait_indirect_dma semaphore(%arg17 : memref<!tpu.dma_semaphore, #tpu.memory_space<semaphore_mem>>) src(%dma_wait3A_1528 : memref<100000x1024xf32, #tpu.memory_space<hbm>>) dst(%dma_wait3A_1522 : memref<8x1024xf32, #tpu.memory_space<vmem>>)
    %dma_wait3A_1529 = arith.constant 59 : i32
    %dma_wait3A_1530 = arith.constant 88 : i32
    %dma_wait3A_1531 = arith.constant 0 : i32
    %dma_wait3A_1532 = tpu.memref_slice %arg6[%dma_wait3A_1530, %dma_wait3A_1531] : memref<96x1024xf32, #tpu.memory_space<vmem>> -> memref<8x1024xf32, #tpu.memory_space<vmem>>
    %dma_wait3A_1533 = arith.constant 0 : i32
    %dma_wait3A_1534 = tpu.memref_slice %arg5[%dma_wait3A_1529, %dma_wait3A_1533] : memref<64x8xi32, #tpu.memory_space<vmem>> -> memref<1x8xi32, #tpu.memory_space<vmem>>
    %dma_wait3A_1535 = tpu.memref_squeeze %dma_wait3A_1534 : memref<1x8xi32, #tpu.memory_space<vmem>> -> memref<8xi32, #tpu.memory_space<vmem>>
    %dma_wait3A_1536 = arith.constant 0 : i32
    %dma_wait3A_1537 = arith.constant 0 : i32
    %dma_wait3A_1538 = tpu.memref_slice %arg3[%dma_wait3A_1536, %dma_wait3A_1537] : memref<100000x1024xf32, #tpu.memory_space<hbm>> -> memref<100000x1024xf32, #tpu.memory_space<hbm>>
    tpu.wait_indirect_dma semaphore(%arg18 : memref<!tpu.dma_semaphore, #tpu.memory_space<semaphore_mem>>) src(%dma_wait3A_1538 : memref<100000x1024xf32, #tpu.memory_space<hbm>>) dst(%dma_wait3A_1532 : memref<8x1024xf32, #tpu.memory_space<vmem>>)
    %add3A_1539 = arith.constant 448 : i32
    %add3A_1540 = arith.addi %mul3A_2, %add3A_1539 : i32
    %dma_start3A_1541 = arith.constant 64 : i32
    %dma_start3A_1542 = arith.constant 0 : i32
    %dma_start3A_1543 = tpu.memref_slice %arg6[%dma_start3A_1541, %dma_start3A_1542] : memref<96x1024xf32, #tpu.memory_space<vmem>> -> memref<32x1024xf32, #tpu.memory_space<vmem>>
    %dma_start3A_1544 = arith.constant 0 : i32
    %dma_start3A_1545 = tpu.memref_slice %arg4[%add3A_1540, %dma_start3A_1544] : memref<16384x1024xf32, #tpu.memory_space<hbm>> -> memref<32x1024xf32, #tpu.memory_space<hbm>>
    %dma_start3A_1546 = arith.constant 0 : i32
    %dma_start3A_1547 = tpu.memref_slice %arg4[%add3A_1540, %dma_start3A_1546] : memref<16384x1024xf32, #tpu.memory_space<hbm>> -> memref<32x1024xf32, #tpu.memory_space<hbm>>
    %dma_start3A_1548 = arith.constant 64 : i32
    %dma_start3A_1549 = arith.constant 0 : i32
    %dma_start3A_1550 = tpu.memref_slice %arg6[%dma_start3A_1548, %dma_start3A_1549] : memref<96x1024xf32, #tpu.memory_space<vmem>> -> memref<32x1024xf32, #tpu.memory_space<vmem>>
    tpu.enqueue_dma source(%dma_start3A_1550 : memref<32x1024xf32, #tpu.memory_space<vmem>>) target(%dma_start3A_1547 : memref<32x1024xf32, #tpu.memory_space<hbm>>) target_semaphore(%arg21 : memref<!tpu.dma_semaphore, #tpu.memory_space<semaphore_mem>>)
    %dma_wait3A_1551 = arith.constant 60 : i32
    %dma_wait3A_1552 = arith.constant 0 : i32
    %dma_wait3A_1553 = arith.constant 0 : i32
    %dma_wait3A_1554 = tpu.memref_slice %arg6[%dma_wait3A_1552, %dma_wait3A_1553] : memref<96x1024xf32, #tpu.memory_space<vmem>> -> memref<8x1024xf32, #tpu.memory_space<vmem>>
    %dma_wait3A_1555 = arith.constant 0 : i32
    %dma_wait3A_1556 = tpu.memref_slice %arg5[%dma_wait3A_1551, %dma_wait3A_1555] : memref<64x8xi32, #tpu.memory_space<vmem>> -> memref<1x8xi32, #tpu.memory_space<vmem>>
    %dma_wait3A_1557 = tpu.memref_squeeze %dma_wait3A_1556 : memref<1x8xi32, #tpu.memory_space<vmem>> -> memref<8xi32, #tpu.memory_space<vmem>>
    %dma_wait3A_1558 = arith.constant 0 : i32
    %dma_wait3A_1559 = arith.constant 0 : i32
    %dma_wait3A_1560 = tpu.memref_slice %arg3[%dma_wait3A_1558, %dma_wait3A_1559] : memref<100000x1024xf32, #tpu.memory_space<hbm>> -> memref<100000x1024xf32, #tpu.memory_space<hbm>>
    tpu.wait_indirect_dma semaphore(%arg7 : memref<!tpu.dma_semaphore, #tpu.memory_space<semaphore_mem>>) src(%dma_wait3A_1560 : memref<100000x1024xf32, #tpu.memory_space<hbm>>) dst(%dma_wait3A_1554 : memref<8x1024xf32, #tpu.memory_space<vmem>>)
    %dma_wait3A_1561 = arith.constant 61 : i32
    %dma_wait3A_1562 = arith.constant 8 : i32
    %dma_wait3A_1563 = arith.constant 0 : i32
    %dma_wait3A_1564 = tpu.memref_slice %arg6[%dma_wait3A_1562, %dma_wait3A_1563] : memref<96x1024xf32, #tpu.memory_space<vmem>> -> memref<8x1024xf32, #tpu.memory_space<vmem>>
    %dma_wait3A_1565 = arith.constant 0 : i32
    %dma_wait3A_1566 = tpu.memref_slice %arg5[%dma_wait3A_1561, %dma_wait3A_1565] : memref<64x8xi32, #tpu.memory_space<vmem>> -> memref<1x8xi32, #tpu.memory_space<vmem>>
    %dma_wait3A_1567 = tpu.memref_squeeze %dma_wait3A_1566 : memref<1x8xi32, #tpu.memory_space<vmem>> -> memref<8xi32, #tpu.memory_space<vmem>>
    %dma_wait3A_1568 = arith.constant 0 : i32
    %dma_wait3A_1569 = arith.constant 0 : i32
    %dma_wait3A_1570 = tpu.memref_slice %arg3[%dma_wait3A_1568, %dma_wait3A_1569] : memref<100000x1024xf32, #tpu.memory_space<hbm>> -> memref<100000x1024xf32, #tpu.memory_space<hbm>>
    tpu.wait_indirect_dma semaphore(%arg8 : memref<!tpu.dma_semaphore, #tpu.memory_space<semaphore_mem>>) src(%dma_wait3A_1570 : memref<100000x1024xf32, #tpu.memory_space<hbm>>) dst(%dma_wait3A_1564 : memref<8x1024xf32, #tpu.memory_space<vmem>>)
    %dma_wait3A_1571 = arith.constant 62 : i32
    %dma_wait3A_1572 = arith.constant 16 : i32
    %dma_wait3A_1573 = arith.constant 0 : i32
    %dma_wait3A_1574 = tpu.memref_slice %arg6[%dma_wait3A_1572, %dma_wait3A_1573] : memref<96x1024xf32, #tpu.memory_space<vmem>> -> memref<8x1024xf32, #tpu.memory_space<vmem>>
    %dma_wait3A_1575 = arith.constant 0 : i32
    %dma_wait3A_1576 = tpu.memref_slice %arg5[%dma_wait3A_1571, %dma_wait3A_1575] : memref<64x8xi32, #tpu.memory_space<vmem>> -> memref<1x8xi32, #tpu.memory_space<vmem>>
    %dma_wait3A_1577 = tpu.memref_squeeze %dma_wait3A_1576 : memref<1x8xi32, #tpu.memory_space<vmem>> -> memref<8xi32, #tpu.memory_space<vmem>>
    %dma_wait3A_1578 = arith.constant 0 : i32
    %dma_wait3A_1579 = arith.constant 0 : i32
    %dma_wait3A_1580 = tpu.memref_slice %arg3[%dma_wait3A_1578, %dma_wait3A_1579] : memref<100000x1024xf32, #tpu.memory_space<hbm>> -> memref<100000x1024xf32, #tpu.memory_space<hbm>>
    tpu.wait_indirect_dma semaphore(%arg9 : memref<!tpu.dma_semaphore, #tpu.memory_space<semaphore_mem>>) src(%dma_wait3A_1580 : memref<100000x1024xf32, #tpu.memory_space<hbm>>) dst(%dma_wait3A_1574 : memref<8x1024xf32, #tpu.memory_space<vmem>>)
    %dma_wait3A_1581 = arith.constant 63 : i32
    %dma_wait3A_1582 = arith.constant 24 : i32
    %dma_wait3A_1583 = arith.constant 0 : i32
    %dma_wait3A_1584 = tpu.memref_slice %arg6[%dma_wait3A_1582, %dma_wait3A_1583] : memref<96x1024xf32, #tpu.memory_space<vmem>> -> memref<8x1024xf32, #tpu.memory_space<vmem>>
    %dma_wait3A_1585 = arith.constant 0 : i32
    %dma_wait3A_1586 = tpu.memref_slice %arg5[%dma_wait3A_1581, %dma_wait3A_1585] : memref<64x8xi32, #tpu.memory_space<vmem>> -> memref<1x8xi32, #tpu.memory_space<vmem>>
    %dma_wait3A_1587 = tpu.memref_squeeze %dma_wait3A_1586 : memref<1x8xi32, #tpu.memory_space<vmem>> -> memref<8xi32, #tpu.memory_space<vmem>>
    %dma_wait3A_1588 = arith.constant 0 : i32
    %dma_wait3A_1589 = arith.constant 0 : i32
    %dma_wait3A_1590 = tpu.memref_slice %arg3[%dma_wait3A_1588, %dma_wait3A_1589] : memref<100000x1024xf32, #tpu.memory_space<hbm>> -> memref<100000x1024xf32, #tpu.memory_space<hbm>>
    tpu.wait_indirect_dma semaphore(%arg10 : memref<!tpu.dma_semaphore, #tpu.memory_space<semaphore_mem>>) src(%dma_wait3A_1590 : memref<100000x1024xf32, #tpu.memory_space<hbm>>) dst(%dma_wait3A_1584 : memref<8x1024xf32, #tpu.memory_space<vmem>>)
    %add3A_1591 = arith.constant 480 : i32
    %add3A_1592 = arith.addi %mul3A_2, %add3A_1591 : i32
    %dma_start3A_1593 = arith.constant 0 : i32
    %dma_start3A_1594 = arith.constant 0 : i32
    %dma_start3A_1595 = tpu.memref_slice %arg6[%dma_start3A_1593, %dma_start3A_1594] : memref<96x1024xf32, #tpu.memory_space<vmem>> -> memref<32x1024xf32, #tpu.memory_space<vmem>>
    %dma_start3A_1596 = arith.constant 0 : i32
    %dma_start3A_1597 = tpu.memref_slice %arg4[%add3A_1592, %dma_start3A_1596] : memref<16384x1024xf32, #tpu.memory_space<hbm>> -> memref<32x1024xf32, #tpu.memory_space<hbm>>
    %dma_start3A_1598 = arith.constant 0 : i32
    %dma_start3A_1599 = tpu.memref_slice %arg4[%add3A_1592, %dma_start3A_1598] : memref<16384x1024xf32, #tpu.memory_space<hbm>> -> memref<32x1024xf32, #tpu.memory_space<hbm>>
    %dma_start3A_1600 = arith.constant 0 : i32
    %dma_start3A_1601 = arith.constant 0 : i32
    %dma_start3A_1602 = tpu.memref_slice %arg6[%dma_start3A_1600, %dma_start3A_1601] : memref<96x1024xf32, #tpu.memory_space<vmem>> -> memref<32x1024xf32, #tpu.memory_space<vmem>>
    tpu.enqueue_dma source(%dma_start3A_1602 : memref<32x1024xf32, #tpu.memory_space<vmem>>) target(%dma_start3A_1599 : memref<32x1024xf32, #tpu.memory_space<hbm>>) target_semaphore(%arg19 : memref<!tpu.dma_semaphore, #tpu.memory_space<semaphore_mem>>)
    %dma_wait3A_1603 = arith.constant 32 : i32
    %dma_wait3A_1604 = arith.constant 0 : i32
    %dma_wait3A_1605 = tpu.memref_slice %arg6[%dma_wait3A_1603, %dma_wait3A_1604] : memref<96x1024xf32, #tpu.memory_space<vmem>> -> memref<32x1024xf32, #tpu.memory_space<vmem>>
    %dma_wait3A_1606 = arith.constant 0 : i32
    %dma_wait3A_1607 = tpu.memref_slice %arg4[%add3A_1478, %dma_wait3A_1606] : memref<16384x1024xf32, #tpu.memory_space<hbm>> -> memref<32x1024xf32, #tpu.memory_space<hbm>>
    %dma_wait3A_1608 = arith.constant 0 : i32
    %dma_wait3A_1609 = tpu.memref_slice %arg4[%add3A_1478, %dma_wait3A_1608] : memref<16384x1024xf32, #tpu.memory_space<hbm>> -> memref<32x1024xf32, #tpu.memory_space<hbm>>
    %dma_wait3A_1610 = arith.constant 32 : i32
    %dma_wait3A_1611 = arith.constant 0 : i32
    %dma_wait3A_1612 = tpu.memref_slice %arg6[%dma_wait3A_1610, %dma_wait3A_1611] : memref<96x1024xf32, #tpu.memory_space<vmem>> -> memref<32x1024xf32, #tpu.memory_space<vmem>>
    tpu.wait_dma2 semaphore(%arg20 : memref<!tpu.dma_semaphore, #tpu.memory_space<semaphore_mem>>) src(%dma_wait3A_1612 : memref<32x1024xf32, #tpu.memory_space<vmem>>) dst(%dma_wait3A_1609 : memref<32x1024xf32, #tpu.memory_space<hbm>>)
    %dma_wait3A_1613 = arith.constant 64 : i32
    %dma_wait3A_1614 = arith.constant 0 : i32
    %dma_wait3A_1615 = tpu.memref_slice %arg6[%dma_wait3A_1613, %dma_wait3A_1614] : memref<96x1024xf32, #tpu.memory_space<vmem>> -> memref<32x1024xf32, #tpu.memory_space<vmem>>
    %dma_wait3A_1616 = arith.constant 0 : i32
    %dma_wait3A_1617 = tpu.memref_slice %arg4[%add3A_1540, %dma_wait3A_1616] : memref<16384x1024xf32, #tpu.memory_space<hbm>> -> memref<32x1024xf32, #tpu.memory_space<hbm>>
    %dma_wait3A_1618 = arith.constant 0 : i32
    %dma_wait3A_1619 = tpu.memref_slice %arg4[%add3A_1540, %dma_wait3A_1618] : memref<16384x1024xf32, #tpu.memory_space<hbm>> -> memref<32x1024xf32, #tpu.memory_space<hbm>>
    %dma_wait3A_1620 = arith.constant 64 : i32
    %dma_wait3A_1621 = arith.constant 0 : i32
    %dma_wait3A_1622 = tpu.memref_slice %arg6[%dma_wait3A_1620, %dma_wait3A_1621] : memref<96x1024xf32, #tpu.memory_space<vmem>> -> memref<32x1024xf32, #tpu.memory_space<vmem>>
    tpu.wait_dma2 semaphore(%arg21 : memref<!tpu.dma_semaphore, #tpu.memory_space<semaphore_mem>>) src(%dma_wait3A_1622 : memref<32x1024xf32, #tpu.memory_space<vmem>>) dst(%dma_wait3A_1619 : memref<32x1024xf32, #tpu.memory_space<hbm>>)
    %dma_wait3A_1623 = arith.constant 0 : i32
    %dma_wait3A_1624 = arith.constant 0 : i32
    %dma_wait3A_1625 = tpu.memref_slice %arg6[%dma_wait3A_1623, %dma_wait3A_1624] : memref<96x1024xf32, #tpu.memory_space<vmem>> -> memref<32x1024xf32, #tpu.memory_space<vmem>>
    %dma_wait3A_1626 = arith.constant 0 : i32
    %dma_wait3A_1627 = tpu.memref_slice %arg4[%add3A_1592, %dma_wait3A_1626] : memref<16384x1024xf32, #tpu.memory_space<hbm>> -> memref<32x1024xf32, #tpu.memory_space<hbm>>
    %dma_wait3A_1628 = arith.constant 0 : i32
    %dma_wait3A_1629 = tpu.memref_slice %arg4[%add3A_1592, %dma_wait3A_1628] : memref<16384x1024xf32, #tpu.memory_space<hbm>> -> memref<32x1024xf32, #tpu.memory_space<hbm>>
    %dma_wait3A_1630 = arith.constant 0 : i32
    %dma_wait3A_1631 = arith.constant 0 : i32
    %dma_wait3A_1632 = tpu.memref_slice %arg6[%dma_wait3A_1630, %dma_wait3A_1631] : memref<96x1024xf32, #tpu.memory_space<vmem>> -> memref<32x1024xf32, #tpu.memory_space<vmem>>
    tpu.wait_dma2 semaphore(%arg19 : memref<!tpu.dma_semaphore, #tpu.memory_space<semaphore_mem>>) src(%dma_wait3A_1632 : memref<32x1024xf32, #tpu.memory_space<vmem>>) dst(%dma_wait3A_1629 : memref<32x1024xf32, #tpu.memory_space<hbm>>)
    return
  }
}

</mosaic_0001>

<sc_bundles>
// kernel: kernel.3.cloned.1.call-start
scs
__scs_entry_jumppad:
0x0: {  	(pc) =	sbr.rel $0x88, $3  }
0x1: {  	(tag) =	ssettag $0x0;
	lr =	simm.s32 $0x1  }
0x2: {  	[smem:$0x3F9F] =	sst lr;
	_ =	strace $0xD0000000  }
0x3: {  	_ = 	snop  }
0x4: {  	_ = 	snop  }
0x5: {  	_ = 	snop  }
0x6: {  	_ = 	snop  }
0x7: {  	_ = 	snop  }
__scs_overlays_trampoline_lowered:
0x8: {  	[smem:$0x3FAE] =	sst s0  }
0x9: {  	[smem:$0x3FAF] =	sst s1  }
0xa: {  	[smem:$0x3FB0] =	sst s2  }
0xb: {  	[smem:$0x3FB1] =	sst s3  }
0xc: {  	[smem:$0x3FB2] =	sst s4  }
0xd: {  	[smem:$0x3FB3] =	sst s5  }
0xe: {  	[smem:$0x3FB4] =	sst s6  }
0xf: {  	[smem:$0x3FB5] =	sst s7  }
0x10: {  	[smem:$0x3FB6] =	sst s8  }
0x11: {  	[smem:$0x3FB7] =	sst s9;
	s0 =	simm.s32 @!p0 $0x0  }
0x12: {  	s1 =	sld [smem:$0x3F9D];
	s0 =	simm.s32 @p0 $0x1  }
0x13: {  	[smem:$0x3FB8] =	sst s0;
	s0 =	simm.s32 @!p1 $0x0  }
0x14: {  	s2 =	sld [smem:$0x3F9C];
	s0 =	simm.s32 @p1 $0x1  }
0x15: {  	[smem:$0x3FB9] =	sst s0;
	s0 =	simm.s32 @!p2 $0x0  }
0x16: {  	s3 =	sld [smem:$0x3FDB];
	s0 =	simm.s32 @p2 $0x1  }
0x17: {  	s4 =	simm.s32 $0x1BF5;
	[smem:$0x3FBB] =	sst s0  }
0x18: {  	s0 =	sld [smem:$0x3F9E];
	_ =	swait.ge [sflag:s4], $0x0  }
0x19: {  	s7 =	sld [smem:$0x3F9F]  }
0x1a: {  	s8 =	sadd.s32 $0xFFFFE003, lr  }
0x1b: {  	s9 =	sadd.s32 $0xFFFFFEF7, lr;
	s5 =	simm.s32 $0xFFFFFFFF;
	p2 =	slt.u32 s8, $0xFFFFF086  }
0x1c: {  	p1 =	slt.u32 s9, $0xF7A;
	s5 =	simm.s32 @!p2 $0x0  }
0x1d: {  	s5 =	simm.s32 @p1 $0x1;
	p0 =	seq.s32 s7, s2  }
0x1e: {  	s7 =	smul.u32 @!p0 $0xF7A, s2;
	p2 =	seq.s32 @!p0 s5, $0x0  }
0x1f: {  	s9 =	smul.u32 $0xF7A, s1;
	s8 =	simm.s32 @!p0 $0x1BF5;
	p2 =	por !p2, p0  }
0x20: {  	[sflag:s8] =	ssyncset.s32 @!p0 $0xFFFFF086;
	s6 =	sadd.s32 @!p0 s3, s7;
	s7 =	simm.s32 @!p0 $0x108  }
0x21: {  	s3 =	sadd.s32 s3, s9;
	s6 =	sadd.s32 @!p0 $0x88, s6;
	s7 =	simm.s32 @p2 $0x1082  }
0x22: {  	[simem:s7], [sflag:s8] =	dma.local @!p0 [hbm:s6], $0xF7A  }
0x23: {  	s9 =	sor.u32 $0xD0000000, s2;
	s6 =	simm.s32 $0x108;
	_ =	swait.ge @!p0 [sflag:s8], $0x0  }
0x24: {  	s3 =	sadd.s32 $0x88, s3;
	s6 =	simm.s32 @!p1 $0x1082;
	[sflag:s4] =	ssyncset.s32 $0xFFFFF086  }
0x25: {  	[simem:s6], [sflag:s4] =	dma.local [hbm:s3], $0xF7A  }
0x26: {  	[smem:$0x3F9F] =	sst s1;
	(tag) =	ssettag s2;
	_ =	strace s9  }
0x27: {  	s1 =	sld [smem:$0x3FAF]  }
0x28: {  	s2 =	sld [smem:$0x3FB0]  }
0x29: {  	s4 =	sld [smem:$0x3FB2]  }
0x2a: {  	p0 =	seq.s32 s5, $0x0;
	s5 =	sld [smem:$0x3FB3]  }
0x2b: {  	s6 =	sld [smem:$0x3FB4]  }
0x2c: {  	s7 =	sld [smem:$0x3FB5]  }
0x2d: {  	s3 =	simm.s32 $0x108;
	s8 =	sld [smem:$0x3FB6]  }
0x2e: {  	s3 =	simm.s32 @!p0 $0x1082;
	s9 =	sld [smem:$0x3FB7]  }
0x2f: {  	lr =	sadd.s32 s0, s3;
	s0 =	sld [smem:$0x3FAE]  }
0x30: {  	s3 =	sld [smem:$0x3FB1]  }
0x31: {  	[smem:$0x3FBA] =	sst s10  }
0x32: {  	s10 =	sld [smem:$0x3FB8];
	_ =	sdelay $0x3  }
0x33: {  	p0 =	seq.s32 s10, $0x1;
	s10 =	sld [smem:$0x3FBA];
	_ =	sdelay $0x3  }
0x34: {  	[smem:$0x3FBA] =	sst s10  }
0x35: {  	s10 =	sld [smem:$0x3FB9];
	_ =	sdelay $0x3  }
0x36: {  	p1 =	seq.s32 s10, $0x1;
	s10 =	sld [smem:$0x3FBA];
	_ =	sdelay $0x3  }
0x37: {  	[smem:$0x3FBA] =	sst s10  }
0x38: {  	s10 =	sld [smem:$0x3FBB]  }
0x39: {  	_ = 	snop;
	(pc) =	sbr.ind lr, $3  }
0x3a: {  	_ = 	snop  }
0x3b: {  	_ = 	snop  }
0x3c: {  	p2 =	seq.s32 s10, $0x1;
	s10 =	sld [smem:$0x3FBA]  }
0x3d: {  	_ =	shalt  }
0x3e: {  	_ =	shalt  }
0x3f: {  	_ =	shalt  }
0x40: {  	_ =	shalt  }
0x41: {  	_ =	shalt  }
0x42: {  	_ =	shalt  }
0x43: {  	_ =	shalt  }
0x44: {  	_ =	shalt  }
0x45: {  	_ =	shalt  }
0x46: {  	_ =	shalt  }
0x47: {  	_ =	shalt  }
0x48: {  	_ =	shalt  }
0x49: {  	_ =	shalt  }
0x4a: {  	_ =	shalt  }
0x4b: {  	_ =	shalt  }
0x4c: {  	_ =	shalt  }
0x4d: {  	_ =	shalt  }
0x4e: {  	_ =	shalt  }
0x4f: {  	_ =	shalt  }
0x50: {  	_ =	shalt  }
0x51: {  	_ =	shalt  }
0x52: {  	_ =	shalt  }
0x53: {  	_ =	shalt  }
0x54: {  	_ =	shalt  }
0x55: {  	_ =	shalt  }
0x56: {  	_ =	shalt  }
0x57: {  	_ =	shalt  }
0x58: {  	_ =	shalt  }
0x59: {  	_ =	shalt  }
0x5a: {  	_ =	shalt  }
0x5b: {  	_ =	shalt  }
0x5c: {  	_ =	shalt  }
0x5d: {  	_ =	shalt  }
0x5e: {  	_ =	shalt  }
0x5f: {  	_ =	shalt  }
0x60: {  	_ =	shalt  }
0x61: {  	_ =	shalt  }
0x62: {  	_ =	shalt  }
0x63: {  	_ =	shalt  }
0x64: {  	_ =	shalt  }
0x65: {  	_ =	shalt  }
0x66: {  	_ =	shalt  }
0x67: {  	_ =	shalt  }
0x68: {  	_ =	shalt  }
0x69: {  	_ =	shalt  }
0x6a: {  	_ =	shalt  }
0x6b: {  	_ =	shalt  }
0x6c: {  	_ =	shalt  }
0x6d: {  	_ =	shalt  }
0x6e: {  	_ =	shalt  }
0x6f: {  	_ =	shalt  }
0x70: {  	_ =	shalt  }
0x71: {  	_ =	shalt  }
0x72: {  	_ =	shalt  }
0x73: {  	_ =	shalt  }
0x74: {  	_ =	shalt  }
0x75: {  	_ =	shalt  }
0x76: {  	_ =	shalt  }
0x77: {  	_ =	shalt  }
0x78: {  	_ =	shalt  }
0x79: {  	_ =	shalt  }
0x7a: {  	_ =	shalt  }
0x7b: {  	_ =	shalt  }
0x7c: {  	_ =	shalt  }
0x7d: {  	_ =	shalt  }
0x7e: {  	_ =	shalt  }
0x7f: {  	_ =	shalt  }
0x80: {  	_ =	shalt  }
0x81: {  	_ =	shalt  }
0x82: {  	_ =	shalt  }
0x83: {  	_ =	shalt  }
0x84: {  	_ =	shalt  }
0x85: {  	_ =	shalt  }
0x86: {  	_ =	shalt  }
0x87: {  	_ =	shalt  }
.Lfunc_end0:
.L_simem_size_0:
called_computation_lowered:
.L_overlay_start_0:
0x88: {  	s2 =	sld [smem:$0x3FD9]  }
0x89: {  	s3 =	sld [smem:$0x3FFE];
	_ =	sdelay $0x1  }
0x8a: {  	s1 =	srdreg.scid  }
0x8b: {  	s0 =	sand.u32 $0x1, s1  }
0x8c: {  	s17 =	sshll.u32 s0, $0xA;
	s2 =	sadd.s32 s3, s2  }
0x8d: {  	s2 =	sadd.s32 s2, s17  }
0x8e: {  	[smem:$0x3FC6] =	sst s2  }
0x8f: {  	_ = 	snop  }
0x90: {  	s2 =	sld [smem:$0x3FC8]  }
0x91: {  	s18 =	sld [smem:$0x3FD0];
	(tm) =	ssettm $0x1  }
0x92: {  	s4 =	sld [smem:$0x3FFB];
	_ =	sdelay $0x3  }
0x93: {  	_ =	strace s4  }
0x94: {  	s4 =	sld [smem:$0x3FFC];
	_ =	sdelay $0x3  }
0x95: {  	_ =	strace s4  }
0x96: {  	s4 =	sld [smem:$0x3FFD];
	_ =	sdelay $0x3  }
0x97: {  	_ =	strace s4  }
0x98: {  	_ =	strace $0x8FFFFFFF  }
0x99: {  	s19 =	sld [smem:$0x3FDB];
	_ =	sdelay $0x1  }
0x9a: {  	s5 =	simm.s32 $_scs_section_size  }
0x9b: {  	s6 =	simm.s32 $_size__tile_overlayer_lowered;
	s7 =	simm.s32 $_tile_overlayer_lowered  }
0x9c: {  	s22 =	simm.s32 $0x1BFF;
	s21 =	sshll.u32 s7, $0x1;
	s4 =	sadd.s32 s5, s19  }
0x9d: {  	s8 =	simm.s32 $0x0;
	s20 =	sshll.u32 s6, $0x1;
	s6 =	sadd.s32 s21, s4  }
0x9e: {  	[timem:s8], [sflag:s22] =	dma.local [hbm:s6], s20  }
0x9f: {  	_ =	swait.ge [sflag:s22], s20  }
0xa0: {  	s5 =	ssub.s32 $0x0, s20;
	[sflag:s22] =	ssyncset.done $0x0  }
0xa1: {  	[sflag:s22] =	ssyncadd.s32 s5;
	_ =	sdelay $0x1  }
0xa2: {  	s23 =	simm.s32 $0x1B8B  }
0xa3: {  	_ =	swait.ge [sflag:s23], $0x1  }
0xa4: {  	[sflag:s23] =	ssyncset.done $0x0  }
0xa5: {  	s25 =	simm.s32 $0x1B8E;
	s24 =	sld [smem:$0x3FFE];
	[sflag:s23] =	ssyncadd.s32 $0xFFFFFFFF  }
0xa6: {  	s26 =	simm.s32 $execute0_lowered;
	[smem:$0x3FD2] =	sst s25  }
0xa7: {  	s6 =	sshll.u32 s26, $0x1;
	_ =	strace $0x80000046;
	[dreg:$0x1] =	wrdreg $0xFFFFFFFF  }
0xa8: {  	s28 =	simm.s32 $_size_execute0_lowered;
	s4 =	sadd.s32 s4, s6;
	[dreg:$0x0] =	wrdreg $0x0  }
0xa9: {  	s6 =	sshll.u32 s28, $0x1;
	[dreg:$0x2] =	wrdreg s4  }
0xaa: {  	[dreg:$0x3] =	wrdreg s6  }
0xab: {  	[dreg:$0x4] =	wrdreg $0xC0  }
0xac: {  	_ =	task [dreg:s8], $0x5FFFF  }
0xad: {  	[dreg:$0x1] =	wrdreg $0xFFFFFFFF  }
0xae: {  	[dreg:$0x0] =	wrdreg $0x60  }
0xaf: {  	[dreg:$0x2] =	wrdreg s24  }
0xb0: {  	[dreg:$0x3] =	wrdreg s2  }
0xb1: {  	[dreg:$0x4] =	wrdreg s18  }
0xb2: {  	[dreg:$0x5] =	wrdreg $0x9  }
0xb3: {  	_ =	task.clear_ibuf [dreg:s8], $0x6FFFF;
	_ =	strace $0x90000046  }
0xb4: {  	s29 =	simm.s32 $0x9;
	_ =	strace $0x80000048  }
0xb5: {  	_ =	swait.ge [sflag:s29], $0x1  }
0xb6: {  	[sflag:s29] =	ssyncadd.s32 $0xFFFFFFFF  }
0xb7: {  	_ =	strace $0x90000048  }
0xb8: {  	_ =	sfence  }
0xb9: {  	s30 =	sld [smem:$0x0];
	_ =	sdelay $0x2  }
0xba: {  	s31 =	sshll.u32 s1, $0xD;
	s1 =	sshrl.u32 s1, $0x2  }
0xbb: {  	s3 =	sand.u32 $0x4000, s31;
	s1 =	sadd.s32 s1, s30  }
0xbc: {  	s0 =	sor.u32 s3, s0;
	s1 =	sshll.u32 s1, $0x11  }
0xbd: {  	s0 =	sor.u32 s1, s0  }
0xbe: {  	s0 =	sadd.s32 $0x8F2B, s0  }
0xbf: {  	[sflag:s0] =	ssyncadd.remote.s32 $0x1  }
0xc0: {  	_ =	sfence.sel $0xFFFF  }
0xc1: {  	[dreg:$0x0] =	wrdreg $0xFFFFFFFF;
	(pc) =	sbr.abs _section_cstart, $3  }
0xc2: {  	[dreg:$0x1] =	wrdreg $0xFFFFFFFF  }
0xc3: {  	_ =	task.clear_ibuf [dreg:s8], $0x2FFFF;
	_ =	strace $0x9FFFFFFF  }
0xc4: {  	(tm) =	ssettm $0x7FFFFFFF  }
0xc5: {  	_ =	shalt  }
tec
execute0_lowered:
.L_overlay_start_1:
0x0: {  	(tag) =	ssettag $0x1  }
0x1: {  	s0 =	rddreg [dreg:$0x0]  }
0x2: {  	s1 =	srdreg.scid;
	s3 =	stileid.u32  }
0x3: {  	s2 =	rddreg [dreg:$0x1];
	s1 =	sand.u32 $0x1, s1;
	s3 =	sshll.u32 s3, $0x1  }
0x4: {  	s4 =	rddreg [dreg:$0x2];
	s5 =	sor.u32 s1, s3  }
0x5: {  	s3 =	simm.s32 $0x0;
	s6 =	sshll.u32 s5, $0xA;
	s5 =	sshll.u32 s5, $0x10  }
0x6: {  	[smem:$0x7FF] =	sst s3;
	s0 =	sadd.s32 s6, s0;
	s8 =	sadd.s32 s4, s5  }
0x7: {  	_ =	strace $0x80000047;
	s0 =	sadd.s32 $0x400, s0;
	[dreg:$0x14] =	wrdreg s8  }
0x8: {  	s13 =	sadd.s32 $0x1000, s8;
	[dreg:$0x4] =	wrdreg s0  }
0x9: {  	s9 =	simm.s32 $0x1;
	s14 =	sadd.s32 $0x2000, s8;
	[dreg:$0x5] =	wrdreg s13  }
0xa: {  	s31 =	simm.s32 $0x3;
	s15 =	sadd.s32 $0x3000, s8;
	[dreg:$0x6] =	wrdreg s14  }
0xb: {  	s30 =	simm.s32 $0xD;
	s16 =	sadd.s32 $0x4000, s8;
	[dreg:$0x7] =	wrdreg s15  }
0xc: {  	s11 =	simm.s32 $0x7;
	s17 =	sadd.s32 $0x5000, s8;
	[dreg:$0x8] =	wrdreg s16  }
0xd: {  	s12 =	simm.s32 $0x8;
	s18 =	sadd.s32 $0x6000, s8;
	[dreg:$0x9] =	wrdreg s17  }
0xe: {  	s7 =	sadd.s32 $0x300, s2;
	s19 =	sadd.s32 $0x7000, s8;
	[dreg:$0xa] =	wrdreg s18  }
0xf: {  	s1 =	ssub.s32 $0x2, s1;
	s20 =	sadd.s32 $0x8000, s8;
	[dreg:$0xb] =	wrdreg s19  }
0x10: {  	s23 =	sshrl.u32 s1, $0x1;
	s21 =	sadd.s32 $0x9000, s8;
	[dreg:$0xc] =	wrdreg s20  }
0x11: {  	s1 =	ssub.s32 s1, s23;
	s22 =	sadd.s32 $0xA000, s8;
	[dreg:$0xd] =	wrdreg s21  }
0x12: {  	s5 =	sadd.s32 $0x100, s2;
	s24 =	sadd.s32 $0xB000, s8;
	[dreg:$0xe] =	wrdreg s22  }
0x13: {  	s6 =	sadd.s32 $0x200, s2;
	s25 =	sadd.s32 $0xC000, s8;
	[dreg:$0xf] =	wrdreg s24  }
0x14: {  	s4 =	simm.s32 $0x6;
	s26 =	sadd.s32 $0xD000, s8;
	[dreg:$0x10] =	wrdreg s25  }
0x15: {  	s28 =	sadd.s32 $0xE000, s8;
	s29 =	sadd.s32 $0xF000, s8;
	[dreg:$0x11] =	wrdreg s26  }
0x16: {  	s8 =	smax.u32 s1, $0x1;
	s1 =	simm.s32 $0x2;
	[dreg:$0x12] =	wrdreg s28  }
0x17: {  	v0 =	vlaneseq.u32;
	[dreg:$0x13] =	wrdreg s29;
	s0 =	simm.s32 $0x4;
	s20 =	simm.s32 $0x5  }
0x18: {  	v1 =	vshrl.u32 v0, $0x3;
	s13 =	simm.s32 $0x9;
	s14 =	simm.s32 $0xE;
	s15 =	simm.s32 $0xA  }
0x19: {  	vm0 =	vmmov $0xffff;
	v0 =	vand.u32 $0x7, v0;
	v1 =	vmul.u32 $0x8, v1;
	s16 =	simm.s32 $0xB;
	s17 =	simm.s32 $0xC;
	s18 =	simm.s32 $0xF  }
.LBB2_1:
0x1a: {  	[dreg:$0x15] =	wrdreg s8  }
0x1b: {  	s19 =	rddreg [dreg:$0x4];
	s21 =	simm.s32 $0x10  }
0x1c: {  	[tilespmem:s3], [sflag:$0x10] =	stream.linear.gather [hbm4b:s19+s3], $0x2000, $0x38;
	[tilespmem:$0x1A000] =	vst v63  }
0x1d: {  	_ =	swait.ge [sflag:s21], $0x2000  }
0x1e: {  	[sflag:s21] =	ssyncset.done $0x0  }
0x1f: {  	[sflag:s21] =	ssyncadd.s32 $0xFFFFE000  }
0x20: {  	v2 =	vld.msk [tilespmem:$0x0], $0xff;
	_ =	sdelay $0x4  }
0x21: {  	v3 =	vshll.u32 v2, $0x3  }
0x22: {  	v2 =	vand.u32 $0x7, v2;
	v3 =	vand.u32 $0xFFFFFFC0, v3  }
0x23: {  	v2 =	vor.u32 v2, v3  }
0x24: {  	v2 =	vperm.xlane v2, v0;
	_ =	sdelay $0x1  }
0x25: {  	v2 =	vadd.s32 v1, v2;
	_ =	sdelay $0x3  }
0x26: {  	s22 =	simm.s32 $0x2000  }
0x27: {  	[tilespmem:s22], [sflag:$0x1] =	stream.indirect_vreg.gather [hbm4b:s2+s3], $0x80, v2, vm0, $0xb8;
	[tilespmem:$0x1A000] =	vst v63  }
0x28: {  	s10 =	simm.s32 $0x2800  }
0x29: {  	[tilespmem:s10], [sflag:$0x1] =	stream.indirect_vreg.gather [hbm4b:s5+s3], $0x80, v2, vm0, $0xb8;
	[tilespmem:$0x1A000] =	vst v63  }
0x2a: {  	s23 =	simm.s32 $0x3000  }
0x2b: {  	[tilespmem:s23], [sflag:$0x1] =	stream.indirect_vreg.gather [hbm4b:s6+s3], $0x80, v2, vm0, $0xb8;
	[tilespmem:$0x1A000] =	vst v63  }
0x2c: {  	s24 =	simm.s32 $0x3800  }
0x2d: {  	[tilespmem:s24], [sflag:$0x1] =	stream.indirect_vreg.gather [hbm4b:s7+s3], $0x80, v2, vm0, $0xb8;
	[tilespmem:$0x1A000] =	vst v63  }
0x2e: {  	v2 =	vld.msk [tilespmem:$0x80], $0xff;
	_ =	sdelay $0x4  }
0x2f: {  	v3 =	vshll.u32 v2, $0x3  }
0x30: {  	v2 =	vand.u32 $0x7, v2;
	v3 =	vand.u32 $0xFFFFFFC0, v3  }
0x31: {  	v2 =	vor.u32 v2, v3  }
0x32: {  	v2 =	vperm.xlane v2, v0;
	_ =	sdelay $0x1  }
0x33: {  	v2 =	vadd.s32 v1, v2;
	_ =	sdelay $0x3  }
0x34: {  	s25 =	simm.s32 $0x4000  }
0x35: {  	[tilespmem:s25], [sflag:$0x2] =	stream.indirect_vreg.gather [hbm4b:s2+s3], $0x80, v2, vm0, $0xb8;
	[tilespmem:$0x1A000] =	vst v63  }
0x36: {  	s28 =	simm.s32 $0x4800  }
0x37: {  	[tilespmem:s28], [sflag:$0x2] =	stream.indirect_vreg.gather [hbm4b:s5+s3], $0x80, v2, vm0, $0xb8;
	[tilespmem:$0x1A000] =	vst v63  }
0x38: {  	s29 =	simm.s32 $0x5000  }
0x39: {  	[tilespmem:s29], [sflag:$0x2] =	stream.indirect_vreg.gather [hbm4b:s6+s3], $0x80, v2, vm0, $0xb8;
	[tilespmem:$0x1A000] =	vst v63  }
0x3a: {  	s19 =	simm.s32 $0x5800  }
0x3b: {  	[tilespmem:s19], [sflag:$0x2] =	stream.indirect_vreg.gather [hbm4b:s7+s3], $0x80, v2, vm0, $0xb8;
	[tilespmem:$0x1A000] =	vst v63  }
0x3c: {  	v2 =	vld.msk [tilespmem:$0x100], $0xff;
	_ =	sdelay $0x4  }
0x3d: {  	v3 =	vshll.u32 v2, $0x3  }
0x3e: {  	v2 =	vand.u32 $0x7, v2;
	v3 =	vand.u32 $0xFFFFFFC0, v3  }
0x3f: {  	v2 =	vor.u32 v2, v3  }
0x40: {  	v2 =	vperm.xlane v2, v0;
	_ =	sdelay $0x1  }
0x41: {  	v2 =	vadd.s32 v1, v2;
	_ =	sdelay $0x3  }
0x42: {  	s23 =	simm.s32 $0x6000  }
0x43: {  	[tilespmem:s23], [sflag:$0x3] =	stream.indirect_vreg.gather [hbm4b:s2+s3], $0x80, v2, vm0, $0xb8;
	[tilespmem:$0x1A000] =	vst v63  }
0x44: {  	s25 =	simm.s32 $0x6800  }
0x45: {  	[tilespmem:s25], [sflag:$0x3] =	stream.indirect_vreg.gather [hbm4b:s5+s3], $0x80, v2, vm0, $0xb8;
	[tilespmem:$0x1A000] =	vst v63  }
0x46: {  	s28 =	simm.s32 $0x7000  }
0x47: {  	[tilespmem:s28], [sflag:$0x3] =	stream.indirect_vreg.gather [hbm4b:s6+s3], $0x80, v2, vm0, $0xb8;
	[tilespmem:$0x1A000] =	vst v63  }
0x48: {  	s29 =	simm.s32 $0x7800  }
0x49: {  	[tilespmem:s29], [sflag:$0x3] =	stream.indirect_vreg.gather [hbm4b:s7+s3], $0x80, v2, vm0, $0xb8;
	[tilespmem:$0x1A000] =	vst v63  }
0x4a: {  	v2 =	vld.msk [tilespmem:$0x180], $0xff;
	_ =	sdelay $0x4  }
0x4b: {  	v3 =	vshll.u32 v2, $0x3  }
0x4c: {  	v2 =	vand.u32 $0x7, v2;
	v3 =	vand.u32 $0xFFFFFFC0, v3  }
0x4d: {  	v2 =	vor.u32 v2, v3  }
0x4e: {  	v2 =	vperm.xlane v2, v0;
	_ =	sdelay $0x1  }
0x4f: {  	v2 =	vadd.s32 v1, v2;
	_ =	sdelay $0x3  }
0x50: {  	s10 =	simm.s32 $0x8000  }
0x51: {  	[tilespmem:s10], [sflag:$0x4] =	stream.indirect_vreg.gather [hbm4b:s2+s3], $0x80, v2, vm0, $0xb8;
	[tilespmem:$0x1A000] =	vst v63  }
0x52: {  	s28 =	simm.s32 $0x8800  }
0x53: {  	[tilespmem:s28], [sflag:$0x4] =	stream.indirect_vreg.gather [hbm4b:s5+s3], $0x80, v2, vm0, $0xb8;
	[tilespmem:$0x1A000] =	vst v63  }
0x54: {  	s29 =	simm.s32 $0x9000  }
0x55: {  	[tilespmem:s29], [sflag:$0x4] =	stream.indirect_vreg.gather [hbm4b:s6+s3], $0x80, v2, vm0, $0xb8;
	[tilespmem:$0x1A000] =	vst v63  }
0x56: {  	s10 =	simm.s32 $0x9800  }
0x57: {  	[tilespmem:s10], [sflag:$0x4] =	stream.indirect_vreg.gather [hbm4b:s7+s3], $0x80, v2, vm0, $0xb8;
	[tilespmem:$0x1A000] =	vst v63  }
0x58: {  	v2 =	vld.msk [tilespmem:$0x200], $0xff;
	_ =	sdelay $0x4  }
0x59: {  	v3 =	vshll.u32 v2, $0x3  }
0x5a: {  	v2 =	vand.u32 $0x7, v2;
	v3 =	vand.u32 $0xFFFFFFC0, v3  }
0x5b: {  	v2 =	vor.u32 v2, v3  }
0x5c: {  	v2 =	vperm.xlane v2, v0;
	_ =	sdelay $0x1  }
0x5d: {  	v2 =	vadd.s32 v1, v2;
	_ =	sdelay $0x3  }
0x5e: {  	s28 =	simm.s32 $0xA000  }
0x5f: {  	[tilespmem:s28], [sflag:$0x5] =	stream.indirect_vreg.gather [hbm4b:s2+s3], $0x80, v2, vm0, $0xb8;
	[tilespmem:$0x1A000] =	vst v63  }
0x60: {  	s29 =	simm.s32 $0xA800  }
0x61: {  	[tilespmem:s29], [sflag:$0x5] =	stream.indirect_vreg.gather [hbm4b:s5+s3], $0x80, v2, vm0, $0xb8;
	[tilespmem:$0x1A000] =	vst v63  }
0x62: {  	s19 =	simm.s32 $0xB000  }
0x63: {  	[tilespmem:s19], [sflag:$0x5] =	stream.indirect_vreg.gather [hbm4b:s6+s3], $0x80, v2, vm0, $0xb8;
	[tilespmem:$0x1A000] =	vst v63  }
0x64: {  	s28 =	simm.s32 $0xB800  }
0x65: {  	[tilespmem:s28], [sflag:$0x5] =	stream.indirect_vreg.gather [hbm4b:s7+s3], $0x80, v2, vm0, $0xb8;
	[tilespmem:$0x1A000] =	vst v63  }
0x66: {  	v2 =	vld.msk [tilespmem:$0x280], $0xff;
	_ =	sdelay $0x4  }
0x67: {  	v3 =	vshll.u32 v2, $0x3  }
0x68: {  	v2 =	vand.u32 $0x7, v2;
	v3 =	vand.u32 $0xFFFFFFC0, v3  }
0x69: {  	v2 =	vor.u32 v2, v3  }
0x6a: {  	v2 =	vperm.xlane v2, v0;
	_ =	sdelay $0x1  }
0x6b: {  	v2 =	vadd.s32 v1, v2;
	_ =	sdelay $0x3  }
0x6c: {  	s29 =	simm.s32 $0xC000  }
0x6d: {  	[tilespmem:s29], [sflag:$0x6] =	stream.indirect_vreg.gather [hbm4b:s2+s3], $0x80, v2, vm0, $0xb8;
	[tilespmem:$0x1A000] =	vst v63  }
0x6e: {  	s19 =	simm.s32 $0xC800  }
0x6f: {  	[tilespmem:s19], [sflag:$0x6] =	stream.indirect_vreg.gather [hbm4b:s5+s3], $0x80, v2, vm0, $0xb8;
	[tilespmem:$0x1A000] =	vst v63  }
0x70: {  	s29 =	simm.s32 $0xD000  }
0x71: {  	[tilespmem:s29], [sflag:$0x6] =	stream.indirect_vreg.gather [hbm4b:s6+s3], $0x80, v2, vm0, $0xb8;
	[tilespmem:$0x1A000] =	vst v63  }
0x72: {  	s19 =	simm.s32 $0xD800  }
0x73: {  	[tilespmem:s19], [sflag:$0x6] =	stream.indirect_vreg.gather [hbm4b:s7+s3], $0x80, v2, vm0, $0xb8;
	[tilespmem:$0x1A000] =	vst v63  }
0x74: {  	v2 =	vld.msk [tilespmem:$0x300], $0xff;
	_ =	sdelay $0x4  }
0x75: {  	v3 =	vshll.u32 v2, $0x3  }
0x76: {  	v2 =	vand.u32 $0x7, v2;
	v3 =	vand.u32 $0xFFFFFFC0, v3  }
0x77: {  	v2 =	vor.u32 v2, v3  }
0x78: {  	v2 =	vperm.xlane v2, v0;
	_ =	sdelay $0x1  }
0x79: {  	v2 =	vadd.s32 v1, v2;
	_ =	sdelay $0x3  }
0x7a: {  	s29 =	simm.s32 $0xE000  }
0x7b: {  	[tilespmem:s29], [sflag:$0x7] =	stream.indirect_vreg.gather [hbm4b:s2+s3], $0x80, v2, vm0, $0xb8;
	[tilespmem:$0x1A000] =	vst v63  }
0x7c: {  	s19 =	simm.s32 $0xE800  }
0x7d: {  	[tilespmem:s19], [sflag:$0x7] =	stream.indirect_vreg.gather [hbm4b:s5+s3], $0x80, v2, vm0, $0xb8;
	[tilespmem:$0x1A000] =	vst v63  }
0x7e: {  	s29 =	simm.s32 $0xF000  }
0x7f: {  	[tilespmem:s29], [sflag:$0x7] =	stream.indirect_vreg.gather [hbm4b:s6+s3], $0x80, v2, vm0, $0xb8;
	[tilespmem:$0x1A000] =	vst v63  }
0x80: {  	s19 =	simm.s32 $0xF800  }
0x81: {  	[tilespmem:s19], [sflag:$0x7] =	stream.indirect_vreg.gather [hbm4b:s7+s3], $0x80, v2, vm0, $0xb8;
	[tilespmem:$0x1A000] =	vst v63  }
0x82: {  	v2 =	vld.msk [tilespmem:$0x380], $0xff;
	_ =	sdelay $0x4  }
0x83: {  	v3 =	vshll.u32 v2, $0x3  }
0x84: {  	v2 =	vand.u32 $0x7, v2;
	v3 =	vand.u32 $0xFFFFFFC0, v3  }
0x85: {  	v2 =	vor.u32 v2, v3  }
0x86: {  	v2 =	vperm.xlane v2, v0;
	_ =	sdelay $0x1  }
0x87: {  	v2 =	vadd.s32 v1, v2;
	_ =	sdelay $0x3  }
0x88: {  	s29 =	simm.s32 $0x10000  }
0x89: {  	[tilespmem:s29], [sflag:$0x8] =	stream.indirect_vreg.gather [hbm4b:s2+s3], $0x80, v2, vm0, $0xb8;
	[tilespmem:$0x1A000] =	vst v63  }
0x8a: {  	s19 =	simm.s32 $0x10800  }
0x8b: {  	[tilespmem:s19], [sflag:$0x8] =	stream.indirect_vreg.gather [hbm4b:s5+s3], $0x80, v2, vm0, $0xb8;
	[tilespmem:$0x1A000] =	vst v63  }
0x8c: {  	s29 =	simm.s32 $0x11000  }
0x8d: {  	[tilespmem:s29], [sflag:$0x8] =	stream.indirect_vreg.gather [hbm4b:s6+s3], $0x80, v2, vm0, $0xb8;
	[tilespmem:$0x1A000] =	vst v63  }
0x8e: {  	s19 =	simm.s32 $0x11800  }
0x8f: {  	[tilespmem:s19], [sflag:$0x8] =	stream.indirect_vreg.gather [hbm4b:s7+s3], $0x80, v2, vm0, $0xb8;
	[tilespmem:$0x1A000] =	vst v63  }
0x90: {  	_ =	swait.ge [sflag:s9], $0x2000  }
0x91: {  	[sflag:s9] =	ssyncset.done $0x0  }
0x92: {  	[sflag:s9] =	ssyncadd.s32 $0xFFFFE000  }
0x93: {  	v2 =	vld.msk [tilespmem:$0x400], $0xff;
	_ =	sdelay $0x4  }
0x94: {  	v3 =	vshll.u32 v2, $0x3  }
0x95: {  	v2 =	vand.u32 $0x7, v2;
	v3 =	vand.u32 $0xFFFFFFC0, v3  }
0x96: {  	v2 =	vor.u32 v2, v3  }
0x97: {  	v2 =	vperm.xlane v2, v0;
	_ =	sdelay $0x1  }
0x98: {  	v2 =	vadd.s32 v1, v2;
	_ =	sdelay $0x3  }
0x99: {  	s29 =	simm.s32 $0x12000  }
0x9a: {  	[tilespmem:s29], [sflag:$0x9] =	stream.indirect_vreg.gather [hbm4b:s2+s3], $0x80, v2, vm0, $0xb8;
	[tilespmem:$0x1A000] =	vst v63  }
0x9b: {  	s10 =	simm.s32 $0x12800  }
0x9c: {  	[tilespmem:s10], [sflag:$0x9] =	stream.indirect_vreg.gather [hbm4b:s5+s3], $0x80, v2, vm0, $0xb8;
	[tilespmem:$0x1A000] =	vst v63  }
0x9d: {  	s10 =	simm.s32 $0x13000  }
0x9e: {  	[tilespmem:s10], [sflag:$0x9] =	stream.indirect_vreg.gather [hbm4b:s6+s3], $0x80, v2, vm0, $0xb8;
	[tilespmem:$0x1A000] =	vst v63  }
0x9f: {  	s10 =	simm.s32 $0x13800  }
0xa0: {  	[tilespmem:s10], [sflag:$0x9] =	stream.indirect_vreg.gather [hbm4b:s7+s3], $0x80, v2, vm0, $0xb8;
	[tilespmem:$0x1A000] =	vst v63  }
0xa1: {  	_ =	swait.ge [sflag:s1], $0x2000  }
0xa2: {  	[sflag:s1] =	ssyncset.done $0x0  }
0xa3: {  	[sflag:s1] =	ssyncadd.s32 $0xFFFFE000  }
0xa4: {  	v2 =	vld.msk [tilespmem:$0x480], $0xff;
	_ =	sdelay $0x4  }
0xa5: {  	v3 =	vshll.u32 v2, $0x3  }
0xa6: {  	v2 =	vand.u32 $0x7, v2;
	v3 =	vand.u32 $0xFFFFFFC0, v3  }
0xa7: {  	v2 =	vor.u32 v2, v3  }
0xa8: {  	v2 =	vperm.xlane v2, v0;
	_ =	sdelay $0x1  }
0xa9: {  	v2 =	vadd.s32 v1, v2;
	_ =	sdelay $0x3  }
0xaa: {  	s10 =	simm.s32 $0x14000  }
0xab: {  	[tilespmem:s10], [sflag:$0xA] =	stream.indirect_vreg.gather [hbm4b:s2+s3], $0x80, v2, vm0, $0xb8;
	[tilespmem:$0x1A000] =	vst v63  }
0xac: {  	s10 =	simm.s32 $0x14800  }
0xad: {  	[tilespmem:s10], [sflag:$0xA] =	stream.indirect_vreg.gather [hbm4b:s5+s3], $0x80, v2, vm0, $0xb8;
	[tilespmem:$0x1A000] =	vst v63  }
0xae: {  	s10 =	simm.s32 $0x15000  }
0xaf: {  	[tilespmem:s10], [sflag:$0xA] =	stream.indirect_vreg.gather [hbm4b:s6+s3], $0x80, v2, vm0, $0xb8;
	[tilespmem:$0x1A000] =	vst v63  }
0xb0: {  	s10 =	simm.s32 $0x15800  }
0xb1: {  	[tilespmem:s10], [sflag:$0xA] =	stream.indirect_vreg.gather [hbm4b:s7+s3], $0x80, v2, vm0, $0xb8;
	[tilespmem:$0x1A000] =	vst v63  }
0xb2: {  	_ =	swait.ge [sflag:s31], $0x2000  }
0xb3: {  	[sflag:s31] =	ssyncset.done $0x0  }
0xb4: {  	[sflag:s31] =	ssyncadd.s32 $0xFFFFE000  }
0xb5: {  	v2 =	vld.msk [tilespmem:$0x500], $0xff;
	_ =	sdelay $0x4  }
0xb6: {  	v3 =	vshll.u32 v2, $0x3  }
0xb7: {  	v2 =	vand.u32 $0x7, v2;
	v3 =	vand.u32 $0xFFFFFFC0, v3  }
0xb8: {  	v2 =	vor.u32 v2, v3  }
0xb9: {  	v2 =	vperm.xlane v2, v0;
	_ =	sdelay $0x1  }
0xba: {  	v2 =	vadd.s32 v1, v2;
	_ =	sdelay $0x3  }
0xbb: {  	s10 =	simm.s32 $0x16000  }
0xbc: {  	[tilespmem:s10], [sflag:$0xB] =	stream.indirect_vreg.gather [hbm4b:s2+s3], $0x80, v2, vm0, $0xb8;
	[tilespmem:$0x1A000] =	vst v63  }
0xbd: {  	s10 =	simm.s32 $0x16800  }
0xbe: {  	[tilespmem:s10], [sflag:$0xB] =	stream.indirect_vreg.gather [hbm4b:s5+s3], $0x80, v2, vm0, $0xb8;
	[tilespmem:$0x1A000] =	vst v63  }
0xbf: {  	s10 =	simm.s32 $0x17000  }
0xc0: {  	[tilespmem:s10], [sflag:$0xB] =	stream.indirect_vreg.gather [hbm4b:s6+s3], $0x80, v2, vm0, $0xb8;
	[tilespmem:$0x1A000] =	vst v63  }
0xc1: {  	s10 =	simm.s32 $0x17800  }
0xc2: {  	[tilespmem:s10], [sflag:$0xB] =	stream.indirect_vreg.gather [hbm4b:s7+s3], $0x80, v2, vm0, $0xb8;
	[tilespmem:$0x1A000] =	vst v63  }
0xc3: {  	_ =	swait.ge [sflag:s0], $0x2000  }
0xc4: {  	[sflag:s0] =	ssyncset.done $0x0  }
0xc5: {  	s8 =	simm.s32 $0x2000;
	s10 =	rddreg [dreg:$0x14];
	[sflag:s0] =	ssyncadd.s32 $0xFFFFE000  }
0xc6: {  	[hbm4b:s10+s3] =	stream.linear.scatter [tilespmem:s8], [sflag:$0xD], $0x8000, $0x38;
	[tilespmem:$0x1A000] =	vst v63  }
0xc7: {  	v2 =	vld.msk [tilespmem:$0x580], $0xff;
	_ =	sdelay $0x4  }
0xc8: {  	v3 =	vshll.u32 v2, $0x3  }
0xc9: {  	v2 =	vand.u32 $0x7, v2;
	v3 =	vand.u32 $0xFFFFFFC0, v3  }
0xca: {  	v2 =	vor.u32 v2, v3  }
0xcb: {  	v2 =	vperm.xlane v2, v0;
	_ =	sdelay $0x1  }
0xcc: {  	v2 =	vadd.s32 v1, v2;
	_ =	sdelay $0x3  }
0xcd: {  	s10 =	simm.s32 $0x18000  }
0xce: {  	[tilespmem:s10], [sflag:$0xC] =	stream.indirect_vreg.gather [hbm4b:s2+s3], $0x80, v2, vm0, $0xb8;
	[tilespmem:$0x1A000] =	vst v63  }
0xcf: {  	s10 =	simm.s32 $0x18800  }
0xd0: {  	[tilespmem:s10], [sflag:$0xC] =	stream.indirect_vreg.gather [hbm4b:s5+s3], $0x80, v2, vm0, $0xb8;
	[tilespmem:$0x1A000] =	vst v63  }
0xd1: {  	s10 =	simm.s32 $0x19000  }
0xd2: {  	[tilespmem:s10], [sflag:$0xC] =	stream.indirect_vreg.gather [hbm4b:s6+s3], $0x80, v2, vm0, $0xb8;
	[tilespmem:$0x1A000] =	vst v63  }
0xd3: {  	s10 =	simm.s32 $0x19800  }
0xd4: {  	[tilespmem:s10], [sflag:$0xC] =	stream.indirect_vreg.gather [hbm4b:s7+s3], $0x80, v2, vm0, $0xb8;
	[tilespmem:$0x1A000] =	vst v63  }
0xd5: {  	_ =	swait.ge [sflag:s20], $0x2000  }
0xd6: {  	[sflag:s20] =	ssyncset.done $0x0  }
0xd7: {  	[sflag:s20] =	ssyncadd.s32 $0xFFFFE000  }
0xd8: {  	_ =	swait.ge [sflag:s30], $0x8000  }
0xd9: {  	[sflag:s30] =	ssyncset.done $0x0  }
0xda: {  	[sflag:s30] =	ssyncadd.s32 $0xFFFF8000  }
0xdb: {  	v2 =	vld.msk [tilespmem:$0x600], $0xff;
	_ =	sdelay $0x4  }
0xdc: {  	v3 =	vshll.u32 v2, $0x3  }
0xdd: {  	v2 =	vand.u32 $0x7, v2;
	v3 =	vand.u32 $0xFFFFFFC0, v3  }
0xde: {  	v2 =	vor.u32 v2, v3  }
0xdf: {  	v2 =	vperm.xlane v2, v0;
	_ =	sdelay $0x1  }
0xe0: {  	v2 =	vadd.s32 v1, v2;
	_ =	sdelay $0x4  }
0xe1: {  	[tilespmem:s8], [sflag:$0x1] =	stream.indirect_vreg.gather [hbm4b:s2+s3], $0x80, v2, vm0, $0xb8;
	[tilespmem:$0x1A000] =	vst v63  }
0xe2: {  	s21 =	simm.s32 $0x2800  }
0xe3: {  	[tilespmem:s21], [sflag:$0x1] =	stream.indirect_vreg.gather [hbm4b:s5+s3], $0x80, v2, vm0, $0xb8;
	[tilespmem:$0x1A000] =	vst v63  }
0xe4: {  	s22 =	simm.s32 $0x3000  }
0xe5: {  	[tilespmem:s22], [sflag:$0x1] =	stream.indirect_vreg.gather [hbm4b:s6+s3], $0x80, v2, vm0, $0xb8;
	[tilespmem:$0x1A000] =	vst v63  }
0xe6: {  	s26 =	simm.s32 $0x3800  }
0xe7: {  	[tilespmem:s26], [sflag:$0x1] =	stream.indirect_vreg.gather [hbm4b:s7+s3], $0x80, v2, vm0, $0xb8;
	[tilespmem:$0x1A000] =	vst v63  }
0xe8: {  	_ =	swait.ge [sflag:s4], $0x2000  }
0xe9: {  	[sflag:s4] =	ssyncset.done $0x0  }
0xea: {  	[sflag:s4] =	ssyncadd.s32 $0xFFFFE000  }
0xeb: {  	v2 =	vld.msk [tilespmem:$0x680], $0xff;
	_ =	sdelay $0x4  }
0xec: {  	v3 =	vshll.u32 v2, $0x3  }
0xed: {  	v2 =	vand.u32 $0x7, v2;
	v3 =	vand.u32 $0xFFFFFFC0, v3  }
0xee: {  	v2 =	vor.u32 v2, v3  }
0xef: {  	v2 =	vperm.xlane v2, v0;
	_ =	sdelay $0x1  }
0xf0: {  	v2 =	vadd.s32 v1, v2;
	_ =	sdelay $0x3  }
0xf1: {  	s10 =	simm.s32 $0x4000  }
0xf2: {  	[tilespmem:s10], [sflag:$0x2] =	stream.indirect_vreg.gather [hbm4b:s2+s3], $0x80, v2, vm0, $0xb8;
	[tilespmem:$0x1A000] =	vst v63  }
0xf3: {  	s22 =	simm.s32 $0x4800  }
0xf4: {  	[tilespmem:s22], [sflag:$0x2] =	stream.indirect_vreg.gather [hbm4b:s5+s3], $0x80, v2, vm0, $0xb8;
	[tilespmem:$0x1A000] =	vst v63  }
0xf5: {  	s26 =	simm.s32 $0x5000  }
0xf6: {  	[tilespmem:s26], [sflag:$0x2] =	stream.indirect_vreg.gather [hbm4b:s6+s3], $0x80, v2, vm0, $0xb8;
	[tilespmem:$0x1A000] =	vst v63  }
0xf7: {  	s24 =	simm.s32 $0x5800  }
0xf8: {  	[tilespmem:s24], [sflag:$0x2] =	stream.indirect_vreg.gather [hbm4b:s7+s3], $0x80, v2, vm0, $0xb8;
	[tilespmem:$0x1A000] =	vst v63  }
0xf9: {  	_ =	swait.ge [sflag:s11], $0x2000  }
0xfa: {  	[sflag:s11] =	ssyncset.done $0x0  }
0xfb: {  	[sflag:s11] =	ssyncadd.s32 $0xFFFFE000  }
0xfc: {  	v2 =	vld.msk [tilespmem:$0x700], $0xff;
	_ =	sdelay $0x4  }
0xfd: {  	v3 =	vshll.u32 v2, $0x3  }
0xfe: {  	v2 =	vand.u32 $0x7, v2;
	v3 =	vand.u32 $0xFFFFFFC0, v3  }
0xff: {  	v2 =	vor.u32 v2, v3  }
0x100: {  	v2 =	vperm.xlane v2, v0;
	_ =	sdelay $0x1  }
0x101: {  	v2 =	vadd.s32 v1, v2;
	_ =	sdelay $0x3  }
0x102: {  	s19 =	simm.s32 $0x6000  }
0x103: {  	[tilespmem:s19], [sflag:$0x3] =	stream.indirect_vreg.gather [hbm4b:s2+s3], $0x80, v2, vm0, $0xb8;
	[tilespmem:$0x1A000] =	vst v63  }
0x104: {  	s21 =	simm.s32 $0x6800  }
0x105: {  	[tilespmem:s21], [sflag:$0x3] =	stream.indirect_vreg.gather [hbm4b:s5+s3], $0x80, v2, vm0, $0xb8;
	[tilespmem:$0x1A000] =	vst v63  }
0x106: {  	s23 =	simm.s32 $0x7000  }
0x107: {  	[tilespmem:s23], [sflag:$0x3] =	stream.indirect_vreg.gather [hbm4b:s6+s3], $0x80, v2, vm0, $0xb8;
	[tilespmem:$0x1A000] =	vst v63  }
0x108: {  	s25 =	simm.s32 $0x7800  }
0x109: {  	[tilespmem:s25], [sflag:$0x3] =	stream.indirect_vreg.gather [hbm4b:s7+s3], $0x80, v2, vm0, $0xb8;
	[tilespmem:$0x1A000] =	vst v63  }
0x10a: {  	_ =	swait.ge [sflag:s12], $0x2000  }
0x10b: {  	[sflag:s12] =	ssyncset.done $0x0  }
0x10c: {  	s21 =	simm.s32 $0xA000;
	s23 =	rddreg [dreg:$0x5];
	[sflag:s12] =	ssyncadd.s32 $0xFFFFE000  }
0x10d: {  	[hbm4b:s23+s3] =	stream.linear.scatter [tilespmem:s21], [sflag:$0xE], $0x8000, $0x38;
	[tilespmem:$0x1A000] =	vst v63  }
0x10e: {  	v2 =	vld.msk [tilespmem:$0x780], $0xff;
	_ =	sdelay $0x4  }
0x10f: {  	v3 =	vshll.u32 v2, $0x3  }
0x110: {  	v2 =	vand.u32 $0x7, v2;
	v3 =	vand.u32 $0xFFFFFFC0, v3  }
0x111: {  	v2 =	vor.u32 v2, v3  }
0x112: {  	v2 =	vperm.xlane v2, v0;
	_ =	sdelay $0x1  }
0x113: {  	v2 =	vadd.s32 v1, v2;
	_ =	sdelay $0x3  }
0x114: {  	s24 =	simm.s32 $0x8000  }
0x115: {  	[tilespmem:s24], [sflag:$0x4] =	stream.indirect_vreg.gather [hbm4b:s2+s3], $0x80, v2, vm0, $0xb8;
	[tilespmem:$0x1A000] =	vst v63  }
0x116: {  	s25 =	simm.s32 $0x8800  }
0x117: {  	[tilespmem:s25], [sflag:$0x4] =	stream.indirect_vreg.gather [hbm4b:s5+s3], $0x80, v2, vm0, $0xb8;
	[tilespmem:$0x1A000] =	vst v63  }
0x118: {  	s19 =	simm.s32 $0x9000  }
0x119: {  	[tilespmem:s19], [sflag:$0x4] =	stream.indirect_vreg.gather [hbm4b:s6+s3], $0x80, v2, vm0, $0xb8;
	[tilespmem:$0x1A000] =	vst v63  }
0x11a: {  	s23 =	simm.s32 $0x9800  }
0x11b: {  	[tilespmem:s23], [sflag:$0x4] =	stream.indirect_vreg.gather [hbm4b:s7+s3], $0x80, v2, vm0, $0xb8;
	[tilespmem:$0x1A000] =	vst v63  }
0x11c: {  	_ =	swait.ge [sflag:s13], $0x2000  }
0x11d: {  	[sflag:s13] =	ssyncset.done $0x0  }
0x11e: {  	[sflag:s13] =	ssyncadd.s32 $0xFFFFE000  }
0x11f: {  	_ =	swait.ge [sflag:s14], $0x8000  }
0x120: {  	[sflag:s14] =	ssyncset.done $0x0  }
0x121: {  	[sflag:s14] =	ssyncadd.s32 $0xFFFF8000  }
0x122: {  	v2 =	vld.msk [tilespmem:$0x800], $0xff;
	_ =	sdelay $0x4  }
0x123: {  	v3 =	vshll.u32 v2, $0x3  }
0x124: {  	v2 =	vand.u32 $0x7, v2;
	v3 =	vand.u32 $0xFFFFFFC0, v3  }
0x125: {  	v2 =	vor.u32 v2, v3  }
0x126: {  	v2 =	vperm.xlane v2, v0;
	_ =	sdelay $0x1  }
0x127: {  	v2 =	vadd.s32 v1, v2;
	_ =	sdelay $0x4  }
0x128: {  	[tilespmem:s21], [sflag:$0x5] =	stream.indirect_vreg.gather [hbm4b:s2+s3], $0x80, v2, vm0, $0xb8;
	[tilespmem:$0x1A000] =	vst v63  }
0x129: {  	s24 =	simm.s32 $0xA800  }
0x12a: {  	[tilespmem:s24], [sflag:$0x5] =	stream.indirect_vreg.gather [hbm4b:s5+s3], $0x80, v2, vm0, $0xb8;
	[tilespmem:$0x1A000] =	vst v63  }
0x12b: {  	s25 =	simm.s32 $0xB000  }
0x12c: {  	[tilespmem:s25], [sflag:$0x5] =	stream.indirect_vreg.gather [hbm4b:s6+s3], $0x80, v2, vm0, $0xb8;
	[tilespmem:$0x1A000] =	vst v63  }
0x12d: {  	s28 =	simm.s32 $0xB800  }
0x12e: {  	[tilespmem:s28], [sflag:$0x5] =	stream.indirect_vreg.gather [hbm4b:s7+s3], $0x80, v2, vm0, $0xb8;
	[tilespmem:$0x1A000] =	vst v63  }
0x12f: {  	_ =	swait.ge [sflag:s15], $0x2000  }
0x130: {  	[sflag:s15] =	ssyncset.done $0x0  }
0x131: {  	[sflag:s15] =	ssyncadd.s32 $0xFFFFE000  }
0x132: {  	v2 =	vld.msk [tilespmem:$0x880], $0xff;
	_ =	sdelay $0x4  }
0x133: {  	v3 =	vshll.u32 v2, $0x3  }
0x134: {  	v2 =	vand.u32 $0x7, v2;
	v3 =	vand.u32 $0xFFFFFFC0, v3  }
0x135: {  	v2 =	vor.u32 v2, v3  }
0x136: {  	v2 =	vperm.xlane v2, v0;
	_ =	sdelay $0x1  }
0x137: {  	v2 =	vadd.s32 v1, v2;
	_ =	sdelay $0x3  }
0x138: {  	s28 =	simm.s32 $0xC000  }
0x139: {  	[tilespmem:s28], [sflag:$0x6] =	stream.indirect_vreg.gather [hbm4b:s2+s3], $0x80, v2, vm0, $0xb8;
	[tilespmem:$0x1A000] =	vst v63  }
0x13a: {  	s19 =	simm.s32 $0xC800  }
0x13b: {  	[tilespmem:s19], [sflag:$0x6] =	stream.indirect_vreg.gather [hbm4b:s5+s3], $0x80, v2, vm0, $0xb8;
	[tilespmem:$0x1A000] =	vst v63  }
0x13c: {  	s21 =	simm.s32 $0xD000  }
0x13d: {  	[tilespmem:s21], [sflag:$0x6] =	stream.indirect_vreg.gather [hbm4b:s6+s3], $0x80, v2, vm0, $0xb8;
	[tilespmem:$0x1A000] =	vst v63  }
0x13e: {  	s23 =	simm.s32 $0xD800  }
0x13f: {  	[tilespmem:s23], [sflag:$0x6] =	stream.indirect_vreg.gather [hbm4b:s7+s3], $0x80, v2, vm0, $0xb8;
	[tilespmem:$0x1A000] =	vst v63  }
0x140: {  	_ =	swait.ge [sflag:s16], $0x2000  }
0x141: {  	[sflag:s16] =	ssyncset.done $0x0  }
0x142: {  	[sflag:s16] =	ssyncadd.s32 $0xFFFFE000  }
0x143: {  	v2 =	vld.msk [tilespmem:$0x900], $0xff;
	_ =	sdelay $0x4  }
0x144: {  	v3 =	vshll.u32 v2, $0x3  }
0x145: {  	v2 =	vand.u32 $0x7, v2;
	v3 =	vand.u32 $0xFFFFFFC0, v3  }
0x146: {  	v2 =	vor.u32 v2, v3  }
0x147: {  	v2 =	vperm.xlane v2, v0;
	_ =	sdelay $0x1  }
0x148: {  	v2 =	vadd.s32 v1, v2;
	_ =	sdelay $0x3  }
0x149: {  	s21 =	simm.s32 $0xE000  }
0x14a: {  	[tilespmem:s21], [sflag:$0x7] =	stream.indirect_vreg.gather [hbm4b:s2+s3], $0x80, v2, vm0, $0xb8;
	[tilespmem:$0x1A000] =	vst v63  }
0x14b: {  	s28 =	simm.s32 $0xE800  }
0x14c: {  	[tilespmem:s28], [sflag:$0x7] =	stream.indirect_vreg.gather [hbm4b:s5+s3], $0x80, v2, vm0, $0xb8;
	[tilespmem:$0x1A000] =	vst v63  }
0x14d: {  	s8 =	simm.s32 $0xF000  }
0x14e: {  	[tilespmem:s8], [sflag:$0x7] =	stream.indirect_vreg.gather [hbm4b:s6+s3], $0x80, v2, vm0, $0xb8;
	[tilespmem:$0x1A000] =	vst v63  }
0x14f: {  	s24 =	simm.s32 $0xF800  }
0x150: {  	[tilespmem:s24], [sflag:$0x7] =	stream.indirect_vreg.gather [hbm4b:s7+s3], $0x80, v2, vm0, $0xb8;
	[tilespmem:$0x1A000] =	vst v63  }
0x151: {  	_ =	swait.ge [sflag:s17], $0x2000  }
0x152: {  	[sflag:s17] =	ssyncset.done $0x0  }
0x153: {  	s29 =	simm.s32 $0x12000;
	s25 =	rddreg [dreg:$0x6];
	[sflag:s17] =	ssyncadd.s32 $0xFFFFE000  }
0x154: {  	[hbm4b:s25+s3] =	stream.linear.scatter [tilespmem:s29], [sflag:$0xF], $0x8000, $0x38;
	[tilespmem:$0x1A000] =	vst v63  }
0x155: {  	v2 =	vld.msk [tilespmem:$0x980], $0xff;
	_ =	sdelay $0x4  }
0x156: {  	v3 =	vshll.u32 v2, $0x3  }
0x157: {  	v2 =	vand.u32 $0x7, v2;
	v3 =	vand.u32 $0xFFFFFFC0, v3  }
0x158: {  	v2 =	vor.u32 v2, v3  }
0x159: {  	v2 =	vperm.xlane v2, v0;
	_ =	sdelay $0x1  }
0x15a: {  	v2 =	vadd.s32 v1, v2;
	_ =	sdelay $0x3  }
0x15b: {  	s23 =	simm.s32 $0x10000  }
0x15c: {  	[tilespmem:s23], [sflag:$0x8] =	stream.indirect_vreg.gather [hbm4b:s2+s3], $0x80, v2, vm0, $0xb8;
	[tilespmem:$0x1A000] =	vst v63  }
0x15d: {  	s25 =	simm.s32 $0x10800  }
0x15e: {  	[tilespmem:s25], [sflag:$0x8] =	stream.indirect_vreg.gather [hbm4b:s5+s3], $0x80, v2, vm0, $0xb8;
	[tilespmem:$0x1A000] =	vst v63  }
0x15f: {  	s24 =	simm.s32 $0x11000  }
0x160: {  	[tilespmem:s24], [sflag:$0x8] =	stream.indirect_vreg.gather [hbm4b:s6+s3], $0x80, v2, vm0, $0xb8;
	[tilespmem:$0x1A000] =	vst v63  }
0x161: {  	s19 =	simm.s32 $0x11800  }
0x162: {  	[tilespmem:s19], [sflag:$0x8] =	stream.indirect_vreg.gather [hbm4b:s7+s3], $0x80, v2, vm0, $0xb8;
	[tilespmem:$0x1A000] =	vst v63  }
0x163: {  	_ =	swait.ge [sflag:s9], $0x2000  }
0x164: {  	[sflag:s9] =	ssyncset.done $0x0  }
0x165: {  	[sflag:s9] =	ssyncadd.s32 $0xFFFFE000  }
0x166: {  	_ =	swait.ge [sflag:s18], $0x8000  }
0x167: {  	[sflag:s18] =	ssyncset.done $0x0  }
0x168: {  	[sflag:s18] =	ssyncadd.s32 $0xFFFF8000  }
0x169: {  	v2 =	vld.msk [tilespmem:$0xA00], $0xff;
	_ =	sdelay $0x4  }
0x16a: {  	v3 =	vshll.u32 v2, $0x3  }
0x16b: {  	v2 =	vand.u32 $0x7, v2;
	v3 =	vand.u32 $0xFFFFFFC0, v3  }
0x16c: {  	v2 =	vor.u32 v2, v3  }
0x16d: {  	v2 =	vperm.xlane v2, v0;
	_ =	sdelay $0x1  }
0x16e: {  	v2 =	vadd.s32 v1, v2;
	_ =	sdelay $0x4  }
0x16f: {  	[tilespmem:s29], [sflag:$0x9] =	stream.indirect_vreg.gather [hbm4b:s2+s3], $0x80, v2, vm0, $0xb8;
	[tilespmem:$0x1A000] =	vst v63  }
0x170: {  	s29 =	simm.s32 $0x12800  }
0x171: {  	[tilespmem:s29], [sflag:$0x9] =	stream.indirect_vreg.gather [hbm4b:s5+s3], $0x80, v2, vm0, $0xb8;
	[tilespmem:$0x1A000] =	vst v63  }
0x172: {  	s29 =	simm.s32 $0x13000  }
0x173: {  	[tilespmem:s29], [sflag:$0x9] =	stream.indirect_vreg.gather [hbm4b:s6+s3], $0x80, v2, vm0, $0xb8;
	[tilespmem:$0x1A000] =	vst v63  }
0x174: {  	s29 =	simm.s32 $0x13800  }
0x175: {  	[tilespmem:s29], [sflag:$0x9] =	stream.indirect_vreg.gather [hbm4b:s7+s3], $0x80, v2, vm0, $0xb8;
	[tilespmem:$0x1A000] =	vst v63  }
0x176: {  	_ =	swait.ge [sflag:s1], $0x2000  }
0x177: {  	[sflag:s1] =	ssyncset.done $0x0  }
0x178: {  	[sflag:s1] =	ssyncadd.s32 $0xFFFFE000  }
0x179: {  	v2 =	vld.msk [tilespmem:$0xA80], $0xff;
	_ =	sdelay $0x4  }
0x17a: {  	v3 =	vshll.u32 v2, $0x3  }
0x17b: {  	v2 =	vand.u32 $0x7, v2;
	v3 =	vand.u32 $0xFFFFFFC0, v3  }
0x17c: {  	v2 =	vor.u32 v2, v3  }
0x17d: {  	v2 =	vperm.xlane v2, v0;
	_ =	sdelay $0x1  }
0x17e: {  	v2 =	vadd.s32 v1, v2;
	_ =	sdelay $0x3  }
0x17f: {  	s29 =	simm.s32 $0x14000  }
0x180: {  	[tilespmem:s29], [sflag:$0xA] =	stream.indirect_vreg.gather [hbm4b:s2+s3], $0x80, v2, vm0, $0xb8;
	[tilespmem:$0x1A000] =	vst v63  }
0x181: {  	s29 =	simm.s32 $0x14800  }
0x182: {  	[tilespmem:s29], [sflag:$0xA] =	stream.indirect_vreg.gather [hbm4b:s5+s3], $0x80, v2, vm0, $0xb8;
	[tilespmem:$0x1A000] =	vst v63  }
0x183: {  	s29 =	simm.s32 $0x15000  }
0x184: {  	[tilespmem:s29], [sflag:$0xA] =	stream.indirect_vreg.gather [hbm4b:s6+s3], $0x80, v2, vm0, $0xb8;
	[tilespmem:$0x1A000] =	vst v63  }
0x185: {  	s29 =	simm.s32 $0x15800  }
0x186: {  	[tilespmem:s29], [sflag:$0xA] =	stream.indirect_vreg.gather [hbm4b:s7+s3], $0x80, v2, vm0, $0xb8;
	[tilespmem:$0x1A000] =	vst v63  }
0x187: {  	_ =	swait.ge [sflag:s31], $0x2000  }
0x188: {  	[sflag:s31] =	ssyncset.done $0x0  }
0x189: {  	[sflag:s31] =	ssyncadd.s32 $0xFFFFE000  }
0x18a: {  	v2 =	vld.msk [tilespmem:$0xB00], $0xff;
	_ =	sdelay $0x4  }
0x18b: {  	v3 =	vshll.u32 v2, $0x3  }
0x18c: {  	v2 =	vand.u32 $0x7, v2;
	v3 =	vand.u32 $0xFFFFFFC0, v3  }
0x18d: {  	v2 =	vor.u32 v2, v3  }
0x18e: {  	v2 =	vperm.xlane v2, v0;
	_ =	sdelay $0x1  }
0x18f: {  	v2 =	vadd.s32 v1, v2;
	_ =	sdelay $0x3  }
0x190: {  	s29 =	simm.s32 $0x16000  }
0x191: {  	[tilespmem:s29], [sflag:$0xB] =	stream.indirect_vreg.gather [hbm4b:s2+s3], $0x80, v2, vm0, $0xb8;
	[tilespmem:$0x1A000] =	vst v63  }
0x192: {  	s29 =	simm.s32 $0x16800  }
0x193: {  	[tilespmem:s29], [sflag:$0xB] =	stream.indirect_vreg.gather [hbm4b:s5+s3], $0x80, v2, vm0, $0xb8;
	[tilespmem:$0x1A000] =	vst v63  }
0x194: {  	s29 =	simm.s32 $0x17000  }
0x195: {  	[tilespmem:s29], [sflag:$0xB] =	stream.indirect_vreg.gather [hbm4b:s6+s3], $0x80, v2, vm0, $0xb8;
	[tilespmem:$0x1A000] =	vst v63  }
0x196: {  	s29 =	simm.s32 $0x17800  }
0x197: {  	[tilespmem:s29], [sflag:$0xB] =	stream.indirect_vreg.gather [hbm4b:s7+s3], $0x80, v2, vm0, $0xb8;
	[tilespmem:$0x1A000] =	vst v63  }
0x198: {  	_ =	swait.ge [sflag:s0], $0x2000  }
0x199: {  	[sflag:s0] =	ssyncset.done $0x0  }
0x19a: {  	s29 =	simm.s32 $0x2000;
	s19 =	rddreg [dreg:$0x7];
	[sflag:s0] =	ssyncadd.s32 $0xFFFFE000  }
0x19b: {  	[hbm4b:s19+s3] =	stream.linear.scatter [tilespmem:s29], [sflag:$0xD], $0x8000, $0x38;
	[tilespmem:$0x1A000] =	vst v63  }
0x19c: {  	v2 =	vld.msk [tilespmem:$0xB80], $0xff;
	_ =	sdelay $0x4  }
0x19d: {  	v3 =	vshll.u32 v2, $0x3  }
0x19e: {  	v2 =	vand.u32 $0x7, v2;
	v3 =	vand.u32 $0xFFFFFFC0, v3  }
0x19f: {  	v2 =	vor.u32 v2, v3  }
0x1a0: {  	v2 =	vperm.xlane v2, v0;
	_ =	sdelay $0x1  }
0x1a1: {  	v2 =	vadd.s32 v1, v2;
	_ =	sdelay $0x3  }
0x1a2: {  	s19 =	simm.s32 $0x18000  }
0x1a3: {  	[tilespmem:s19], [sflag:$0xC] =	stream.indirect_vreg.gather [hbm4b:s2+s3], $0x80, v2, vm0, $0xb8;
	[tilespmem:$0x1A000] =	vst v63  }
0x1a4: {  	s19 =	simm.s32 $0x18800  }
0x1a5: {  	[tilespmem:s19], [sflag:$0xC] =	stream.indirect_vreg.gather [hbm4b:s5+s3], $0x80, v2, vm0, $0xb8;
	[tilespmem:$0x1A000] =	vst v63  }
0x1a6: {  	s19 =	simm.s32 $0x19000  }
0x1a7: {  	[tilespmem:s19], [sflag:$0xC] =	stream.indirect_vreg.gather [hbm4b:s6+s3], $0x80, v2, vm0, $0xb8;
	[tilespmem:$0x1A000] =	vst v63  }
0x1a8: {  	s19 =	simm.s32 $0x19800  }
0x1a9: {  	[tilespmem:s19], [sflag:$0xC] =	stream.indirect_vreg.gather [hbm4b:s7+s3], $0x80, v2, vm0, $0xb8;
	[tilespmem:$0x1A000] =	vst v63  }
0x1aa: {  	_ =	swait.ge [sflag:s20], $0x2000  }
0x1ab: {  	[sflag:s20] =	ssyncset.done $0x0  }
0x1ac: {  	[sflag:s20] =	ssyncadd.s32 $0xFFFFE000  }
0x1ad: {  	_ =	swait.ge [sflag:s30], $0x8000  }
0x1ae: {  	[sflag:s30] =	ssyncset.done $0x0  }
0x1af: {  	[sflag:s30] =	ssyncadd.s32 $0xFFFF8000  }
0x1b0: {  	v2 =	vld.msk [tilespmem:$0xC00], $0xff;
	_ =	sdelay $0x4  }
0x1b1: {  	v3 =	vshll.u32 v2, $0x3  }
0x1b2: {  	v2 =	vand.u32 $0x7, v2;
	v3 =	vand.u32 $0xFFFFFFC0, v3  }
0x1b3: {  	v2 =	vor.u32 v2, v3  }
0x1b4: {  	v2 =	vperm.xlane v2, v0;
	_ =	sdelay $0x1  }
0x1b5: {  	v2 =	vadd.s32 v1, v2;
	_ =	sdelay $0x4  }
0x1b6: {  	[tilespmem:s29], [sflag:$0x1] =	stream.indirect_vreg.gather [hbm4b:s2+s3], $0x80, v2, vm0, $0xb8;
	[tilespmem:$0x1A000] =	vst v63  }
0x1b7: {  	s29 =	simm.s32 $0x2800  }
0x1b8: {  	[tilespmem:s29], [sflag:$0x1] =	stream.indirect_vreg.gather [hbm4b:s5+s3], $0x80, v2, vm0, $0xb8;
	[tilespmem:$0x1A000] =	vst v63  }
0x1b9: {  	s29 =	simm.s32 $0x3000  }
0x1ba: {  	[tilespmem:s29], [sflag:$0x1] =	stream.indirect_vreg.gather [hbm4b:s6+s3], $0x80, v2, vm0, $0xb8;
	[tilespmem:$0x1A000] =	vst v63  }
0x1bb: {  	s29 =	simm.s32 $0x3800  }
0x1bc: {  	[tilespmem:s29], [sflag:$0x1] =	stream.indirect_vreg.gather [hbm4b:s7+s3], $0x80, v2, vm0, $0xb8;
	[tilespmem:$0x1A000] =	vst v63  }
0x1bd: {  	_ =	swait.ge [sflag:s4], $0x2000  }
0x1be: {  	[sflag:s4] =	ssyncset.done $0x0  }
0x1bf: {  	[sflag:s4] =	ssyncadd.s32 $0xFFFFE000  }
0x1c0: {  	v2 =	vld.msk [tilespmem:$0xC80], $0xff;
	_ =	sdelay $0x4  }
0x1c1: {  	v3 =	vshll.u32 v2, $0x3  }
0x1c2: {  	v2 =	vand.u32 $0x7, v2;
	v3 =	vand.u32 $0xFFFFFFC0, v3  }
0x1c3: {  	v2 =	vor.u32 v2, v3  }
0x1c4: {  	v2 =	vperm.xlane v2, v0;
	_ =	sdelay $0x1  }
0x1c5: {  	v2 =	vadd.s32 v1, v2;
	_ =	sdelay $0x4  }
0x1c6: {  	[tilespmem:s10], [sflag:$0x2] =	stream.indirect_vreg.gather [hbm4b:s2+s3], $0x80, v2, vm0, $0xb8;
	[tilespmem:$0x1A000] =	vst v63  }
0x1c7: {  	_ = 	snop  }
0x1c8: {  	[tilespmem:s22], [sflag:$0x2] =	stream.indirect_vreg.gather [hbm4b:s5+s3], $0x80, v2, vm0, $0xb8;
	[tilespmem:$0x1A000] =	vst v63  }
0x1c9: {  	_ = 	snop  }
0x1ca: {  	[tilespmem:s26], [sflag:$0x2] =	stream.indirect_vreg.gather [hbm4b:s6+s3], $0x80, v2, vm0, $0xb8;
	[tilespmem:$0x1A000] =	vst v63  }
0x1cb: {  	s22 =	simm.s32 $0x5800  }
0x1cc: {  	[tilespmem:s22], [sflag:$0x2] =	stream.indirect_vreg.gather [hbm4b:s7+s3], $0x80, v2, vm0, $0xb8;
	[tilespmem:$0x1A000] =	vst v63  }
0x1cd: {  	_ =	swait.ge [sflag:s11], $0x2000  }
0x1ce: {  	[sflag:s11] =	ssyncset.done $0x0  }
0x1cf: {  	[sflag:s11] =	ssyncadd.s32 $0xFFFFE000  }
0x1d0: {  	v2 =	vld.msk [tilespmem:$0xD00], $0xff;
	_ =	sdelay $0x4  }
0x1d1: {  	v3 =	vshll.u32 v2, $0x3  }
0x1d2: {  	v2 =	vand.u32 $0x7, v2;
	v3 =	vand.u32 $0xFFFFFFC0, v3  }
0x1d3: {  	v2 =	vor.u32 v2, v3  }
0x1d4: {  	v2 =	vperm.xlane v2, v0;
	_ =	sdelay $0x1  }
0x1d5: {  	v2 =	vadd.s32 v1, v2;
	_ =	sdelay $0x3  }
0x1d6: {  	s26 =	simm.s32 $0x6000  }
0x1d7: {  	[tilespmem:s26], [sflag:$0x3] =	stream.indirect_vreg.gather [hbm4b:s2+s3], $0x80, v2, vm0, $0xb8;
	[tilespmem:$0x1A000] =	vst v63  }
0x1d8: {  	s29 =	simm.s32 $0x6800  }
0x1d9: {  	[tilespmem:s29], [sflag:$0x3] =	stream.indirect_vreg.gather [hbm4b:s5+s3], $0x80, v2, vm0, $0xb8;
	[tilespmem:$0x1A000] =	vst v63  }
0x1da: {  	s19 =	simm.s32 $0x7000  }
0x1db: {  	[tilespmem:s19], [sflag:$0x3] =	stream.indirect_vreg.gather [hbm4b:s6+s3], $0x80, v2, vm0, $0xb8;
	[tilespmem:$0x1A000] =	vst v63  }
0x1dc: {  	s22 =	simm.s32 $0x7800  }
0x1dd: {  	[tilespmem:s22], [sflag:$0x3] =	stream.indirect_vreg.gather [hbm4b:s7+s3], $0x80, v2, vm0, $0xb8;
	[tilespmem:$0x1A000] =	vst v63  }
0x1de: {  	_ =	swait.ge [sflag:s12], $0x2000  }
0x1df: {  	[sflag:s12] =	ssyncset.done $0x0  }
0x1e0: {  	s10 =	simm.s32 $0xA000;
	s26 =	rddreg [dreg:$0x8];
	[sflag:s12] =	ssyncadd.s32 $0xFFFFE000  }
0x1e1: {  	[hbm4b:s26+s3] =	stream.linear.scatter [tilespmem:s10], [sflag:$0xE], $0x8000, $0x38;
	[tilespmem:$0x1A000] =	vst v63  }
0x1e2: {  	v2 =	vld.msk [tilespmem:$0xD80], $0xff;
	_ =	sdelay $0x4  }
0x1e3: {  	v3 =	vshll.u32 v2, $0x3  }
0x1e4: {  	v2 =	vand.u32 $0x7, v2;
	v3 =	vand.u32 $0xFFFFFFC0, v3  }
0x1e5: {  	v2 =	vor.u32 v2, v3  }
0x1e6: {  	v2 =	vperm.xlane v2, v0;
	_ =	sdelay $0x1  }
0x1e7: {  	v2 =	vadd.s32 v1, v2;
	_ =	sdelay $0x3  }
0x1e8: {  	s29 =	simm.s32 $0x8000  }
0x1e9: {  	[tilespmem:s29], [sflag:$0x4] =	stream.indirect_vreg.gather [hbm4b:s2+s3], $0x80, v2, vm0, $0xb8;
	[tilespmem:$0x1A000] =	vst v63  }
0x1ea: {  	s22 =	simm.s32 $0x8800  }
0x1eb: {  	[tilespmem:s22], [sflag:$0x4] =	stream.indirect_vreg.gather [hbm4b:s5+s3], $0x80, v2, vm0, $0xb8;
	[tilespmem:$0x1A000] =	vst v63  }
0x1ec: {  	s26 =	simm.s32 $0x9000  }
0x1ed: {  	[tilespmem:s26], [sflag:$0x4] =	stream.indirect_vreg.gather [hbm4b:s6+s3], $0x80, v2, vm0, $0xb8;
	[tilespmem:$0x1A000] =	vst v63  }
0x1ee: {  	s29 =	simm.s32 $0x9800  }
0x1ef: {  	[tilespmem:s29], [sflag:$0x4] =	stream.indirect_vreg.gather [hbm4b:s7+s3], $0x80, v2, vm0, $0xb8;
	[tilespmem:$0x1A000] =	vst v63  }
0x1f0: {  	_ =	swait.ge [sflag:s13], $0x2000  }
0x1f1: {  	[sflag:s13] =	ssyncset.done $0x0  }
0x1f2: {  	[sflag:s13] =	ssyncadd.s32 $0xFFFFE000  }
0x1f3: {  	_ =	swait.ge [sflag:s14], $0x8000  }
0x1f4: {  	[sflag:s14] =	ssyncset.done $0x0  }
0x1f5: {  	[sflag:s14] =	ssyncadd.s32 $0xFFFF8000  }
0x1f6: {  	v2 =	vld.msk [tilespmem:$0xE00], $0xff;
	_ =	sdelay $0x4  }
0x1f7: {  	v3 =	vshll.u32 v2, $0x3  }
0x1f8: {  	v2 =	vand.u32 $0x7, v2;
	v3 =	vand.u32 $0xFFFFFFC0, v3  }
0x1f9: {  	v2 =	vor.u32 v2, v3  }
0x1fa: {  	v2 =	vperm.xlane v2, v0;
	_ =	sdelay $0x1  }
0x1fb: {  	v2 =	vadd.s32 v1, v2;
	_ =	sdelay $0x4  }
0x1fc: {  	[tilespmem:s10], [sflag:$0x5] =	stream.indirect_vreg.gather [hbm4b:s2+s3], $0x80, v2, vm0, $0xb8;
	[tilespmem:$0x1A000] =	vst v63  }
0x1fd: {  	s19 =	simm.s32 $0xA800  }
0x1fe: {  	[tilespmem:s19], [sflag:$0x5] =	stream.indirect_vreg.gather [hbm4b:s5+s3], $0x80, v2, vm0, $0xb8;
	[tilespmem:$0x1A000] =	vst v63  }
0x1ff: {  	s26 =	simm.s32 $0xB000  }
0x200: {  	[tilespmem:s26], [sflag:$0x5] =	stream.indirect_vreg.gather [hbm4b:s6+s3], $0x80, v2, vm0, $0xb8;
	[tilespmem:$0x1A000] =	vst v63  }
0x201: {  	s29 =	simm.s32 $0xB800  }
0x202: {  	[tilespmem:s29], [sflag:$0x5] =	stream.indirect_vreg.gather [hbm4b:s7+s3], $0x80, v2, vm0, $0xb8;
	[tilespmem:$0x1A000] =	vst v63  }
0x203: {  	_ =	swait.ge [sflag:s15], $0x2000  }
0x204: {  	[sflag:s15] =	ssyncset.done $0x0  }
0x205: {  	[sflag:s15] =	ssyncadd.s32 $0xFFFFE000  }
0x206: {  	v2 =	vld.msk [tilespmem:$0xE80], $0xff;
	_ =	sdelay $0x4  }
0x207: {  	v3 =	vshll.u32 v2, $0x3  }
0x208: {  	v2 =	vand.u32 $0x7, v2;
	v3 =	vand.u32 $0xFFFFFFC0, v3  }
0x209: {  	v2 =	vor.u32 v2, v3  }
0x20a: {  	v2 =	vperm.xlane v2, v0;
	_ =	sdelay $0x1  }
0x20b: {  	v2 =	vadd.s32 v1, v2;
	_ =	sdelay $0x3  }
0x20c: {  	s19 =	simm.s32 $0xC000  }
0x20d: {  	[tilespmem:s19], [sflag:$0x6] =	stream.indirect_vreg.gather [hbm4b:s2+s3], $0x80, v2, vm0, $0xb8;
	[tilespmem:$0x1A000] =	vst v63  }
0x20e: {  	s26 =	simm.s32 $0xC800  }
0x20f: {  	[tilespmem:s26], [sflag:$0x6] =	stream.indirect_vreg.gather [hbm4b:s5+s3], $0x80, v2, vm0, $0xb8;
	[tilespmem:$0x1A000] =	vst v63  }
0x210: {  	s26 =	simm.s32 $0xD000  }
0x211: {  	[tilespmem:s26], [sflag:$0x6] =	stream.indirect_vreg.gather [hbm4b:s6+s3], $0x80, v2, vm0, $0xb8;
	[tilespmem:$0x1A000] =	vst v63  }
0x212: {  	s29 =	simm.s32 $0xD800  }
0x213: {  	[tilespmem:s29], [sflag:$0x6] =	stream.indirect_vreg.gather [hbm4b:s7+s3], $0x80, v2, vm0, $0xb8;
	[tilespmem:$0x1A000] =	vst v63  }
0x214: {  	_ =	swait.ge [sflag:s16], $0x2000  }
0x215: {  	[sflag:s16] =	ssyncset.done $0x0  }
0x216: {  	[sflag:s16] =	ssyncadd.s32 $0xFFFFE000  }
0x217: {  	v2 =	vld.msk [tilespmem:$0xF00], $0xff;
	_ =	sdelay $0x4  }
0x218: {  	v3 =	vshll.u32 v2, $0x3  }
0x219: {  	v2 =	vand.u32 $0x7, v2;
	v3 =	vand.u32 $0xFFFFFFC0, v3  }
0x21a: {  	v2 =	vor.u32 v2, v3  }
0x21b: {  	v2 =	vperm.xlane v2, v0;
	_ =	sdelay $0x1  }
0x21c: {  	v2 =	vadd.s32 v1, v2;
	_ =	sdelay $0x4  }
0x21d: {  	[tilespmem:s21], [sflag:$0x7] =	stream.indirect_vreg.gather [hbm4b:s2+s3], $0x80, v2, vm0, $0xb8;
	[tilespmem:$0x1A000] =	vst v63  }
0x21e: {  	_ = 	snop  }
0x21f: {  	[tilespmem:s28], [sflag:$0x7] =	stream.indirect_vreg.gather [hbm4b:s5+s3], $0x80, v2, vm0, $0xb8;
	[tilespmem:$0x1A000] =	vst v63  }
0x220: {  	_ = 	snop  }
0x221: {  	[tilespmem:s8], [sflag:$0x7] =	stream.indirect_vreg.gather [hbm4b:s6+s3], $0x80, v2, vm0, $0xb8;
	[tilespmem:$0x1A000] =	vst v63  }
0x222: {  	s29 =	simm.s32 $0xF800  }
0x223: {  	[tilespmem:s29], [sflag:$0x7] =	stream.indirect_vreg.gather [hbm4b:s7+s3], $0x80, v2, vm0, $0xb8;
	[tilespmem:$0x1A000] =	vst v63  }
0x224: {  	_ =	swait.ge [sflag:s17], $0x2000  }
0x225: {  	[sflag:s17] =	ssyncset.done $0x0  }
0x226: {  	s21 =	simm.s32 $0x12000;
	s10 =	rddreg [dreg:$0x9];
	[sflag:s17] =	ssyncadd.s32 $0xFFFFE000  }
0x227: {  	[hbm4b:s10+s3] =	stream.linear.scatter [tilespmem:s21], [sflag:$0xF], $0x8000, $0x38;
	[tilespmem:$0x1A000] =	vst v63  }
0x228: {  	v2 =	vld.msk [tilespmem:$0xF80], $0xff;
	_ =	sdelay $0x4  }
0x229: {  	v3 =	vshll.u32 v2, $0x3  }
0x22a: {  	v2 =	vand.u32 $0x7, v2;
	v3 =	vand.u32 $0xFFFFFFC0, v3  }
0x22b: {  	v2 =	vor.u32 v2, v3  }
0x22c: {  	v2 =	vperm.xlane v2, v0;
	_ =	sdelay $0x1  }
0x22d: {  	v2 =	vadd.s32 v1, v2;
	_ =	sdelay $0x4  }
0x22e: {  	[tilespmem:s23], [sflag:$0x8] =	stream.indirect_vreg.gather [hbm4b:s2+s3], $0x80, v2, vm0, $0xb8;
	[tilespmem:$0x1A000] =	vst v63  }
0x22f: {  	_ = 	snop  }
0x230: {  	[tilespmem:s25], [sflag:$0x8] =	stream.indirect_vreg.gather [hbm4b:s5+s3], $0x80, v2, vm0, $0xb8;
	[tilespmem:$0x1A000] =	vst v63  }
0x231: {  	_ = 	snop  }
0x232: {  	[tilespmem:s24], [sflag:$0x8] =	stream.indirect_vreg.gather [hbm4b:s6+s3], $0x80, v2, vm0, $0xb8;
	[tilespmem:$0x1A000] =	vst v63  }
0x233: {  	s24 =	simm.s32 $0x11800  }
0x234: {  	[tilespmem:s24], [sflag:$0x8] =	stream.indirect_vreg.gather [hbm4b:s7+s3], $0x80, v2, vm0, $0xb8;
	[tilespmem:$0x1A000] =	vst v63  }
0x235: {  	_ =	swait.ge [sflag:s9], $0x2000  }
0x236: {  	[sflag:s9] =	ssyncset.done $0x0  }
0x237: {  	[sflag:s9] =	ssyncadd.s32 $0xFFFFE000  }
0x238: {  	_ =	swait.ge [sflag:s18], $0x8000  }
0x239: {  	[sflag:s18] =	ssyncset.done $0x0  }
0x23a: {  	[sflag:s18] =	ssyncadd.s32 $0xFFFF8000  }
0x23b: {  	v2 =	vld.msk [tilespmem:$0x1000], $0xff;
	_ =	sdelay $0x4  }
0x23c: {  	v3 =	vshll.u32 v2, $0x3  }
0x23d: {  	v2 =	vand.u32 $0x7, v2;
	v3 =	vand.u32 $0xFFFFFFC0, v3  }
0x23e: {  	v2 =	vor.u32 v2, v3  }
0x23f: {  	v2 =	vperm.xlane v2, v0;
	_ =	sdelay $0x1  }
0x240: {  	v2 =	vadd.s32 v1, v2;
	_ =	sdelay $0x4  }
0x241: {  	[tilespmem:s21], [sflag:$0x9] =	stream.indirect_vreg.gather [hbm4b:s2+s3], $0x80, v2, vm0, $0xb8;
	[tilespmem:$0x1A000] =	vst v63  }
0x242: {  	s23 =	simm.s32 $0x12800  }
0x243: {  	[tilespmem:s23], [sflag:$0x9] =	stream.indirect_vreg.gather [hbm4b:s5+s3], $0x80, v2, vm0, $0xb8;
	[tilespmem:$0x1A000] =	vst v63  }
0x244: {  	s25 =	simm.s32 $0x13000  }
0x245: {  	[tilespmem:s25], [sflag:$0x9] =	stream.indirect_vreg.gather [hbm4b:s6+s3], $0x80, v2, vm0, $0xb8;
	[tilespmem:$0x1A000] =	vst v63  }
0x246: {  	s28 =	simm.s32 $0x13800  }
0x247: {  	[tilespmem:s28], [sflag:$0x9] =	stream.indirect_vreg.gather [hbm4b:s7+s3], $0x80, v2, vm0, $0xb8;
	[tilespmem:$0x1A000] =	vst v63  }
0x248: {  	_ =	swait.ge [sflag:s1], $0x2000  }
0x249: {  	[sflag:s1] =	ssyncset.done $0x0  }
0x24a: {  	[sflag:s1] =	ssyncadd.s32 $0xFFFFE000  }
0x24b: {  	v2 =	vld.msk [tilespmem:$0x1080], $0xff;
	_ =	sdelay $0x4  }
0x24c: {  	v3 =	vshll.u32 v2, $0x3  }
0x24d: {  	v2 =	vand.u32 $0x7, v2;
	v3 =	vand.u32 $0xFFFFFFC0, v3  }
0x24e: {  	v2 =	vor.u32 v2, v3  }
0x24f: {  	v2 =	vperm.xlane v2, v0;
	_ =	sdelay $0x1  }
0x250: {  	v2 =	vadd.s32 v1, v2;
	_ =	sdelay $0x3  }
0x251: {  	s10 =	simm.s32 $0x14000  }
0x252: {  	[tilespmem:s10], [sflag:$0xA] =	stream.indirect_vreg.gather [hbm4b:s2+s3], $0x80, v2, vm0, $0xb8;
	[tilespmem:$0x1A000] =	vst v63  }
0x253: {  	s19 =	simm.s32 $0x14800  }
0x254: {  	[tilespmem:s19], [sflag:$0xA] =	stream.indirect_vreg.gather [hbm4b:s5+s3], $0x80, v2, vm0, $0xb8;
	[tilespmem:$0x1A000] =	vst v63  }
0x255: {  	s25 =	simm.s32 $0x15000  }
0x256: {  	[tilespmem:s25], [sflag:$0xA] =	stream.indirect_vreg.gather [hbm4b:s6+s3], $0x80, v2, vm0, $0xb8;
	[tilespmem:$0x1A000] =	vst v63  }
0x257: {  	s28 =	simm.s32 $0x15800  }
0x258: {  	[tilespmem:s28], [sflag:$0xA] =	stream.indirect_vreg.gather [hbm4b:s7+s3], $0x80, v2, vm0, $0xb8;
	[tilespmem:$0x1A000] =	vst v63  }
0x259: {  	_ =	swait.ge [sflag:s31], $0x2000  }
0x25a: {  	[sflag:s31] =	ssyncset.done $0x0  }
0x25b: {  	[sflag:s31] =	ssyncadd.s32 $0xFFFFE000  }
0x25c: {  	v2 =	vld.msk [tilespmem:$0x1100], $0xff;
	_ =	sdelay $0x4  }
0x25d: {  	v3 =	vshll.u32 v2, $0x3  }
0x25e: {  	v2 =	vand.u32 $0x7, v2;
	v3 =	vand.u32 $0xFFFFFFC0, v3  }
0x25f: {  	v2 =	vor.u32 v2, v3  }
0x260: {  	v2 =	vperm.xlane v2, v0;
	_ =	sdelay $0x1  }
0x261: {  	v2 =	vadd.s32 v1, v2;
	_ =	sdelay $0x3  }
0x262: {  	s10 =	simm.s32 $0x16000  }
0x263: {  	[tilespmem:s10], [sflag:$0xB] =	stream.indirect_vreg.gather [hbm4b:s2+s3], $0x80, v2, vm0, $0xb8;
	[tilespmem:$0x1A000] =	vst v63  }
0x264: {  	s19 =	simm.s32 $0x16800  }
0x265: {  	[tilespmem:s19], [sflag:$0xB] =	stream.indirect_vreg.gather [hbm4b:s5+s3], $0x80, v2, vm0, $0xb8;
	[tilespmem:$0x1A000] =	vst v63  }
0x266: {  	s25 =	simm.s32 $0x17000  }
0x267: {  	[tilespmem:s25], [sflag:$0xB] =	stream.indirect_vreg.gather [hbm4b:s6+s3], $0x80, v2, vm0, $0xb8;
	[tilespmem:$0x1A000] =	vst v63  }
0x268: {  	s28 =	simm.s32 $0x17800  }
0x269: {  	[tilespmem:s28], [sflag:$0xB] =	stream.indirect_vreg.gather [hbm4b:s7+s3], $0x80, v2, vm0, $0xb8;
	[tilespmem:$0x1A000] =	vst v63  }
0x26a: {  	_ =	swait.ge [sflag:s0], $0x2000  }
0x26b: {  	[sflag:s0] =	ssyncset.done $0x0  }
0x26c: {  	s8 =	simm.s32 $0x2000;
	s10 =	rddreg [dreg:$0xa];
	[sflag:s0] =	ssyncadd.s32 $0xFFFFE000  }
0x26d: {  	[hbm4b:s10+s3] =	stream.linear.scatter [tilespmem:s8], [sflag:$0xD], $0x8000, $0x38;
	[tilespmem:$0x1A000] =	vst v63  }
0x26e: {  	v2 =	vld.msk [tilespmem:$0x1180], $0xff;
	_ =	sdelay $0x4  }
0x26f: {  	v3 =	vshll.u32 v2, $0x3  }
0x270: {  	v2 =	vand.u32 $0x7, v2;
	v3 =	vand.u32 $0xFFFFFFC0, v3  }
0x271: {  	v2 =	vor.u32 v2, v3  }
0x272: {  	v2 =	vperm.xlane v2, v0;
	_ =	sdelay $0x1  }
0x273: {  	v2 =	vadd.s32 v1, v2;
	_ =	sdelay $0x3  }
0x274: {  	s25 =	simm.s32 $0x18000  }
0x275: {  	[tilespmem:s25], [sflag:$0xC] =	stream.indirect_vreg.gather [hbm4b:s2+s3], $0x80, v2, vm0, $0xb8;
	[tilespmem:$0x1A000] =	vst v63  }
0x276: {  	s28 =	simm.s32 $0x18800  }
0x277: {  	[tilespmem:s28], [sflag:$0xC] =	stream.indirect_vreg.gather [hbm4b:s5+s3], $0x80, v2, vm0, $0xb8;
	[tilespmem:$0x1A000] =	vst v63  }
0x278: {  	s19 =	simm.s32 $0x19000  }
0x279: {  	[tilespmem:s19], [sflag:$0xC] =	stream.indirect_vreg.gather [hbm4b:s6+s3], $0x80, v2, vm0, $0xb8;
	[tilespmem:$0x1A000] =	vst v63  }
0x27a: {  	s25 =	simm.s32 $0x19800  }
0x27b: {  	[tilespmem:s25], [sflag:$0xC] =	stream.indirect_vreg.gather [hbm4b:s7+s3], $0x80, v2, vm0, $0xb8;
	[tilespmem:$0x1A000] =	vst v63  }
0x27c: {  	_ =	swait.ge [sflag:s20], $0x2000  }
0x27d: {  	[sflag:s20] =	ssyncset.done $0x0  }
0x27e: {  	[sflag:s20] =	ssyncadd.s32 $0xFFFFE000  }
0x27f: {  	_ =	swait.ge [sflag:s30], $0x8000  }
0x280: {  	[sflag:s30] =	ssyncset.done $0x0  }
0x281: {  	[sflag:s30] =	ssyncadd.s32 $0xFFFF8000  }
0x282: {  	v2 =	vld.msk [tilespmem:$0x1200], $0xff;
	_ =	sdelay $0x4  }
0x283: {  	v3 =	vshll.u32 v2, $0x3  }
0x284: {  	v2 =	vand.u32 $0x7, v2;
	v3 =	vand.u32 $0xFFFFFFC0, v3  }
0x285: {  	v2 =	vor.u32 v2, v3  }
0x286: {  	v2 =	vperm.xlane v2, v0;
	_ =	sdelay $0x1  }
0x287: {  	v2 =	vadd.s32 v1, v2;
	_ =	sdelay $0x4  }
0x288: {  	[tilespmem:s8], [sflag:$0x1] =	stream.indirect_vreg.gather [hbm4b:s2+s3], $0x80, v2, vm0, $0xb8;
	[tilespmem:$0x1A000] =	vst v63  }
0x289: {  	s25 =	simm.s32 $0x2800  }
0x28a: {  	[tilespmem:s25], [sflag:$0x1] =	stream.indirect_vreg.gather [hbm4b:s5+s3], $0x80, v2, vm0, $0xb8;
	[tilespmem:$0x1A000] =	vst v63  }
0x28b: {  	s28 =	simm.s32 $0x3000  }
0x28c: {  	[tilespmem:s28], [sflag:$0x1] =	stream.indirect_vreg.gather [hbm4b:s6+s3], $0x80, v2, vm0, $0xb8;
	[tilespmem:$0x1A000] =	vst v63  }
0x28d: {  	s19 =	simm.s32 $0x3800  }
0x28e: {  	[tilespmem:s19], [sflag:$0x1] =	stream.indirect_vreg.gather [hbm4b:s7+s3], $0x80, v2, vm0, $0xb8;
	[tilespmem:$0x1A000] =	vst v63  }
0x28f: {  	_ =	swait.ge [sflag:s4], $0x2000  }
0x290: {  	[sflag:s4] =	ssyncset.done $0x0  }
0x291: {  	[sflag:s4] =	ssyncadd.s32 $0xFFFFE000  }
0x292: {  	v2 =	vld.msk [tilespmem:$0x1280], $0xff;
	_ =	sdelay $0x4  }
0x293: {  	v3 =	vshll.u32 v2, $0x3  }
0x294: {  	v2 =	vand.u32 $0x7, v2;
	v3 =	vand.u32 $0xFFFFFFC0, v3  }
0x295: {  	v2 =	vor.u32 v2, v3  }
0x296: {  	v2 =	vperm.xlane v2, v0;
	_ =	sdelay $0x1  }
0x297: {  	v2 =	vadd.s32 v1, v2;
	_ =	sdelay $0x3  }
0x298: {  	s28 =	simm.s32 $0x4000  }
0x299: {  	[tilespmem:s28], [sflag:$0x2] =	stream.indirect_vreg.gather [hbm4b:s2+s3], $0x80, v2, vm0, $0xb8;
	[tilespmem:$0x1A000] =	vst v63  }
0x29a: {  	s19 =	simm.s32 $0x4800  }
0x29b: {  	[tilespmem:s19], [sflag:$0x2] =	stream.indirect_vreg.gather [hbm4b:s5+s3], $0x80, v2, vm0, $0xb8;
	[tilespmem:$0x1A000] =	vst v63  }
0x29c: {  	s10 =	simm.s32 $0x5000  }
0x29d: {  	[tilespmem:s10], [sflag:$0x2] =	stream.indirect_vreg.gather [hbm4b:s6+s3], $0x80, v2, vm0, $0xb8;
	[tilespmem:$0x1A000] =	vst v63  }
0x29e: {  	s28 =	simm.s32 $0x5800  }
0x29f: {  	[tilespmem:s28], [sflag:$0x2] =	stream.indirect_vreg.gather [hbm4b:s7+s3], $0x80, v2, vm0, $0xb8;
	[tilespmem:$0x1A000] =	vst v63  }
0x2a0: {  	_ =	swait.ge [sflag:s11], $0x2000  }
0x2a1: {  	[sflag:s11] =	ssyncset.done $0x0  }
0x2a2: {  	[sflag:s11] =	ssyncadd.s32 $0xFFFFE000  }
0x2a3: {  	v2 =	vld.msk [tilespmem:$0x1300], $0xff;
	_ =	sdelay $0x4  }
0x2a4: {  	v3 =	vshll.u32 v2, $0x3  }
0x2a5: {  	v2 =	vand.u32 $0x7, v2;
	v3 =	vand.u32 $0xFFFFFFC0, v3  }
0x2a6: {  	v2 =	vor.u32 v2, v3  }
0x2a7: {  	v2 =	vperm.xlane v2, v0;
	_ =	sdelay $0x1  }
0x2a8: {  	v2 =	vadd.s32 v1, v2;
	_ =	sdelay $0x3  }
0x2a9: {  	s28 =	simm.s32 $0x6000  }
0x2aa: {  	[tilespmem:s28], [sflag:$0x3] =	stream.indirect_vreg.gather [hbm4b:s2+s3], $0x80, v2, vm0, $0xb8;
	[tilespmem:$0x1A000] =	vst v63  }
0x2ab: {  	s28 =	simm.s32 $0x6800  }
0x2ac: {  	[tilespmem:s28], [sflag:$0x3] =	stream.indirect_vreg.gather [hbm4b:s5+s3], $0x80, v2, vm0, $0xb8;
	[tilespmem:$0x1A000] =	vst v63  }
0x2ad: {  	s28 =	simm.s32 $0x7000  }
0x2ae: {  	[tilespmem:s28], [sflag:$0x3] =	stream.indirect_vreg.gather [hbm4b:s6+s3], $0x80, v2, vm0, $0xb8;
	[tilespmem:$0x1A000] =	vst v63  }
0x2af: {  	s28 =	simm.s32 $0x7800  }
0x2b0: {  	[tilespmem:s28], [sflag:$0x3] =	stream.indirect_vreg.gather [hbm4b:s7+s3], $0x80, v2, vm0, $0xb8;
	[tilespmem:$0x1A000] =	vst v63  }
0x2b1: {  	_ =	swait.ge [sflag:s12], $0x2000  }
0x2b2: {  	[sflag:s12] =	ssyncset.done $0x0  }
0x2b3: {  	s22 =	simm.s32 $0xA000;
	s28 =	rddreg [dreg:$0xb];
	[sflag:s12] =	ssyncadd.s32 $0xFFFFE000  }
0x2b4: {  	[hbm4b:s28+s3] =	stream.linear.scatter [tilespmem:s22], [sflag:$0xE], $0x8000, $0x38;
	[tilespmem:$0x1A000] =	vst v63  }
0x2b5: {  	v2 =	vld.msk [tilespmem:$0x1380], $0xff;
	_ =	sdelay $0x4  }
0x2b6: {  	v3 =	vshll.u32 v2, $0x3  }
0x2b7: {  	v2 =	vand.u32 $0x7, v2;
	v3 =	vand.u32 $0xFFFFFFC0, v3  }
0x2b8: {  	v2 =	vor.u32 v2, v3  }
0x2b9: {  	v2 =	vperm.xlane v2, v0;
	_ =	sdelay $0x1  }
0x2ba: {  	v2 =	vadd.s32 v1, v2;
	_ =	sdelay $0x3  }
0x2bb: {  	s28 =	simm.s32 $0x8000  }
0x2bc: {  	[tilespmem:s28], [sflag:$0x4] =	stream.indirect_vreg.gather [hbm4b:s2+s3], $0x80, v2, vm0, $0xb8;
	[tilespmem:$0x1A000] =	vst v63  }
0x2bd: {  	s19 =	simm.s32 $0x8800  }
0x2be: {  	[tilespmem:s19], [sflag:$0x4] =	stream.indirect_vreg.gather [hbm4b:s5+s3], $0x80, v2, vm0, $0xb8;
	[tilespmem:$0x1A000] =	vst v63  }
0x2bf: {  	s19 =	simm.s32 $0x9000  }
0x2c0: {  	[tilespmem:s19], [sflag:$0x4] =	stream.indirect_vreg.gather [hbm4b:s6+s3], $0x80, v2, vm0, $0xb8;
	[tilespmem:$0x1A000] =	vst v63  }
0x2c1: {  	s19 =	simm.s32 $0x9800  }
0x2c2: {  	[tilespmem:s19], [sflag:$0x4] =	stream.indirect_vreg.gather [hbm4b:s7+s3], $0x80, v2, vm0, $0xb8;
	[tilespmem:$0x1A000] =	vst v63  }
0x2c3: {  	_ =	swait.ge [sflag:s13], $0x2000  }
0x2c4: {  	[sflag:s13] =	ssyncset.done $0x0  }
0x2c5: {  	[sflag:s13] =	ssyncadd.s32 $0xFFFFE000  }
0x2c6: {  	_ =	swait.ge [sflag:s14], $0x8000  }
0x2c7: {  	[sflag:s14] =	ssyncset.done $0x0  }
0x2c8: {  	[sflag:s14] =	ssyncadd.s32 $0xFFFF8000  }
0x2c9: {  	v2 =	vld.msk [tilespmem:$0x1400], $0xff;
	_ =	sdelay $0x4  }
0x2ca: {  	v3 =	vshll.u32 v2, $0x3  }
0x2cb: {  	v2 =	vand.u32 $0x7, v2;
	v3 =	vand.u32 $0xFFFFFFC0, v3  }
0x2cc: {  	v2 =	vor.u32 v2, v3  }
0x2cd: {  	v2 =	vperm.xlane v2, v0;
	_ =	sdelay $0x1  }
0x2ce: {  	v2 =	vadd.s32 v1, v2;
	_ =	sdelay $0x4  }
0x2cf: {  	[tilespmem:s22], [sflag:$0x5] =	stream.indirect_vreg.gather [hbm4b:s2+s3], $0x80, v2, vm0, $0xb8;
	[tilespmem:$0x1A000] =	vst v63  }
0x2d0: {  	s22 =	simm.s32 $0xA800  }
0x2d1: {  	[tilespmem:s22], [sflag:$0x5] =	stream.indirect_vreg.gather [hbm4b:s5+s3], $0x80, v2, vm0, $0xb8;
	[tilespmem:$0x1A000] =	vst v63  }
0x2d2: {  	s22 =	simm.s32 $0xB000  }
0x2d3: {  	[tilespmem:s22], [sflag:$0x5] =	stream.indirect_vreg.gather [hbm4b:s6+s3], $0x80, v2, vm0, $0xb8;
	[tilespmem:$0x1A000] =	vst v63  }
0x2d4: {  	s22 =	simm.s32 $0xB800  }
0x2d5: {  	[tilespmem:s22], [sflag:$0x5] =	stream.indirect_vreg.gather [hbm4b:s7+s3], $0x80, v2, vm0, $0xb8;
	[tilespmem:$0x1A000] =	vst v63  }
0x2d6: {  	_ =	swait.ge [sflag:s15], $0x2000  }
0x2d7: {  	[sflag:s15] =	ssyncset.done $0x0  }
0x2d8: {  	[sflag:s15] =	ssyncadd.s32 $0xFFFFE000  }
0x2d9: {  	v2 =	vld.msk [tilespmem:$0x1480], $0xff;
	_ =	sdelay $0x4  }
0x2da: {  	v3 =	vshll.u32 v2, $0x3  }
0x2db: {  	v2 =	vand.u32 $0x7, v2;
	v3 =	vand.u32 $0xFFFFFFC0, v3  }
0x2dc: {  	v2 =	vor.u32 v2, v3  }
0x2dd: {  	v2 =	vperm.xlane v2, v0;
	_ =	sdelay $0x1  }
0x2de: {  	v2 =	vadd.s32 v1, v2;
	_ =	sdelay $0x3  }
0x2df: {  	s22 =	simm.s32 $0xC000  }
0x2e0: {  	[tilespmem:s22], [sflag:$0x6] =	stream.indirect_vreg.gather [hbm4b:s2+s3], $0x80, v2, vm0, $0xb8;
	[tilespmem:$0x1A000] =	vst v63  }
0x2e1: {  	s22 =	simm.s32 $0xC800  }
0x2e2: {  	[tilespmem:s22], [sflag:$0x6] =	stream.indirect_vreg.gather [hbm4b:s5+s3], $0x80, v2, vm0, $0xb8;
	[tilespmem:$0x1A000] =	vst v63  }
0x2e3: {  	_ = 	snop  }
0x2e4: {  	[tilespmem:s26], [sflag:$0x6] =	stream.indirect_vreg.gather [hbm4b:s6+s3], $0x80, v2, vm0, $0xb8;
	[tilespmem:$0x1A000] =	vst v63  }
0x2e5: {  	s22 =	simm.s32 $0xD800  }
0x2e6: {  	[tilespmem:s22], [sflag:$0x6] =	stream.indirect_vreg.gather [hbm4b:s7+s3], $0x80, v2, vm0, $0xb8;
	[tilespmem:$0x1A000] =	vst v63  }
0x2e7: {  	_ =	swait.ge [sflag:s16], $0x2000  }
0x2e8: {  	[sflag:s16] =	ssyncset.done $0x0  }
0x2e9: {  	[sflag:s16] =	ssyncadd.s32 $0xFFFFE000  }
0x2ea: {  	v2 =	vld.msk [tilespmem:$0x1500], $0xff;
	_ =	sdelay $0x4  }
0x2eb: {  	v3 =	vshll.u32 v2, $0x3  }
0x2ec: {  	v2 =	vand.u32 $0x7, v2;
	v3 =	vand.u32 $0xFFFFFFC0, v3  }
0x2ed: {  	v2 =	vor.u32 v2, v3  }
0x2ee: {  	v2 =	vperm.xlane v2, v0;
	_ =	sdelay $0x1  }
0x2ef: {  	v2 =	vadd.s32 v1, v2;
	_ =	sdelay $0x3  }
0x2f0: {  	s22 =	simm.s32 $0xE000  }
0x2f1: {  	[tilespmem:s22], [sflag:$0x7] =	stream.indirect_vreg.gather [hbm4b:s2+s3], $0x80, v2, vm0, $0xb8;
	[tilespmem:$0x1A000] =	vst v63  }
0x2f2: {  	s22 =	simm.s32 $0xE800  }
0x2f3: {  	[tilespmem:s22], [sflag:$0x7] =	stream.indirect_vreg.gather [hbm4b:s5+s3], $0x80, v2, vm0, $0xb8;
	[tilespmem:$0x1A000] =	vst v63  }
0x2f4: {  	s22 =	simm.s32 $0xF000  }
0x2f5: {  	[tilespmem:s22], [sflag:$0x7] =	stream.indirect_vreg.gather [hbm4b:s6+s3], $0x80, v2, vm0, $0xb8;
	[tilespmem:$0x1A000] =	vst v63  }
0x2f6: {  	_ = 	snop  }
0x2f7: {  	[tilespmem:s29], [sflag:$0x7] =	stream.indirect_vreg.gather [hbm4b:s7+s3], $0x80, v2, vm0, $0xb8;
	[tilespmem:$0x1A000] =	vst v63  }
0x2f8: {  	_ =	swait.ge [sflag:s17], $0x2000  }
0x2f9: {  	[sflag:s17] =	ssyncset.done $0x0  }
0x2fa: {  	s21 =	simm.s32 $0x12000;
	s22 =	rddreg [dreg:$0xc];
	[sflag:s17] =	ssyncadd.s32 $0xFFFFE000  }
0x2fb: {  	[hbm4b:s22+s3] =	stream.linear.scatter [tilespmem:s21], [sflag:$0xF], $0x8000, $0x38;
	[tilespmem:$0x1A000] =	vst v63  }
0x2fc: {  	v2 =	vld.msk [tilespmem:$0x1580], $0xff;
	_ =	sdelay $0x4  }
0x2fd: {  	v3 =	vshll.u32 v2, $0x3  }
0x2fe: {  	v2 =	vand.u32 $0x7, v2;
	v3 =	vand.u32 $0xFFFFFFC0, v3  }
0x2ff: {  	v2 =	vor.u32 v2, v3  }
0x300: {  	v2 =	vperm.xlane v2, v0;
	_ =	sdelay $0x1  }
0x301: {  	v2 =	vadd.s32 v1, v2;
	_ =	sdelay $0x3  }
0x302: {  	s22 =	simm.s32 $0x10000  }
0x303: {  	[tilespmem:s22], [sflag:$0x8] =	stream.indirect_vreg.gather [hbm4b:s2+s3], $0x80, v2, vm0, $0xb8;
	[tilespmem:$0x1A000] =	vst v63  }
0x304: {  	s22 =	simm.s32 $0x10800  }
0x305: {  	[tilespmem:s22], [sflag:$0x8] =	stream.indirect_vreg.gather [hbm4b:s5+s3], $0x80, v2, vm0, $0xb8;
	[tilespmem:$0x1A000] =	vst v63  }
0x306: {  	s22 =	simm.s32 $0x11000  }
0x307: {  	[tilespmem:s22], [sflag:$0x8] =	stream.indirect_vreg.gather [hbm4b:s6+s3], $0x80, v2, vm0, $0xb8;
	[tilespmem:$0x1A000] =	vst v63  }
0x308: {  	_ = 	snop  }
0x309: {  	[tilespmem:s24], [sflag:$0x8] =	stream.indirect_vreg.gather [hbm4b:s7+s3], $0x80, v2, vm0, $0xb8;
	[tilespmem:$0x1A000] =	vst v63  }
0x30a: {  	_ =	swait.ge [sflag:s9], $0x2000  }
0x30b: {  	[sflag:s9] =	ssyncset.done $0x0  }
0x30c: {  	[sflag:s9] =	ssyncadd.s32 $0xFFFFE000  }
0x30d: {  	_ =	swait.ge [sflag:s18], $0x8000  }
0x30e: {  	[sflag:s18] =	ssyncset.done $0x0  }
0x30f: {  	[sflag:s18] =	ssyncadd.s32 $0xFFFF8000  }
0x310: {  	v2 =	vld.msk [tilespmem:$0x1600], $0xff;
	_ =	sdelay $0x4  }
0x311: {  	v3 =	vshll.u32 v2, $0x3  }
0x312: {  	v2 =	vand.u32 $0x7, v2;
	v3 =	vand.u32 $0xFFFFFFC0, v3  }
0x313: {  	v2 =	vor.u32 v2, v3  }
0x314: {  	v2 =	vperm.xlane v2, v0;
	_ =	sdelay $0x1  }
0x315: {  	v2 =	vadd.s32 v1, v2;
	_ =	sdelay $0x4  }
0x316: {  	[tilespmem:s21], [sflag:$0x9] =	stream.indirect_vreg.gather [hbm4b:s2+s3], $0x80, v2, vm0, $0xb8;
	[tilespmem:$0x1A000] =	vst v63  }
0x317: {  	_ = 	snop  }
0x318: {  	[tilespmem:s23], [sflag:$0x9] =	stream.indirect_vreg.gather [hbm4b:s5+s3], $0x80, v2, vm0, $0xb8;
	[tilespmem:$0x1A000] =	vst v63  }
0x319: {  	s23 =	simm.s32 $0x13000  }
0x31a: {  	[tilespmem:s23], [sflag:$0x9] =	stream.indirect_vreg.gather [hbm4b:s6+s3], $0x80, v2, vm0, $0xb8;
	[tilespmem:$0x1A000] =	vst v63  }
0x31b: {  	s24 =	simm.s32 $0x13800  }
0x31c: {  	[tilespmem:s24], [sflag:$0x9] =	stream.indirect_vreg.gather [hbm4b:s7+s3], $0x80, v2, vm0, $0xb8;
	[tilespmem:$0x1A000] =	vst v63  }
0x31d: {  	_ =	swait.ge [sflag:s1], $0x2000  }
0x31e: {  	[sflag:s1] =	ssyncset.done $0x0  }
0x31f: {  	[sflag:s1] =	ssyncadd.s32 $0xFFFFE000  }
0x320: {  	v2 =	vld.msk [tilespmem:$0x1680], $0xff;
	_ =	sdelay $0x4  }
0x321: {  	v3 =	vshll.u32 v2, $0x3  }
0x322: {  	v2 =	vand.u32 $0x7, v2;
	v3 =	vand.u32 $0xFFFFFFC0, v3  }
0x323: {  	v2 =	vor.u32 v2, v3  }
0x324: {  	v2 =	vperm.xlane v2, v0;
	_ =	sdelay $0x1  }
0x325: {  	v2 =	vadd.s32 v1, v2;
	_ =	sdelay $0x3  }
0x326: {  	s21 =	simm.s32 $0x14000  }
0x327: {  	[tilespmem:s21], [sflag:$0xA] =	stream.indirect_vreg.gather [hbm4b:s2+s3], $0x80, v2, vm0, $0xb8;
	[tilespmem:$0x1A000] =	vst v63  }
0x328: {  	s23 =	simm.s32 $0x14800  }
0x329: {  	[tilespmem:s23], [sflag:$0xA] =	stream.indirect_vreg.gather [hbm4b:s5+s3], $0x80, v2, vm0, $0xb8;
	[tilespmem:$0x1A000] =	vst v63  }
0x32a: {  	s24 =	simm.s32 $0x15000  }
0x32b: {  	[tilespmem:s24], [sflag:$0xA] =	stream.indirect_vreg.gather [hbm4b:s6+s3], $0x80, v2, vm0, $0xb8;
	[tilespmem:$0x1A000] =	vst v63  }
0x32c: {  	s21 =	simm.s32 $0x15800  }
0x32d: {  	[tilespmem:s21], [sflag:$0xA] =	stream.indirect_vreg.gather [hbm4b:s7+s3], $0x80, v2, vm0, $0xb8;
	[tilespmem:$0x1A000] =	vst v63  }
0x32e: {  	_ =	swait.ge [sflag:s31], $0x2000  }
0x32f: {  	[sflag:s31] =	ssyncset.done $0x0  }
0x330: {  	[sflag:s31] =	ssyncadd.s32 $0xFFFFE000  }
0x331: {  	v2 =	vld.msk [tilespmem:$0x1700], $0xff;
	_ =	sdelay $0x4  }
0x332: {  	v3 =	vshll.u32 v2, $0x3  }
0x333: {  	v2 =	vand.u32 $0x7, v2;
	v3 =	vand.u32 $0xFFFFFFC0, v3  }
0x334: {  	v2 =	vor.u32 v2, v3  }
0x335: {  	v2 =	vperm.xlane v2, v0;
	_ =	sdelay $0x1  }
0x336: {  	v2 =	vadd.s32 v1, v2;
	_ =	sdelay $0x3  }
0x337: {  	s23 =	simm.s32 $0x16000  }
0x338: {  	[tilespmem:s23], [sflag:$0xB] =	stream.indirect_vreg.gather [hbm4b:s2+s3], $0x80, v2, vm0, $0xb8;
	[tilespmem:$0x1A000] =	vst v63  }
0x339: {  	s24 =	simm.s32 $0x16800  }
0x33a: {  	[tilespmem:s24], [sflag:$0xB] =	stream.indirect_vreg.gather [hbm4b:s5+s3], $0x80, v2, vm0, $0xb8;
	[tilespmem:$0x1A000] =	vst v63  }
0x33b: {  	s21 =	simm.s32 $0x17000  }
0x33c: {  	[tilespmem:s21], [sflag:$0xB] =	stream.indirect_vreg.gather [hbm4b:s6+s3], $0x80, v2, vm0, $0xb8;
	[tilespmem:$0x1A000] =	vst v63  }
0x33d: {  	s23 =	simm.s32 $0x17800  }
0x33e: {  	[tilespmem:s23], [sflag:$0xB] =	stream.indirect_vreg.gather [hbm4b:s7+s3], $0x80, v2, vm0, $0xb8;
	[tilespmem:$0x1A000] =	vst v63  }
0x33f: {  	_ =	swait.ge [sflag:s0], $0x2000  }
0x340: {  	[sflag:s0] =	ssyncset.done $0x0  }
0x341: {  	s8 =	simm.s32 $0x2000;
	s24 =	rddreg [dreg:$0xd];
	[sflag:s0] =	ssyncadd.s32 $0xFFFFE000  }
0x342: {  	[hbm4b:s24+s3] =	stream.linear.scatter [tilespmem:s8], [sflag:$0xD], $0x8000, $0x38;
	[tilespmem:$0x1A000] =	vst v63  }
0x343: {  	v2 =	vld.msk [tilespmem:$0x1780], $0xff;
	_ =	sdelay $0x4  }
0x344: {  	v3 =	vshll.u32 v2, $0x3  }
0x345: {  	v2 =	vand.u32 $0x7, v2;
	v3 =	vand.u32 $0xFFFFFFC0, v3  }
0x346: {  	v2 =	vor.u32 v2, v3  }
0x347: {  	v2 =	vperm.xlane v2, v0;
	_ =	sdelay $0x1  }
0x348: {  	v2 =	vadd.s32 v1, v2;
	_ =	sdelay $0x3  }
0x349: {  	s21 =	simm.s32 $0x18000  }
0x34a: {  	[tilespmem:s21], [sflag:$0xC] =	stream.indirect_vreg.gather [hbm4b:s2+s3], $0x80, v2, vm0, $0xb8;
	[tilespmem:$0x1A000] =	vst v63  }
0x34b: {  	s23 =	simm.s32 $0x18800  }
0x34c: {  	[tilespmem:s23], [sflag:$0xC] =	stream.indirect_vreg.gather [hbm4b:s5+s3], $0x80, v2, vm0, $0xb8;
	[tilespmem:$0x1A000] =	vst v63  }
0x34d: {  	s24 =	simm.s32 $0x19000  }
0x34e: {  	[tilespmem:s24], [sflag:$0xC] =	stream.indirect_vreg.gather [hbm4b:s6+s3], $0x80, v2, vm0, $0xb8;
	[tilespmem:$0x1A000] =	vst v63  }
0x34f: {  	s24 =	simm.s32 $0x19800  }
0x350: {  	[tilespmem:s24], [sflag:$0xC] =	stream.indirect_vreg.gather [hbm4b:s7+s3], $0x80, v2, vm0, $0xb8;
	[tilespmem:$0x1A000] =	vst v63  }
0x351: {  	_ =	swait.ge [sflag:s20], $0x2000  }
0x352: {  	[sflag:s20] =	ssyncset.done $0x0  }
0x353: {  	[sflag:s20] =	ssyncadd.s32 $0xFFFFE000  }
0x354: {  	_ =	swait.ge [sflag:s30], $0x8000  }
0x355: {  	[sflag:s30] =	ssyncset.done $0x0  }
0x356: {  	[sflag:s30] =	ssyncadd.s32 $0xFFFF8000  }
0x357: {  	v2 =	vld.msk [tilespmem:$0x1800], $0xff;
	_ =	sdelay $0x4  }
0x358: {  	v3 =	vshll.u32 v2, $0x3  }
0x359: {  	v2 =	vand.u32 $0x7, v2;
	v3 =	vand.u32 $0xFFFFFFC0, v3  }
0x35a: {  	v2 =	vor.u32 v2, v3  }
0x35b: {  	v2 =	vperm.xlane v2, v0;
	_ =	sdelay $0x1  }
0x35c: {  	v2 =	vadd.s32 v1, v2;
	_ =	sdelay $0x4  }
0x35d: {  	[tilespmem:s8], [sflag:$0x1] =	stream.indirect_vreg.gather [hbm4b:s2+s3], $0x80, v2, vm0, $0xb8;
	[tilespmem:$0x1A000] =	vst v63  }
0x35e: {  	_ = 	snop  }
0x35f: {  	[tilespmem:s25], [sflag:$0x1] =	stream.indirect_vreg.gather [hbm4b:s5+s3], $0x80, v2, vm0, $0xb8;
	[tilespmem:$0x1A000] =	vst v63  }
0x360: {  	s25 =	simm.s32 $0x3000  }
0x361: {  	[tilespmem:s25], [sflag:$0x1] =	stream.indirect_vreg.gather [hbm4b:s6+s3], $0x80, v2, vm0, $0xb8;
	[tilespmem:$0x1A000] =	vst v63  }
0x362: {  	s19 =	simm.s32 $0x3800  }
0x363: {  	[tilespmem:s19], [sflag:$0x1] =	stream.indirect_vreg.gather [hbm4b:s7+s3], $0x80, v2, vm0, $0xb8;
	[tilespmem:$0x1A000] =	vst v63  }
0x364: {  	_ =	swait.ge [sflag:s4], $0x2000  }
0x365: {  	[sflag:s4] =	ssyncset.done $0x0  }
0x366: {  	[sflag:s4] =	ssyncadd.s32 $0xFFFFE000  }
0x367: {  	v2 =	vld.msk [tilespmem:$0x1880], $0xff;
	_ =	sdelay $0x4  }
0x368: {  	v3 =	vshll.u32 v2, $0x3  }
0x369: {  	v2 =	vand.u32 $0x7, v2;
	v3 =	vand.u32 $0xFFFFFFC0, v3  }
0x36a: {  	v2 =	vor.u32 v2, v3  }
0x36b: {  	v2 =	vperm.xlane v2, v0;
	_ =	sdelay $0x1  }
0x36c: {  	v2 =	vadd.s32 v1, v2;
	_ =	sdelay $0x3  }
0x36d: {  	s24 =	simm.s32 $0x4000  }
0x36e: {  	[tilespmem:s24], [sflag:$0x2] =	stream.indirect_vreg.gather [hbm4b:s2+s3], $0x80, v2, vm0, $0xb8;
	[tilespmem:$0x1A000] =	vst v63  }
0x36f: {  	s25 =	simm.s32 $0x4800  }
0x370: {  	[tilespmem:s25], [sflag:$0x2] =	stream.indirect_vreg.gather [hbm4b:s5+s3], $0x80, v2, vm0, $0xb8;
	[tilespmem:$0x1A000] =	vst v63  }
0x371: {  	_ = 	snop  }
0x372: {  	[tilespmem:s10], [sflag:$0x2] =	stream.indirect_vreg.gather [hbm4b:s6+s3], $0x80, v2, vm0, $0xb8;
	[tilespmem:$0x1A000] =	vst v63  }
0x373: {  	s8 =	simm.s32 $0x5800  }
0x374: {  	[tilespmem:s8], [sflag:$0x2] =	stream.indirect_vreg.gather [hbm4b:s7+s3], $0x80, v2, vm0, $0xb8;
	[tilespmem:$0x1A000] =	vst v63  }
0x375: {  	_ =	swait.ge [sflag:s11], $0x2000  }
0x376: {  	[sflag:s11] =	ssyncset.done $0x0  }
0x377: {  	[sflag:s11] =	ssyncadd.s32 $0xFFFFE000  }
0x378: {  	v2 =	vld.msk [tilespmem:$0x1900], $0xff;
	_ =	sdelay $0x4  }
0x379: {  	v3 =	vshll.u32 v2, $0x3  }
0x37a: {  	v2 =	vand.u32 $0x7, v2;
	v3 =	vand.u32 $0xFFFFFFC0, v3  }
0x37b: {  	v2 =	vor.u32 v2, v3  }
0x37c: {  	v2 =	vperm.xlane v2, v0;
	_ =	sdelay $0x1  }
0x37d: {  	v2 =	vadd.s32 v1, v2;
	_ =	sdelay $0x3  }
0x37e: {  	s25 =	simm.s32 $0x6000  }
0x37f: {  	[tilespmem:s25], [sflag:$0x3] =	stream.indirect_vreg.gather [hbm4b:s2+s3], $0x80, v2, vm0, $0xb8;
	[tilespmem:$0x1A000] =	vst v63  }
0x380: {  	s8 =	simm.s32 $0x6800  }
0x381: {  	[tilespmem:s8], [sflag:$0x3] =	stream.indirect_vreg.gather [hbm4b:s5+s3], $0x80, v2, vm0, $0xb8;
	[tilespmem:$0x1A000] =	vst v63  }
0x382: {  	s25 =	simm.s32 $0x7000  }
0x383: {  	[tilespmem:s25], [sflag:$0x3] =	stream.indirect_vreg.gather [hbm4b:s6+s3], $0x80, v2, vm0, $0xb8;
	[tilespmem:$0x1A000] =	vst v63  }
0x384: {  	s8 =	simm.s32 $0x7800  }
0x385: {  	[tilespmem:s8], [sflag:$0x3] =	stream.indirect_vreg.gather [hbm4b:s7+s3], $0x80, v2, vm0, $0xb8;
	[tilespmem:$0x1A000] =	vst v63  }
0x386: {  	_ =	swait.ge [sflag:s12], $0x2000  }
0x387: {  	[sflag:s12] =	ssyncset.done $0x0  }
0x388: {  	s8 =	simm.s32 $0xA000;
	s25 =	rddreg [dreg:$0xe];
	[sflag:s12] =	ssyncadd.s32 $0xFFFFE000  }
0x389: {  	[hbm4b:s25+s3] =	stream.linear.scatter [tilespmem:s8], [sflag:$0xE], $0x8000, $0x38;
	[tilespmem:$0x1A000] =	vst v63  }
0x38a: {  	v2 =	vld.msk [tilespmem:$0x1980], $0xff;
	_ =	sdelay $0x4  }
0x38b: {  	v3 =	vshll.u32 v2, $0x3  }
0x38c: {  	v2 =	vand.u32 $0x7, v2;
	v3 =	vand.u32 $0xFFFFFFC0, v3  }
0x38d: {  	v2 =	vor.u32 v2, v3  }
0x38e: {  	v2 =	vperm.xlane v2, v0;
	_ =	sdelay $0x1  }
0x38f: {  	v2 =	vadd.s32 v1, v2;
	_ =	sdelay $0x4  }
0x390: {  	[tilespmem:s28], [sflag:$0x4] =	stream.indirect_vreg.gather [hbm4b:s2+s3], $0x80, v2, vm0, $0xb8;
	[tilespmem:$0x1A000] =	vst v63  }
0x391: {  	s25 =	simm.s32 $0x8800  }
0x392: {  	[tilespmem:s25], [sflag:$0x4] =	stream.indirect_vreg.gather [hbm4b:s5+s3], $0x80, v2, vm0, $0xb8;
	[tilespmem:$0x1A000] =	vst v63  }
0x393: {  	s25 =	simm.s32 $0x9000  }
0x394: {  	[tilespmem:s25], [sflag:$0x4] =	stream.indirect_vreg.gather [hbm4b:s6+s3], $0x80, v2, vm0, $0xb8;
	[tilespmem:$0x1A000] =	vst v63  }
0x395: {  	s25 =	simm.s32 $0x9800  }
0x396: {  	[tilespmem:s25], [sflag:$0x4] =	stream.indirect_vreg.gather [hbm4b:s7+s3], $0x80, v2, vm0, $0xb8;
	[tilespmem:$0x1A000] =	vst v63  }
0x397: {  	_ =	swait.ge [sflag:s13], $0x2000  }
0x398: {  	[sflag:s13] =	ssyncset.done $0x0  }
0x399: {  	[sflag:s13] =	ssyncadd.s32 $0xFFFFE000  }
0x39a: {  	_ =	swait.ge [sflag:s14], $0x8000  }
0x39b: {  	[sflag:s14] =	ssyncset.done $0x0  }
0x39c: {  	[sflag:s14] =	ssyncadd.s32 $0xFFFF8000  }
0x39d: {  	v2 =	vld.msk [tilespmem:$0x1A00], $0xff;
	_ =	sdelay $0x4  }
0x39e: {  	v3 =	vshll.u32 v2, $0x3  }
0x39f: {  	v2 =	vand.u32 $0x7, v2;
	v3 =	vand.u32 $0xFFFFFFC0, v3  }
0x3a0: {  	v2 =	vor.u32 v2, v3  }
0x3a1: {  	v2 =	vperm.xlane v2, v0;
	_ =	sdelay $0x1  }
0x3a2: {  	v2 =	vadd.s32 v1, v2;
	_ =	sdelay $0x4  }
0x3a3: {  	[tilespmem:s8], [sflag:$0x5] =	stream.indirect_vreg.gather [hbm4b:s2+s3], $0x80, v2, vm0, $0xb8;
	[tilespmem:$0x1A000] =	vst v63  }
0x3a4: {  	s25 =	simm.s32 $0xA800  }
0x3a5: {  	[tilespmem:s25], [sflag:$0x5] =	stream.indirect_vreg.gather [hbm4b:s5+s3], $0x80, v2, vm0, $0xb8;
	[tilespmem:$0x1A000] =	vst v63  }
0x3a6: {  	s25 =	simm.s32 $0xB000  }
0x3a7: {  	[tilespmem:s25], [sflag:$0x5] =	stream.indirect_vreg.gather [hbm4b:s6+s3], $0x80, v2, vm0, $0xb8;
	[tilespmem:$0x1A000] =	vst v63  }
0x3a8: {  	s25 =	simm.s32 $0xB800  }
0x3a9: {  	[tilespmem:s25], [sflag:$0x5] =	stream.indirect_vreg.gather [hbm4b:s7+s3], $0x80, v2, vm0, $0xb8;
	[tilespmem:$0x1A000] =	vst v63  }
0x3aa: {  	_ =	swait.ge [sflag:s15], $0x2000  }
0x3ab: {  	[sflag:s15] =	ssyncset.done $0x0  }
0x3ac: {  	[sflag:s15] =	ssyncadd.s32 $0xFFFFE000  }
0x3ad: {  	v2 =	vld.msk [tilespmem:$0x1A80], $0xff;
	_ =	sdelay $0x4  }
0x3ae: {  	v3 =	vshll.u32 v2, $0x3  }
0x3af: {  	v2 =	vand.u32 $0x7, v2;
	v3 =	vand.u32 $0xFFFFFFC0, v3  }
0x3b0: {  	v2 =	vor.u32 v2, v3  }
0x3b1: {  	v2 =	vperm.xlane v2, v0;
	_ =	sdelay $0x1  }
0x3b2: {  	v2 =	vadd.s32 v1, v2;
	_ =	sdelay $0x3  }
0x3b3: {  	s25 =	simm.s32 $0xC000  }
0x3b4: {  	[tilespmem:s25], [sflag:$0x6] =	stream.indirect_vreg.gather [hbm4b:s2+s3], $0x80, v2, vm0, $0xb8;
	[tilespmem:$0x1A000] =	vst v63  }
0x3b5: {  	s25 =	simm.s32 $0xC800  }
0x3b6: {  	[tilespmem:s25], [sflag:$0x6] =	stream.indirect_vreg.gather [hbm4b:s5+s3], $0x80, v2, vm0, $0xb8;
	[tilespmem:$0x1A000] =	vst v63  }
0x3b7: {  	s26 =	simm.s32 $0xD000  }
0x3b8: {  	[tilespmem:s26], [sflag:$0x6] =	stream.indirect_vreg.gather [hbm4b:s6+s3], $0x80, v2, vm0, $0xb8;
	[tilespmem:$0x1A000] =	vst v63  }
0x3b9: {  	s25 =	simm.s32 $0xD800  }
0x3ba: {  	[tilespmem:s25], [sflag:$0x6] =	stream.indirect_vreg.gather [hbm4b:s7+s3], $0x80, v2, vm0, $0xb8;
	[tilespmem:$0x1A000] =	vst v63  }
0x3bb: {  	_ =	swait.ge [sflag:s16], $0x2000  }
0x3bc: {  	[sflag:s16] =	ssyncset.done $0x0  }
0x3bd: {  	[sflag:s16] =	ssyncadd.s32 $0xFFFFE000  }
0x3be: {  	v2 =	vld.msk [tilespmem:$0x1B00], $0xff;
	_ =	sdelay $0x4  }
0x3bf: {  	v3 =	vshll.u32 v2, $0x3  }
0x3c0: {  	v2 =	vand.u32 $0x7, v2;
	v3 =	vand.u32 $0xFFFFFFC0, v3  }
0x3c1: {  	v2 =	vor.u32 v2, v3  }
0x3c2: {  	v2 =	vperm.xlane v2, v0;
	_ =	sdelay $0x1  }
0x3c3: {  	v2 =	vadd.s32 v1, v2;
	_ =	sdelay $0x3  }
0x3c4: {  	s26 =	simm.s32 $0xE000  }
0x3c5: {  	[tilespmem:s26], [sflag:$0x7] =	stream.indirect_vreg.gather [hbm4b:s2+s3], $0x80, v2, vm0, $0xb8;
	[tilespmem:$0x1A000] =	vst v63  }
0x3c6: {  	s25 =	simm.s32 $0xE800  }
0x3c7: {  	[tilespmem:s25], [sflag:$0x7] =	stream.indirect_vreg.gather [hbm4b:s5+s3], $0x80, v2, vm0, $0xb8;
	[tilespmem:$0x1A000] =	vst v63  }
0x3c8: {  	s26 =	simm.s32 $0xF000  }
0x3c9: {  	[tilespmem:s26], [sflag:$0x7] =	stream.indirect_vreg.gather [hbm4b:s6+s3], $0x80, v2, vm0, $0xb8;
	[tilespmem:$0x1A000] =	vst v63  }
0x3ca: {  	s29 =	simm.s32 $0xF800  }
0x3cb: {  	[tilespmem:s29], [sflag:$0x7] =	stream.indirect_vreg.gather [hbm4b:s7+s3], $0x80, v2, vm0, $0xb8;
	[tilespmem:$0x1A000] =	vst v63  }
0x3cc: {  	_ =	swait.ge [sflag:s17], $0x2000  }
0x3cd: {  	[sflag:s17] =	ssyncset.done $0x0  }
0x3ce: {  	s26 =	simm.s32 $0x12000;
	s29 =	rddreg [dreg:$0xf];
	[sflag:s17] =	ssyncadd.s32 $0xFFFFE000  }
0x3cf: {  	[hbm4b:s29+s3] =	stream.linear.scatter [tilespmem:s26], [sflag:$0xF], $0x8000, $0x38;
	[tilespmem:$0x1A000] =	vst v63  }
0x3d0: {  	v2 =	vld.msk [tilespmem:$0x1B80], $0xff;
	_ =	sdelay $0x4  }
0x3d1: {  	v3 =	vshll.u32 v2, $0x3  }
0x3d2: {  	v2 =	vand.u32 $0x7, v2;
	v3 =	vand.u32 $0xFFFFFFC0, v3  }
0x3d3: {  	v2 =	vor.u32 v2, v3  }
0x3d4: {  	v2 =	vperm.xlane v2, v0;
	_ =	sdelay $0x1  }
0x3d5: {  	v2 =	vadd.s32 v1, v2;
	_ =	sdelay $0x3  }
0x3d6: {  	s25 =	simm.s32 $0x10000  }
0x3d7: {  	[tilespmem:s25], [sflag:$0x8] =	stream.indirect_vreg.gather [hbm4b:s2+s3], $0x80, v2, vm0, $0xb8;
	[tilespmem:$0x1A000] =	vst v63  }
0x3d8: {  	s29 =	simm.s32 $0x10800  }
0x3d9: {  	[tilespmem:s29], [sflag:$0x8] =	stream.indirect_vreg.gather [hbm4b:s5+s3], $0x80, v2, vm0, $0xb8;
	[tilespmem:$0x1A000] =	vst v63  }
0x3da: {  	s25 =	simm.s32 $0x11000  }
0x3db: {  	[tilespmem:s25], [sflag:$0x8] =	stream.indirect_vreg.gather [hbm4b:s6+s3], $0x80, v2, vm0, $0xb8;
	[tilespmem:$0x1A000] =	vst v63  }
0x3dc: {  	s22 =	simm.s32 $0x11800  }
0x3dd: {  	[tilespmem:s22], [sflag:$0x8] =	stream.indirect_vreg.gather [hbm4b:s7+s3], $0x80, v2, vm0, $0xb8;
	[tilespmem:$0x1A000] =	vst v63  }
0x3de: {  	_ =	swait.ge [sflag:s9], $0x2000  }
0x3df: {  	[sflag:s9] =	ssyncset.done $0x0  }
0x3e0: {  	[sflag:s9] =	ssyncadd.s32 $0xFFFFE000  }
0x3e1: {  	_ =	swait.ge [sflag:s18], $0x8000  }
0x3e2: {  	[sflag:s18] =	ssyncset.done $0x0  }
0x3e3: {  	[sflag:s18] =	ssyncadd.s32 $0xFFFF8000  }
0x3e4: {  	v2 =	vld.msk [tilespmem:$0x1C00], $0xff;
	_ =	sdelay $0x4  }
0x3e5: {  	v3 =	vshll.u32 v2, $0x3  }
0x3e6: {  	v2 =	vand.u32 $0x7, v2;
	v3 =	vand.u32 $0xFFFFFFC0, v3  }
0x3e7: {  	v2 =	vor.u32 v2, v3  }
0x3e8: {  	v2 =	vperm.xlane v2, v0;
	_ =	sdelay $0x1  }
0x3e9: {  	v2 =	vadd.s32 v1, v2;
	_ =	sdelay $0x4  }
0x3ea: {  	[tilespmem:s26], [sflag:$0x9] =	stream.indirect_vreg.gather [hbm4b:s2+s3], $0x80, v2, vm0, $0xb8;
	[tilespmem:$0x1A000] =	vst v63  }
0x3eb: {  	s26 =	simm.s32 $0x12800  }
0x3ec: {  	[tilespmem:s26], [sflag:$0x9] =	stream.indirect_vreg.gather [hbm4b:s5+s3], $0x80, v2, vm0, $0xb8;
	[tilespmem:$0x1A000] =	vst v63  }
0x3ed: {  	s29 =	simm.s32 $0x13000  }
0x3ee: {  	[tilespmem:s29], [sflag:$0x9] =	stream.indirect_vreg.gather [hbm4b:s6+s3], $0x80, v2, vm0, $0xb8;
	[tilespmem:$0x1A000] =	vst v63  }
0x3ef: {  	s25 =	simm.s32 $0x13800  }
0x3f0: {  	[tilespmem:s25], [sflag:$0x9] =	stream.indirect_vreg.gather [hbm4b:s7+s3], $0x80, v2, vm0, $0xb8;
	[tilespmem:$0x1A000] =	vst v63  }
0x3f1: {  	_ =	swait.ge [sflag:s1], $0x2000  }
0x3f2: {  	[sflag:s1] =	ssyncset.done $0x0  }
0x3f3: {  	[sflag:s1] =	ssyncadd.s32 $0xFFFFE000  }
0x3f4: {  	v2 =	vld.msk [tilespmem:$0x1C80], $0xff;
	_ =	sdelay $0x4  }
0x3f5: {  	v3 =	vshll.u32 v2, $0x3  }
0x3f6: {  	v2 =	vand.u32 $0x7, v2;
	v3 =	vand.u32 $0xFFFFFFC0, v3  }
0x3f7: {  	v2 =	vor.u32 v2, v3  }
0x3f8: {  	v2 =	vperm.xlane v2, v0;
	_ =	sdelay $0x1  }
0x3f9: {  	v2 =	vadd.s32 v1, v2;
	_ =	sdelay $0x3  }
0x3fa: {  	s26 =	simm.s32 $0x14000  }
0x3fb: {  	[tilespmem:s26], [sflag:$0xA] =	stream.indirect_vreg.gather [hbm4b:s2+s3], $0x80, v2, vm0, $0xb8;
	[tilespmem:$0x1A000] =	vst v63  }
0x3fc: {  	s29 =	simm.s32 $0x14800  }
0x3fd: {  	[tilespmem:s29], [sflag:$0xA] =	stream.indirect_vreg.gather [hbm4b:s5+s3], $0x80, v2, vm0, $0xb8;
	[tilespmem:$0x1A000] =	vst v63  }
0x3fe: {  	s25 =	simm.s32 $0x15000  }
0x3ff: {  	[tilespmem:s25], [sflag:$0xA] =	stream.indirect_vreg.gather [hbm4b:s6+s3], $0x80, v2, vm0, $0xb8;
	[tilespmem:$0x1A000] =	vst v63  }
0x400: {  	s26 =	simm.s32 $0x15800  }
0x401: {  	[tilespmem:s26], [sflag:$0xA] =	stream.indirect_vreg.gather [hbm4b:s7+s3], $0x80, v2, vm0, $0xb8;
	[tilespmem:$0x1A000] =	vst v63  }
0x402: {  	_ =	swait.ge [sflag:s31], $0x2000  }
0x403: {  	[sflag:s31] =	ssyncset.done $0x0  }
0x404: {  	[sflag:s31] =	ssyncadd.s32 $0xFFFFE000  }
0x405: {  	v2 =	vld.msk [tilespmem:$0x1D00], $0xff;
	_ =	sdelay $0x4  }
0x406: {  	v3 =	vshll.u32 v2, $0x3  }
0x407: {  	v2 =	vand.u32 $0x7, v2;
	v3 =	vand.u32 $0xFFFFFFC0, v3  }
0x408: {  	v2 =	vor.u32 v2, v3  }
0x409: {  	v2 =	vperm.xlane v2, v0;
	_ =	sdelay $0x1  }
0x40a: {  	v2 =	vadd.s32 v1, v2;
	_ =	sdelay $0x3  }
0x40b: {  	s29 =	simm.s32 $0x16000  }
0x40c: {  	[tilespmem:s29], [sflag:$0xB] =	stream.indirect_vreg.gather [hbm4b:s2+s3], $0x80, v2, vm0, $0xb8;
	[tilespmem:$0x1A000] =	vst v63  }
0x40d: {  	s25 =	simm.s32 $0x16800  }
0x40e: {  	[tilespmem:s25], [sflag:$0xB] =	stream.indirect_vreg.gather [hbm4b:s5+s3], $0x80, v2, vm0, $0xb8;
	[tilespmem:$0x1A000] =	vst v63  }
0x40f: {  	s26 =	simm.s32 $0x17000  }
0x410: {  	[tilespmem:s26], [sflag:$0xB] =	stream.indirect_vreg.gather [hbm4b:s6+s3], $0x80, v2, vm0, $0xb8;
	[tilespmem:$0x1A000] =	vst v63  }
0x411: {  	s29 =	simm.s32 $0x17800  }
0x412: {  	[tilespmem:s29], [sflag:$0xB] =	stream.indirect_vreg.gather [hbm4b:s7+s3], $0x80, v2, vm0, $0xb8;
	[tilespmem:$0x1A000] =	vst v63  }
0x413: {  	_ =	swait.ge [sflag:s0], $0x2000  }
0x414: {  	[sflag:s0] =	ssyncset.done $0x0  }
0x415: {  	s26 =	simm.s32 $0x2000;
	s25 =	rddreg [dreg:$0x10];
	[sflag:s0] =	ssyncadd.s32 $0xFFFFE000  }
0x416: {  	[hbm4b:s25+s3] =	stream.linear.scatter [tilespmem:s26], [sflag:$0xD], $0x8000, $0x38;
	[tilespmem:$0x1A000] =	vst v63  }
0x417: {  	v2 =	vld.msk [tilespmem:$0x1D80], $0xff;
	_ =	sdelay $0x4  }
0x418: {  	v3 =	vshll.u32 v2, $0x3  }
0x419: {  	v2 =	vand.u32 $0x7, v2;
	v3 =	vand.u32 $0xFFFFFFC0, v3  }
0x41a: {  	v2 =	vor.u32 v2, v3  }
0x41b: {  	v2 =	vperm.xlane v2, v0;
	_ =	sdelay $0x1  }
0x41c: {  	v2 =	vadd.s32 v1, v2;
	_ =	sdelay $0x3  }
0x41d: {  	s21 =	simm.s32 $0x18000  }
0x41e: {  	[tilespmem:s21], [sflag:$0xC] =	stream.indirect_vreg.gather [hbm4b:s2+s3], $0x80, v2, vm0, $0xb8;
	[tilespmem:$0x1A000] =	vst v63  }
0x41f: {  	s23 =	simm.s32 $0x18800  }
0x420: {  	[tilespmem:s23], [sflag:$0xC] =	stream.indirect_vreg.gather [hbm4b:s5+s3], $0x80, v2, vm0, $0xb8;
	[tilespmem:$0x1A000] =	vst v63  }
0x421: {  	s29 =	simm.s32 $0x19000  }
0x422: {  	[tilespmem:s29], [sflag:$0xC] =	stream.indirect_vreg.gather [hbm4b:s6+s3], $0x80, v2, vm0, $0xb8;
	[tilespmem:$0x1A000] =	vst v63  }
0x423: {  	s21 =	simm.s32 $0x19800  }
0x424: {  	[tilespmem:s21], [sflag:$0xC] =	stream.indirect_vreg.gather [hbm4b:s7+s3], $0x80, v2, vm0, $0xb8;
	[tilespmem:$0x1A000] =	vst v63  }
0x425: {  	_ =	swait.ge [sflag:s20], $0x2000  }
0x426: {  	[sflag:s20] =	ssyncset.done $0x0  }
0x427: {  	[sflag:s20] =	ssyncadd.s32 $0xFFFFE000  }
0x428: {  	_ =	swait.ge [sflag:s30], $0x8000  }
0x429: {  	[sflag:s30] =	ssyncset.done $0x0  }
0x42a: {  	[sflag:s30] =	ssyncadd.s32 $0xFFFF8000  }
0x42b: {  	v2 =	vld.msk [tilespmem:$0x1E00], $0xff;
	_ =	sdelay $0x4  }
0x42c: {  	v3 =	vshll.u32 v2, $0x3  }
0x42d: {  	v2 =	vand.u32 $0x7, v2;
	v3 =	vand.u32 $0xFFFFFFC0, v3  }
0x42e: {  	v2 =	vor.u32 v2, v3  }
0x42f: {  	v2 =	vperm.xlane v2, v0;
	_ =	sdelay $0x1  }
0x430: {  	v2 =	vadd.s32 v1, v2;
	_ =	sdelay $0x4  }
0x431: {  	[tilespmem:s26], [sflag:$0x1] =	stream.indirect_vreg.gather [hbm4b:s2+s3], $0x80, v2, vm0, $0xb8;
	[tilespmem:$0x1A000] =	vst v63  }
0x432: {  	s23 =	simm.s32 $0x2800  }
0x433: {  	[tilespmem:s23], [sflag:$0x1] =	stream.indirect_vreg.gather [hbm4b:s5+s3], $0x80, v2, vm0, $0xb8;
	[tilespmem:$0x1A000] =	vst v63  }
0x434: {  	s25 =	simm.s32 $0x3000  }
0x435: {  	[tilespmem:s25], [sflag:$0x1] =	stream.indirect_vreg.gather [hbm4b:s6+s3], $0x80, v2, vm0, $0xb8;
	[tilespmem:$0x1A000] =	vst v63  }
0x436: {  	s26 =	simm.s32 $0x3800  }
0x437: {  	[tilespmem:s26], [sflag:$0x1] =	stream.indirect_vreg.gather [hbm4b:s7+s3], $0x80, v2, vm0, $0xb8;
	[tilespmem:$0x1A000] =	vst v63  }
0x438: {  	_ =	swait.ge [sflag:s4], $0x2000  }
0x439: {  	[sflag:s4] =	ssyncset.done $0x0  }
0x43a: {  	[sflag:s4] =	ssyncadd.s32 $0xFFFFE000  }
0x43b: {  	v2 =	vld.msk [tilespmem:$0x1E80], $0xff;
	_ =	sdelay $0x4  }
0x43c: {  	v3 =	vshll.u32 v2, $0x3  }
0x43d: {  	v2 =	vand.u32 $0x7, v2;
	v3 =	vand.u32 $0xFFFFFFC0, v3  }
0x43e: {  	v2 =	vor.u32 v2, v3  }
0x43f: {  	v2 =	vperm.xlane v2, v0;
	_ =	sdelay $0x1  }
0x440: {  	v2 =	vadd.s32 v1, v2;
	_ =	sdelay $0x3  }
0x441: {  	s24 =	simm.s32 $0x4000  }
0x442: {  	[tilespmem:s24], [sflag:$0x2] =	stream.indirect_vreg.gather [hbm4b:s2+s3], $0x80, v2, vm0, $0xb8;
	[tilespmem:$0x1A000] =	vst v63  }
0x443: {  	s29 =	simm.s32 $0x4800  }
0x444: {  	[tilespmem:s29], [sflag:$0x2] =	stream.indirect_vreg.gather [hbm4b:s5+s3], $0x80, v2, vm0, $0xb8;
	[tilespmem:$0x1A000] =	vst v63  }
0x445: {  	s10 =	simm.s32 $0x5000  }
0x446: {  	[tilespmem:s10], [sflag:$0x2] =	stream.indirect_vreg.gather [hbm4b:s6+s3], $0x80, v2, vm0, $0xb8;
	[tilespmem:$0x1A000] =	vst v63  }
0x447: {  	s23 =	simm.s32 $0x5800  }
0x448: {  	[tilespmem:s23], [sflag:$0x2] =	stream.indirect_vreg.gather [hbm4b:s7+s3], $0x80, v2, vm0, $0xb8;
	[tilespmem:$0x1A000] =	vst v63  }
0x449: {  	_ =	swait.ge [sflag:s11], $0x2000  }
0x44a: {  	[sflag:s11] =	ssyncset.done $0x0  }
0x44b: {  	[sflag:s11] =	ssyncadd.s32 $0xFFFFE000  }
0x44c: {  	v2 =	vld.msk [tilespmem:$0x1F00], $0xff;
	_ =	sdelay $0x4  }
0x44d: {  	v3 =	vshll.u32 v2, $0x3  }
0x44e: {  	v2 =	vand.u32 $0x7, v2;
	v3 =	vand.u32 $0xFFFFFFC0, v3  }
0x44f: {  	v2 =	vor.u32 v2, v3  }
0x450: {  	v2 =	vperm.xlane v2, v0;
	_ =	sdelay $0x1  }
0x451: {  	v2 =	vadd.s32 v1, v2;
	_ =	sdelay $0x3  }
0x452: {  	s24 =	simm.s32 $0x6000  }
0x453: {  	[tilespmem:s24], [sflag:$0x3] =	stream.indirect_vreg.gather [hbm4b:s2+s3], $0x80, v2, vm0, $0xb8;
	[tilespmem:$0x1A000] =	vst v63  }
0x454: {  	s25 =	simm.s32 $0x6800  }
0x455: {  	[tilespmem:s25], [sflag:$0x3] =	stream.indirect_vreg.gather [hbm4b:s5+s3], $0x80, v2, vm0, $0xb8;
	[tilespmem:$0x1A000] =	vst v63  }
0x456: {  	s26 =	simm.s32 $0x7000  }
0x457: {  	[tilespmem:s26], [sflag:$0x3] =	stream.indirect_vreg.gather [hbm4b:s6+s3], $0x80, v2, vm0, $0xb8;
	[tilespmem:$0x1A000] =	vst v63  }
0x458: {  	s29 =	simm.s32 $0x7800  }
0x459: {  	[tilespmem:s29], [sflag:$0x3] =	stream.indirect_vreg.gather [hbm4b:s7+s3], $0x80, v2, vm0, $0xb8;
	[tilespmem:$0x1A000] =	vst v63  }
0x45a: {  	_ =	swait.ge [sflag:s12], $0x2000  }
0x45b: {  	[sflag:s12] =	ssyncset.done $0x0  }
0x45c: {  	s8 =	simm.s32 $0xA000;
	s10 =	rddreg [dreg:$0x11];
	[sflag:s12] =	ssyncadd.s32 $0xFFFFE000  }
0x45d: {  	[hbm4b:s10+s3] =	stream.linear.scatter [tilespmem:s8], [sflag:$0xE], $0x8000, $0x38;
	[tilespmem:$0x1A000] =	vst v63  }
0x45e: {  	v2 =	vld.msk [tilespmem:$0x1F80], $0xff;
	_ =	sdelay $0x4  }
0x45f: {  	v3 =	vshll.u32 v2, $0x3  }
0x460: {  	v2 =	vand.u32 $0x7, v2;
	v3 =	vand.u32 $0xFFFFFFC0, v3  }
0x461: {  	v2 =	vor.u32 v2, v3  }
0x462: {  	v2 =	vperm.xlane v2, v0;
	_ =	sdelay $0x1  }
0x463: {  	v2 =	vadd.s32 v1, v2;
	_ =	sdelay $0x3  }
0x464: {  	s28 =	simm.s32 $0x8000  }
0x465: {  	[tilespmem:s28], [sflag:$0x4] =	stream.indirect_vreg.gather [hbm4b:s2+s3], $0x80, v2, vm0, $0xb8;
	[tilespmem:$0x1A000] =	vst v63  }
0x466: {  	s23 =	simm.s32 $0x8800  }
0x467: {  	[tilespmem:s23], [sflag:$0x4] =	stream.indirect_vreg.gather [hbm4b:s5+s3], $0x80, v2, vm0, $0xb8;
	[tilespmem:$0x1A000] =	vst v63  }
0x468: {  	s24 =	simm.s32 $0x9000  }
0x469: {  	[tilespmem:s24], [sflag:$0x4] =	stream.indirect_vreg.gather [hbm4b:s6+s3], $0x80, v2, vm0, $0xb8;
	[tilespmem:$0x1A000] =	vst v63  }
0x46a: {  	s25 =	simm.s32 $0x9800  }
0x46b: {  	[tilespmem:s25], [sflag:$0x4] =	stream.indirect_vreg.gather [hbm4b:s7+s3], $0x80, v2, vm0, $0xb8;
	[tilespmem:$0x1A000] =	vst v63  }
0x46c: {  	_ =	swait.ge [sflag:s13], $0x2000  }
0x46d: {  	[sflag:s13] =	ssyncset.done $0x0  }
0x46e: {  	[sflag:s13] =	ssyncadd.s32 $0xFFFFE000  }
0x46f: {  	_ =	swait.ge [sflag:s15], $0x2000  }
0x470: {  	[sflag:s15] =	ssyncset.done $0x0  }
0x471: {  	[sflag:s15] =	ssyncadd.s32 $0xFFFFE000  }
0x472: {  	_ =	swait.ge [sflag:s16], $0x2000  }
0x473: {  	[sflag:s16] =	ssyncset.done $0x0  }
0x474: {  	[sflag:s16] =	ssyncadd.s32 $0xFFFFE000  }
0x475: {  	_ =	swait.ge [sflag:s17], $0x2000  }
0x476: {  	[sflag:s17] =	ssyncset.done $0x0  }
0x477: {  	s22 =	simm.s32 $0x12000;
	s26 =	rddreg [dreg:$0x12];
	[sflag:s17] =	ssyncadd.s32 $0xFFFFE000  }
0x478: {  	[hbm4b:s26+s3] =	stream.linear.scatter [tilespmem:s22], [sflag:$0xF], $0x8000, $0x38;
	[tilespmem:$0x1A000] =	vst v63  }
0x479: {  	_ =	swait.ge [sflag:s9], $0x2000  }
0x47a: {  	[sflag:s9] =	ssyncset.done $0x0  }
0x47b: {  	[sflag:s9] =	ssyncadd.s32 $0xFFFFE000  }
0x47c: {  	_ =	swait.ge [sflag:s1], $0x2000  }
0x47d: {  	[sflag:s1] =	ssyncset.done $0x0  }
0x47e: {  	[sflag:s1] =	ssyncadd.s32 $0xFFFFE000  }
0x47f: {  	_ =	swait.ge [sflag:s31], $0x2000  }
0x480: {  	[sflag:s31] =	ssyncset.done $0x0  }
0x481: {  	[sflag:s31] =	ssyncadd.s32 $0xFFFFE000  }
0x482: {  	_ =	swait.ge [sflag:s0], $0x2000  }
0x483: {  	[sflag:s0] =	ssyncset.done $0x0  }
0x484: {  	s21 =	simm.s32 $0x2000;
	s28 =	rddreg [dreg:$0x13];
	[sflag:s0] =	ssyncadd.s32 $0xFFFFE000  }
0x485: {  	[hbm4b:s28+s3] =	stream.linear.scatter [tilespmem:s21], [sflag:$0xD], $0x8000, $0x38;
	[tilespmem:$0x1A000] =	vst v63  }
0x486: {  	s29 =	rddreg [dreg:$0x15];
	_ =	swait.ge [sflag:s14], $0x8000  }
0x487: {  	[sflag:s14] =	ssyncset.done $0x0  }
0x488: {  	[sflag:s14] =	ssyncadd.s32 $0xFFFF8000  }
0x489: {  	p0 =	sne.s32 s29, $0x1;
	_ =	swait.ge [sflag:s18], $0x8000  }
.Ltmp0:
0x48a: {  	[sflag:s18] =	ssyncset.done $0x0;
	(pc) =	sbr.rel @p0 .LBB2_1-.Ltmp0, $4  }
0x48b: {  	[sflag:s18] =	ssyncadd.s32 $0xFFFF8000  }
0x48c: {  	_ =	swait.ge [sflag:s30], $0x8000  }
0x48d: {  	[sflag:s30] =	ssyncset.done $0x0  }
0x48e: {  	s8 =	sadd.s32 $0xFFFFFFFF, s29;
	[sflag:s30] =	ssyncadd.s32 $0xFFFF8000  }
0x48f: {  	_ =	sfence.sel $0x180000  }
0x490: {  	[bflag:$0x0] =	sbarrier.arrive $0xFFFF  }
0x491: {  	_ =	strace $0x90000047  }
0x492: {  	s0 =	stileid.u32;
	[bflag:$0x2] =	sbarrier.arrive $0xFFFF  }
0x493: {  	p0 =	sne.s32 s0, $0x0;
	s0 =	rddreg [dreg:$0x3]  }
0x494: {  	s0 =	sadd.s32 @!p0 $0x100000, s0  }
0x495: {  	[sflag:s0] =	ssyncadd.tile.s32 @!p0 $0x1;
	_ =	shalt  }
.Lfunc_end2:
_tile_overlayer_lowered:
.L_overlay_start_2:
0x496: {  	(tag) =	ssettag $0x2  }
0x497: {  	s0 =	rddreg [dreg:$0x0];
	s2 =	stileid.u32  }
0x498: {  	s1 =	rddreg [dreg:$0x1];
	p0 =	sne.s32 s2, $0x0  }
0x499: {  	s3 =	rddreg [dreg:$0x2];
	[bflag:$0x3] =	sbarrier.arrive $0xFFFF;
	s2 =	simm.s32 @!p0 $0x1C10  }
0x49a: {  	[timem:s3], [sflag:s2] =	dma.local @!p0 [hbm:s0], s1  }
0x49b: {  	s0 =	simm.s32 @!p0 $0x10  }
0x49c: {  	_ =	swait.ge @!p0 [sflag:s0], s1  }
0x49d: {  	s1 =	ssub.s32 @!p0 $0x0, s1;
	[sflag:s0] =	ssyncset.done @!p0 $0x0  }
0x49e: {  	[sflag:s0] =	ssyncadd.s32 @!p0 s1  }
0x49f: {  	[bflag:$0x3] =	sbarrier.arrive $0xFFFF  }
0x4a0: {  	_ =	shalt  }

</sc_bundles>
